<compile_context>
chip_gen: v7x
topology: tpu7x:2x2x1
jax: 0.10.2.dev20260603
libtpu: 0.0.44.dev20260713+nightly
codegen_flags: <defaults>
</compile_context>

<pallas_src>
import functools

import jax
import jax.numpy as jnp
from jax import lax
from jax.experimental import pallas as pl
from jax.experimental.pallas import tpu as pltpu
from jax.experimental.pallas import tpu_sc as plsc

N = 50000
E = 800000
H = 64
R = 4
L = 2

f32 = jnp.float32
i32 = jnp.int32

BN = 2000
NB = N // BN

NSC = 2
NTS = 16
CH = 64
KC = 28
PTC = 784
PT = PTC * CH
EPAD = NTS * PT
NGS = PTC // KC
NHB = 4
HSS = KC // NHB
NHS = PTC // NHB
A = 50176
ZR = A // NTS
DUMMY = N

_HI = lax.Precision.HIGHEST


def _dot(a, b):
    return jnp.dot(a, b, precision=_HI, preferred_element_type=f32)


def _k1_body(ids_ref, emb_ref, wp_ref, ns_ref, plo_ref, phi_ref):
    ids = ids_ref[0, 0, :]
    io = lax.broadcasted_iota(i32, (BN, H), 1)
    oh = jnp.where(ids[:, None] == io, 1.0, 0.0).astype(f32)
    ns = _dot(oh, emb_ref[...])
    ns_ref[...] = ns
    p = _dot(ns, wp_ref[...])
    for r in range(R):
        plo_ref[r] = p[:, r * H:r * H + 32]
        phi_ref[r] = p[:, r * H + 32:r * H + H]


def _k1(ids3, node_emb, wp0):
    return pl.pallas_call(
        _k1_body,
        grid=(NB,),
        in_specs=[
            pl.BlockSpec((1, 1, BN), lambda i: (i, 0, 0)),
            pl.BlockSpec((H, H), lambda i: (0, 0)),
            pl.BlockSpec((H, R * H), lambda i: (0, 0)),
        ],
        out_specs=[
            pl.BlockSpec((BN, H), lambda i: (i, 0)),
            pl.BlockSpec((R, BN, 32), lambda i: (0, i, 0)),
            pl.BlockSpec((R, BN, 32), lambda i: (0, i, 0)),
        ],
        out_shape=[
            jax.ShapeDtypeStruct((N, H), f32),
            jax.ShapeDtypeStruct((R, N, 32), f32),
            jax.ShapeDtypeStruct((R, N, 32), f32),
        ],
    )(ids3, node_emb, wp0)


def _sc_body(plo, phi, ridx, didx, zeros, out, acc, ridx_v, didx_v, rows_v,
             gsem, ssem):
    c = lax.axis_index("c")
    s = lax.axis_index("s")
    pltpu.sync_copy(zeros, acc.at[pl.ds(s * ZR, ZR)])
    plsc.subcore_barrier()

    def run(tbl):
        def stage(g, p):
            row0 = s * PTC + g * KC
            pltpu.sync_copy(ridx.at[pl.ds(row0, KC)], ridx_v.at[p])
            pltpu.sync_copy(didx.at[pl.ds(row0, KC)], didx_v.at[p])

        stage(0, 0)
        stage(1, 1)
        for k in range(NHB):
            pltpu.async_copy(tbl.at[ridx_v.at[0, k]],
                             rows_v.at[0, pl.ds(k * CH, CH)], gsem)

        def body(h, carry):
            b = h % 2
            p = (h // HSS) % 2
            ib = (h % HSS) * NHB
            for k in range(NHB):
                pltpu.make_async_copy(tbl.at[ridx_v.at[p, ib + k]],
                                      rows_v.at[b, pl.ds(k * CH, CH)],
                                      gsem).wait()
            for k in range(NHB):
                pltpu.async_copy(rows_v.at[b, pl.ds(k * CH, CH)],
                                 acc.at[didx_v.at[p, ib + k]], ssem, add=True)
            hm = h - 1
            bm = hm % 2
            pm = (hm // HSS) % 2
            ibm = (hm % HSS) * NHB

            @pl.when(h > 0)
            def _():
                for k in range(NHB):
                    pltpu.make_async_copy(rows_v.at[bm, pl.ds(k * CH, CH)],
                                          acc.at[didx_v.at[pm, ibm + k]],
                                          ssem).wait()

            g = h // HSS

            @pl.when((h == g * HSS) & (h > 0) & (g < NGS - 1))
            def _():
                stage(g + 1, (g + 1) % 2)

            hp = h + 1
            bp = hp % 2
            pp = (hp // HSS) % 2
            ibp = (hp % HSS) * NHB

            @pl.when(hp < NHS)
            def _():
                for k in range(NHB):
                    pltpu.async_copy(tbl.at[ridx_v.at[pp, ibp + k]],
                                     rows_v.at[bp, pl.ds(k * CH, CH)], gsem)

            return carry

        lax.fori_loop(0, NHS, body, 0)
        hl = NHS - 1
        bl = hl % 2
        pll = (hl // HSS) % 2
        ibl = (hl % HSS) * NHB
        for k in range(NHB):
            pltpu.make_async_copy(rows_v.at[bl, pl.ds(k * CH, CH)],
                                  acc.at[didx_v.at[pll, ibl + k]],
                                  ssem).wait()

    @pl.when(c == 0)
    def _():
        run(plo)

    @pl.when(c == 1)
    def _():
        run(phi)

    plsc.subcore_barrier()

    @pl.when(c == 0)
    def _():
        pltpu.sync_copy(acc.at[pl.ds(s * ZR, ZR)], out.at[0, pl.ds(s * ZR, ZR)])

    @pl.when(c == 1)
    def _():
        pltpu.sync_copy(acc.at[pl.ds(s * ZR, ZR)], out.at[1, pl.ds(s * ZR, ZR)])


_sc_msgs = pl.kernel(
    _sc_body,
    out_type=jax.ShapeDtypeStruct((NSC, A, 32), f32),
    mesh=plsc.VectorSubcoreMesh(
        core_axis_name="c", subcore_axis_name="s", num_cores=NSC,
        num_subcores=NTS),
    scratch_types=[
        pltpu.VMEM_SHARED((A, 32), f32),
        pltpu.VMEM((2, KC, CH), i32),
        pltpu.VMEM((2, KC, CH), i32),
        pltpu.VMEM((2, NHB * CH, 32), f32),
        pltpu.SemaphoreType.DMA,
        pltpu.SemaphoreType.DMA,
    ],
    compiler_params=pltpu.CompilerParams(use_tc_tiling_on_sc=False),
)


def _k2_body(ns_ref, m_ref, wsT_ref, bs_ref, wp_ref, nsn_ref, plo_ref,
             phi_ref):
    z = _dot(ns_ref[...], wsT_ref[...]) + bs_ref[...]
    msg = jnp.concatenate([m_ref[0], m_ref[1]], axis=1)
    nsn = jnp.maximum(z + msg, 0.0)
    nsn_ref[...] = nsn
    p = _dot(nsn, wp_ref[...])
    for r in range(R):
        plo_ref[r] = p[:, r * H:r * H + 32]
        phi_ref[r] = p[:, r * H + 32:r * H + H]


def _k2(ns, msgs, wsT, bs, wp):
    return pl.pallas_call(
        _k2_body,
        grid=(NB,),
        in_specs=[
            pl.BlockSpec((BN, H), lambda i: (i, 0)),
            pl.BlockSpec((NSC, BN, 32), lambda i: (0, i, 0)),
            pl.BlockSpec((H, H), lambda i: (0, 0)),
            pl.BlockSpec((1, H), lambda i: (0, 0)),
            pl.BlockSpec((H, R * H), lambda i: (0, 0)),
        ],
        out_specs=[
            pl.BlockSpec((BN, H), lambda i: (i, 0)),
            pl.BlockSpec((R, BN, 32), lambda i: (0, i, 0)),
            pl.BlockSpec((R, BN, 32), lambda i: (0, i, 0)),
        ],
        out_shape=[
            jax.ShapeDtypeStruct((N, H), f32),
            jax.ShapeDtypeStruct((R, N, 32), f32),
            jax.ShapeDtypeStruct((R, N, 32), f32),
        ],
    )(ns, msgs, wsT, bs, wp)


def _k3_body(ns_ref, m_ref, wsT_ref, bs_ref, aidx_ref, feat_ref, wfT_ref,
             bf_ref, wb1T_ref, bb1_ref, zb2_ref, bb2_ref, ws1T_ref, bs1_ref,
             ws2T_ref, bs2_ref, blog_ref, sev_ref, ssum, smax, sanc):
    i = pl.program_id(0)

    @pl.when(i == 0)
    def _():
        ssum[...] = jnp.zeros((8, H), f32)
        smax[...] = jnp.zeros((8, H), f32)
        sanc[...] = jnp.zeros((8, H), f32)
        blog_ref[...] = jnp.zeros((1, 8), f32)
        sev_ref[...] = jnp.zeros((1, 8), f32)

    z = _dot(ns_ref[...], wsT_ref[...]) + bs_ref[...]
    msg = jnp.concatenate([m_ref[0], m_ref[1]], axis=1)
    nsn = jnp.maximum(z + msg, 0.0)
    ssum[0:1, :] = ssum[0:1, :] + jnp.sum(nsn, axis=0, keepdims=True)
    smax[0:1, :] = jnp.maximum(smax[0:1, :], jnp.max(nsn, axis=0,
                                                     keepdims=True))
    aidx = aidx_ref[0, 0]
    rows = i * BN + lax.broadcasted_iota(i32, (BN, 1), 0)
    am = jnp.where(rows == aidx, 1.0, 0.0).astype(f32)
    sanc[0:1, :] = sanc[0:1, :] + jnp.sum(nsn * am, axis=0, keepdims=True)

    @pl.when(i == NB - 1)
    def _():
        gmean = ssum[0:1, :] * (1.0 / N)
        gmax = smax[0:1, :]
        anc = sanc[0:1, :]
        enc = jnp.maximum(_dot(feat_ref[...], wfT_ref[...]) + bf_ref[...],
                          0.0)
        comb = jnp.concatenate([anc, gmean, gmax, enc], axis=1)
        hb = jnp.maximum(_dot(comb, wb1T_ref[...]) + bb1_ref[...], 0.0)
        blog_ref[...] = _dot(hb, zb2_ref[...]) + bb2_ref[...]
        hs = jnp.maximum(_dot(comb, ws1T_ref[...]) + bs1_ref[...], 0.0)
        sev_ref[...] = _dot(hs, ws2T_ref[...]) + bs2_ref[...]


def _k3(ns, msgs, wsT, bs, aidx, feat, wfT, bf, wb1T, bb1, zb2, bb2p, ws1T,
        bs1, ws2T, bs2p):
    full = lambda *shape: pl.BlockSpec(shape, lambda i: tuple(0 for _ in shape))
    return pl.pallas_call(
        _k3_body,
        grid=(NB,),
        in_specs=[
            pl.BlockSpec((BN, H), lambda i: (i, 0)),
            pl.BlockSpec((NSC, BN, 32), lambda i: (0, i, 0)),
            full(H, H),
            full(1, H),
            pl.BlockSpec(memory_space=pltpu.SMEM),
            full(1, 48),
            full(48, 48),
            full(1, 48),
            full(240, 192),
            full(1, 192),
            full(192, 8),
            full(1, 8),
            full(240, H),
            full(1, H),
            full(H, 8),
            full(1, 8),
        ],
        out_specs=[
            pl.BlockSpec((1, 8), lambda i: (0, 0)),
            pl.BlockSpec((1, 8), lambda i: (0, 0)),
        ],
        out_shape=[
            jax.ShapeDtypeStruct((1, 8), f32),
            jax.ShapeDtypeStruct((1, 8), f32),
        ],
        scratch_shapes=[
            pltpu.VMEM((8, H), f32),
            pltpu.VMEM((8, H), f32),
            pltpu.VMEM((8, H), f32),
        ],
    )(ns, msgs, wsT, bs, aidx, feat, wfT, bf, wb1T, bb1, zb2, bb2p, ws1T, bs1,
      ws2T, bs2p)


def kernel(node_type_ids, edge_index, edge_type_ids, anchor_index, numeric,
           boolean, categorical, node_emb, Wself, bself, Wrel, ce0, ce1, ce2,
           Wf, bf, Wb1, bb1, Wb2, bb2, Ws1, bs1, Ws2, bs2):
    ids3 = node_type_ids.astype(i32).reshape(NB, 1, BN)
    src = edge_index[:, 0].astype(i32)
    dst = edge_index[:, 1].astype(i32)
    row = edge_type_ids.astype(i32) * N + src
    pad = EPAD - E
    ridx = jnp.concatenate([row, jnp.zeros((pad,), i32)]).reshape(
        EPAD // CH, CH)
    didx = jnp.concatenate([dst, jnp.full((pad,), DUMMY, i32)]).reshape(
        EPAD // CH, CH)
    zeros = jnp.zeros((ZR, 32), f32)

    wp = [jnp.transpose(Wrel[l], (2, 0, 1)).reshape(H, R * H) for l in
          range(L)]
    wsT = [Wself[l].T for l in range(L)]
    bs = [bself[l].reshape(1, H) for l in range(L)]

    aidx = jnp.asarray(anchor_index, i32).reshape(1, 1)
    feat = jnp.concatenate([
        numeric, boolean, ce0[categorical[0]], ce1[categorical[1]],
        ce2[categorical[2]]
    ]).reshape(1, 48).astype(f32)
    wfT = Wf.T
    bfr = bf.reshape(1, 48)
    wb1T = Wb1.reshape(3 * H, 240).T
    bb1r = bb1.reshape(1, 3 * H)
    kk = jnp.arange(3 * H)
    zb2 = jnp.zeros((3 * H, 8), f32).at[kk, kk // H].set(Wb2.reshape(3 * H))
    bb2p = jnp.zeros((1, 8), f32).at[0, :3].set(bb2)
    ws1T = Ws1.T
    bs1r = bs1.reshape(1, H)
    ws2T = jnp.zeros((H, 8), f32).at[:, :4].set(Ws2.T)
    bs2p = jnp.zeros((1, 8), f32).at[0, :4].set(bs2)

    ns, plo, phi = _k1(ids3, node_emb, wp[0])
    msgs = _sc_msgs(plo.reshape(R * N, 32), phi.reshape(R * N, 32), ridx,
                    didx, zeros)
    ns, plo, phi = _k2(ns, msgs, wsT[0], bs[0], wp[1])
    msgs = _sc_msgs(plo.reshape(R * N, 32), phi.reshape(R * N, 32), ridx,
                    didx, zeros)
    blog8, sev8 = _k3(ns, msgs, wsT[1], bs[1], aidx, feat, wfT, bfr, wb1T,
                      bb1r, zb2, bb2p, ws1T, bs1r, ws2T, bs2p)
    return jnp.concatenate([blog8[0, :3], sev8[0, :4]])

# --- scband reference (transcript-rebuilt; emitter-appended) ---
"""Pipeline reference for scband-relation-aware-graph-model-10857677325088 (READ-ONLY COPY).

The authoritative reference and input builder live on the scoring server;
editing this copy changes nothing except your own understanding.
"""

import jax, jax.numpy as jnp
import numpy as np

N = 50000
E = 800000
H = 64
R = 4
L = 2
NUM_NODE_TYPES = 64
CARDS = [100, 1000, 50]
CED = 8
NUM_DIM = 16
BOOL_DIM = 8
FEAT_IN = NUM_DIM + BOOL_DIM + 3 * CED
FH = 48
HH = 64
COMB = 3 * H + FH


def setup_inputs(seed: int = 0):
    key = jax.random.key(seed)
    ks = jax.random.split(key, 20)
    s = 0.02
    inp = {}
    inp["node_type_ids"] = jax.random.randint(ks[0], (N,), 0, NUM_NODE_TYPES)
    inp["edge_index"] = jax.random.randint(ks[1], (E, 2), 0, N)
    inp["edge_type_ids"] = jax.random.randint(ks[2], (E,), 0, R)
    inp["anchor_index"] = 0
    inp["numeric"] = jax.random.normal(ks[3], (NUM_DIM,), dtype=jnp.float32)
    inp["boolean"] = jax.random.uniform(ks[4], (BOOL_DIM,), dtype=jnp.float32)
    inp["categorical"] = jax.random.randint(ks[5], (3,), 0, min(CARDS))
    inp["node_emb"] = s * jax.random.normal(ks[6], (NUM_NODE_TYPES, H), dtype=jnp.float32)
    inp["Wself"] = s * jax.random.normal(ks[7], (L, H, H), dtype=jnp.float32)
    inp["bself"] = jnp.zeros((L, H), dtype=jnp.float32)
    inp["Wrel"] = s * jax.random.normal(ks[8], (L, R, H, H), dtype=jnp.float32)
    inp["ce0"] = s * jax.random.normal(ks[9], (CARDS[0], CED), dtype=jnp.float32)
    inp["ce1"] = s * jax.random.normal(ks[10], (CARDS[1], CED), dtype=jnp.float32)
    inp["ce2"] = s * jax.random.normal(ks[11], (CARDS[2], CED), dtype=jnp.float32)
    inp["Wf"] = s * jax.random.normal(ks[12], (FH, FEAT_IN), dtype=jnp.float32)
    inp["bf"] = jnp.zeros((FH,), dtype=jnp.float32)
    inp["Wb1"] = s * jax.random.normal(ks[13], (3, HH, COMB), dtype=jnp.float32)
    inp["bb1"] = jnp.zeros((3, HH), dtype=jnp.float32)
    inp["Wb2"] = s * jax.random.normal(ks[14], (3, HH), dtype=jnp.float32)
    inp["bb2"] = jnp.zeros((3,), dtype=jnp.float32)
    inp["Ws1"] = s * jax.random.normal(ks[15], (HH, COMB), dtype=jnp.float32)
    inp["bs1"] = jnp.zeros((HH,), dtype=jnp.float32)
    inp["Ws2"] = s * jax.random.normal(ks[16], (4, HH), dtype=jnp.float32)
    inp["bs2"] = jnp.zeros((4,), dtype=jnp.float32)
    return inp


def reference(node_type_ids, edge_index, edge_type_ids, anchor_index, numeric, boolean, categorical, node_emb, Wself, bself, Wrel, ce0, ce1, ce2, Wf, bf, Wb1, bb1, Wb2, bb2, Ws1, bs1, Ws2, bs2):
    ns = node_emb[node_type_ids]
    src = edge_index[:, 0]
    dst = edge_index[:, 1]
    for l in range(L):
        msgs = jnp.zeros_like(ns)
        for r in range(R):
            t = ns[src] @ Wrel[l, r].T
            t = t * (edge_type_ids == r)[:, None].astype(ns.dtype)
            msgs = msgs.at[dst].add(t)
        ns = jax.nn.relu(ns @ Wself[l].T + bself[l] + msgs)
    anchor = ns[anchor_index]
    gmean = jnp.mean(ns, axis=0)
    gmax = jnp.max(ns, axis=0)
    feat = jnp.concatenate([numeric, boolean, ce0[categorical[0]], ce1[categorical[1]], ce2[categorical[2]]])
    enc = jax.nn.relu(Wf @ feat + bf)
    comb = jnp.concatenate([anchor, gmean, gmax, enc])
    hb = jax.nn.relu(jnp.einsum("hoc,c->ho", Wb1, comb) + bb1)
    blog = jnp.einsum("ho,ho->h", Wb2, hb) + bb2
    hs = jax.nn.relu(Ws1 @ comb + bs1)
    sev = Ws2 @ hs + bs2
    return jnp.concatenate([blog, sev])

if __name__ == "__main__":
    import jax
    _d = setup_inputs()
    print(jax.jit(kernel)(*tuple(_d.values())))

</pallas_src>

<mosaic_0001>
#map = affine_map<(d0, d1) -> (0, 0)>
#map1 = affine_map<(d0, d1) -> (0, 0, 0)>
module attributes {stable_mosaic.version = 14 : i64} {
  func.func @_sc_body(%arg0: i32, %arg1: i32, %arg2: memref<200000x32xf32, #tpu.memory_space<hbm>>, %arg3: memref<200000x32xf32, #tpu.memory_space<hbm>>, %arg4: memref<12544x64xi32, #tpu.memory_space<hbm>>, %arg5: memref<12544x64xi32, #tpu.memory_space<hbm>>, %arg6: memref<3136x32xf32, #tpu.memory_space<hbm>>, %arg7: memref<2x50176x32xf32, #tpu.memory_space<hbm>>, %arg8: memref<50176x32xf32, #tpu.memory_space<vmem_shared>>, %arg9: memref<2x28x64xi32, #tpu.memory_space<vmem>>, %arg10: memref<2x28x64xi32, #tpu.memory_space<vmem>>, %arg11: memref<2x256x32xf32, #tpu.memory_space<vmem>>, %arg12: memref<!tpu.dma_semaphore, #tpu.memory_space<semaphore_mem>>, %arg13: memref<!tpu.dma_semaphore, #tpu.memory_space<semaphore_mem>>) attributes {dimension_semantics = [#tpu.dimension_semantics<core_parallel>, #tpu.dimension_semantics<subcore_parallel>], iteration_bounds = array<i64: 2, 16>, scalar_prefetch = 0 : i64, scratch_operands = 6 : i64, tpu.core_type = #tpu.core_type<sc_vector_subcore>, window_params = [{transform_indices = #map}, {transform_indices = #map}, {transform_indices = #map}, {transform_indices = #map}, {transform_indices = #map}, {transform_indices = #map1}]} {
    %mul3A = arith.constant 3136 : i32
    %mul3A_0 = arith.muli %arg1, %mul3A : i32
    "tpu.region"() ({
      %run_scoped3A = tpu.sem_alloc : memref<!tpu.dma_semaphore, #tpu.memory_space<semaphore_mem>>
      %dma_start3A = arith.constant 0 : i32
      %dma_start3A_19 = tpu.memref_slice %arg8[%mul3A_0, %dma_start3A] : memref<50176x32xf32, #tpu.memory_space<vmem_shared>> -> memref<3136x32xf32, #tpu.memory_space<vmem_shared>>
      tpu.enqueue_dma source(%arg6 : memref<3136x32xf32, #tpu.memory_space<hbm>>) target(%dma_start3A_19 : memref<3136x32xf32, #tpu.memory_space<vmem_shared>>) target_semaphore(%run_scoped3A : memref<!tpu.dma_semaphore, #tpu.memory_space<semaphore_mem>>)
      %dma_wait3A = arith.constant 0 : i32
      %dma_wait3A_20 = tpu.memref_slice %arg8[%mul3A_0, %dma_wait3A] : memref<50176x32xf32, #tpu.memory_space<vmem_shared>> -> memref<3136x32xf32, #tpu.memory_space<vmem_shared>>
      tpu.wait_dma2 semaphore(%run_scoped3A : memref<!tpu.dma_semaphore, #tpu.memory_space<semaphore_mem>>) src(%arg6 : memref<3136x32xf32, #tpu.memory_space<hbm>>) dst(%dma_wait3A_20 : memref<3136x32xf32, #tpu.memory_space<vmem_shared>>)
      tpu.yield
    }) : () -> ()
    %barrier3A = arith.constant 0 : index
    tpu.barrier barrier_id(%barrier3A)
    %eq3A = arith.constant 0 : i32
    %eq3A_1 = arith.cmpi eq, %arg0, %eq3A : i32
    %convert_element_type3A = arith.extui %eq3A_1 : i1 to i32
    %cond3A = arith.constant 0 : i32
    %cond3A_2 = arith.cmpi ne, %convert_element_type3A, %cond3A : i32
    scf.if %cond3A_2 {
      %mul3A_19 = arith.constant 784 : i32
      %mul3A_20 = arith.muli %arg1, %mul3A_19 : i32
      %add3A = arith.constant 0 : i32
      %add3A_21 = arith.addi %mul3A_20, %add3A : i32
      %run_scoped3A = arith.constant 0 : i32
      "tpu.region"() ({
        %run_scoped3A_136 = tpu.sem_alloc : memref<!tpu.dma_semaphore, #tpu.memory_space<semaphore_mem>>
        %dma_start3A_137 = arith.constant 0 : i32
        %dma_start3A_138 = arith.constant 0 : i32
        %dma_start3A_139 = tpu.memref_slice %arg9[%run_scoped3A, %dma_start3A_137, %dma_start3A_138] : memref<2x28x64xi32, #tpu.memory_space<vmem>> -> memref<1x28x64xi32, #tpu.memory_space<vmem>>
        %dma_start3A_140 = tpu.memref_squeeze %dma_start3A_139 : memref<1x28x64xi32, #tpu.memory_space<vmem>> -> memref<28x64xi32, #tpu.memory_space<vmem>>
        %dma_start3A_141 = arith.constant 0 : i32
        %dma_start3A_142 = tpu.memref_slice %arg4[%add3A_21, %dma_start3A_141] : memref<12544x64xi32, #tpu.memory_space<hbm>> -> memref<28x64xi32, #tpu.memory_space<hbm>>
        %dma_start3A_143 = arith.constant 0 : i32
        %dma_start3A_144 = arith.constant 0 : i32
        %dma_start3A_145 = tpu.memref_slice %arg9[%run_scoped3A, %dma_start3A_143, %dma_start3A_144] : memref<2x28x64xi32, #tpu.memory_space<vmem>> -> memref<1x28x64xi32, #tpu.memory_space<vmem>>
        %dma_start3A_146 = tpu.memref_squeeze %dma_start3A_145 : memref<1x28x64xi32, #tpu.memory_space<vmem>> -> memref<28x64xi32, #tpu.memory_space<vmem>>
        %dma_start3A_147 = arith.constant 0 : i32
        %dma_start3A_148 = tpu.memref_slice %arg4[%add3A_21, %dma_start3A_147] : memref<12544x64xi32, #tpu.memory_space<hbm>> -> memref<28x64xi32, #tpu.memory_space<hbm>>
        tpu.enqueue_dma source(%dma_start3A_148 : memref<28x64xi32, #tpu.memory_space<hbm>>) target(%dma_start3A_146 : memref<28x64xi32, #tpu.memory_space<vmem>>) target_semaphore(%run_scoped3A_136 : memref<!tpu.dma_semaphore, #tpu.memory_space<semaphore_mem>>)
        %dma_wait3A_149 = arith.constant 0 : i32
        %dma_wait3A_150 = arith.constant 0 : i32
        %dma_wait3A_151 = tpu.memref_slice %arg9[%run_scoped3A, %dma_wait3A_149, %dma_wait3A_150] : memref<2x28x64xi32, #tpu.memory_space<vmem>> -> memref<1x28x64xi32, #tpu.memory_space<vmem>>
        %dma_wait3A_152 = tpu.memref_squeeze %dma_wait3A_151 : memref<1x28x64xi32, #tpu.memory_space<vmem>> -> memref<28x64xi32, #tpu.memory_space<vmem>>
        %dma_wait3A_153 = arith.constant 0 : i32
        %dma_wait3A_154 = tpu.memref_slice %arg4[%add3A_21, %dma_wait3A_153] : memref<12544x64xi32, #tpu.memory_space<hbm>> -> memref<28x64xi32, #tpu.memory_space<hbm>>
        %dma_wait3A_155 = arith.constant 0 : i32
        %dma_wait3A_156 = arith.constant 0 : i32
        %dma_wait3A_157 = tpu.memref_slice %arg9[%run_scoped3A, %dma_wait3A_155, %dma_wait3A_156] : memref<2x28x64xi32, #tpu.memory_space<vmem>> -> memref<1x28x64xi32, #tpu.memory_space<vmem>>
        %dma_wait3A_158 = tpu.memref_squeeze %dma_wait3A_157 : memref<1x28x64xi32, #tpu.memory_space<vmem>> -> memref<28x64xi32, #tpu.memory_space<vmem>>
        %dma_wait3A_159 = arith.constant 0 : i32
        %dma_wait3A_160 = tpu.memref_slice %arg4[%add3A_21, %dma_wait3A_159] : memref<12544x64xi32, #tpu.memory_space<hbm>> -> memref<28x64xi32, #tpu.memory_space<hbm>>
        tpu.wait_dma2 semaphore(%run_scoped3A_136 : memref<!tpu.dma_semaphore, #tpu.memory_space<semaphore_mem>>) src(%dma_wait3A_160 : memref<28x64xi32, #tpu.memory_space<hbm>>) dst(%dma_wait3A_158 : memref<28x64xi32, #tpu.memory_space<vmem>>)
        tpu.yield
      }) : () -> ()
      %run_scoped3A_22 = arith.constant 0 : i32
      "tpu.region"() ({
        %run_scoped3A_136 = tpu.sem_alloc : memref<!tpu.dma_semaphore, #tpu.memory_space<semaphore_mem>>
        %dma_start3A_137 = arith.constant 0 : i32
        %dma_start3A_138 = arith.constant 0 : i32
        %dma_start3A_139 = tpu.memref_slice %arg10[%run_scoped3A_22, %dma_start3A_137, %dma_start3A_138] : memref<2x28x64xi32, #tpu.memory_space<vmem>> -> memref<1x28x64xi32, #tpu.memory_space<vmem>>
        %dma_start3A_140 = tpu.memref_squeeze %dma_start3A_139 : memref<1x28x64xi32, #tpu.memory_space<vmem>> -> memref<28x64xi32, #tpu.memory_space<vmem>>
        %dma_start3A_141 = arith.constant 0 : i32
        %dma_start3A_142 = tpu.memref_slice %arg5[%add3A_21, %dma_start3A_141] : memref<12544x64xi32, #tpu.memory_space<hbm>> -> memref<28x64xi32, #tpu.memory_space<hbm>>
        %dma_start3A_143 = arith.constant 0 : i32
        %dma_start3A_144 = arith.constant 0 : i32
        %dma_start3A_145 = tpu.memref_slice %arg10[%run_scoped3A_22, %dma_start3A_143, %dma_start3A_144] : memref<2x28x64xi32, #tpu.memory_space<vmem>> -> memref<1x28x64xi32, #tpu.memory_space<vmem>>
        %dma_start3A_146 = tpu.memref_squeeze %dma_start3A_145 : memref<1x28x64xi32, #tpu.memory_space<vmem>> -> memref<28x64xi32, #tpu.memory_space<vmem>>
        %dma_start3A_147 = arith.constant 0 : i32
        %dma_start3A_148 = tpu.memref_slice %arg5[%add3A_21, %dma_start3A_147] : memref<12544x64xi32, #tpu.memory_space<hbm>> -> memref<28x64xi32, #tpu.memory_space<hbm>>
        tpu.enqueue_dma source(%dma_start3A_148 : memref<28x64xi32, #tpu.memory_space<hbm>>) target(%dma_start3A_146 : memref<28x64xi32, #tpu.memory_space<vmem>>) target_semaphore(%run_scoped3A_136 : memref<!tpu.dma_semaphore, #tpu.memory_space<semaphore_mem>>)
        %dma_wait3A_149 = arith.constant 0 : i32
        %dma_wait3A_150 = arith.constant 0 : i32
        %dma_wait3A_151 = tpu.memref_slice %arg10[%run_scoped3A_22, %dma_wait3A_149, %dma_wait3A_150] : memref<2x28x64xi32, #tpu.memory_space<vmem>> -> memref<1x28x64xi32, #tpu.memory_space<vmem>>
        %dma_wait3A_152 = tpu.memref_squeeze %dma_wait3A_151 : memref<1x28x64xi32, #tpu.memory_space<vmem>> -> memref<28x64xi32, #tpu.memory_space<vmem>>
        %dma_wait3A_153 = arith.constant 0 : i32
        %dma_wait3A_154 = tpu.memref_slice %arg5[%add3A_21, %dma_wait3A_153] : memref<12544x64xi32, #tpu.memory_space<hbm>> -> memref<28x64xi32, #tpu.memory_space<hbm>>
        %dma_wait3A_155 = arith.constant 0 : i32
        %dma_wait3A_156 = arith.constant 0 : i32
        %dma_wait3A_157 = tpu.memref_slice %arg10[%run_scoped3A_22, %dma_wait3A_155, %dma_wait3A_156] : memref<2x28x64xi32, #tpu.memory_space<vmem>> -> memref<1x28x64xi32, #tpu.memory_space<vmem>>
        %dma_wait3A_158 = tpu.memref_squeeze %dma_wait3A_157 : memref<1x28x64xi32, #tpu.memory_space<vmem>> -> memref<28x64xi32, #tpu.memory_space<vmem>>
        %dma_wait3A_159 = arith.constant 0 : i32
        %dma_wait3A_160 = tpu.memref_slice %arg5[%add3A_21, %dma_wait3A_159] : memref<12544x64xi32, #tpu.memory_space<hbm>> -> memref<28x64xi32, #tpu.memory_space<hbm>>
        tpu.wait_dma2 semaphore(%run_scoped3A_136 : memref<!tpu.dma_semaphore, #tpu.memory_space<semaphore_mem>>) src(%dma_wait3A_160 : memref<28x64xi32, #tpu.memory_space<hbm>>) dst(%dma_wait3A_158 : memref<28x64xi32, #tpu.memory_space<vmem>>)
        tpu.yield
      }) : () -> ()
      %mul3A_23 = arith.constant 784 : i32
      %mul3A_24 = arith.muli %arg1, %mul3A_23 : i32
      %add3A_25 = arith.constant 28 : i32
      %add3A_26 = arith.addi %mul3A_24, %add3A_25 : i32
      %run_scoped3A_27 = arith.constant 1 : i32
      "tpu.region"() ({
        %run_scoped3A_136 = tpu.sem_alloc : memref<!tpu.dma_semaphore, #tpu.memory_space<semaphore_mem>>
        %dma_start3A_137 = arith.constant 0 : i32
        %dma_start3A_138 = arith.constant 0 : i32
        %dma_start3A_139 = tpu.memref_slice %arg9[%run_scoped3A_27, %dma_start3A_137, %dma_start3A_138] : memref<2x28x64xi32, #tpu.memory_space<vmem>> -> memref<1x28x64xi32, #tpu.memory_space<vmem>>
        %dma_start3A_140 = tpu.memref_squeeze %dma_start3A_139 : memref<1x28x64xi32, #tpu.memory_space<vmem>> -> memref<28x64xi32, #tpu.memory_space<vmem>>
        %dma_start3A_141 = arith.constant 0 : i32
        %dma_start3A_142 = tpu.memref_slice %arg4[%add3A_26, %dma_start3A_141] : memref<12544x64xi32, #tpu.memory_space<hbm>> -> memref<28x64xi32, #tpu.memory_space<hbm>>
        %dma_start3A_143 = arith.constant 0 : i32
        %dma_start3A_144 = arith.constant 0 : i32
        %dma_start3A_145 = tpu.memref_slice %arg9[%run_scoped3A_27, %dma_start3A_143, %dma_start3A_144] : memref<2x28x64xi32, #tpu.memory_space<vmem>> -> memref<1x28x64xi32, #tpu.memory_space<vmem>>
        %dma_start3A_146 = tpu.memref_squeeze %dma_start3A_145 : memref<1x28x64xi32, #tpu.memory_space<vmem>> -> memref<28x64xi32, #tpu.memory_space<vmem>>
        %dma_start3A_147 = arith.constant 0 : i32
        %dma_start3A_148 = tpu.memref_slice %arg4[%add3A_26, %dma_start3A_147] : memref<12544x64xi32, #tpu.memory_space<hbm>> -> memref<28x64xi32, #tpu.memory_space<hbm>>
        tpu.enqueue_dma source(%dma_start3A_148 : memref<28x64xi32, #tpu.memory_space<hbm>>) target(%dma_start3A_146 : memref<28x64xi32, #tpu.memory_space<vmem>>) target_semaphore(%run_scoped3A_136 : memref<!tpu.dma_semaphore, #tpu.memory_space<semaphore_mem>>)
        %dma_wait3A_149 = arith.constant 0 : i32
        %dma_wait3A_150 = arith.constant 0 : i32
        %dma_wait3A_151 = tpu.memref_slice %arg9[%run_scoped3A_27, %dma_wait3A_149, %dma_wait3A_150] : memref<2x28x64xi32, #tpu.memory_space<vmem>> -> memref<1x28x64xi32, #tpu.memory_space<vmem>>
        %dma_wait3A_152 = tpu.memref_squeeze %dma_wait3A_151 : memref<1x28x64xi32, #tpu.memory_space<vmem>> -> memref<28x64xi32, #tpu.memory_space<vmem>>
        %dma_wait3A_153 = arith.constant 0 : i32
        %dma_wait3A_154 = tpu.memref_slice %arg4[%add3A_26, %dma_wait3A_153] : memref<12544x64xi32, #tpu.memory_space<hbm>> -> memref<28x64xi32, #tpu.memory_space<hbm>>
        %dma_wait3A_155 = arith.constant 0 : i32
        %dma_wait3A_156 = arith.constant 0 : i32
        %dma_wait3A_157 = tpu.memref_slice %arg9[%run_scoped3A_27, %dma_wait3A_155, %dma_wait3A_156] : memref<2x28x64xi32, #tpu.memory_space<vmem>> -> memref<1x28x64xi32, #tpu.memory_space<vmem>>
        %dma_wait3A_158 = tpu.memref_squeeze %dma_wait3A_157 : memref<1x28x64xi32, #tpu.memory_space<vmem>> -> memref<28x64xi32, #tpu.memory_space<vmem>>
        %dma_wait3A_159 = arith.constant 0 : i32
        %dma_wait3A_160 = tpu.memref_slice %arg4[%add3A_26, %dma_wait3A_159] : memref<12544x64xi32, #tpu.memory_space<hbm>> -> memref<28x64xi32, #tpu.memory_space<hbm>>
        tpu.wait_dma2 semaphore(%run_scoped3A_136 : memref<!tpu.dma_semaphore, #tpu.memory_space<semaphore_mem>>) src(%dma_wait3A_160 : memref<28x64xi32, #tpu.memory_space<hbm>>) dst(%dma_wait3A_158 : memref<28x64xi32, #tpu.memory_space<vmem>>)
        tpu.yield
      }) : () -> ()
      %run_scoped3A_28 = arith.constant 1 : i32
      "tpu.region"() ({
        %run_scoped3A_136 = tpu.sem_alloc : memref<!tpu.dma_semaphore, #tpu.memory_space<semaphore_mem>>
        %dma_start3A_137 = arith.constant 0 : i32
        %dma_start3A_138 = arith.constant 0 : i32
        %dma_start3A_139 = tpu.memref_slice %arg10[%run_scoped3A_28, %dma_start3A_137, %dma_start3A_138] : memref<2x28x64xi32, #tpu.memory_space<vmem>> -> memref<1x28x64xi32, #tpu.memory_space<vmem>>
        %dma_start3A_140 = tpu.memref_squeeze %dma_start3A_139 : memref<1x28x64xi32, #tpu.memory_space<vmem>> -> memref<28x64xi32, #tpu.memory_space<vmem>>
        %dma_start3A_141 = arith.constant 0 : i32
        %dma_start3A_142 = tpu.memref_slice %arg5[%add3A_26, %dma_start3A_141] : memref<12544x64xi32, #tpu.memory_space<hbm>> -> memref<28x64xi32, #tpu.memory_space<hbm>>
        %dma_start3A_143 = arith.constant 0 : i32
        %dma_start3A_144 = arith.constant 0 : i32
        %dma_start3A_145 = tpu.memref_slice %arg10[%run_scoped3A_28, %dma_start3A_143, %dma_start3A_144] : memref<2x28x64xi32, #tpu.memory_space<vmem>> -> memref<1x28x64xi32, #tpu.memory_space<vmem>>
        %dma_start3A_146 = tpu.memref_squeeze %dma_start3A_145 : memref<1x28x64xi32, #tpu.memory_space<vmem>> -> memref<28x64xi32, #tpu.memory_space<vmem>>
        %dma_start3A_147 = arith.constant 0 : i32
        %dma_start3A_148 = tpu.memref_slice %arg5[%add3A_26, %dma_start3A_147] : memref<12544x64xi32, #tpu.memory_space<hbm>> -> memref<28x64xi32, #tpu.memory_space<hbm>>
        tpu.enqueue_dma source(%dma_start3A_148 : memref<28x64xi32, #tpu.memory_space<hbm>>) target(%dma_start3A_146 : memref<28x64xi32, #tpu.memory_space<vmem>>) target_semaphore(%run_scoped3A_136 : memref<!tpu.dma_semaphore, #tpu.memory_space<semaphore_mem>>)
        %dma_wait3A_149 = arith.constant 0 : i32
        %dma_wait3A_150 = arith.constant 0 : i32
        %dma_wait3A_151 = tpu.memref_slice %arg10[%run_scoped3A_28, %dma_wait3A_149, %dma_wait3A_150] : memref<2x28x64xi32, #tpu.memory_space<vmem>> -> memref<1x28x64xi32, #tpu.memory_space<vmem>>
        %dma_wait3A_152 = tpu.memref_squeeze %dma_wait3A_151 : memref<1x28x64xi32, #tpu.memory_space<vmem>> -> memref<28x64xi32, #tpu.memory_space<vmem>>
        %dma_wait3A_153 = arith.constant 0 : i32
        %dma_wait3A_154 = tpu.memref_slice %arg5[%add3A_26, %dma_wait3A_153] : memref<12544x64xi32, #tpu.memory_space<hbm>> -> memref<28x64xi32, #tpu.memory_space<hbm>>
        %dma_wait3A_155 = arith.constant 0 : i32
        %dma_wait3A_156 = arith.constant 0 : i32
        %dma_wait3A_157 = tpu.memref_slice %arg10[%run_scoped3A_28, %dma_wait3A_155, %dma_wait3A_156] : memref<2x28x64xi32, #tpu.memory_space<vmem>> -> memref<1x28x64xi32, #tpu.memory_space<vmem>>
        %dma_wait3A_158 = tpu.memref_squeeze %dma_wait3A_157 : memref<1x28x64xi32, #tpu.memory_space<vmem>> -> memref<28x64xi32, #tpu.memory_space<vmem>>
        %dma_wait3A_159 = arith.constant 0 : i32
        %dma_wait3A_160 = tpu.memref_slice %arg5[%add3A_26, %dma_wait3A_159] : memref<12544x64xi32, #tpu.memory_space<hbm>> -> memref<28x64xi32, #tpu.memory_space<hbm>>
        tpu.wait_dma2 semaphore(%run_scoped3A_136 : memref<!tpu.dma_semaphore, #tpu.memory_space<semaphore_mem>>) src(%dma_wait3A_160 : memref<28x64xi32, #tpu.memory_space<hbm>>) dst(%dma_wait3A_158 : memref<28x64xi32, #tpu.memory_space<vmem>>)
        tpu.yield
      }) : () -> ()
      %dma_start3A = arith.constant 0 : i32
      %dma_start3A_29 = arith.constant 0 : i32
      %dma_start3A_30 = arith.constant 0 : i32
      %dma_start3A_31 = arith.constant 0 : i32
      %dma_start3A_32 = arith.constant 0 : i32
      %dma_start3A_33 = tpu.memref_slice %arg11[%dma_start3A_30, %dma_start3A_31, %dma_start3A_32] : memref<2x256x32xf32, #tpu.memory_space<vmem>> -> memref<1x64x32xf32, #tpu.memory_space<vmem>>
      %dma_start3A_34 = tpu.memref_squeeze %dma_start3A_33 : memref<1x64x32xf32, #tpu.memory_space<vmem>> -> memref<64x32xf32, #tpu.memory_space<vmem>>
      %dma_start3A_35 = arith.constant 0 : i32
      %dma_start3A_36 = tpu.memref_slice %arg9[%dma_start3A, %dma_start3A_29, %dma_start3A_35] : memref<2x28x64xi32, #tpu.memory_space<vmem>> -> memref<1x1x64xi32, #tpu.memory_space<vmem>>
      %dma_start3A_37 = tpu.memref_squeeze %dma_start3A_36 : memref<1x1x64xi32, #tpu.memory_space<vmem>> -> memref<64xi32, #tpu.memory_space<vmem>>
      %dma_start3A_38 = arith.constant 0 : i32
      %dma_start3A_39 = arith.constant 0 : i32
      %dma_start3A_40 = tpu.memref_slice %arg2[%dma_start3A_38, %dma_start3A_39] : memref<200000x32xf32, #tpu.memory_space<hbm>> -> memref<200000x32xf32, #tpu.memory_space<hbm>>
      tpu.enqueue_indirect_dma source(%dma_start3A_40 : memref<200000x32xf32, #tpu.memory_space<hbm>>) target(%dma_start3A_34 : memref<64x32xf32, #tpu.memory_space<vmem>>) offsets(%dma_start3A_37 : memref<64xi32, #tpu.memory_space<vmem>>) semaphore(%arg12 : memref<!tpu.dma_semaphore, #tpu.memory_space<semaphore_mem>>)
      %dma_start3A_41 = arith.constant 0 : i32
      %dma_start3A_42 = arith.constant 1 : i32
      %dma_start3A_43 = arith.constant 0 : i32
      %dma_start3A_44 = arith.constant 64 : i32
      %dma_start3A_45 = arith.constant 0 : i32
      %dma_start3A_46 = tpu.memref_slice %arg11[%dma_start3A_43, %dma_start3A_44, %dma_start3A_45] : memref<2x256x32xf32, #tpu.memory_space<vmem>> -> memref<1x64x32xf32, #tpu.memory_space<vmem>>
      %dma_start3A_47 = tpu.memref_squeeze %dma_start3A_46 : memref<1x64x32xf32, #tpu.memory_space<vmem>> -> memref<64x32xf32, #tpu.memory_space<vmem>>
      %dma_start3A_48 = arith.constant 0 : i32
      %dma_start3A_49 = tpu.memref_slice %arg9[%dma_start3A_41, %dma_start3A_42, %dma_start3A_48] : memref<2x28x64xi32, #tpu.memory_space<vmem>> -> memref<1x1x64xi32, #tpu.memory_space<vmem>>
      %dma_start3A_50 = tpu.memref_squeeze %dma_start3A_49 : memref<1x1x64xi32, #tpu.memory_space<vmem>> -> memref<64xi32, #tpu.memory_space<vmem>>
      %dma_start3A_51 = arith.constant 0 : i32
      %dma_start3A_52 = arith.constant 0 : i32
      %dma_start3A_53 = tpu.memref_slice %arg2[%dma_start3A_51, %dma_start3A_52] : memref<200000x32xf32, #tpu.memory_space<hbm>> -> memref<200000x32xf32, #tpu.memory_space<hbm>>
      tpu.enqueue_indirect_dma source(%dma_start3A_53 : memref<200000x32xf32, #tpu.memory_space<hbm>>) target(%dma_start3A_47 : memref<64x32xf32, #tpu.memory_space<vmem>>) offsets(%dma_start3A_50 : memref<64xi32, #tpu.memory_space<vmem>>) semaphore(%arg12 : memref<!tpu.dma_semaphore, #tpu.memory_space<semaphore_mem>>)
      %dma_start3A_54 = arith.constant 0 : i32
      %dma_start3A_55 = arith.constant 2 : i32
      %dma_start3A_56 = arith.constant 0 : i32
      %dma_start3A_57 = arith.constant 128 : i32
      %dma_start3A_58 = arith.constant 0 : i32
      %dma_start3A_59 = tpu.memref_slice %arg11[%dma_start3A_56, %dma_start3A_57, %dma_start3A_58] : memref<2x256x32xf32, #tpu.memory_space<vmem>> -> memref<1x64x32xf32, #tpu.memory_space<vmem>>
      %dma_start3A_60 = tpu.memref_squeeze %dma_start3A_59 : memref<1x64x32xf32, #tpu.memory_space<vmem>> -> memref<64x32xf32, #tpu.memory_space<vmem>>
      %dma_start3A_61 = arith.constant 0 : i32
      %dma_start3A_62 = tpu.memref_slice %arg9[%dma_start3A_54, %dma_start3A_55, %dma_start3A_61] : memref<2x28x64xi32, #tpu.memory_space<vmem>> -> memref<1x1x64xi32, #tpu.memory_space<vmem>>
      %dma_start3A_63 = tpu.memref_squeeze %dma_start3A_62 : memref<1x1x64xi32, #tpu.memory_space<vmem>> -> memref<64xi32, #tpu.memory_space<vmem>>
      %dma_start3A_64 = arith.constant 0 : i32
      %dma_start3A_65 = arith.constant 0 : i32
      %dma_start3A_66 = tpu.memref_slice %arg2[%dma_start3A_64, %dma_start3A_65] : memref<200000x32xf32, #tpu.memory_space<hbm>> -> memref<200000x32xf32, #tpu.memory_space<hbm>>
      tpu.enqueue_indirect_dma source(%dma_start3A_66 : memref<200000x32xf32, #tpu.memory_space<hbm>>) target(%dma_start3A_60 : memref<64x32xf32, #tpu.memory_space<vmem>>) offsets(%dma_start3A_63 : memref<64xi32, #tpu.memory_space<vmem>>) semaphore(%arg12 : memref<!tpu.dma_semaphore, #tpu.memory_space<semaphore_mem>>)
      %dma_start3A_67 = arith.constant 0 : i32
      %dma_start3A_68 = arith.constant 3 : i32
      %dma_start3A_69 = arith.constant 0 : i32
      %dma_start3A_70 = arith.constant 192 : i32
      %dma_start3A_71 = arith.constant 0 : i32
      %dma_start3A_72 = tpu.memref_slice %arg11[%dma_start3A_69, %dma_start3A_70, %dma_start3A_71] : memref<2x256x32xf32, #tpu.memory_space<vmem>> -> memref<1x64x32xf32, #tpu.memory_space<vmem>>
      %dma_start3A_73 = tpu.memref_squeeze %dma_start3A_72 : memref<1x64x32xf32, #tpu.memory_space<vmem>> -> memref<64x32xf32, #tpu.memory_space<vmem>>
      %dma_start3A_74 = arith.constant 0 : i32
      %dma_start3A_75 = tpu.memref_slice %arg9[%dma_start3A_67, %dma_start3A_68, %dma_start3A_74] : memref<2x28x64xi32, #tpu.memory_space<vmem>> -> memref<1x1x64xi32, #tpu.memory_space<vmem>>
      %dma_start3A_76 = tpu.memref_squeeze %dma_start3A_75 : memref<1x1x64xi32, #tpu.memory_space<vmem>> -> memref<64xi32, #tpu.memory_space<vmem>>
      %dma_start3A_77 = arith.constant 0 : i32
      %dma_start3A_78 = arith.constant 0 : i32
      %dma_start3A_79 = tpu.memref_slice %arg2[%dma_start3A_77, %dma_start3A_78] : memref<200000x32xf32, #tpu.memory_space<hbm>> -> memref<200000x32xf32, #tpu.memory_space<hbm>>
      tpu.enqueue_indirect_dma source(%dma_start3A_79 : memref<200000x32xf32, #tpu.memory_space<hbm>>) target(%dma_start3A_73 : memref<64x32xf32, #tpu.memory_space<vmem>>) offsets(%dma_start3A_76 : memref<64xi32, #tpu.memory_space<vmem>>) semaphore(%arg12 : memref<!tpu.dma_semaphore, #tpu.memory_space<semaphore_mem>>)
      %scan3A = arith.constant 0 : i32
      %scan3A_80 = arith.constant 0 : i32
      %scan3A_81 = arith.constant 196 : i32
      %scan3A_82 = arith.addi %scan3A_80, %scan3A_81 : i32
      %scan3A_83 = arith.constant 1 : i32
      scf.for %scan3A_136 = %scan3A_80 to %scan3A_82 step %scan3A_83  : i32 {
        %jit3A = arith.constant 2 : i32
        %eq3A_137 = arith.constant 0 : i32
        %eq3A_138 = arith.cmpi eq, %jit3A, %eq3A_137 : i32
        %jit3A_139 = arith.constant 1 : i32
        %select_n3A = arith.select %eq3A_138, %jit3A_139, %jit3A : i32
        %rem3A = arith.remsi %scan3A_136, %select_n3A : i32
        %ne3A = arith.constant 0 : i32
        %ne3A_140 = arith.cmpi ne, %rem3A, %ne3A : i32
        %lt3A = arith.constant 0 : i32
        %lt3A_141 = arith.cmpi slt, %rem3A, %lt3A : i32
        %lt3A_142 = arith.constant 0 : i32
        %lt3A_143 = arith.cmpi slt, %select_n3A, %lt3A_142 : i32
        %ne3A_144 = arith.xori %lt3A_141, %lt3A_143 : i1
        %and3A = arith.andi %ne3A_144, %ne3A_140 : i1
        %add3A_145 = arith.addi %rem3A, %select_n3A : i32
        %select_n3A_146 = arith.select %and3A, %add3A_145, %rem3A : i32
        %jit3A_147 = arith.constant 7 : i32
        %div3A = arith.divsi %scan3A_136, %jit3A_147 : i32
        %sign3A = arith.constant 0 : i32
        %sign3A_148 = arith.cmpi sgt, %scan3A_136, %sign3A : i32
        %sign3A_149 = arith.extui %sign3A_148 : i1 to i32
        %sign3A_150 = arith.constant 0 : i32
        %sign3A_151 = arith.cmpi slt, %scan3A_136, %sign3A_150 : i32
        %sign3A_152 = arith.extui %sign3A_151 : i1 to i32
        %sign3A_153 = arith.subi %sign3A_149, %sign3A_152 : i32
        %sign3A_154 = arith.constant 0 : i32
        %sign3A_155 = arith.cmpi sgt, %jit3A_147, %sign3A_154 : i32
        %sign3A_156 = arith.extui %sign3A_155 : i1 to i32
        %sign3A_157 = arith.constant 0 : i32
        %sign3A_158 = arith.cmpi slt, %jit3A_147, %sign3A_157 : i32
        %sign3A_159 = arith.extui %sign3A_158 : i1 to i32
        %sign3A_160 = arith.subi %sign3A_156, %sign3A_159 : i32
        %ne3A_161 = arith.cmpi ne, %sign3A_153, %sign3A_160 : i32
        %rem3A_162 = arith.remsi %scan3A_136, %jit3A_147 : i32
        %ne3A_163 = arith.constant 0 : i32
        %ne3A_164 = arith.cmpi ne, %rem3A_162, %ne3A_163 : i32
        %and3A_165 = arith.andi %ne3A_161, %ne3A_164 : i1
        %sub3A = arith.constant 1 : i32
        %sub3A_166 = arith.subi %div3A, %sub3A : i32
        %select_n3A_167 = arith.select %and3A_165, %sub3A_166, %div3A : i32
        %jit3A_168 = arith.constant 2 : i32
        %eq3A_169 = arith.constant 0 : i32
        %eq3A_170 = arith.cmpi eq, %jit3A_168, %eq3A_169 : i32
        %jit3A_171 = arith.constant 1 : i32
        %select_n3A_172 = arith.select %eq3A_170, %jit3A_171, %jit3A_168 : i32
        %rem3A_173 = arith.remsi %select_n3A_167, %select_n3A_172 : i32
        %ne3A_174 = arith.constant 0 : i32
        %ne3A_175 = arith.cmpi ne, %rem3A_173, %ne3A_174 : i32
        %lt3A_176 = arith.constant 0 : i32
        %lt3A_177 = arith.cmpi slt, %rem3A_173, %lt3A_176 : i32
        %lt3A_178 = arith.constant 0 : i32
        %lt3A_179 = arith.cmpi slt, %select_n3A_172, %lt3A_178 : i32
        %ne3A_180 = arith.xori %lt3A_177, %lt3A_179 : i1
        %and3A_181 = arith.andi %ne3A_180, %ne3A_175 : i1
        %add3A_182 = arith.addi %rem3A_173, %select_n3A_172 : i32
        %select_n3A_183 = arith.select %and3A_181, %add3A_182, %rem3A_173 : i32
        %jit3A_184 = arith.constant 7 : i32
        %eq3A_185 = arith.constant 0 : i32
        %eq3A_186 = arith.cmpi eq, %jit3A_184, %eq3A_185 : i32
        %jit3A_187 = arith.constant 1 : i32
        %select_n3A_188 = arith.select %eq3A_186, %jit3A_187, %jit3A_184 : i32
        %rem3A_189 = arith.remsi %scan3A_136, %select_n3A_188 : i32
        %ne3A_190 = arith.constant 0 : i32
        %ne3A_191 = arith.cmpi ne, %rem3A_189, %ne3A_190 : i32
        %lt3A_192 = arith.constant 0 : i32
        %lt3A_193 = arith.cmpi slt, %rem3A_189, %lt3A_192 : i32
        %lt3A_194 = arith.constant 0 : i32
        %lt3A_195 = arith.cmpi slt, %select_n3A_188, %lt3A_194 : i32
        %ne3A_196 = arith.xori %lt3A_193, %lt3A_195 : i1
        %and3A_197 = arith.andi %ne3A_196, %ne3A_191 : i1
        %add3A_198 = arith.addi %rem3A_189, %select_n3A_188 : i32
        %select_n3A_199 = arith.select %and3A_197, %add3A_198, %rem3A_189 : i32
        %mul3A_200 = arith.constant 4 : i32
        %mul3A_201 = arith.muli %select_n3A_199, %mul3A_200 : i32
        %add3A_202 = arith.constant 0 : i32
        %add3A_203 = arith.addi %mul3A_201, %add3A_202 : i32
        %dma_wait3A_204 = arith.constant 0 : i32
        %dma_wait3A_205 = arith.constant 0 : i32
        %dma_wait3A_206 = tpu.memref_slice %arg11[%select_n3A_146, %dma_wait3A_204, %dma_wait3A_205] : memref<2x256x32xf32, #tpu.memory_space<vmem>> -> memref<1x64x32xf32, #tpu.memory_space<vmem>>
        %dma_wait3A_207 = tpu.memref_squeeze %dma_wait3A_206 : memref<1x64x32xf32, #tpu.memory_space<vmem>> -> memref<64x32xf32, #tpu.memory_space<vmem>>
        %dma_wait3A_208 = arith.constant 0 : i32
        %dma_wait3A_209 = tpu.memref_slice %arg9[%select_n3A_183, %add3A_203, %dma_wait3A_208] : memref<2x28x64xi32, #tpu.memory_space<vmem>> -> memref<1x1x64xi32, #tpu.memory_space<vmem>>
        %dma_wait3A_210 = tpu.memref_squeeze %dma_wait3A_209 : memref<1x1x64xi32, #tpu.memory_space<vmem>> -> memref<64xi32, #tpu.memory_space<vmem>>
        %dma_wait3A_211 = arith.constant 0 : i32
        %dma_wait3A_212 = arith.constant 0 : i32
        %dma_wait3A_213 = tpu.memref_slice %arg2[%dma_wait3A_211, %dma_wait3A_212] : memref<200000x32xf32, #tpu.memory_space<hbm>> -> memref<200000x32xf32, #tpu.memory_space<hbm>>
        tpu.wait_indirect_dma semaphore(%arg12 : memref<!tpu.dma_semaphore, #tpu.memory_space<semaphore_mem>>) src(%dma_wait3A_213 : memref<200000x32xf32, #tpu.memory_space<hbm>>) dst(%dma_wait3A_207 : memref<64x32xf32, #tpu.memory_space<vmem>>)
        %add3A_214 = arith.constant 1 : i32
        %add3A_215 = arith.addi %mul3A_201, %add3A_214 : i32
        %dma_wait3A_216 = arith.constant 64 : i32
        %dma_wait3A_217 = arith.constant 0 : i32
        %dma_wait3A_218 = tpu.memref_slice %arg11[%select_n3A_146, %dma_wait3A_216, %dma_wait3A_217] : memref<2x256x32xf32, #tpu.memory_space<vmem>> -> memref<1x64x32xf32, #tpu.memory_space<vmem>>
        %dma_wait3A_219 = tpu.memref_squeeze %dma_wait3A_218 : memref<1x64x32xf32, #tpu.memory_space<vmem>> -> memref<64x32xf32, #tpu.memory_space<vmem>>
        %dma_wait3A_220 = arith.constant 0 : i32
        %dma_wait3A_221 = tpu.memref_slice %arg9[%select_n3A_183, %add3A_215, %dma_wait3A_220] : memref<2x28x64xi32, #tpu.memory_space<vmem>> -> memref<1x1x64xi32, #tpu.memory_space<vmem>>
        %dma_wait3A_222 = tpu.memref_squeeze %dma_wait3A_221 : memref<1x1x64xi32, #tpu.memory_space<vmem>> -> memref<64xi32, #tpu.memory_space<vmem>>
        %dma_wait3A_223 = arith.constant 0 : i32
        %dma_wait3A_224 = arith.constant 0 : i32
        %dma_wait3A_225 = tpu.memref_slice %arg2[%dma_wait3A_223, %dma_wait3A_224] : memref<200000x32xf32, #tpu.memory_space<hbm>> -> memref<200000x32xf32, #tpu.memory_space<hbm>>
        tpu.wait_indirect_dma semaphore(%arg12 : memref<!tpu.dma_semaphore, #tpu.memory_space<semaphore_mem>>) src(%dma_wait3A_225 : memref<200000x32xf32, #tpu.memory_space<hbm>>) dst(%dma_wait3A_219 : memref<64x32xf32, #tpu.memory_space<vmem>>)
        %add3A_226 = arith.constant 2 : i32
        %add3A_227 = arith.addi %mul3A_201, %add3A_226 : i32
        %dma_wait3A_228 = arith.constant 128 : i32
        %dma_wait3A_229 = arith.constant 0 : i32
        %dma_wait3A_230 = tpu.memref_slice %arg11[%select_n3A_146, %dma_wait3A_228, %dma_wait3A_229] : memref<2x256x32xf32, #tpu.memory_space<vmem>> -> memref<1x64x32xf32, #tpu.memory_space<vmem>>
        %dma_wait3A_231 = tpu.memref_squeeze %dma_wait3A_230 : memref<1x64x32xf32, #tpu.memory_space<vmem>> -> memref<64x32xf32, #tpu.memory_space<vmem>>
        %dma_wait3A_232 = arith.constant 0 : i32
        %dma_wait3A_233 = tpu.memref_slice %arg9[%select_n3A_183, %add3A_227, %dma_wait3A_232] : memref<2x28x64xi32, #tpu.memory_space<vmem>> -> memref<1x1x64xi32, #tpu.memory_space<vmem>>
        %dma_wait3A_234 = tpu.memref_squeeze %dma_wait3A_233 : memref<1x1x64xi32, #tpu.memory_space<vmem>> -> memref<64xi32, #tpu.memory_space<vmem>>
        %dma_wait3A_235 = arith.constant 0 : i32
        %dma_wait3A_236 = arith.constant 0 : i32
        %dma_wait3A_237 = tpu.memref_slice %arg2[%dma_wait3A_235, %dma_wait3A_236] : memref<200000x32xf32, #tpu.memory_space<hbm>> -> memref<200000x32xf32, #tpu.memory_space<hbm>>
        tpu.wait_indirect_dma semaphore(%arg12 : memref<!tpu.dma_semaphore, #tpu.memory_space<semaphore_mem>>) src(%dma_wait3A_237 : memref<200000x32xf32, #tpu.memory_space<hbm>>) dst(%dma_wait3A_231 : memref<64x32xf32, #tpu.memory_space<vmem>>)
        %add3A_238 = arith.constant 3 : i32
        %add3A_239 = arith.addi %mul3A_201, %add3A_238 : i32
        %dma_wait3A_240 = arith.constant 192 : i32
        %dma_wait3A_241 = arith.constant 0 : i32
        %dma_wait3A_242 = tpu.memref_slice %arg11[%select_n3A_146, %dma_wait3A_240, %dma_wait3A_241] : memref<2x256x32xf32, #tpu.memory_space<vmem>> -> memref<1x64x32xf32, #tpu.memory_space<vmem>>
        %dma_wait3A_243 = tpu.memref_squeeze %dma_wait3A_242 : memref<1x64x32xf32, #tpu.memory_space<vmem>> -> memref<64x32xf32, #tpu.memory_space<vmem>>
        %dma_wait3A_244 = arith.constant 0 : i32
        %dma_wait3A_245 = tpu.memref_slice %arg9[%select_n3A_183, %add3A_239, %dma_wait3A_244] : memref<2x28x64xi32, #tpu.memory_space<vmem>> -> memref<1x1x64xi32, #tpu.memory_space<vmem>>
        %dma_wait3A_246 = tpu.memref_squeeze %dma_wait3A_245 : memref<1x1x64xi32, #tpu.memory_space<vmem>> -> memref<64xi32, #tpu.memory_space<vmem>>
        %dma_wait3A_247 = arith.constant 0 : i32
        %dma_wait3A_248 = arith.constant 0 : i32
        %dma_wait3A_249 = tpu.memref_slice %arg2[%dma_wait3A_247, %dma_wait3A_248] : memref<200000x32xf32, #tpu.memory_space<hbm>> -> memref<200000x32xf32, #tpu.memory_space<hbm>>
        tpu.wait_indirect_dma semaphore(%arg12 : memref<!tpu.dma_semaphore, #tpu.memory_space<semaphore_mem>>) src(%dma_wait3A_249 : memref<200000x32xf32, #tpu.memory_space<hbm>>) dst(%dma_wait3A_243 : memref<64x32xf32, #tpu.memory_space<vmem>>)
        %add3A_250 = arith.constant 0 : i32
        %add3A_251 = arith.addi %mul3A_201, %add3A_250 : i32
        %dma_start3A_252 = arith.constant 0 : i32
        %dma_start3A_253 = arith.constant 0 : i32
        %dma_start3A_254 = tpu.memref_slice %arg11[%select_n3A_146, %dma_start3A_252, %dma_start3A_253] : memref<2x256x32xf32, #tpu.memory_space<vmem>> -> memref<1x64x32xf32, #tpu.memory_space<vmem>>
        %dma_start3A_255 = tpu.memref_squeeze %dma_start3A_254 : memref<1x64x32xf32, #tpu.memory_space<vmem>> -> memref<64x32xf32, #tpu.memory_space<vmem>>
        %dma_start3A_256 = arith.constant 0 : i32
        %dma_start3A_257 = tpu.memref_slice %arg10[%select_n3A_183, %add3A_251, %dma_start3A_256] : memref<2x28x64xi32, #tpu.memory_space<vmem>> -> memref<1x1x64xi32, #tpu.memory_space<vmem>>
        %dma_start3A_258 = tpu.memref_squeeze %dma_start3A_257 : memref<1x1x64xi32, #tpu.memory_space<vmem>> -> memref<64xi32, #tpu.memory_space<vmem>>
        %dma_start3A_259 = arith.constant 0 : i32
        %dma_start3A_260 = arith.constant 0 : i32
        %dma_start3A_261 = tpu.memref_slice %arg8[%dma_start3A_259, %dma_start3A_260] : memref<50176x32xf32, #tpu.memory_space<vmem_shared>> -> memref<50176x32xf32, #tpu.memory_space<vmem_shared>>
        tpu.enqueue_indirect_dma source(%dma_start3A_255 : memref<64x32xf32, #tpu.memory_space<vmem>>) target(%dma_start3A_261 : memref<50176x32xf32, #tpu.memory_space<vmem_shared>>) offsets(%dma_start3A_258 : memref<64xi32, #tpu.memory_space<vmem>>) semaphore(%arg13 : memref<!tpu.dma_semaphore, #tpu.memory_space<semaphore_mem>>) {add = true}
        %add3A_262 = arith.constant 1 : i32
        %add3A_263 = arith.addi %mul3A_201, %add3A_262 : i32
        %dma_start3A_264 = arith.constant 64 : i32
        %dma_start3A_265 = arith.constant 0 : i32
        %dma_start3A_266 = tpu.memref_slice %arg11[%select_n3A_146, %dma_start3A_264, %dma_start3A_265] : memref<2x256x32xf32, #tpu.memory_space<vmem>> -> memref<1x64x32xf32, #tpu.memory_space<vmem>>
        %dma_start3A_267 = tpu.memref_squeeze %dma_start3A_266 : memref<1x64x32xf32, #tpu.memory_space<vmem>> -> memref<64x32xf32, #tpu.memory_space<vmem>>
        %dma_start3A_268 = arith.constant 0 : i32
        %dma_start3A_269 = tpu.memref_slice %arg10[%select_n3A_183, %add3A_263, %dma_start3A_268] : memref<2x28x64xi32, #tpu.memory_space<vmem>> -> memref<1x1x64xi32, #tpu.memory_space<vmem>>
        %dma_start3A_270 = tpu.memref_squeeze %dma_start3A_269 : memref<1x1x64xi32, #tpu.memory_space<vmem>> -> memref<64xi32, #tpu.memory_space<vmem>>
        %dma_start3A_271 = arith.constant 0 : i32
        %dma_start3A_272 = arith.constant 0 : i32
        %dma_start3A_273 = tpu.memref_slice %arg8[%dma_start3A_271, %dma_start3A_272] : memref<50176x32xf32, #tpu.memory_space<vmem_shared>> -> memref<50176x32xf32, #tpu.memory_space<vmem_shared>>
        tpu.enqueue_indirect_dma source(%dma_start3A_267 : memref<64x32xf32, #tpu.memory_space<vmem>>) target(%dma_start3A_273 : memref<50176x32xf32, #tpu.memory_space<vmem_shared>>) offsets(%dma_start3A_270 : memref<64xi32, #tpu.memory_space<vmem>>) semaphore(%arg13 : memref<!tpu.dma_semaphore, #tpu.memory_space<semaphore_mem>>) {add = true}
        %add3A_274 = arith.constant 2 : i32
        %add3A_275 = arith.addi %mul3A_201, %add3A_274 : i32
        %dma_start3A_276 = arith.constant 128 : i32
        %dma_start3A_277 = arith.constant 0 : i32
        %dma_start3A_278 = tpu.memref_slice %arg11[%select_n3A_146, %dma_start3A_276, %dma_start3A_277] : memref<2x256x32xf32, #tpu.memory_space<vmem>> -> memref<1x64x32xf32, #tpu.memory_space<vmem>>
        %dma_start3A_279 = tpu.memref_squeeze %dma_start3A_278 : memref<1x64x32xf32, #tpu.memory_space<vmem>> -> memref<64x32xf32, #tpu.memory_space<vmem>>
        %dma_start3A_280 = arith.constant 0 : i32
        %dma_start3A_281 = tpu.memref_slice %arg10[%select_n3A_183, %add3A_275, %dma_start3A_280] : memref<2x28x64xi32, #tpu.memory_space<vmem>> -> memref<1x1x64xi32, #tpu.memory_space<vmem>>
        %dma_start3A_282 = tpu.memref_squeeze %dma_start3A_281 : memref<1x1x64xi32, #tpu.memory_space<vmem>> -> memref<64xi32, #tpu.memory_space<vmem>>
        %dma_start3A_283 = arith.constant 0 : i32
        %dma_start3A_284 = arith.constant 0 : i32
        %dma_start3A_285 = tpu.memref_slice %arg8[%dma_start3A_283, %dma_start3A_284] : memref<50176x32xf32, #tpu.memory_space<vmem_shared>> -> memref<50176x32xf32, #tpu.memory_space<vmem_shared>>
        tpu.enqueue_indirect_dma source(%dma_start3A_279 : memref<64x32xf32, #tpu.memory_space<vmem>>) target(%dma_start3A_285 : memref<50176x32xf32, #tpu.memory_space<vmem_shared>>) offsets(%dma_start3A_282 : memref<64xi32, #tpu.memory_space<vmem>>) semaphore(%arg13 : memref<!tpu.dma_semaphore, #tpu.memory_space<semaphore_mem>>) {add = true}
        %add3A_286 = arith.constant 3 : i32
        %add3A_287 = arith.addi %mul3A_201, %add3A_286 : i32
        %dma_start3A_288 = arith.constant 192 : i32
        %dma_start3A_289 = arith.constant 0 : i32
        %dma_start3A_290 = tpu.memref_slice %arg11[%select_n3A_146, %dma_start3A_288, %dma_start3A_289] : memref<2x256x32xf32, #tpu.memory_space<vmem>> -> memref<1x64x32xf32, #tpu.memory_space<vmem>>
        %dma_start3A_291 = tpu.memref_squeeze %dma_start3A_290 : memref<1x64x32xf32, #tpu.memory_space<vmem>> -> memref<64x32xf32, #tpu.memory_space<vmem>>
        %dma_start3A_292 = arith.constant 0 : i32
        %dma_start3A_293 = tpu.memref_slice %arg10[%select_n3A_183, %add3A_287, %dma_start3A_292] : memref<2x28x64xi32, #tpu.memory_space<vmem>> -> memref<1x1x64xi32, #tpu.memory_space<vmem>>
        %dma_start3A_294 = tpu.memref_squeeze %dma_start3A_293 : memref<1x1x64xi32, #tpu.memory_space<vmem>> -> memref<64xi32, #tpu.memory_space<vmem>>
        %dma_start3A_295 = arith.constant 0 : i32
        %dma_start3A_296 = arith.constant 0 : i32
        %dma_start3A_297 = tpu.memref_slice %arg8[%dma_start3A_295, %dma_start3A_296] : memref<50176x32xf32, #tpu.memory_space<vmem_shared>> -> memref<50176x32xf32, #tpu.memory_space<vmem_shared>>
        tpu.enqueue_indirect_dma source(%dma_start3A_291 : memref<64x32xf32, #tpu.memory_space<vmem>>) target(%dma_start3A_297 : memref<50176x32xf32, #tpu.memory_space<vmem_shared>>) offsets(%dma_start3A_294 : memref<64xi32, #tpu.memory_space<vmem>>) semaphore(%arg13 : memref<!tpu.dma_semaphore, #tpu.memory_space<semaphore_mem>>) {add = true}
        %sub3A_298 = arith.constant 1 : i32
        %sub3A_299 = arith.subi %scan3A_136, %sub3A_298 : i32
        %jit3A_300 = arith.constant 2 : i32
        %eq3A_301 = arith.constant 0 : i32
        %eq3A_302 = arith.cmpi eq, %jit3A_300, %eq3A_301 : i32
        %jit3A_303 = arith.constant 1 : i32
        %select_n3A_304 = arith.select %eq3A_302, %jit3A_303, %jit3A_300 : i32
        %rem3A_305 = arith.remsi %sub3A_299, %select_n3A_304 : i32
        %ne3A_306 = arith.constant 0 : i32
        %ne3A_307 = arith.cmpi ne, %rem3A_305, %ne3A_306 : i32
        %lt3A_308 = arith.constant 0 : i32
        %lt3A_309 = arith.cmpi slt, %rem3A_305, %lt3A_308 : i32
        %lt3A_310 = arith.constant 0 : i32
        %lt3A_311 = arith.cmpi slt, %select_n3A_304, %lt3A_310 : i32
        %ne3A_312 = arith.xori %lt3A_309, %lt3A_311 : i1
        %and3A_313 = arith.andi %ne3A_312, %ne3A_307 : i1
        %add3A_314 = arith.addi %rem3A_305, %select_n3A_304 : i32
        %select_n3A_315 = arith.select %and3A_313, %add3A_314, %rem3A_305 : i32
        %jit3A_316 = arith.constant 7 : i32
        %div3A_317 = arith.divsi %sub3A_299, %jit3A_316 : i32
        %sign3A_318 = arith.constant 0 : i32
        %sign3A_319 = arith.cmpi sgt, %sub3A_299, %sign3A_318 : i32
        %sign3A_320 = arith.extui %sign3A_319 : i1 to i32
        %sign3A_321 = arith.constant 0 : i32
        %sign3A_322 = arith.cmpi slt, %sub3A_299, %sign3A_321 : i32
        %sign3A_323 = arith.extui %sign3A_322 : i1 to i32
        %sign3A_324 = arith.subi %sign3A_320, %sign3A_323 : i32
        %sign3A_325 = arith.constant 0 : i32
        %sign3A_326 = arith.cmpi sgt, %jit3A_316, %sign3A_325 : i32
        %sign3A_327 = arith.extui %sign3A_326 : i1 to i32
        %sign3A_328 = arith.constant 0 : i32
        %sign3A_329 = arith.cmpi slt, %jit3A_316, %sign3A_328 : i32
        %sign3A_330 = arith.extui %sign3A_329 : i1 to i32
        %sign3A_331 = arith.subi %sign3A_327, %sign3A_330 : i32
        %ne3A_332 = arith.cmpi ne, %sign3A_324, %sign3A_331 : i32
        %rem3A_333 = arith.remsi %sub3A_299, %jit3A_316 : i32
        %ne3A_334 = arith.constant 0 : i32
        %ne3A_335 = arith.cmpi ne, %rem3A_333, %ne3A_334 : i32
        %and3A_336 = arith.andi %ne3A_332, %ne3A_335 : i1
        %sub3A_337 = arith.constant 1 : i32
        %sub3A_338 = arith.subi %div3A_317, %sub3A_337 : i32
        %select_n3A_339 = arith.select %and3A_336, %sub3A_338, %div3A_317 : i32
        %jit3A_340 = arith.constant 2 : i32
        %eq3A_341 = arith.constant 0 : i32
        %eq3A_342 = arith.cmpi eq, %jit3A_340, %eq3A_341 : i32
        %jit3A_343 = arith.constant 1 : i32
        %select_n3A_344 = arith.select %eq3A_342, %jit3A_343, %jit3A_340 : i32
        %rem3A_345 = arith.remsi %select_n3A_339, %select_n3A_344 : i32
        %ne3A_346 = arith.constant 0 : i32
        %ne3A_347 = arith.cmpi ne, %rem3A_345, %ne3A_346 : i32
        %lt3A_348 = arith.constant 0 : i32
        %lt3A_349 = arith.cmpi slt, %rem3A_345, %lt3A_348 : i32
        %lt3A_350 = arith.constant 0 : i32
        %lt3A_351 = arith.cmpi slt, %select_n3A_344, %lt3A_350 : i32
        %ne3A_352 = arith.xori %lt3A_349, %lt3A_351 : i1
        %and3A_353 = arith.andi %ne3A_352, %ne3A_347 : i1
        %add3A_354 = arith.addi %rem3A_345, %select_n3A_344 : i32
        %select_n3A_355 = arith.select %and3A_353, %add3A_354, %rem3A_345 : i32
        %jit3A_356 = arith.constant 7 : i32
        %eq3A_357 = arith.constant 0 : i32
        %eq3A_358 = arith.cmpi eq, %jit3A_356, %eq3A_357 : i32
        %jit3A_359 = arith.constant 1 : i32
        %select_n3A_360 = arith.select %eq3A_358, %jit3A_359, %jit3A_356 : i32
        %rem3A_361 = arith.remsi %sub3A_299, %select_n3A_360 : i32
        %ne3A_362 = arith.constant 0 : i32
        %ne3A_363 = arith.cmpi ne, %rem3A_361, %ne3A_362 : i32
        %lt3A_364 = arith.constant 0 : i32
        %lt3A_365 = arith.cmpi slt, %rem3A_361, %lt3A_364 : i32
        %lt3A_366 = arith.constant 0 : i32
        %lt3A_367 = arith.cmpi slt, %select_n3A_360, %lt3A_366 : i32
        %ne3A_368 = arith.xori %lt3A_365, %lt3A_367 : i1
        %and3A_369 = arith.andi %ne3A_368, %ne3A_363 : i1
        %add3A_370 = arith.addi %rem3A_361, %select_n3A_360 : i32
        %select_n3A_371 = arith.select %and3A_369, %add3A_370, %rem3A_361 : i32
        %mul3A_372 = arith.constant 4 : i32
        %mul3A_373 = arith.muli %select_n3A_371, %mul3A_372 : i32
        %gt3A = arith.constant 0 : i32
        %gt3A_374 = arith.cmpi sgt, %scan3A_136, %gt3A : i32
        %convert_element_type3A_375 = arith.extui %gt3A_374 : i1 to i32
        %cond3A_376 = arith.constant 0 : i32
        %cond3A_377 = arith.cmpi ne, %convert_element_type3A_375, %cond3A_376 : i32
        scf.if %cond3A_377 {
          %add3A_495 = arith.constant 0 : i32
          %add3A_496 = arith.addi %mul3A_373, %add3A_495 : i32
          %dma_wait3A_497 = arith.constant 0 : i32
          %dma_wait3A_498 = arith.constant 0 : i32
          %dma_wait3A_499 = tpu.memref_slice %arg11[%select_n3A_315, %dma_wait3A_497, %dma_wait3A_498] : memref<2x256x32xf32, #tpu.memory_space<vmem>> -> memref<1x64x32xf32, #tpu.memory_space<vmem>>
          %dma_wait3A_500 = tpu.memref_squeeze %dma_wait3A_499 : memref<1x64x32xf32, #tpu.memory_space<vmem>> -> memref<64x32xf32, #tpu.memory_space<vmem>>
          %dma_wait3A_501 = arith.constant 0 : i32
          %dma_wait3A_502 = tpu.memref_slice %arg10[%select_n3A_355, %add3A_496, %dma_wait3A_501] : memref<2x28x64xi32, #tpu.memory_space<vmem>> -> memref<1x1x64xi32, #tpu.memory_space<vmem>>
          %dma_wait3A_503 = tpu.memref_squeeze %dma_wait3A_502 : memref<1x1x64xi32, #tpu.memory_space<vmem>> -> memref<64xi32, #tpu.memory_space<vmem>>
          %dma_wait3A_504 = arith.constant 0 : i32
          %dma_wait3A_505 = arith.constant 0 : i32
          %dma_wait3A_506 = tpu.memref_slice %arg8[%dma_wait3A_504, %dma_wait3A_505] : memref<50176x32xf32, #tpu.memory_space<vmem_shared>> -> memref<50176x32xf32, #tpu.memory_space<vmem_shared>>
          tpu.wait_indirect_dma semaphore(%arg13 : memref<!tpu.dma_semaphore, #tpu.memory_space<semaphore_mem>>) src(%dma_wait3A_500 : memref<64x32xf32, #tpu.memory_space<vmem>>) dst(%dma_wait3A_506 : memref<50176x32xf32, #tpu.memory_space<vmem_shared>>)
          %add3A_507 = arith.constant 1 : i32
          %add3A_508 = arith.addi %mul3A_373, %add3A_507 : i32
          %dma_wait3A_509 = arith.constant 64 : i32
          %dma_wait3A_510 = arith.constant 0 : i32
          %dma_wait3A_511 = tpu.memref_slice %arg11[%select_n3A_315, %dma_wait3A_509, %dma_wait3A_510] : memref<2x256x32xf32, #tpu.memory_space<vmem>> -> memref<1x64x32xf32, #tpu.memory_space<vmem>>
          %dma_wait3A_512 = tpu.memref_squeeze %dma_wait3A_511 : memref<1x64x32xf32, #tpu.memory_space<vmem>> -> memref<64x32xf32, #tpu.memory_space<vmem>>
          %dma_wait3A_513 = arith.constant 0 : i32
          %dma_wait3A_514 = tpu.memref_slice %arg10[%select_n3A_355, %add3A_508, %dma_wait3A_513] : memref<2x28x64xi32, #tpu.memory_space<vmem>> -> memref<1x1x64xi32, #tpu.memory_space<vmem>>
          %dma_wait3A_515 = tpu.memref_squeeze %dma_wait3A_514 : memref<1x1x64xi32, #tpu.memory_space<vmem>> -> memref<64xi32, #tpu.memory_space<vmem>>
          %dma_wait3A_516 = arith.constant 0 : i32
          %dma_wait3A_517 = arith.constant 0 : i32
          %dma_wait3A_518 = tpu.memref_slice %arg8[%dma_wait3A_516, %dma_wait3A_517] : memref<50176x32xf32, #tpu.memory_space<vmem_shared>> -> memref<50176x32xf32, #tpu.memory_space<vmem_shared>>
          tpu.wait_indirect_dma semaphore(%arg13 : memref<!tpu.dma_semaphore, #tpu.memory_space<semaphore_mem>>) src(%dma_wait3A_512 : memref<64x32xf32, #tpu.memory_space<vmem>>) dst(%dma_wait3A_518 : memref<50176x32xf32, #tpu.memory_space<vmem_shared>>)
          %add3A_519 = arith.constant 2 : i32
          %add3A_520 = arith.addi %mul3A_373, %add3A_519 : i32
          %dma_wait3A_521 = arith.constant 128 : i32
          %dma_wait3A_522 = arith.constant 0 : i32
          %dma_wait3A_523 = tpu.memref_slice %arg11[%select_n3A_315, %dma_wait3A_521, %dma_wait3A_522] : memref<2x256x32xf32, #tpu.memory_space<vmem>> -> memref<1x64x32xf32, #tpu.memory_space<vmem>>
          %dma_wait3A_524 = tpu.memref_squeeze %dma_wait3A_523 : memref<1x64x32xf32, #tpu.memory_space<vmem>> -> memref<64x32xf32, #tpu.memory_space<vmem>>
          %dma_wait3A_525 = arith.constant 0 : i32
          %dma_wait3A_526 = tpu.memref_slice %arg10[%select_n3A_355, %add3A_520, %dma_wait3A_525] : memref<2x28x64xi32, #tpu.memory_space<vmem>> -> memref<1x1x64xi32, #tpu.memory_space<vmem>>
          %dma_wait3A_527 = tpu.memref_squeeze %dma_wait3A_526 : memref<1x1x64xi32, #tpu.memory_space<vmem>> -> memref<64xi32, #tpu.memory_space<vmem>>
          %dma_wait3A_528 = arith.constant 0 : i32
          %dma_wait3A_529 = arith.constant 0 : i32
          %dma_wait3A_530 = tpu.memref_slice %arg8[%dma_wait3A_528, %dma_wait3A_529] : memref<50176x32xf32, #tpu.memory_space<vmem_shared>> -> memref<50176x32xf32, #tpu.memory_space<vmem_shared>>
          tpu.wait_indirect_dma semaphore(%arg13 : memref<!tpu.dma_semaphore, #tpu.memory_space<semaphore_mem>>) src(%dma_wait3A_524 : memref<64x32xf32, #tpu.memory_space<vmem>>) dst(%dma_wait3A_530 : memref<50176x32xf32, #tpu.memory_space<vmem_shared>>)
          %add3A_531 = arith.constant 3 : i32
          %add3A_532 = arith.addi %mul3A_373, %add3A_531 : i32
          %dma_wait3A_533 = arith.constant 192 : i32
          %dma_wait3A_534 = arith.constant 0 : i32
          %dma_wait3A_535 = tpu.memref_slice %arg11[%select_n3A_315, %dma_wait3A_533, %dma_wait3A_534] : memref<2x256x32xf32, #tpu.memory_space<vmem>> -> memref<1x64x32xf32, #tpu.memory_space<vmem>>
          %dma_wait3A_536 = tpu.memref_squeeze %dma_wait3A_535 : memref<1x64x32xf32, #tpu.memory_space<vmem>> -> memref<64x32xf32, #tpu.memory_space<vmem>>
          %dma_wait3A_537 = arith.constant 0 : i32
          %dma_wait3A_538 = tpu.memref_slice %arg10[%select_n3A_355, %add3A_532, %dma_wait3A_537] : memref<2x28x64xi32, #tpu.memory_space<vmem>> -> memref<1x1x64xi32, #tpu.memory_space<vmem>>
          %dma_wait3A_539 = tpu.memref_squeeze %dma_wait3A_538 : memref<1x1x64xi32, #tpu.memory_space<vmem>> -> memref<64xi32, #tpu.memory_space<vmem>>
          %dma_wait3A_540 = arith.constant 0 : i32
          %dma_wait3A_541 = arith.constant 0 : i32
          %dma_wait3A_542 = tpu.memref_slice %arg8[%dma_wait3A_540, %dma_wait3A_541] : memref<50176x32xf32, #tpu.memory_space<vmem_shared>> -> memref<50176x32xf32, #tpu.memory_space<vmem_shared>>
          tpu.wait_indirect_dma semaphore(%arg13 : memref<!tpu.dma_semaphore, #tpu.memory_space<semaphore_mem>>) src(%dma_wait3A_536 : memref<64x32xf32, #tpu.memory_space<vmem>>) dst(%dma_wait3A_542 : memref<50176x32xf32, #tpu.memory_space<vmem_shared>>)
        } else {
        }
        %jit3A_378 = arith.constant 7 : i32
        %div3A_379 = arith.divsi %scan3A_136, %jit3A_378 : i32
        %sign3A_380 = arith.constant 0 : i32
        %sign3A_381 = arith.cmpi sgt, %scan3A_136, %sign3A_380 : i32
        %sign3A_382 = arith.extui %sign3A_381 : i1 to i32
        %sign3A_383 = arith.constant 0 : i32
        %sign3A_384 = arith.cmpi slt, %scan3A_136, %sign3A_383 : i32
        %sign3A_385 = arith.extui %sign3A_384 : i1 to i32
        %sign3A_386 = arith.subi %sign3A_382, %sign3A_385 : i32
        %sign3A_387 = arith.constant 0 : i32
        %sign3A_388 = arith.cmpi sgt, %jit3A_378, %sign3A_387 : i32
        %sign3A_389 = arith.extui %sign3A_388 : i1 to i32
        %sign3A_390 = arith.constant 0 : i32
        %sign3A_391 = arith.cmpi slt, %jit3A_378, %sign3A_390 : i32
        %sign3A_392 = arith.extui %sign3A_391 : i1 to i32
        %sign3A_393 = arith.subi %sign3A_389, %sign3A_392 : i32
        %ne3A_394 = arith.cmpi ne, %sign3A_386, %sign3A_393 : i32
        %rem3A_395 = arith.remsi %scan3A_136, %jit3A_378 : i32
        %ne3A_396 = arith.constant 0 : i32
        %ne3A_397 = arith.cmpi ne, %rem3A_395, %ne3A_396 : i32
        %and3A_398 = arith.andi %ne3A_394, %ne3A_397 : i1
        %sub3A_399 = arith.constant 1 : i32
        %sub3A_400 = arith.subi %div3A_379, %sub3A_399 : i32
        %select_n3A_401 = arith.select %and3A_398, %sub3A_400, %div3A_379 : i32
        %mul3A_402 = arith.constant 7 : i32
        %mul3A_403 = arith.muli %select_n3A_401, %mul3A_402 : i32
        %eq3A_404 = arith.cmpi eq, %scan3A_136, %mul3A_403 : i32
        %gt3A_405 = arith.constant 0 : i32
        %gt3A_406 = arith.cmpi sgt, %scan3A_136, %gt3A_405 : i32
        %and3A_407 = arith.andi %eq3A_404, %gt3A_406 : i1
        %lt3A_408 = arith.constant 27 : i32
        %lt3A_409 = arith.cmpi slt, %select_n3A_401, %lt3A_408 : i32
        %and3A_410 = arith.andi %and3A_407, %lt3A_409 : i1
        %convert_element_type3A_411 = arith.extui %and3A_410 : i1 to i32
        %cond3A_412 = arith.constant 0 : i32
        %cond3A_413 = arith.cmpi ne, %convert_element_type3A_411, %cond3A_412 : i32
        scf.if %cond3A_413 {
          %add3A_495 = arith.constant 1 : i32
          %add3A_496 = arith.addi %select_n3A_401, %add3A_495 : i32
          %add3A_497 = arith.constant 1 : i32
          %add3A_498 = arith.addi %select_n3A_401, %add3A_497 : i32
          %jit3A_499 = arith.constant 2 : i32
          %eq3A_500 = arith.constant 0 : i32
          %eq3A_501 = arith.cmpi eq, %jit3A_499, %eq3A_500 : i32
          %jit3A_502 = arith.constant 1 : i32
          %select_n3A_503 = arith.select %eq3A_501, %jit3A_502, %jit3A_499 : i32
          %rem3A_504 = arith.remsi %add3A_498, %select_n3A_503 : i32
          %ne3A_505 = arith.constant 0 : i32
          %ne3A_506 = arith.cmpi ne, %rem3A_504, %ne3A_505 : i32
          %lt3A_507 = arith.constant 0 : i32
          %lt3A_508 = arith.cmpi slt, %rem3A_504, %lt3A_507 : i32
          %lt3A_509 = arith.constant 0 : i32
          %lt3A_510 = arith.cmpi slt, %select_n3A_503, %lt3A_509 : i32
          %ne3A_511 = arith.xori %lt3A_508, %lt3A_510 : i1
          %and3A_512 = arith.andi %ne3A_511, %ne3A_506 : i1
          %add3A_513 = arith.addi %rem3A_504, %select_n3A_503 : i32
          %select_n3A_514 = arith.select %and3A_512, %add3A_513, %rem3A_504 : i32
          %mul3A_515 = arith.constant 784 : i32
          %mul3A_516 = arith.muli %arg1, %mul3A_515 : i32
          %mul3A_517 = arith.constant 28 : i32
          %mul3A_518 = arith.muli %add3A_496, %mul3A_517 : i32
          %add3A_519 = arith.addi %mul3A_516, %mul3A_518 : i32
          "tpu.region"() ({
            %run_scoped3A_520 = tpu.sem_alloc : memref<!tpu.dma_semaphore, #tpu.memory_space<semaphore_mem>>
            %dma_start3A_521 = arith.constant 0 : i32
            %dma_start3A_522 = arith.constant 0 : i32
            %dma_start3A_523 = tpu.memref_slice %arg9[%select_n3A_514, %dma_start3A_521, %dma_start3A_522] : memref<2x28x64xi32, #tpu.memory_space<vmem>> -> memref<1x28x64xi32, #tpu.memory_space<vmem>>
            %dma_start3A_524 = tpu.memref_squeeze %dma_start3A_523 : memref<1x28x64xi32, #tpu.memory_space<vmem>> -> memref<28x64xi32, #tpu.memory_space<vmem>>
            %dma_start3A_525 = arith.constant 0 : i32
            %dma_start3A_526 = tpu.memref_slice %arg4[%add3A_519, %dma_start3A_525] : memref<12544x64xi32, #tpu.memory_space<hbm>> -> memref<28x64xi32, #tpu.memory_space<hbm>>
            %dma_start3A_527 = arith.constant 0 : i32
            %dma_start3A_528 = arith.constant 0 : i32
            %dma_start3A_529 = tpu.memref_slice %arg9[%select_n3A_514, %dma_start3A_527, %dma_start3A_528] : memref<2x28x64xi32, #tpu.memory_space<vmem>> -> memref<1x28x64xi32, #tpu.memory_space<vmem>>
            %dma_start3A_530 = tpu.memref_squeeze %dma_start3A_529 : memref<1x28x64xi32, #tpu.memory_space<vmem>> -> memref<28x64xi32, #tpu.memory_space<vmem>>
            %dma_start3A_531 = arith.constant 0 : i32
            %dma_start3A_532 = tpu.memref_slice %arg4[%add3A_519, %dma_start3A_531] : memref<12544x64xi32, #tpu.memory_space<hbm>> -> memref<28x64xi32, #tpu.memory_space<hbm>>
            tpu.enqueue_dma source(%dma_start3A_532 : memref<28x64xi32, #tpu.memory_space<hbm>>) target(%dma_start3A_530 : memref<28x64xi32, #tpu.memory_space<vmem>>) target_semaphore(%run_scoped3A_520 : memref<!tpu.dma_semaphore, #tpu.memory_space<semaphore_mem>>)
            %dma_wait3A_533 = arith.constant 0 : i32
            %dma_wait3A_534 = arith.constant 0 : i32
            %dma_wait3A_535 = tpu.memref_slice %arg9[%select_n3A_514, %dma_wait3A_533, %dma_wait3A_534] : memref<2x28x64xi32, #tpu.memory_space<vmem>> -> memref<1x28x64xi32, #tpu.memory_space<vmem>>
            %dma_wait3A_536 = tpu.memref_squeeze %dma_wait3A_535 : memref<1x28x64xi32, #tpu.memory_space<vmem>> -> memref<28x64xi32, #tpu.memory_space<vmem>>
            %dma_wait3A_537 = arith.constant 0 : i32
            %dma_wait3A_538 = tpu.memref_slice %arg4[%add3A_519, %dma_wait3A_537] : memref<12544x64xi32, #tpu.memory_space<hbm>> -> memref<28x64xi32, #tpu.memory_space<hbm>>
            %dma_wait3A_539 = arith.constant 0 : i32
            %dma_wait3A_540 = arith.constant 0 : i32
            %dma_wait3A_541 = tpu.memref_slice %arg9[%select_n3A_514, %dma_wait3A_539, %dma_wait3A_540] : memref<2x28x64xi32, #tpu.memory_space<vmem>> -> memref<1x28x64xi32, #tpu.memory_space<vmem>>
            %dma_wait3A_542 = tpu.memref_squeeze %dma_wait3A_541 : memref<1x28x64xi32, #tpu.memory_space<vmem>> -> memref<28x64xi32, #tpu.memory_space<vmem>>
            %dma_wait3A_543 = arith.constant 0 : i32
            %dma_wait3A_544 = tpu.memref_slice %arg4[%add3A_519, %dma_wait3A_543] : memref<12544x64xi32, #tpu.memory_space<hbm>> -> memref<28x64xi32, #tpu.memory_space<hbm>>
            tpu.wait_dma2 semaphore(%run_scoped3A_520 : memref<!tpu.dma_semaphore, #tpu.memory_space<semaphore_mem>>) src(%dma_wait3A_544 : memref<28x64xi32, #tpu.memory_space<hbm>>) dst(%dma_wait3A_542 : memref<28x64xi32, #tpu.memory_space<vmem>>)
            tpu.yield
          }) : () -> ()
          "tpu.region"() ({
            %run_scoped3A_520 = tpu.sem_alloc : memref<!tpu.dma_semaphore, #tpu.memory_space<semaphore_mem>>
            %dma_start3A_521 = arith.constant 0 : i32
            %dma_start3A_522 = arith.constant 0 : i32
            %dma_start3A_523 = tpu.memref_slice %arg10[%select_n3A_514, %dma_start3A_521, %dma_start3A_522] : memref<2x28x64xi32, #tpu.memory_space<vmem>> -> memref<1x28x64xi32, #tpu.memory_space<vmem>>
            %dma_start3A_524 = tpu.memref_squeeze %dma_start3A_523 : memref<1x28x64xi32, #tpu.memory_space<vmem>> -> memref<28x64xi32, #tpu.memory_space<vmem>>
            %dma_start3A_525 = arith.constant 0 : i32
            %dma_start3A_526 = tpu.memref_slice %arg5[%add3A_519, %dma_start3A_525] : memref<12544x64xi32, #tpu.memory_space<hbm>> -> memref<28x64xi32, #tpu.memory_space<hbm>>
            %dma_start3A_527 = arith.constant 0 : i32
            %dma_start3A_528 = arith.constant 0 : i32
            %dma_start3A_529 = tpu.memref_slice %arg10[%select_n3A_514, %dma_start3A_527, %dma_start3A_528] : memref<2x28x64xi32, #tpu.memory_space<vmem>> -> memref<1x28x64xi32, #tpu.memory_space<vmem>>
            %dma_start3A_530 = tpu.memref_squeeze %dma_start3A_529 : memref<1x28x64xi32, #tpu.memory_space<vmem>> -> memref<28x64xi32, #tpu.memory_space<vmem>>
            %dma_start3A_531 = arith.constant 0 : i32
            %dma_start3A_532 = tpu.memref_slice %arg5[%add3A_519, %dma_start3A_531] : memref<12544x64xi32, #tpu.memory_space<hbm>> -> memref<28x64xi32, #tpu.memory_space<hbm>>
            tpu.enqueue_dma source(%dma_start3A_532 : memref<28x64xi32, #tpu.memory_space<hbm>>) target(%dma_start3A_530 : memref<28x64xi32, #tpu.memory_space<vmem>>) target_semaphore(%run_scoped3A_520 : memref<!tpu.dma_semaphore, #tpu.memory_space<semaphore_mem>>)
            %dma_wait3A_533 = arith.constant 0 : i32
            %dma_wait3A_534 = arith.constant 0 : i32
            %dma_wait3A_535 = tpu.memref_slice %arg10[%select_n3A_514, %dma_wait3A_533, %dma_wait3A_534] : memref<2x28x64xi32, #tpu.memory_space<vmem>> -> memref<1x28x64xi32, #tpu.memory_space<vmem>>
            %dma_wait3A_536 = tpu.memref_squeeze %dma_wait3A_535 : memref<1x28x64xi32, #tpu.memory_space<vmem>> -> memref<28x64xi32, #tpu.memory_space<vmem>>
            %dma_wait3A_537 = arith.constant 0 : i32
            %dma_wait3A_538 = tpu.memref_slice %arg5[%add3A_519, %dma_wait3A_537] : memref<12544x64xi32, #tpu.memory_space<hbm>> -> memref<28x64xi32, #tpu.memory_space<hbm>>
            %dma_wait3A_539 = arith.constant 0 : i32
            %dma_wait3A_540 = arith.constant 0 : i32
            %dma_wait3A_541 = tpu.memref_slice %arg10[%select_n3A_514, %dma_wait3A_539, %dma_wait3A_540] : memref<2x28x64xi32, #tpu.memory_space<vmem>> -> memref<1x28x64xi32, #tpu.memory_space<vmem>>
            %dma_wait3A_542 = tpu.memref_squeeze %dma_wait3A_541 : memref<1x28x64xi32, #tpu.memory_space<vmem>> -> memref<28x64xi32, #tpu.memory_space<vmem>>
            %dma_wait3A_543 = arith.constant 0 : i32
            %dma_wait3A_544 = tpu.memref_slice %arg5[%add3A_519, %dma_wait3A_543] : memref<12544x64xi32, #tpu.memory_space<hbm>> -> memref<28x64xi32, #tpu.memory_space<hbm>>
            tpu.wait_dma2 semaphore(%run_scoped3A_520 : memref<!tpu.dma_semaphore, #tpu.memory_space<semaphore_mem>>) src(%dma_wait3A_544 : memref<28x64xi32, #tpu.memory_space<hbm>>) dst(%dma_wait3A_542 : memref<28x64xi32, #tpu.memory_space<vmem>>)
            tpu.yield
          }) : () -> ()
        } else {
        }
        %add3A_414 = arith.constant 1 : i32
        %add3A_415 = arith.addi %scan3A_136, %add3A_414 : i32
        %jit3A_416 = arith.constant 2 : i32
        %eq3A_417 = arith.constant 0 : i32
        %eq3A_418 = arith.cmpi eq, %jit3A_416, %eq3A_417 : i32
        %jit3A_419 = arith.constant 1 : i32
        %select_n3A_420 = arith.select %eq3A_418, %jit3A_419, %jit3A_416 : i32
        %rem3A_421 = arith.remsi %add3A_415, %select_n3A_420 : i32
        %ne3A_422 = arith.constant 0 : i32
        %ne3A_423 = arith.cmpi ne, %rem3A_421, %ne3A_422 : i32
        %lt3A_424 = arith.constant 0 : i32
        %lt3A_425 = arith.cmpi slt, %rem3A_421, %lt3A_424 : i32
        %lt3A_426 = arith.constant 0 : i32
        %lt3A_427 = arith.cmpi slt, %select_n3A_420, %lt3A_426 : i32
        %ne3A_428 = arith.xori %lt3A_425, %lt3A_427 : i1
        %and3A_429 = arith.andi %ne3A_428, %ne3A_423 : i1
        %add3A_430 = arith.addi %rem3A_421, %select_n3A_420 : i32
        %select_n3A_431 = arith.select %and3A_429, %add3A_430, %rem3A_421 : i32
        %jit3A_432 = arith.constant 7 : i32
        %div3A_433 = arith.divsi %add3A_415, %jit3A_432 : i32
        %sign3A_434 = arith.constant 0 : i32
        %sign3A_435 = arith.cmpi sgt, %add3A_415, %sign3A_434 : i32
        %sign3A_436 = arith.extui %sign3A_435 : i1 to i32
        %sign3A_437 = arith.constant 0 : i32
        %sign3A_438 = arith.cmpi slt, %add3A_415, %sign3A_437 : i32
        %sign3A_439 = arith.extui %sign3A_438 : i1 to i32
        %sign3A_440 = arith.subi %sign3A_436, %sign3A_439 : i32
        %sign3A_441 = arith.constant 0 : i32
        %sign3A_442 = arith.cmpi sgt, %jit3A_432, %sign3A_441 : i32
        %sign3A_443 = arith.extui %sign3A_442 : i1 to i32
        %sign3A_444 = arith.constant 0 : i32
        %sign3A_445 = arith.cmpi slt, %jit3A_432, %sign3A_444 : i32
        %sign3A_446 = arith.extui %sign3A_445 : i1 to i32
        %sign3A_447 = arith.subi %sign3A_443, %sign3A_446 : i32
        %ne3A_448 = arith.cmpi ne, %sign3A_440, %sign3A_447 : i32
        %rem3A_449 = arith.remsi %add3A_415, %jit3A_432 : i32
        %ne3A_450 = arith.constant 0 : i32
        %ne3A_451 = arith.cmpi ne, %rem3A_449, %ne3A_450 : i32
        %and3A_452 = arith.andi %ne3A_448, %ne3A_451 : i1
        %sub3A_453 = arith.constant 1 : i32
        %sub3A_454 = arith.subi %div3A_433, %sub3A_453 : i32
        %select_n3A_455 = arith.select %and3A_452, %sub3A_454, %div3A_433 : i32
        %jit3A_456 = arith.constant 2 : i32
        %eq3A_457 = arith.constant 0 : i32
        %eq3A_458 = arith.cmpi eq, %jit3A_456, %eq3A_457 : i32
        %jit3A_459 = arith.constant 1 : i32
        %select_n3A_460 = arith.select %eq3A_458, %jit3A_459, %jit3A_456 : i32
        %rem3A_461 = arith.remsi %select_n3A_455, %select_n3A_460 : i32
        %ne3A_462 = arith.constant 0 : i32
        %ne3A_463 = arith.cmpi ne, %rem3A_461, %ne3A_462 : i32
        %lt3A_464 = arith.constant 0 : i32
        %lt3A_465 = arith.cmpi slt, %rem3A_461, %lt3A_464 : i32
        %lt3A_466 = arith.constant 0 : i32
        %lt3A_467 = arith.cmpi slt, %select_n3A_460, %lt3A_466 : i32
        %ne3A_468 = arith.xori %lt3A_465, %lt3A_467 : i1
        %and3A_469 = arith.andi %ne3A_468, %ne3A_463 : i1
        %add3A_470 = arith.addi %rem3A_461, %select_n3A_460 : i32
        %select_n3A_471 = arith.select %and3A_469, %add3A_470, %rem3A_461 : i32
        %jit3A_472 = arith.constant 7 : i32
        %eq3A_473 = arith.constant 0 : i32
        %eq3A_474 = arith.cmpi eq, %jit3A_472, %eq3A_473 : i32
        %jit3A_475 = arith.constant 1 : i32
        %select_n3A_476 = arith.select %eq3A_474, %jit3A_475, %jit3A_472 : i32
        %rem3A_477 = arith.remsi %add3A_415, %select_n3A_476 : i32
        %ne3A_478 = arith.constant 0 : i32
        %ne3A_479 = arith.cmpi ne, %rem3A_477, %ne3A_478 : i32
        %lt3A_480 = arith.constant 0 : i32
        %lt3A_481 = arith.cmpi slt, %rem3A_477, %lt3A_480 : i32
        %lt3A_482 = arith.constant 0 : i32
        %lt3A_483 = arith.cmpi slt, %select_n3A_476, %lt3A_482 : i32
        %ne3A_484 = arith.xori %lt3A_481, %lt3A_483 : i1
        %and3A_485 = arith.andi %ne3A_484, %ne3A_479 : i1
        %add3A_486 = arith.addi %rem3A_477, %select_n3A_476 : i32
        %select_n3A_487 = arith.select %and3A_485, %add3A_486, %rem3A_477 : i32
        %mul3A_488 = arith.constant 4 : i32
        %mul3A_489 = arith.muli %select_n3A_487, %mul3A_488 : i32
        %lt3A_490 = arith.constant 196 : i32
        %lt3A_491 = arith.cmpi slt, %add3A_415, %lt3A_490 : i32
        %convert_element_type3A_492 = arith.extui %lt3A_491 : i1 to i32
        %cond3A_493 = arith.constant 0 : i32
        %cond3A_494 = arith.cmpi ne, %convert_element_type3A_492, %cond3A_493 : i32
        scf.if %cond3A_494 {
          %add3A_495 = arith.constant 0 : i32
          %add3A_496 = arith.addi %mul3A_489, %add3A_495 : i32
          %dma_start3A_497 = arith.constant 0 : i32
          %dma_start3A_498 = arith.constant 0 : i32
          %dma_start3A_499 = tpu.memref_slice %arg11[%select_n3A_431, %dma_start3A_497, %dma_start3A_498] : memref<2x256x32xf32, #tpu.memory_space<vmem>> -> memref<1x64x32xf32, #tpu.memory_space<vmem>>
          %dma_start3A_500 = tpu.memref_squeeze %dma_start3A_499 : memref<1x64x32xf32, #tpu.memory_space<vmem>> -> memref<64x32xf32, #tpu.memory_space<vmem>>
          %dma_start3A_501 = arith.constant 0 : i32
          %dma_start3A_502 = tpu.memref_slice %arg9[%select_n3A_471, %add3A_496, %dma_start3A_501] : memref<2x28x64xi32, #tpu.memory_space<vmem>> -> memref<1x1x64xi32, #tpu.memory_space<vmem>>
          %dma_start3A_503 = tpu.memref_squeeze %dma_start3A_502 : memref<1x1x64xi32, #tpu.memory_space<vmem>> -> memref<64xi32, #tpu.memory_space<vmem>>
          %dma_start3A_504 = arith.constant 0 : i32
          %dma_start3A_505 = arith.constant 0 : i32
          %dma_start3A_506 = tpu.memref_slice %arg2[%dma_start3A_504, %dma_start3A_505] : memref<200000x32xf32, #tpu.memory_space<hbm>> -> memref<200000x32xf32, #tpu.memory_space<hbm>>
          tpu.enqueue_indirect_dma source(%dma_start3A_506 : memref<200000x32xf32, #tpu.memory_space<hbm>>) target(%dma_start3A_500 : memref<64x32xf32, #tpu.memory_space<vmem>>) offsets(%dma_start3A_503 : memref<64xi32, #tpu.memory_space<vmem>>) semaphore(%arg12 : memref<!tpu.dma_semaphore, #tpu.memory_space<semaphore_mem>>)
          %add3A_507 = arith.constant 1 : i32
          %add3A_508 = arith.addi %mul3A_489, %add3A_507 : i32
          %dma_start3A_509 = arith.constant 64 : i32
          %dma_start3A_510 = arith.constant 0 : i32
          %dma_start3A_511 = tpu.memref_slice %arg11[%select_n3A_431, %dma_start3A_509, %dma_start3A_510] : memref<2x256x32xf32, #tpu.memory_space<vmem>> -> memref<1x64x32xf32, #tpu.memory_space<vmem>>
          %dma_start3A_512 = tpu.memref_squeeze %dma_start3A_511 : memref<1x64x32xf32, #tpu.memory_space<vmem>> -> memref<64x32xf32, #tpu.memory_space<vmem>>
          %dma_start3A_513 = arith.constant 0 : i32
          %dma_start3A_514 = tpu.memref_slice %arg9[%select_n3A_471, %add3A_508, %dma_start3A_513] : memref<2x28x64xi32, #tpu.memory_space<vmem>> -> memref<1x1x64xi32, #tpu.memory_space<vmem>>
          %dma_start3A_515 = tpu.memref_squeeze %dma_start3A_514 : memref<1x1x64xi32, #tpu.memory_space<vmem>> -> memref<64xi32, #tpu.memory_space<vmem>>
          %dma_start3A_516 = arith.constant 0 : i32
          %dma_start3A_517 = arith.constant 0 : i32
          %dma_start3A_518 = tpu.memref_slice %arg2[%dma_start3A_516, %dma_start3A_517] : memref<200000x32xf32, #tpu.memory_space<hbm>> -> memref<200000x32xf32, #tpu.memory_space<hbm>>
          tpu.enqueue_indirect_dma source(%dma_start3A_518 : memref<200000x32xf32, #tpu.memory_space<hbm>>) target(%dma_start3A_512 : memref<64x32xf32, #tpu.memory_space<vmem>>) offsets(%dma_start3A_515 : memref<64xi32, #tpu.memory_space<vmem>>) semaphore(%arg12 : memref<!tpu.dma_semaphore, #tpu.memory_space<semaphore_mem>>)
          %add3A_519 = arith.constant 2 : i32
          %add3A_520 = arith.addi %mul3A_489, %add3A_519 : i32
          %dma_start3A_521 = arith.constant 128 : i32
          %dma_start3A_522 = arith.constant 0 : i32
          %dma_start3A_523 = tpu.memref_slice %arg11[%select_n3A_431, %dma_start3A_521, %dma_start3A_522] : memref<2x256x32xf32, #tpu.memory_space<vmem>> -> memref<1x64x32xf32, #tpu.memory_space<vmem>>
          %dma_start3A_524 = tpu.memref_squeeze %dma_start3A_523 : memref<1x64x32xf32, #tpu.memory_space<vmem>> -> memref<64x32xf32, #tpu.memory_space<vmem>>
          %dma_start3A_525 = arith.constant 0 : i32
          %dma_start3A_526 = tpu.memref_slice %arg9[%select_n3A_471, %add3A_520, %dma_start3A_525] : memref<2x28x64xi32, #tpu.memory_space<vmem>> -> memref<1x1x64xi32, #tpu.memory_space<vmem>>
          %dma_start3A_527 = tpu.memref_squeeze %dma_start3A_526 : memref<1x1x64xi32, #tpu.memory_space<vmem>> -> memref<64xi32, #tpu.memory_space<vmem>>
          %dma_start3A_528 = arith.constant 0 : i32
          %dma_start3A_529 = arith.constant 0 : i32
          %dma_start3A_530 = tpu.memref_slice %arg2[%dma_start3A_528, %dma_start3A_529] : memref<200000x32xf32, #tpu.memory_space<hbm>> -> memref<200000x32xf32, #tpu.memory_space<hbm>>
          tpu.enqueue_indirect_dma source(%dma_start3A_530 : memref<200000x32xf32, #tpu.memory_space<hbm>>) target(%dma_start3A_524 : memref<64x32xf32, #tpu.memory_space<vmem>>) offsets(%dma_start3A_527 : memref<64xi32, #tpu.memory_space<vmem>>) semaphore(%arg12 : memref<!tpu.dma_semaphore, #tpu.memory_space<semaphore_mem>>)
          %add3A_531 = arith.constant 3 : i32
          %add3A_532 = arith.addi %mul3A_489, %add3A_531 : i32
          %dma_start3A_533 = arith.constant 192 : i32
          %dma_start3A_534 = arith.constant 0 : i32
          %dma_start3A_535 = tpu.memref_slice %arg11[%select_n3A_431, %dma_start3A_533, %dma_start3A_534] : memref<2x256x32xf32, #tpu.memory_space<vmem>> -> memref<1x64x32xf32, #tpu.memory_space<vmem>>
          %dma_start3A_536 = tpu.memref_squeeze %dma_start3A_535 : memref<1x64x32xf32, #tpu.memory_space<vmem>> -> memref<64x32xf32, #tpu.memory_space<vmem>>
          %dma_start3A_537 = arith.constant 0 : i32
          %dma_start3A_538 = tpu.memref_slice %arg9[%select_n3A_471, %add3A_532, %dma_start3A_537] : memref<2x28x64xi32, #tpu.memory_space<vmem>> -> memref<1x1x64xi32, #tpu.memory_space<vmem>>
          %dma_start3A_539 = tpu.memref_squeeze %dma_start3A_538 : memref<1x1x64xi32, #tpu.memory_space<vmem>> -> memref<64xi32, #tpu.memory_space<vmem>>
          %dma_start3A_540 = arith.constant 0 : i32
          %dma_start3A_541 = arith.constant 0 : i32
          %dma_start3A_542 = tpu.memref_slice %arg2[%dma_start3A_540, %dma_start3A_541] : memref<200000x32xf32, #tpu.memory_space<hbm>> -> memref<200000x32xf32, #tpu.memory_space<hbm>>
          tpu.enqueue_indirect_dma source(%dma_start3A_542 : memref<200000x32xf32, #tpu.memory_space<hbm>>) target(%dma_start3A_536 : memref<64x32xf32, #tpu.memory_space<vmem>>) offsets(%dma_start3A_539 : memref<64xi32, #tpu.memory_space<vmem>>) semaphore(%arg12 : memref<!tpu.dma_semaphore, #tpu.memory_space<semaphore_mem>>)
        } else {
        }
      }
      %scan3A_84 = arith.constant 196 : i32
      %dma_wait3A = arith.constant 1 : i32
      %dma_wait3A_85 = arith.constant 1 : i32
      %dma_wait3A_86 = arith.constant 24 : i32
      %dma_wait3A_87 = arith.constant 0 : i32
      %dma_wait3A_88 = arith.constant 0 : i32
      %dma_wait3A_89 = tpu.memref_slice %arg11[%dma_wait3A, %dma_wait3A_87, %dma_wait3A_88] : memref<2x256x32xf32, #tpu.memory_space<vmem>> -> memref<1x64x32xf32, #tpu.memory_space<vmem>>
      %dma_wait3A_90 = tpu.memref_squeeze %dma_wait3A_89 : memref<1x64x32xf32, #tpu.memory_space<vmem>> -> memref<64x32xf32, #tpu.memory_space<vmem>>
      %dma_wait3A_91 = arith.constant 0 : i32
      %dma_wait3A_92 = tpu.memref_slice %arg10[%dma_wait3A_85, %dma_wait3A_86, %dma_wait3A_91] : memref<2x28x64xi32, #tpu.memory_space<vmem>> -> memref<1x1x64xi32, #tpu.memory_space<vmem>>
      %dma_wait3A_93 = tpu.memref_squeeze %dma_wait3A_92 : memref<1x1x64xi32, #tpu.memory_space<vmem>> -> memref<64xi32, #tpu.memory_space<vmem>>
      %dma_wait3A_94 = arith.constant 0 : i32
      %dma_wait3A_95 = arith.constant 0 : i32
      %dma_wait3A_96 = tpu.memref_slice %arg8[%dma_wait3A_94, %dma_wait3A_95] : memref<50176x32xf32, #tpu.memory_space<vmem_shared>> -> memref<50176x32xf32, #tpu.memory_space<vmem_shared>>
      tpu.wait_indirect_dma semaphore(%arg13 : memref<!tpu.dma_semaphore, #tpu.memory_space<semaphore_mem>>) src(%dma_wait3A_90 : memref<64x32xf32, #tpu.memory_space<vmem>>) dst(%dma_wait3A_96 : memref<50176x32xf32, #tpu.memory_space<vmem_shared>>)
      %dma_wait3A_97 = arith.constant 1 : i32
      %dma_wait3A_98 = arith.constant 1 : i32
      %dma_wait3A_99 = arith.constant 25 : i32
      %dma_wait3A_100 = arith.constant 64 : i32
      %dma_wait3A_101 = arith.constant 0 : i32
      %dma_wait3A_102 = tpu.memref_slice %arg11[%dma_wait3A_97, %dma_wait3A_100, %dma_wait3A_101] : memref<2x256x32xf32, #tpu.memory_space<vmem>> -> memref<1x64x32xf32, #tpu.memory_space<vmem>>
      %dma_wait3A_103 = tpu.memref_squeeze %dma_wait3A_102 : memref<1x64x32xf32, #tpu.memory_space<vmem>> -> memref<64x32xf32, #tpu.memory_space<vmem>>
      %dma_wait3A_104 = arith.constant 0 : i32
      %dma_wait3A_105 = tpu.memref_slice %arg10[%dma_wait3A_98, %dma_wait3A_99, %dma_wait3A_104] : memref<2x28x64xi32, #tpu.memory_space<vmem>> -> memref<1x1x64xi32, #tpu.memory_space<vmem>>
      %dma_wait3A_106 = tpu.memref_squeeze %dma_wait3A_105 : memref<1x1x64xi32, #tpu.memory_space<vmem>> -> memref<64xi32, #tpu.memory_space<vmem>>
      %dma_wait3A_107 = arith.constant 0 : i32
      %dma_wait3A_108 = arith.constant 0 : i32
      %dma_wait3A_109 = tpu.memref_slice %arg8[%dma_wait3A_107, %dma_wait3A_108] : memref<50176x32xf32, #tpu.memory_space<vmem_shared>> -> memref<50176x32xf32, #tpu.memory_space<vmem_shared>>
      tpu.wait_indirect_dma semaphore(%arg13 : memref<!tpu.dma_semaphore, #tpu.memory_space<semaphore_mem>>) src(%dma_wait3A_103 : memref<64x32xf32, #tpu.memory_space<vmem>>) dst(%dma_wait3A_109 : memref<50176x32xf32, #tpu.memory_space<vmem_shared>>)
      %dma_wait3A_110 = arith.constant 1 : i32
      %dma_wait3A_111 = arith.constant 1 : i32
      %dma_wait3A_112 = arith.constant 26 : i32
      %dma_wait3A_113 = arith.constant 128 : i32
      %dma_wait3A_114 = arith.constant 0 : i32
      %dma_wait3A_115 = tpu.memref_slice %arg11[%dma_wait3A_110, %dma_wait3A_113, %dma_wait3A_114] : memref<2x256x32xf32, #tpu.memory_space<vmem>> -> memref<1x64x32xf32, #tpu.memory_space<vmem>>
      %dma_wait3A_116 = tpu.memref_squeeze %dma_wait3A_115 : memref<1x64x32xf32, #tpu.memory_space<vmem>> -> memref<64x32xf32, #tpu.memory_space<vmem>>
      %dma_wait3A_117 = arith.constant 0 : i32
      %dma_wait3A_118 = tpu.memref_slice %arg10[%dma_wait3A_111, %dma_wait3A_112, %dma_wait3A_117] : memref<2x28x64xi32, #tpu.memory_space<vmem>> -> memref<1x1x64xi32, #tpu.memory_space<vmem>>
      %dma_wait3A_119 = tpu.memref_squeeze %dma_wait3A_118 : memref<1x1x64xi32, #tpu.memory_space<vmem>> -> memref<64xi32, #tpu.memory_space<vmem>>
      %dma_wait3A_120 = arith.constant 0 : i32
      %dma_wait3A_121 = arith.constant 0 : i32
      %dma_wait3A_122 = tpu.memref_slice %arg8[%dma_wait3A_120, %dma_wait3A_121] : memref<50176x32xf32, #tpu.memory_space<vmem_shared>> -> memref<50176x32xf32, #tpu.memory_space<vmem_shared>>
      tpu.wait_indirect_dma semaphore(%arg13 : memref<!tpu.dma_semaphore, #tpu.memory_space<semaphore_mem>>) src(%dma_wait3A_116 : memref<64x32xf32, #tpu.memory_space<vmem>>) dst(%dma_wait3A_122 : memref<50176x32xf32, #tpu.memory_space<vmem_shared>>)
      %dma_wait3A_123 = arith.constant 1 : i32
      %dma_wait3A_124 = arith.constant 1 : i32
      %dma_wait3A_125 = arith.constant 27 : i32
      %dma_wait3A_126 = arith.constant 192 : i32
      %dma_wait3A_127 = arith.constant 0 : i32
      %dma_wait3A_128 = tpu.memref_slice %arg11[%dma_wait3A_123, %dma_wait3A_126, %dma_wait3A_127] : memref<2x256x32xf32, #tpu.memory_space<vmem>> -> memref<1x64x32xf32, #tpu.memory_space<vmem>>
      %dma_wait3A_129 = tpu.memref_squeeze %dma_wait3A_128 : memref<1x64x32xf32, #tpu.memory_space<vmem>> -> memref<64x32xf32, #tpu.memory_space<vmem>>
      %dma_wait3A_130 = arith.constant 0 : i32
      %dma_wait3A_131 = tpu.memref_slice %arg10[%dma_wait3A_124, %dma_wait3A_125, %dma_wait3A_130] : memref<2x28x64xi32, #tpu.memory_space<vmem>> -> memref<1x1x64xi32, #tpu.memory_space<vmem>>
      %dma_wait3A_132 = tpu.memref_squeeze %dma_wait3A_131 : memref<1x1x64xi32, #tpu.memory_space<vmem>> -> memref<64xi32, #tpu.memory_space<vmem>>
      %dma_wait3A_133 = arith.constant 0 : i32
      %dma_wait3A_134 = arith.constant 0 : i32
      %dma_wait3A_135 = tpu.memref_slice %arg8[%dma_wait3A_133, %dma_wait3A_134] : memref<50176x32xf32, #tpu.memory_space<vmem_shared>> -> memref<50176x32xf32, #tpu.memory_space<vmem_shared>>
      tpu.wait_indirect_dma semaphore(%arg13 : memref<!tpu.dma_semaphore, #tpu.memory_space<semaphore_mem>>) src(%dma_wait3A_129 : memref<64x32xf32, #tpu.memory_space<vmem>>) dst(%dma_wait3A_135 : memref<50176x32xf32, #tpu.memory_space<vmem_shared>>)
    } else {
    }
    %eq3A_3 = arith.constant 1 : i32
    %eq3A_4 = arith.cmpi eq, %arg0, %eq3A_3 : i32
    %convert_element_type3A_5 = arith.extui %eq3A_4 : i1 to i32
    %cond3A_6 = arith.constant 0 : i32
    %cond3A_7 = arith.cmpi ne, %convert_element_type3A_5, %cond3A_6 : i32
    scf.if %cond3A_7 {
      %mul3A_19 = arith.constant 784 : i32
      %mul3A_20 = arith.muli %arg1, %mul3A_19 : i32
      %add3A = arith.constant 0 : i32
      %add3A_21 = arith.addi %mul3A_20, %add3A : i32
      %run_scoped3A = arith.constant 0 : i32
      "tpu.region"() ({
        %run_scoped3A_136 = tpu.sem_alloc : memref<!tpu.dma_semaphore, #tpu.memory_space<semaphore_mem>>
        %dma_start3A_137 = arith.constant 0 : i32
        %dma_start3A_138 = arith.constant 0 : i32
        %dma_start3A_139 = tpu.memref_slice %arg9[%run_scoped3A, %dma_start3A_137, %dma_start3A_138] : memref<2x28x64xi32, #tpu.memory_space<vmem>> -> memref<1x28x64xi32, #tpu.memory_space<vmem>>
        %dma_start3A_140 = tpu.memref_squeeze %dma_start3A_139 : memref<1x28x64xi32, #tpu.memory_space<vmem>> -> memref<28x64xi32, #tpu.memory_space<vmem>>
        %dma_start3A_141 = arith.constant 0 : i32
        %dma_start3A_142 = tpu.memref_slice %arg4[%add3A_21, %dma_start3A_141] : memref<12544x64xi32, #tpu.memory_space<hbm>> -> memref<28x64xi32, #tpu.memory_space<hbm>>
        %dma_start3A_143 = arith.constant 0 : i32
        %dma_start3A_144 = arith.constant 0 : i32
        %dma_start3A_145 = tpu.memref_slice %arg9[%run_scoped3A, %dma_start3A_143, %dma_start3A_144] : memref<2x28x64xi32, #tpu.memory_space<vmem>> -> memref<1x28x64xi32, #tpu.memory_space<vmem>>
        %dma_start3A_146 = tpu.memref_squeeze %dma_start3A_145 : memref<1x28x64xi32, #tpu.memory_space<vmem>> -> memref<28x64xi32, #tpu.memory_space<vmem>>
        %dma_start3A_147 = arith.constant 0 : i32
        %dma_start3A_148 = tpu.memref_slice %arg4[%add3A_21, %dma_start3A_147] : memref<12544x64xi32, #tpu.memory_space<hbm>> -> memref<28x64xi32, #tpu.memory_space<hbm>>
        tpu.enqueue_dma source(%dma_start3A_148 : memref<28x64xi32, #tpu.memory_space<hbm>>) target(%dma_start3A_146 : memref<28x64xi32, #tpu.memory_space<vmem>>) target_semaphore(%run_scoped3A_136 : memref<!tpu.dma_semaphore, #tpu.memory_space<semaphore_mem>>)
        %dma_wait3A_149 = arith.constant 0 : i32
        %dma_wait3A_150 = arith.constant 0 : i32
        %dma_wait3A_151 = tpu.memref_slice %arg9[%run_scoped3A, %dma_wait3A_149, %dma_wait3A_150] : memref<2x28x64xi32, #tpu.memory_space<vmem>> -> memref<1x28x64xi32, #tpu.memory_space<vmem>>
        %dma_wait3A_152 = tpu.memref_squeeze %dma_wait3A_151 : memref<1x28x64xi32, #tpu.memory_space<vmem>> -> memref<28x64xi32, #tpu.memory_space<vmem>>
        %dma_wait3A_153 = arith.constant 0 : i32
        %dma_wait3A_154 = tpu.memref_slice %arg4[%add3A_21, %dma_wait3A_153] : memref<12544x64xi32, #tpu.memory_space<hbm>> -> memref<28x64xi32, #tpu.memory_space<hbm>>
        %dma_wait3A_155 = arith.constant 0 : i32
        %dma_wait3A_156 = arith.constant 0 : i32
        %dma_wait3A_157 = tpu.memref_slice %arg9[%run_scoped3A, %dma_wait3A_155, %dma_wait3A_156] : memref<2x28x64xi32, #tpu.memory_space<vmem>> -> memref<1x28x64xi32, #tpu.memory_space<vmem>>
        %dma_wait3A_158 = tpu.memref_squeeze %dma_wait3A_157 : memref<1x28x64xi32, #tpu.memory_space<vmem>> -> memref<28x64xi32, #tpu.memory_space<vmem>>
        %dma_wait3A_159 = arith.constant 0 : i32
        %dma_wait3A_160 = tpu.memref_slice %arg4[%add3A_21, %dma_wait3A_159] : memref<12544x64xi32, #tpu.memory_space<hbm>> -> memref<28x64xi32, #tpu.memory_space<hbm>>
        tpu.wait_dma2 semaphore(%run_scoped3A_136 : memref<!tpu.dma_semaphore, #tpu.memory_space<semaphore_mem>>) src(%dma_wait3A_160 : memref<28x64xi32, #tpu.memory_space<hbm>>) dst(%dma_wait3A_158 : memref<28x64xi32, #tpu.memory_space<vmem>>)
        tpu.yield
      }) : () -> ()
      %run_scoped3A_22 = arith.constant 0 : i32
      "tpu.region"() ({
        %run_scoped3A_136 = tpu.sem_alloc : memref<!tpu.dma_semaphore, #tpu.memory_space<semaphore_mem>>
        %dma_start3A_137 = arith.constant 0 : i32
        %dma_start3A_138 = arith.constant 0 : i32
        %dma_start3A_139 = tpu.memref_slice %arg10[%run_scoped3A_22, %dma_start3A_137, %dma_start3A_138] : memref<2x28x64xi32, #tpu.memory_space<vmem>> -> memref<1x28x64xi32, #tpu.memory_space<vmem>>
        %dma_start3A_140 = tpu.memref_squeeze %dma_start3A_139 : memref<1x28x64xi32, #tpu.memory_space<vmem>> -> memref<28x64xi32, #tpu.memory_space<vmem>>
        %dma_start3A_141 = arith.constant 0 : i32
        %dma_start3A_142 = tpu.memref_slice %arg5[%add3A_21, %dma_start3A_141] : memref<12544x64xi32, #tpu.memory_space<hbm>> -> memref<28x64xi32, #tpu.memory_space<hbm>>
        %dma_start3A_143 = arith.constant 0 : i32
        %dma_start3A_144 = arith.constant 0 : i32
        %dma_start3A_145 = tpu.memref_slice %arg10[%run_scoped3A_22, %dma_start3A_143, %dma_start3A_144] : memref<2x28x64xi32, #tpu.memory_space<vmem>> -> memref<1x28x64xi32, #tpu.memory_space<vmem>>
        %dma_start3A_146 = tpu.memref_squeeze %dma_start3A_145 : memref<1x28x64xi32, #tpu.memory_space<vmem>> -> memref<28x64xi32, #tpu.memory_space<vmem>>
        %dma_start3A_147 = arith.constant 0 : i32
        %dma_start3A_148 = tpu.memref_slice %arg5[%add3A_21, %dma_start3A_147] : memref<12544x64xi32, #tpu.memory_space<hbm>> -> memref<28x64xi32, #tpu.memory_space<hbm>>
        tpu.enqueue_dma source(%dma_start3A_148 : memref<28x64xi32, #tpu.memory_space<hbm>>) target(%dma_start3A_146 : memref<28x64xi32, #tpu.memory_space<vmem>>) target_semaphore(%run_scoped3A_136 : memref<!tpu.dma_semaphore, #tpu.memory_space<semaphore_mem>>)
        %dma_wait3A_149 = arith.constant 0 : i32
        %dma_wait3A_150 = arith.constant 0 : i32
        %dma_wait3A_151 = tpu.memref_slice %arg10[%run_scoped3A_22, %dma_wait3A_149, %dma_wait3A_150] : memref<2x28x64xi32, #tpu.memory_space<vmem>> -> memref<1x28x64xi32, #tpu.memory_space<vmem>>
        %dma_wait3A_152 = tpu.memref_squeeze %dma_wait3A_151 : memref<1x28x64xi32, #tpu.memory_space<vmem>> -> memref<28x64xi32, #tpu.memory_space<vmem>>
        %dma_wait3A_153 = arith.constant 0 : i32
        %dma_wait3A_154 = tpu.memref_slice %arg5[%add3A_21, %dma_wait3A_153] : memref<12544x64xi32, #tpu.memory_space<hbm>> -> memref<28x64xi32, #tpu.memory_space<hbm>>
        %dma_wait3A_155 = arith.constant 0 : i32
        %dma_wait3A_156 = arith.constant 0 : i32
        %dma_wait3A_157 = tpu.memref_slice %arg10[%run_scoped3A_22, %dma_wait3A_155, %dma_wait3A_156] : memref<2x28x64xi32, #tpu.memory_space<vmem>> -> memref<1x28x64xi32, #tpu.memory_space<vmem>>
        %dma_wait3A_158 = tpu.memref_squeeze %dma_wait3A_157 : memref<1x28x64xi32, #tpu.memory_space<vmem>> -> memref<28x64xi32, #tpu.memory_space<vmem>>
        %dma_wait3A_159 = arith.constant 0 : i32
        %dma_wait3A_160 = tpu.memref_slice %arg5[%add3A_21, %dma_wait3A_159] : memref<12544x64xi32, #tpu.memory_space<hbm>> -> memref<28x64xi32, #tpu.memory_space<hbm>>
        tpu.wait_dma2 semaphore(%run_scoped3A_136 : memref<!tpu.dma_semaphore, #tpu.memory_space<semaphore_mem>>) src(%dma_wait3A_160 : memref<28x64xi32, #tpu.memory_space<hbm>>) dst(%dma_wait3A_158 : memref<28x64xi32, #tpu.memory_space<vmem>>)
        tpu.yield
      }) : () -> ()
      %mul3A_23 = arith.constant 784 : i32
      %mul3A_24 = arith.muli %arg1, %mul3A_23 : i32
      %add3A_25 = arith.constant 28 : i32
      %add3A_26 = arith.addi %mul3A_24, %add3A_25 : i32
      %run_scoped3A_27 = arith.constant 1 : i32
      "tpu.region"() ({
        %run_scoped3A_136 = tpu.sem_alloc : memref<!tpu.dma_semaphore, #tpu.memory_space<semaphore_mem>>
        %dma_start3A_137 = arith.constant 0 : i32
        %dma_start3A_138 = arith.constant 0 : i32
        %dma_start3A_139 = tpu.memref_slice %arg9[%run_scoped3A_27, %dma_start3A_137, %dma_start3A_138] : memref<2x28x64xi32, #tpu.memory_space<vmem>> -> memref<1x28x64xi32, #tpu.memory_space<vmem>>
        %dma_start3A_140 = tpu.memref_squeeze %dma_start3A_139 : memref<1x28x64xi32, #tpu.memory_space<vmem>> -> memref<28x64xi32, #tpu.memory_space<vmem>>
        %dma_start3A_141 = arith.constant 0 : i32
        %dma_start3A_142 = tpu.memref_slice %arg4[%add3A_26, %dma_start3A_141] : memref<12544x64xi32, #tpu.memory_space<hbm>> -> memref<28x64xi32, #tpu.memory_space<hbm>>
        %dma_start3A_143 = arith.constant 0 : i32
        %dma_start3A_144 = arith.constant 0 : i32
        %dma_start3A_145 = tpu.memref_slice %arg9[%run_scoped3A_27, %dma_start3A_143, %dma_start3A_144] : memref<2x28x64xi32, #tpu.memory_space<vmem>> -> memref<1x28x64xi32, #tpu.memory_space<vmem>>
        %dma_start3A_146 = tpu.memref_squeeze %dma_start3A_145 : memref<1x28x64xi32, #tpu.memory_space<vmem>> -> memref<28x64xi32, #tpu.memory_space<vmem>>
        %dma_start3A_147 = arith.constant 0 : i32
        %dma_start3A_148 = tpu.memref_slice %arg4[%add3A_26, %dma_start3A_147] : memref<12544x64xi32, #tpu.memory_space<hbm>> -> memref<28x64xi32, #tpu.memory_space<hbm>>
        tpu.enqueue_dma source(%dma_start3A_148 : memref<28x64xi32, #tpu.memory_space<hbm>>) target(%dma_start3A_146 : memref<28x64xi32, #tpu.memory_space<vmem>>) target_semaphore(%run_scoped3A_136 : memref<!tpu.dma_semaphore, #tpu.memory_space<semaphore_mem>>)
        %dma_wait3A_149 = arith.constant 0 : i32
        %dma_wait3A_150 = arith.constant 0 : i32
        %dma_wait3A_151 = tpu.memref_slice %arg9[%run_scoped3A_27, %dma_wait3A_149, %dma_wait3A_150] : memref<2x28x64xi32, #tpu.memory_space<vmem>> -> memref<1x28x64xi32, #tpu.memory_space<vmem>>
        %dma_wait3A_152 = tpu.memref_squeeze %dma_wait3A_151 : memref<1x28x64xi32, #tpu.memory_space<vmem>> -> memref<28x64xi32, #tpu.memory_space<vmem>>
        %dma_wait3A_153 = arith.constant 0 : i32
        %dma_wait3A_154 = tpu.memref_slice %arg4[%add3A_26, %dma_wait3A_153] : memref<12544x64xi32, #tpu.memory_space<hbm>> -> memref<28x64xi32, #tpu.memory_space<hbm>>
        %dma_wait3A_155 = arith.constant 0 : i32
        %dma_wait3A_156 = arith.constant 0 : i32
        %dma_wait3A_157 = tpu.memref_slice %arg9[%run_scoped3A_27, %dma_wait3A_155, %dma_wait3A_156] : memref<2x28x64xi32, #tpu.memory_space<vmem>> -> memref<1x28x64xi32, #tpu.memory_space<vmem>>
        %dma_wait3A_158 = tpu.memref_squeeze %dma_wait3A_157 : memref<1x28x64xi32, #tpu.memory_space<vmem>> -> memref<28x64xi32, #tpu.memory_space<vmem>>
        %dma_wait3A_159 = arith.constant 0 : i32
        %dma_wait3A_160 = tpu.memref_slice %arg4[%add3A_26, %dma_wait3A_159] : memref<12544x64xi32, #tpu.memory_space<hbm>> -> memref<28x64xi32, #tpu.memory_space<hbm>>
        tpu.wait_dma2 semaphore(%run_scoped3A_136 : memref<!tpu.dma_semaphore, #tpu.memory_space<semaphore_mem>>) src(%dma_wait3A_160 : memref<28x64xi32, #tpu.memory_space<hbm>>) dst(%dma_wait3A_158 : memref<28x64xi32, #tpu.memory_space<vmem>>)
        tpu.yield
      }) : () -> ()
      %run_scoped3A_28 = arith.constant 1 : i32
      "tpu.region"() ({
        %run_scoped3A_136 = tpu.sem_alloc : memref<!tpu.dma_semaphore, #tpu.memory_space<semaphore_mem>>
        %dma_start3A_137 = arith.constant 0 : i32
        %dma_start3A_138 = arith.constant 0 : i32
        %dma_start3A_139 = tpu.memref_slice %arg10[%run_scoped3A_28, %dma_start3A_137, %dma_start3A_138] : memref<2x28x64xi32, #tpu.memory_space<vmem>> -> memref<1x28x64xi32, #tpu.memory_space<vmem>>
        %dma_start3A_140 = tpu.memref_squeeze %dma_start3A_139 : memref<1x28x64xi32, #tpu.memory_space<vmem>> -> memref<28x64xi32, #tpu.memory_space<vmem>>
        %dma_start3A_141 = arith.constant 0 : i32
        %dma_start3A_142 = tpu.memref_slice %arg5[%add3A_26, %dma_start3A_141] : memref<12544x64xi32, #tpu.memory_space<hbm>> -> memref<28x64xi32, #tpu.memory_space<hbm>>
        %dma_start3A_143 = arith.constant 0 : i32
        %dma_start3A_144 = arith.constant 0 : i32
        %dma_start3A_145 = tpu.memref_slice %arg10[%run_scoped3A_28, %dma_start3A_143, %dma_start3A_144] : memref<2x28x64xi32, #tpu.memory_space<vmem>> -> memref<1x28x64xi32, #tpu.memory_space<vmem>>
        %dma_start3A_146 = tpu.memref_squeeze %dma_start3A_145 : memref<1x28x64xi32, #tpu.memory_space<vmem>> -> memref<28x64xi32, #tpu.memory_space<vmem>>
        %dma_start3A_147 = arith.constant 0 : i32
        %dma_start3A_148 = tpu.memref_slice %arg5[%add3A_26, %dma_start3A_147] : memref<12544x64xi32, #tpu.memory_space<hbm>> -> memref<28x64xi32, #tpu.memory_space<hbm>>
        tpu.enqueue_dma source(%dma_start3A_148 : memref<28x64xi32, #tpu.memory_space<hbm>>) target(%dma_start3A_146 : memref<28x64xi32, #tpu.memory_space<vmem>>) target_semaphore(%run_scoped3A_136 : memref<!tpu.dma_semaphore, #tpu.memory_space<semaphore_mem>>)
        %dma_wait3A_149 = arith.constant 0 : i32
        %dma_wait3A_150 = arith.constant 0 : i32
        %dma_wait3A_151 = tpu.memref_slice %arg10[%run_scoped3A_28, %dma_wait3A_149, %dma_wait3A_150] : memref<2x28x64xi32, #tpu.memory_space<vmem>> -> memref<1x28x64xi32, #tpu.memory_space<vmem>>
        %dma_wait3A_152 = tpu.memref_squeeze %dma_wait3A_151 : memref<1x28x64xi32, #tpu.memory_space<vmem>> -> memref<28x64xi32, #tpu.memory_space<vmem>>
        %dma_wait3A_153 = arith.constant 0 : i32
        %dma_wait3A_154 = tpu.memref_slice %arg5[%add3A_26, %dma_wait3A_153] : memref<12544x64xi32, #tpu.memory_space<hbm>> -> memref<28x64xi32, #tpu.memory_space<hbm>>
        %dma_wait3A_155 = arith.constant 0 : i32
        %dma_wait3A_156 = arith.constant 0 : i32
        %dma_wait3A_157 = tpu.memref_slice %arg10[%run_scoped3A_28, %dma_wait3A_155, %dma_wait3A_156] : memref<2x28x64xi32, #tpu.memory_space<vmem>> -> memref<1x28x64xi32, #tpu.memory_space<vmem>>
        %dma_wait3A_158 = tpu.memref_squeeze %dma_wait3A_157 : memref<1x28x64xi32, #tpu.memory_space<vmem>> -> memref<28x64xi32, #tpu.memory_space<vmem>>
        %dma_wait3A_159 = arith.constant 0 : i32
        %dma_wait3A_160 = tpu.memref_slice %arg5[%add3A_26, %dma_wait3A_159] : memref<12544x64xi32, #tpu.memory_space<hbm>> -> memref<28x64xi32, #tpu.memory_space<hbm>>
        tpu.wait_dma2 semaphore(%run_scoped3A_136 : memref<!tpu.dma_semaphore, #tpu.memory_space<semaphore_mem>>) src(%dma_wait3A_160 : memref<28x64xi32, #tpu.memory_space<hbm>>) dst(%dma_wait3A_158 : memref<28x64xi32, #tpu.memory_space<vmem>>)
        tpu.yield
      }) : () -> ()
      %dma_start3A = arith.constant 0 : i32
      %dma_start3A_29 = arith.constant 0 : i32
      %dma_start3A_30 = arith.constant 0 : i32
      %dma_start3A_31 = arith.constant 0 : i32
      %dma_start3A_32 = arith.constant 0 : i32
      %dma_start3A_33 = tpu.memref_slice %arg11[%dma_start3A_30, %dma_start3A_31, %dma_start3A_32] : memref<2x256x32xf32, #tpu.memory_space<vmem>> -> memref<1x64x32xf32, #tpu.memory_space<vmem>>
      %dma_start3A_34 = tpu.memref_squeeze %dma_start3A_33 : memref<1x64x32xf32, #tpu.memory_space<vmem>> -> memref<64x32xf32, #tpu.memory_space<vmem>>
      %dma_start3A_35 = arith.constant 0 : i32
      %dma_start3A_36 = tpu.memref_slice %arg9[%dma_start3A, %dma_start3A_29, %dma_start3A_35] : memref<2x28x64xi32, #tpu.memory_space<vmem>> -> memref<1x1x64xi32, #tpu.memory_space<vmem>>
      %dma_start3A_37 = tpu.memref_squeeze %dma_start3A_36 : memref<1x1x64xi32, #tpu.memory_space<vmem>> -> memref<64xi32, #tpu.memory_space<vmem>>
      %dma_start3A_38 = arith.constant 0 : i32
      %dma_start3A_39 = arith.constant 0 : i32
      %dma_start3A_40 = tpu.memref_slice %arg3[%dma_start3A_38, %dma_start3A_39] : memref<200000x32xf32, #tpu.memory_space<hbm>> -> memref<200000x32xf32, #tpu.memory_space<hbm>>
      tpu.enqueue_indirect_dma source(%dma_start3A_40 : memref<200000x32xf32, #tpu.memory_space<hbm>>) target(%dma_start3A_34 : memref<64x32xf32, #tpu.memory_space<vmem>>) offsets(%dma_start3A_37 : memref<64xi32, #tpu.memory_space<vmem>>) semaphore(%arg12 : memref<!tpu.dma_semaphore, #tpu.memory_space<semaphore_mem>>)
      %dma_start3A_41 = arith.constant 0 : i32
      %dma_start3A_42 = arith.constant 1 : i32
      %dma_start3A_43 = arith.constant 0 : i32
      %dma_start3A_44 = arith.constant 64 : i32
      %dma_start3A_45 = arith.constant 0 : i32
      %dma_start3A_46 = tpu.memref_slice %arg11[%dma_start3A_43, %dma_start3A_44, %dma_start3A_45] : memref<2x256x32xf32, #tpu.memory_space<vmem>> -> memref<1x64x32xf32, #tpu.memory_space<vmem>>
      %dma_start3A_47 = tpu.memref_squeeze %dma_start3A_46 : memref<1x64x32xf32, #tpu.memory_space<vmem>> -> memref<64x32xf32, #tpu.memory_space<vmem>>
      %dma_start3A_48 = arith.constant 0 : i32
      %dma_start3A_49 = tpu.memref_slice %arg9[%dma_start3A_41, %dma_start3A_42, %dma_start3A_48] : memref<2x28x64xi32, #tpu.memory_space<vmem>> -> memref<1x1x64xi32, #tpu.memory_space<vmem>>
      %dma_start3A_50 = tpu.memref_squeeze %dma_start3A_49 : memref<1x1x64xi32, #tpu.memory_space<vmem>> -> memref<64xi32, #tpu.memory_space<vmem>>
      %dma_start3A_51 = arith.constant 0 : i32
      %dma_start3A_52 = arith.constant 0 : i32
      %dma_start3A_53 = tpu.memref_slice %arg3[%dma_start3A_51, %dma_start3A_52] : memref<200000x32xf32, #tpu.memory_space<hbm>> -> memref<200000x32xf32, #tpu.memory_space<hbm>>
      tpu.enqueue_indirect_dma source(%dma_start3A_53 : memref<200000x32xf32, #tpu.memory_space<hbm>>) target(%dma_start3A_47 : memref<64x32xf32, #tpu.memory_space<vmem>>) offsets(%dma_start3A_50 : memref<64xi32, #tpu.memory_space<vmem>>) semaphore(%arg12 : memref<!tpu.dma_semaphore, #tpu.memory_space<semaphore_mem>>)
      %dma_start3A_54 = arith.constant 0 : i32
      %dma_start3A_55 = arith.constant 2 : i32
      %dma_start3A_56 = arith.constant 0 : i32
      %dma_start3A_57 = arith.constant 128 : i32
      %dma_start3A_58 = arith.constant 0 : i32
      %dma_start3A_59 = tpu.memref_slice %arg11[%dma_start3A_56, %dma_start3A_57, %dma_start3A_58] : memref<2x256x32xf32, #tpu.memory_space<vmem>> -> memref<1x64x32xf32, #tpu.memory_space<vmem>>
      %dma_start3A_60 = tpu.memref_squeeze %dma_start3A_59 : memref<1x64x32xf32, #tpu.memory_space<vmem>> -> memref<64x32xf32, #tpu.memory_space<vmem>>
      %dma_start3A_61 = arith.constant 0 : i32
      %dma_start3A_62 = tpu.memref_slice %arg9[%dma_start3A_54, %dma_start3A_55, %dma_start3A_61] : memref<2x28x64xi32, #tpu.memory_space<vmem>> -> memref<1x1x64xi32, #tpu.memory_space<vmem>>
      %dma_start3A_63 = tpu.memref_squeeze %dma_start3A_62 : memref<1x1x64xi32, #tpu.memory_space<vmem>> -> memref<64xi32, #tpu.memory_space<vmem>>
      %dma_start3A_64 = arith.constant 0 : i32
      %dma_start3A_65 = arith.constant 0 : i32
      %dma_start3A_66 = tpu.memref_slice %arg3[%dma_start3A_64, %dma_start3A_65] : memref<200000x32xf32, #tpu.memory_space<hbm>> -> memref<200000x32xf32, #tpu.memory_space<hbm>>
      tpu.enqueue_indirect_dma source(%dma_start3A_66 : memref<200000x32xf32, #tpu.memory_space<hbm>>) target(%dma_start3A_60 : memref<64x32xf32, #tpu.memory_space<vmem>>) offsets(%dma_start3A_63 : memref<64xi32, #tpu.memory_space<vmem>>) semaphore(%arg12 : memref<!tpu.dma_semaphore, #tpu.memory_space<semaphore_mem>>)
      %dma_start3A_67 = arith.constant 0 : i32
      %dma_start3A_68 = arith.constant 3 : i32
      %dma_start3A_69 = arith.constant 0 : i32
      %dma_start3A_70 = arith.constant 192 : i32
      %dma_start3A_71 = arith.constant 0 : i32
      %dma_start3A_72 = tpu.memref_slice %arg11[%dma_start3A_69, %dma_start3A_70, %dma_start3A_71] : memref<2x256x32xf32, #tpu.memory_space<vmem>> -> memref<1x64x32xf32, #tpu.memory_space<vmem>>
      %dma_start3A_73 = tpu.memref_squeeze %dma_start3A_72 : memref<1x64x32xf32, #tpu.memory_space<vmem>> -> memref<64x32xf32, #tpu.memory_space<vmem>>
      %dma_start3A_74 = arith.constant 0 : i32
      %dma_start3A_75 = tpu.memref_slice %arg9[%dma_start3A_67, %dma_start3A_68, %dma_start3A_74] : memref<2x28x64xi32, #tpu.memory_space<vmem>> -> memref<1x1x64xi32, #tpu.memory_space<vmem>>
      %dma_start3A_76 = tpu.memref_squeeze %dma_start3A_75 : memref<1x1x64xi32, #tpu.memory_space<vmem>> -> memref<64xi32, #tpu.memory_space<vmem>>
      %dma_start3A_77 = arith.constant 0 : i32
      %dma_start3A_78 = arith.constant 0 : i32
      %dma_start3A_79 = tpu.memref_slice %arg3[%dma_start3A_77, %dma_start3A_78] : memref<200000x32xf32, #tpu.memory_space<hbm>> -> memref<200000x32xf32, #tpu.memory_space<hbm>>
      tpu.enqueue_indirect_dma source(%dma_start3A_79 : memref<200000x32xf32, #tpu.memory_space<hbm>>) target(%dma_start3A_73 : memref<64x32xf32, #tpu.memory_space<vmem>>) offsets(%dma_start3A_76 : memref<64xi32, #tpu.memory_space<vmem>>) semaphore(%arg12 : memref<!tpu.dma_semaphore, #tpu.memory_space<semaphore_mem>>)
      %scan3A = arith.constant 0 : i32
      %scan3A_80 = arith.constant 0 : i32
      %scan3A_81 = arith.constant 196 : i32
      %scan3A_82 = arith.addi %scan3A_80, %scan3A_81 : i32
      %scan3A_83 = arith.constant 1 : i32
      scf.for %scan3A_136 = %scan3A_80 to %scan3A_82 step %scan3A_83  : i32 {
        %jit3A = arith.constant 2 : i32
        %eq3A_137 = arith.constant 0 : i32
        %eq3A_138 = arith.cmpi eq, %jit3A, %eq3A_137 : i32
        %jit3A_139 = arith.constant 1 : i32
        %select_n3A = arith.select %eq3A_138, %jit3A_139, %jit3A : i32
        %rem3A = arith.remsi %scan3A_136, %select_n3A : i32
        %ne3A = arith.constant 0 : i32
        %ne3A_140 = arith.cmpi ne, %rem3A, %ne3A : i32
        %lt3A = arith.constant 0 : i32
        %lt3A_141 = arith.cmpi slt, %rem3A, %lt3A : i32
        %lt3A_142 = arith.constant 0 : i32
        %lt3A_143 = arith.cmpi slt, %select_n3A, %lt3A_142 : i32
        %ne3A_144 = arith.xori %lt3A_141, %lt3A_143 : i1
        %and3A = arith.andi %ne3A_144, %ne3A_140 : i1
        %add3A_145 = arith.addi %rem3A, %select_n3A : i32
        %select_n3A_146 = arith.select %and3A, %add3A_145, %rem3A : i32
        %jit3A_147 = arith.constant 7 : i32
        %div3A = arith.divsi %scan3A_136, %jit3A_147 : i32
        %sign3A = arith.constant 0 : i32
        %sign3A_148 = arith.cmpi sgt, %scan3A_136, %sign3A : i32
        %sign3A_149 = arith.extui %sign3A_148 : i1 to i32
        %sign3A_150 = arith.constant 0 : i32
        %sign3A_151 = arith.cmpi slt, %scan3A_136, %sign3A_150 : i32
        %sign3A_152 = arith.extui %sign3A_151 : i1 to i32
        %sign3A_153 = arith.subi %sign3A_149, %sign3A_152 : i32
        %sign3A_154 = arith.constant 0 : i32
        %sign3A_155 = arith.cmpi sgt, %jit3A_147, %sign3A_154 : i32
        %sign3A_156 = arith.extui %sign3A_155 : i1 to i32
        %sign3A_157 = arith.constant 0 : i32
        %sign3A_158 = arith.cmpi slt, %jit3A_147, %sign3A_157 : i32
        %sign3A_159 = arith.extui %sign3A_158 : i1 to i32
        %sign3A_160 = arith.subi %sign3A_156, %sign3A_159 : i32
        %ne3A_161 = arith.cmpi ne, %sign3A_153, %sign3A_160 : i32
        %rem3A_162 = arith.remsi %scan3A_136, %jit3A_147 : i32
        %ne3A_163 = arith.constant 0 : i32
        %ne3A_164 = arith.cmpi ne, %rem3A_162, %ne3A_163 : i32
        %and3A_165 = arith.andi %ne3A_161, %ne3A_164 : i1
        %sub3A = arith.constant 1 : i32
        %sub3A_166 = arith.subi %div3A, %sub3A : i32
        %select_n3A_167 = arith.select %and3A_165, %sub3A_166, %div3A : i32
        %jit3A_168 = arith.constant 2 : i32
        %eq3A_169 = arith.constant 0 : i32
        %eq3A_170 = arith.cmpi eq, %jit3A_168, %eq3A_169 : i32
        %jit3A_171 = arith.constant 1 : i32
        %select_n3A_172 = arith.select %eq3A_170, %jit3A_171, %jit3A_168 : i32
        %rem3A_173 = arith.remsi %select_n3A_167, %select_n3A_172 : i32
        %ne3A_174 = arith.constant 0 : i32
        %ne3A_175 = arith.cmpi ne, %rem3A_173, %ne3A_174 : i32
        %lt3A_176 = arith.constant 0 : i32
        %lt3A_177 = arith.cmpi slt, %rem3A_173, %lt3A_176 : i32
        %lt3A_178 = arith.constant 0 : i32
        %lt3A_179 = arith.cmpi slt, %select_n3A_172, %lt3A_178 : i32
        %ne3A_180 = arith.xori %lt3A_177, %lt3A_179 : i1
        %and3A_181 = arith.andi %ne3A_180, %ne3A_175 : i1
        %add3A_182 = arith.addi %rem3A_173, %select_n3A_172 : i32
        %select_n3A_183 = arith.select %and3A_181, %add3A_182, %rem3A_173 : i32
        %jit3A_184 = arith.constant 7 : i32
        %eq3A_185 = arith.constant 0 : i32
        %eq3A_186 = arith.cmpi eq, %jit3A_184, %eq3A_185 : i32
        %jit3A_187 = arith.constant 1 : i32
        %select_n3A_188 = arith.select %eq3A_186, %jit3A_187, %jit3A_184 : i32
        %rem3A_189 = arith.remsi %scan3A_136, %select_n3A_188 : i32
        %ne3A_190 = arith.constant 0 : i32
        %ne3A_191 = arith.cmpi ne, %rem3A_189, %ne3A_190 : i32
        %lt3A_192 = arith.constant 0 : i32
        %lt3A_193 = arith.cmpi slt, %rem3A_189, %lt3A_192 : i32
        %lt3A_194 = arith.constant 0 : i32
        %lt3A_195 = arith.cmpi slt, %select_n3A_188, %lt3A_194 : i32
        %ne3A_196 = arith.xori %lt3A_193, %lt3A_195 : i1
        %and3A_197 = arith.andi %ne3A_196, %ne3A_191 : i1
        %add3A_198 = arith.addi %rem3A_189, %select_n3A_188 : i32
        %select_n3A_199 = arith.select %and3A_197, %add3A_198, %rem3A_189 : i32
        %mul3A_200 = arith.constant 4 : i32
        %mul3A_201 = arith.muli %select_n3A_199, %mul3A_200 : i32
        %add3A_202 = arith.constant 0 : i32
        %add3A_203 = arith.addi %mul3A_201, %add3A_202 : i32
        %dma_wait3A_204 = arith.constant 0 : i32
        %dma_wait3A_205 = arith.constant 0 : i32
        %dma_wait3A_206 = tpu.memref_slice %arg11[%select_n3A_146, %dma_wait3A_204, %dma_wait3A_205] : memref<2x256x32xf32, #tpu.memory_space<vmem>> -> memref<1x64x32xf32, #tpu.memory_space<vmem>>
        %dma_wait3A_207 = tpu.memref_squeeze %dma_wait3A_206 : memref<1x64x32xf32, #tpu.memory_space<vmem>> -> memref<64x32xf32, #tpu.memory_space<vmem>>
        %dma_wait3A_208 = arith.constant 0 : i32
        %dma_wait3A_209 = tpu.memref_slice %arg9[%select_n3A_183, %add3A_203, %dma_wait3A_208] : memref<2x28x64xi32, #tpu.memory_space<vmem>> -> memref<1x1x64xi32, #tpu.memory_space<vmem>>
        %dma_wait3A_210 = tpu.memref_squeeze %dma_wait3A_209 : memref<1x1x64xi32, #tpu.memory_space<vmem>> -> memref<64xi32, #tpu.memory_space<vmem>>
        %dma_wait3A_211 = arith.constant 0 : i32
        %dma_wait3A_212 = arith.constant 0 : i32
        %dma_wait3A_213 = tpu.memref_slice %arg3[%dma_wait3A_211, %dma_wait3A_212] : memref<200000x32xf32, #tpu.memory_space<hbm>> -> memref<200000x32xf32, #tpu.memory_space<hbm>>
        tpu.wait_indirect_dma semaphore(%arg12 : memref<!tpu.dma_semaphore, #tpu.memory_space<semaphore_mem>>) src(%dma_wait3A_213 : memref<200000x32xf32, #tpu.memory_space<hbm>>) dst(%dma_wait3A_207 : memref<64x32xf32, #tpu.memory_space<vmem>>)
        %add3A_214 = arith.constant 1 : i32
        %add3A_215 = arith.addi %mul3A_201, %add3A_214 : i32
        %dma_wait3A_216 = arith.constant 64 : i32
        %dma_wait3A_217 = arith.constant 0 : i32
        %dma_wait3A_218 = tpu.memref_slice %arg11[%select_n3A_146, %dma_wait3A_216, %dma_wait3A_217] : memref<2x256x32xf32, #tpu.memory_space<vmem>> -> memref<1x64x32xf32, #tpu.memory_space<vmem>>
        %dma_wait3A_219 = tpu.memref_squeeze %dma_wait3A_218 : memref<1x64x32xf32, #tpu.memory_space<vmem>> -> memref<64x32xf32, #tpu.memory_space<vmem>>
        %dma_wait3A_220 = arith.constant 0 : i32
        %dma_wait3A_221 = tpu.memref_slice %arg9[%select_n3A_183, %add3A_215, %dma_wait3A_220] : memref<2x28x64xi32, #tpu.memory_space<vmem>> -> memref<1x1x64xi32, #tpu.memory_space<vmem>>
        %dma_wait3A_222 = tpu.memref_squeeze %dma_wait3A_221 : memref<1x1x64xi32, #tpu.memory_space<vmem>> -> memref<64xi32, #tpu.memory_space<vmem>>
        %dma_wait3A_223 = arith.constant 0 : i32
        %dma_wait3A_224 = arith.constant 0 : i32
        %dma_wait3A_225 = tpu.memref_slice %arg3[%dma_wait3A_223, %dma_wait3A_224] : memref<200000x32xf32, #tpu.memory_space<hbm>> -> memref<200000x32xf32, #tpu.memory_space<hbm>>
        tpu.wait_indirect_dma semaphore(%arg12 : memref<!tpu.dma_semaphore, #tpu.memory_space<semaphore_mem>>) src(%dma_wait3A_225 : memref<200000x32xf32, #tpu.memory_space<hbm>>) dst(%dma_wait3A_219 : memref<64x32xf32, #tpu.memory_space<vmem>>)
        %add3A_226 = arith.constant 2 : i32
        %add3A_227 = arith.addi %mul3A_201, %add3A_226 : i32
        %dma_wait3A_228 = arith.constant 128 : i32
        %dma_wait3A_229 = arith.constant 0 : i32
        %dma_wait3A_230 = tpu.memref_slice %arg11[%select_n3A_146, %dma_wait3A_228, %dma_wait3A_229] : memref<2x256x32xf32, #tpu.memory_space<vmem>> -> memref<1x64x32xf32, #tpu.memory_space<vmem>>
        %dma_wait3A_231 = tpu.memref_squeeze %dma_wait3A_230 : memref<1x64x32xf32, #tpu.memory_space<vmem>> -> memref<64x32xf32, #tpu.memory_space<vmem>>
        %dma_wait3A_232 = arith.constant 0 : i32
        %dma_wait3A_233 = tpu.memref_slice %arg9[%select_n3A_183, %add3A_227, %dma_wait3A_232] : memref<2x28x64xi32, #tpu.memory_space<vmem>> -> memref<1x1x64xi32, #tpu.memory_space<vmem>>
        %dma_wait3A_234 = tpu.memref_squeeze %dma_wait3A_233 : memref<1x1x64xi32, #tpu.memory_space<vmem>> -> memref<64xi32, #tpu.memory_space<vmem>>
        %dma_wait3A_235 = arith.constant 0 : i32
        %dma_wait3A_236 = arith.constant 0 : i32
        %dma_wait3A_237 = tpu.memref_slice %arg3[%dma_wait3A_235, %dma_wait3A_236] : memref<200000x32xf32, #tpu.memory_space<hbm>> -> memref<200000x32xf32, #tpu.memory_space<hbm>>
        tpu.wait_indirect_dma semaphore(%arg12 : memref<!tpu.dma_semaphore, #tpu.memory_space<semaphore_mem>>) src(%dma_wait3A_237 : memref<200000x32xf32, #tpu.memory_space<hbm>>) dst(%dma_wait3A_231 : memref<64x32xf32, #tpu.memory_space<vmem>>)
        %add3A_238 = arith.constant 3 : i32
        %add3A_239 = arith.addi %mul3A_201, %add3A_238 : i32
        %dma_wait3A_240 = arith.constant 192 : i32
        %dma_wait3A_241 = arith.constant 0 : i32
        %dma_wait3A_242 = tpu.memref_slice %arg11[%select_n3A_146, %dma_wait3A_240, %dma_wait3A_241] : memref<2x256x32xf32, #tpu.memory_space<vmem>> -> memref<1x64x32xf32, #tpu.memory_space<vmem>>
        %dma_wait3A_243 = tpu.memref_squeeze %dma_wait3A_242 : memref<1x64x32xf32, #tpu.memory_space<vmem>> -> memref<64x32xf32, #tpu.memory_space<vmem>>
        %dma_wait3A_244 = arith.constant 0 : i32
        %dma_wait3A_245 = tpu.memref_slice %arg9[%select_n3A_183, %add3A_239, %dma_wait3A_244] : memref<2x28x64xi32, #tpu.memory_space<vmem>> -> memref<1x1x64xi32, #tpu.memory_space<vmem>>
        %dma_wait3A_246 = tpu.memref_squeeze %dma_wait3A_245 : memref<1x1x64xi32, #tpu.memory_space<vmem>> -> memref<64xi32, #tpu.memory_space<vmem>>
        %dma_wait3A_247 = arith.constant 0 : i32
        %dma_wait3A_248 = arith.constant 0 : i32
        %dma_wait3A_249 = tpu.memref_slice %arg3[%dma_wait3A_247, %dma_wait3A_248] : memref<200000x32xf32, #tpu.memory_space<hbm>> -> memref<200000x32xf32, #tpu.memory_space<hbm>>
        tpu.wait_indirect_dma semaphore(%arg12 : memref<!tpu.dma_semaphore, #tpu.memory_space<semaphore_mem>>) src(%dma_wait3A_249 : memref<200000x32xf32, #tpu.memory_space<hbm>>) dst(%dma_wait3A_243 : memref<64x32xf32, #tpu.memory_space<vmem>>)
        %add3A_250 = arith.constant 0 : i32
        %add3A_251 = arith.addi %mul3A_201, %add3A_250 : i32
        %dma_start3A_252 = arith.constant 0 : i32
        %dma_start3A_253 = arith.constant 0 : i32
        %dma_start3A_254 = tpu.memref_slice %arg11[%select_n3A_146, %dma_start3A_252, %dma_start3A_253] : memref<2x256x32xf32, #tpu.memory_space<vmem>> -> memref<1x64x32xf32, #tpu.memory_space<vmem>>
        %dma_start3A_255 = tpu.memref_squeeze %dma_start3A_254 : memref<1x64x32xf32, #tpu.memory_space<vmem>> -> memref<64x32xf32, #tpu.memory_space<vmem>>
        %dma_start3A_256 = arith.constant 0 : i32
        %dma_start3A_257 = tpu.memref_slice %arg10[%select_n3A_183, %add3A_251, %dma_start3A_256] : memref<2x28x64xi32, #tpu.memory_space<vmem>> -> memref<1x1x64xi32, #tpu.memory_space<vmem>>
        %dma_start3A_258 = tpu.memref_squeeze %dma_start3A_257 : memref<1x1x64xi32, #tpu.memory_space<vmem>> -> memref<64xi32, #tpu.memory_space<vmem>>
        %dma_start3A_259 = arith.constant 0 : i32
        %dma_start3A_260 = arith.constant 0 : i32
        %dma_start3A_261 = tpu.memref_slice %arg8[%dma_start3A_259, %dma_start3A_260] : memref<50176x32xf32, #tpu.memory_space<vmem_shared>> -> memref<50176x32xf32, #tpu.memory_space<vmem_shared>>
        tpu.enqueue_indirect_dma source(%dma_start3A_255 : memref<64x32xf32, #tpu.memory_space<vmem>>) target(%dma_start3A_261 : memref<50176x32xf32, #tpu.memory_space<vmem_shared>>) offsets(%dma_start3A_258 : memref<64xi32, #tpu.memory_space<vmem>>) semaphore(%arg13 : memref<!tpu.dma_semaphore, #tpu.memory_space<semaphore_mem>>) {add = true}
        %add3A_262 = arith.constant 1 : i32
        %add3A_263 = arith.addi %mul3A_201, %add3A_262 : i32
        %dma_start3A_264 = arith.constant 64 : i32
        %dma_start3A_265 = arith.constant 0 : i32
        %dma_start3A_266 = tpu.memref_slice %arg11[%select_n3A_146, %dma_start3A_264, %dma_start3A_265] : memref<2x256x32xf32, #tpu.memory_space<vmem>> -> memref<1x64x32xf32, #tpu.memory_space<vmem>>
        %dma_start3A_267 = tpu.memref_squeeze %dma_start3A_266 : memref<1x64x32xf32, #tpu.memory_space<vmem>> -> memref<64x32xf32, #tpu.memory_space<vmem>>
        %dma_start3A_268 = arith.constant 0 : i32
        %dma_start3A_269 = tpu.memref_slice %arg10[%select_n3A_183, %add3A_263, %dma_start3A_268] : memref<2x28x64xi32, #tpu.memory_space<vmem>> -> memref<1x1x64xi32, #tpu.memory_space<vmem>>
        %dma_start3A_270 = tpu.memref_squeeze %dma_start3A_269 : memref<1x1x64xi32, #tpu.memory_space<vmem>> -> memref<64xi32, #tpu.memory_space<vmem>>
        %dma_start3A_271 = arith.constant 0 : i32
        %dma_start3A_272 = arith.constant 0 : i32
        %dma_start3A_273 = tpu.memref_slice %arg8[%dma_start3A_271, %dma_start3A_272] : memref<50176x32xf32, #tpu.memory_space<vmem_shared>> -> memref<50176x32xf32, #tpu.memory_space<vmem_shared>>
        tpu.enqueue_indirect_dma source(%dma_start3A_267 : memref<64x32xf32, #tpu.memory_space<vmem>>) target(%dma_start3A_273 : memref<50176x32xf32, #tpu.memory_space<vmem_shared>>) offsets(%dma_start3A_270 : memref<64xi32, #tpu.memory_space<vmem>>) semaphore(%arg13 : memref<!tpu.dma_semaphore, #tpu.memory_space<semaphore_mem>>) {add = true}
        %add3A_274 = arith.constant 2 : i32
        %add3A_275 = arith.addi %mul3A_201, %add3A_274 : i32
        %dma_start3A_276 = arith.constant 128 : i32
        %dma_start3A_277 = arith.constant 0 : i32
        %dma_start3A_278 = tpu.memref_slice %arg11[%select_n3A_146, %dma_start3A_276, %dma_start3A_277] : memref<2x256x32xf32, #tpu.memory_space<vmem>> -> memref<1x64x32xf32, #tpu.memory_space<vmem>>
        %dma_start3A_279 = tpu.memref_squeeze %dma_start3A_278 : memref<1x64x32xf32, #tpu.memory_space<vmem>> -> memref<64x32xf32, #tpu.memory_space<vmem>>
        %dma_start3A_280 = arith.constant 0 : i32
        %dma_start3A_281 = tpu.memref_slice %arg10[%select_n3A_183, %add3A_275, %dma_start3A_280] : memref<2x28x64xi32, #tpu.memory_space<vmem>> -> memref<1x1x64xi32, #tpu.memory_space<vmem>>
        %dma_start3A_282 = tpu.memref_squeeze %dma_start3A_281 : memref<1x1x64xi32, #tpu.memory_space<vmem>> -> memref<64xi32, #tpu.memory_space<vmem>>
        %dma_start3A_283 = arith.constant 0 : i32
        %dma_start3A_284 = arith.constant 0 : i32
        %dma_start3A_285 = tpu.memref_slice %arg8[%dma_start3A_283, %dma_start3A_284] : memref<50176x32xf32, #tpu.memory_space<vmem_shared>> -> memref<50176x32xf32, #tpu.memory_space<vmem_shared>>
        tpu.enqueue_indirect_dma source(%dma_start3A_279 : memref<64x32xf32, #tpu.memory_space<vmem>>) target(%dma_start3A_285 : memref<50176x32xf32, #tpu.memory_space<vmem_shared>>) offsets(%dma_start3A_282 : memref<64xi32, #tpu.memory_space<vmem>>) semaphore(%arg13 : memref<!tpu.dma_semaphore, #tpu.memory_space<semaphore_mem>>) {add = true}
        %add3A_286 = arith.constant 3 : i32
        %add3A_287 = arith.addi %mul3A_201, %add3A_286 : i32
        %dma_start3A_288 = arith.constant 192 : i32
        %dma_start3A_289 = arith.constant 0 : i32
        %dma_start3A_290 = tpu.memref_slice %arg11[%select_n3A_146, %dma_start3A_288, %dma_start3A_289] : memref<2x256x32xf32, #tpu.memory_space<vmem>> -> memref<1x64x32xf32, #tpu.memory_space<vmem>>
        %dma_start3A_291 = tpu.memref_squeeze %dma_start3A_290 : memref<1x64x32xf32, #tpu.memory_space<vmem>> -> memref<64x32xf32, #tpu.memory_space<vmem>>
        %dma_start3A_292 = arith.constant 0 : i32
        %dma_start3A_293 = tpu.memref_slice %arg10[%select_n3A_183, %add3A_287, %dma_start3A_292] : memref<2x28x64xi32, #tpu.memory_space<vmem>> -> memref<1x1x64xi32, #tpu.memory_space<vmem>>
        %dma_start3A_294 = tpu.memref_squeeze %dma_start3A_293 : memref<1x1x64xi32, #tpu.memory_space<vmem>> -> memref<64xi32, #tpu.memory_space<vmem>>
        %dma_start3A_295 = arith.constant 0 : i32
        %dma_start3A_296 = arith.constant 0 : i32
        %dma_start3A_297 = tpu.memref_slice %arg8[%dma_start3A_295, %dma_start3A_296] : memref<50176x32xf32, #tpu.memory_space<vmem_shared>> -> memref<50176x32xf32, #tpu.memory_space<vmem_shared>>
        tpu.enqueue_indirect_dma source(%dma_start3A_291 : memref<64x32xf32, #tpu.memory_space<vmem>>) target(%dma_start3A_297 : memref<50176x32xf32, #tpu.memory_space<vmem_shared>>) offsets(%dma_start3A_294 : memref<64xi32, #tpu.memory_space<vmem>>) semaphore(%arg13 : memref<!tpu.dma_semaphore, #tpu.memory_space<semaphore_mem>>) {add = true}
        %sub3A_298 = arith.constant 1 : i32
        %sub3A_299 = arith.subi %scan3A_136, %sub3A_298 : i32
        %jit3A_300 = arith.constant 2 : i32
        %eq3A_301 = arith.constant 0 : i32
        %eq3A_302 = arith.cmpi eq, %jit3A_300, %eq3A_301 : i32
        %jit3A_303 = arith.constant 1 : i32
        %select_n3A_304 = arith.select %eq3A_302, %jit3A_303, %jit3A_300 : i32
        %rem3A_305 = arith.remsi %sub3A_299, %select_n3A_304 : i32
        %ne3A_306 = arith.constant 0 : i32
        %ne3A_307 = arith.cmpi ne, %rem3A_305, %ne3A_306 : i32
        %lt3A_308 = arith.constant 0 : i32
        %lt3A_309 = arith.cmpi slt, %rem3A_305, %lt3A_308 : i32
        %lt3A_310 = arith.constant 0 : i32
        %lt3A_311 = arith.cmpi slt, %select_n3A_304, %lt3A_310 : i32
        %ne3A_312 = arith.xori %lt3A_309, %lt3A_311 : i1
        %and3A_313 = arith.andi %ne3A_312, %ne3A_307 : i1
        %add3A_314 = arith.addi %rem3A_305, %select_n3A_304 : i32
        %select_n3A_315 = arith.select %and3A_313, %add3A_314, %rem3A_305 : i32
        %jit3A_316 = arith.constant 7 : i32
        %div3A_317 = arith.divsi %sub3A_299, %jit3A_316 : i32
        %sign3A_318 = arith.constant 0 : i32
        %sign3A_319 = arith.cmpi sgt, %sub3A_299, %sign3A_318 : i32
        %sign3A_320 = arith.extui %sign3A_319 : i1 to i32
        %sign3A_321 = arith.constant 0 : i32
        %sign3A_322 = arith.cmpi slt, %sub3A_299, %sign3A_321 : i32
        %sign3A_323 = arith.extui %sign3A_322 : i1 to i32
        %sign3A_324 = arith.subi %sign3A_320, %sign3A_323 : i32
        %sign3A_325 = arith.constant 0 : i32
        %sign3A_326 = arith.cmpi sgt, %jit3A_316, %sign3A_325 : i32
        %sign3A_327 = arith.extui %sign3A_326 : i1 to i32
        %sign3A_328 = arith.constant 0 : i32
        %sign3A_329 = arith.cmpi slt, %jit3A_316, %sign3A_328 : i32
        %sign3A_330 = arith.extui %sign3A_329 : i1 to i32
        %sign3A_331 = arith.subi %sign3A_327, %sign3A_330 : i32
        %ne3A_332 = arith.cmpi ne, %sign3A_324, %sign3A_331 : i32
        %rem3A_333 = arith.remsi %sub3A_299, %jit3A_316 : i32
        %ne3A_334 = arith.constant 0 : i32
        %ne3A_335 = arith.cmpi ne, %rem3A_333, %ne3A_334 : i32
        %and3A_336 = arith.andi %ne3A_332, %ne3A_335 : i1
        %sub3A_337 = arith.constant 1 : i32
        %sub3A_338 = arith.subi %div3A_317, %sub3A_337 : i32
        %select_n3A_339 = arith.select %and3A_336, %sub3A_338, %div3A_317 : i32
        %jit3A_340 = arith.constant 2 : i32
        %eq3A_341 = arith.constant 0 : i32
        %eq3A_342 = arith.cmpi eq, %jit3A_340, %eq3A_341 : i32
        %jit3A_343 = arith.constant 1 : i32
        %select_n3A_344 = arith.select %eq3A_342, %jit3A_343, %jit3A_340 : i32
        %rem3A_345 = arith.remsi %select_n3A_339, %select_n3A_344 : i32
        %ne3A_346 = arith.constant 0 : i32
        %ne3A_347 = arith.cmpi ne, %rem3A_345, %ne3A_346 : i32
        %lt3A_348 = arith.constant 0 : i32
        %lt3A_349 = arith.cmpi slt, %rem3A_345, %lt3A_348 : i32
        %lt3A_350 = arith.constant 0 : i32
        %lt3A_351 = arith.cmpi slt, %select_n3A_344, %lt3A_350 : i32
        %ne3A_352 = arith.xori %lt3A_349, %lt3A_351 : i1
        %and3A_353 = arith.andi %ne3A_352, %ne3A_347 : i1
        %add3A_354 = arith.addi %rem3A_345, %select_n3A_344 : i32
        %select_n3A_355 = arith.select %and3A_353, %add3A_354, %rem3A_345 : i32
        %jit3A_356 = arith.constant 7 : i32
        %eq3A_357 = arith.constant 0 : i32
        %eq3A_358 = arith.cmpi eq, %jit3A_356, %eq3A_357 : i32
        %jit3A_359 = arith.constant 1 : i32
        %select_n3A_360 = arith.select %eq3A_358, %jit3A_359, %jit3A_356 : i32
        %rem3A_361 = arith.remsi %sub3A_299, %select_n3A_360 : i32
        %ne3A_362 = arith.constant 0 : i32
        %ne3A_363 = arith.cmpi ne, %rem3A_361, %ne3A_362 : i32
        %lt3A_364 = arith.constant 0 : i32
        %lt3A_365 = arith.cmpi slt, %rem3A_361, %lt3A_364 : i32
        %lt3A_366 = arith.constant 0 : i32
        %lt3A_367 = arith.cmpi slt, %select_n3A_360, %lt3A_366 : i32
        %ne3A_368 = arith.xori %lt3A_365, %lt3A_367 : i1
        %and3A_369 = arith.andi %ne3A_368, %ne3A_363 : i1
        %add3A_370 = arith.addi %rem3A_361, %select_n3A_360 : i32
        %select_n3A_371 = arith.select %and3A_369, %add3A_370, %rem3A_361 : i32
        %mul3A_372 = arith.constant 4 : i32
        %mul3A_373 = arith.muli %select_n3A_371, %mul3A_372 : i32
        %gt3A = arith.constant 0 : i32
        %gt3A_374 = arith.cmpi sgt, %scan3A_136, %gt3A : i32
        %convert_element_type3A_375 = arith.extui %gt3A_374 : i1 to i32
        %cond3A_376 = arith.constant 0 : i32
        %cond3A_377 = arith.cmpi ne, %convert_element_type3A_375, %cond3A_376 : i32
        scf.if %cond3A_377 {
          %add3A_495 = arith.constant 0 : i32
          %add3A_496 = arith.addi %mul3A_373, %add3A_495 : i32
          %dma_wait3A_497 = arith.constant 0 : i32
          %dma_wait3A_498 = arith.constant 0 : i32
          %dma_wait3A_499 = tpu.memref_slice %arg11[%select_n3A_315, %dma_wait3A_497, %dma_wait3A_498] : memref<2x256x32xf32, #tpu.memory_space<vmem>> -> memref<1x64x32xf32, #tpu.memory_space<vmem>>
          %dma_wait3A_500 = tpu.memref_squeeze %dma_wait3A_499 : memref<1x64x32xf32, #tpu.memory_space<vmem>> -> memref<64x32xf32, #tpu.memory_space<vmem>>
          %dma_wait3A_501 = arith.constant 0 : i32
          %dma_wait3A_502 = tpu.memref_slice %arg10[%select_n3A_355, %add3A_496, %dma_wait3A_501] : memref<2x28x64xi32, #tpu.memory_space<vmem>> -> memref<1x1x64xi32, #tpu.memory_space<vmem>>
          %dma_wait3A_503 = tpu.memref_squeeze %dma_wait3A_502 : memref<1x1x64xi32, #tpu.memory_space<vmem>> -> memref<64xi32, #tpu.memory_space<vmem>>
          %dma_wait3A_504 = arith.constant 0 : i32
          %dma_wait3A_505 = arith.constant 0 : i32
          %dma_wait3A_506 = tpu.memref_slice %arg8[%dma_wait3A_504, %dma_wait3A_505] : memref<50176x32xf32, #tpu.memory_space<vmem_shared>> -> memref<50176x32xf32, #tpu.memory_space<vmem_shared>>
          tpu.wait_indirect_dma semaphore(%arg13 : memref<!tpu.dma_semaphore, #tpu.memory_space<semaphore_mem>>) src(%dma_wait3A_500 : memref<64x32xf32, #tpu.memory_space<vmem>>) dst(%dma_wait3A_506 : memref<50176x32xf32, #tpu.memory_space<vmem_shared>>)
          %add3A_507 = arith.constant 1 : i32
          %add3A_508 = arith.addi %mul3A_373, %add3A_507 : i32
          %dma_wait3A_509 = arith.constant 64 : i32
          %dma_wait3A_510 = arith.constant 0 : i32
          %dma_wait3A_511 = tpu.memref_slice %arg11[%select_n3A_315, %dma_wait3A_509, %dma_wait3A_510] : memref<2x256x32xf32, #tpu.memory_space<vmem>> -> memref<1x64x32xf32, #tpu.memory_space<vmem>>
          %dma_wait3A_512 = tpu.memref_squeeze %dma_wait3A_511 : memref<1x64x32xf32, #tpu.memory_space<vmem>> -> memref<64x32xf32, #tpu.memory_space<vmem>>
          %dma_wait3A_513 = arith.constant 0 : i32
          %dma_wait3A_514 = tpu.memref_slice %arg10[%select_n3A_355, %add3A_508, %dma_wait3A_513] : memref<2x28x64xi32, #tpu.memory_space<vmem>> -> memref<1x1x64xi32, #tpu.memory_space<vmem>>
          %dma_wait3A_515 = tpu.memref_squeeze %dma_wait3A_514 : memref<1x1x64xi32, #tpu.memory_space<vmem>> -> memref<64xi32, #tpu.memory_space<vmem>>
          %dma_wait3A_516 = arith.constant 0 : i32
          %dma_wait3A_517 = arith.constant 0 : i32
          %dma_wait3A_518 = tpu.memref_slice %arg8[%dma_wait3A_516, %dma_wait3A_517] : memref<50176x32xf32, #tpu.memory_space<vmem_shared>> -> memref<50176x32xf32, #tpu.memory_space<vmem_shared>>
          tpu.wait_indirect_dma semaphore(%arg13 : memref<!tpu.dma_semaphore, #tpu.memory_space<semaphore_mem>>) src(%dma_wait3A_512 : memref<64x32xf32, #tpu.memory_space<vmem>>) dst(%dma_wait3A_518 : memref<50176x32xf32, #tpu.memory_space<vmem_shared>>)
          %add3A_519 = arith.constant 2 : i32
          %add3A_520 = arith.addi %mul3A_373, %add3A_519 : i32
          %dma_wait3A_521 = arith.constant 128 : i32
          %dma_wait3A_522 = arith.constant 0 : i32
          %dma_wait3A_523 = tpu.memref_slice %arg11[%select_n3A_315, %dma_wait3A_521, %dma_wait3A_522] : memref<2x256x32xf32, #tpu.memory_space<vmem>> -> memref<1x64x32xf32, #tpu.memory_space<vmem>>
          %dma_wait3A_524 = tpu.memref_squeeze %dma_wait3A_523 : memref<1x64x32xf32, #tpu.memory_space<vmem>> -> memref<64x32xf32, #tpu.memory_space<vmem>>
          %dma_wait3A_525 = arith.constant 0 : i32
          %dma_wait3A_526 = tpu.memref_slice %arg10[%select_n3A_355, %add3A_520, %dma_wait3A_525] : memref<2x28x64xi32, #tpu.memory_space<vmem>> -> memref<1x1x64xi32, #tpu.memory_space<vmem>>
          %dma_wait3A_527 = tpu.memref_squeeze %dma_wait3A_526 : memref<1x1x64xi32, #tpu.memory_space<vmem>> -> memref<64xi32, #tpu.memory_space<vmem>>
          %dma_wait3A_528 = arith.constant 0 : i32
          %dma_wait3A_529 = arith.constant 0 : i32
          %dma_wait3A_530 = tpu.memref_slice %arg8[%dma_wait3A_528, %dma_wait3A_529] : memref<50176x32xf32, #tpu.memory_space<vmem_shared>> -> memref<50176x32xf32, #tpu.memory_space<vmem_shared>>
          tpu.wait_indirect_dma semaphore(%arg13 : memref<!tpu.dma_semaphore, #tpu.memory_space<semaphore_mem>>) src(%dma_wait3A_524 : memref<64x32xf32, #tpu.memory_space<vmem>>) dst(%dma_wait3A_530 : memref<50176x32xf32, #tpu.memory_space<vmem_shared>>)
          %add3A_531 = arith.constant 3 : i32
          %add3A_532 = arith.addi %mul3A_373, %add3A_531 : i32
          %dma_wait3A_533 = arith.constant 192 : i32
          %dma_wait3A_534 = arith.constant 0 : i32
          %dma_wait3A_535 = tpu.memref_slice %arg11[%select_n3A_315, %dma_wait3A_533, %dma_wait3A_534] : memref<2x256x32xf32, #tpu.memory_space<vmem>> -> memref<1x64x32xf32, #tpu.memory_space<vmem>>
          %dma_wait3A_536 = tpu.memref_squeeze %dma_wait3A_535 : memref<1x64x32xf32, #tpu.memory_space<vmem>> -> memref<64x32xf32, #tpu.memory_space<vmem>>
          %dma_wait3A_537 = arith.constant 0 : i32
          %dma_wait3A_538 = tpu.memref_slice %arg10[%select_n3A_355, %add3A_532, %dma_wait3A_537] : memref<2x28x64xi32, #tpu.memory_space<vmem>> -> memref<1x1x64xi32, #tpu.memory_space<vmem>>
          %dma_wait3A_539 = tpu.memref_squeeze %dma_wait3A_538 : memref<1x1x64xi32, #tpu.memory_space<vmem>> -> memref<64xi32, #tpu.memory_space<vmem>>
          %dma_wait3A_540 = arith.constant 0 : i32
          %dma_wait3A_541 = arith.constant 0 : i32
          %dma_wait3A_542 = tpu.memref_slice %arg8[%dma_wait3A_540, %dma_wait3A_541] : memref<50176x32xf32, #tpu.memory_space<vmem_shared>> -> memref<50176x32xf32, #tpu.memory_space<vmem_shared>>
          tpu.wait_indirect_dma semaphore(%arg13 : memref<!tpu.dma_semaphore, #tpu.memory_space<semaphore_mem>>) src(%dma_wait3A_536 : memref<64x32xf32, #tpu.memory_space<vmem>>) dst(%dma_wait3A_542 : memref<50176x32xf32, #tpu.memory_space<vmem_shared>>)
        } else {
        }
        %jit3A_378 = arith.constant 7 : i32
        %div3A_379 = arith.divsi %scan3A_136, %jit3A_378 : i32
        %sign3A_380 = arith.constant 0 : i32
        %sign3A_381 = arith.cmpi sgt, %scan3A_136, %sign3A_380 : i32
        %sign3A_382 = arith.extui %sign3A_381 : i1 to i32
        %sign3A_383 = arith.constant 0 : i32
        %sign3A_384 = arith.cmpi slt, %scan3A_136, %sign3A_383 : i32
        %sign3A_385 = arith.extui %sign3A_384 : i1 to i32
        %sign3A_386 = arith.subi %sign3A_382, %sign3A_385 : i32
        %sign3A_387 = arith.constant 0 : i32
        %sign3A_388 = arith.cmpi sgt, %jit3A_378, %sign3A_387 : i32
        %sign3A_389 = arith.extui %sign3A_388 : i1 to i32
        %sign3A_390 = arith.constant 0 : i32
        %sign3A_391 = arith.cmpi slt, %jit3A_378, %sign3A_390 : i32
        %sign3A_392 = arith.extui %sign3A_391 : i1 to i32
        %sign3A_393 = arith.subi %sign3A_389, %sign3A_392 : i32
        %ne3A_394 = arith.cmpi ne, %sign3A_386, %sign3A_393 : i32
        %rem3A_395 = arith.remsi %scan3A_136, %jit3A_378 : i32
        %ne3A_396 = arith.constant 0 : i32
        %ne3A_397 = arith.cmpi ne, %rem3A_395, %ne3A_396 : i32
        %and3A_398 = arith.andi %ne3A_394, %ne3A_397 : i1
        %sub3A_399 = arith.constant 1 : i32
        %sub3A_400 = arith.subi %div3A_379, %sub3A_399 : i32
        %select_n3A_401 = arith.select %and3A_398, %sub3A_400, %div3A_379 : i32
        %mul3A_402 = arith.constant 7 : i32
        %mul3A_403 = arith.muli %select_n3A_401, %mul3A_402 : i32
        %eq3A_404 = arith.cmpi eq, %scan3A_136, %mul3A_403 : i32
        %gt3A_405 = arith.constant 0 : i32
        %gt3A_406 = arith.cmpi sgt, %scan3A_136, %gt3A_405 : i32
        %and3A_407 = arith.andi %eq3A_404, %gt3A_406 : i1
        %lt3A_408 = arith.constant 27 : i32
        %lt3A_409 = arith.cmpi slt, %select_n3A_401, %lt3A_408 : i32
        %and3A_410 = arith.andi %and3A_407, %lt3A_409 : i1
        %convert_element_type3A_411 = arith.extui %and3A_410 : i1 to i32
        %cond3A_412 = arith.constant 0 : i32
        %cond3A_413 = arith.cmpi ne, %convert_element_type3A_411, %cond3A_412 : i32
        scf.if %cond3A_413 {
          %add3A_495 = arith.constant 1 : i32
          %add3A_496 = arith.addi %select_n3A_401, %add3A_495 : i32
          %add3A_497 = arith.constant 1 : i32
          %add3A_498 = arith.addi %select_n3A_401, %add3A_497 : i32
          %jit3A_499 = arith.constant 2 : i32
          %eq3A_500 = arith.constant 0 : i32
          %eq3A_501 = arith.cmpi eq, %jit3A_499, %eq3A_500 : i32
          %jit3A_502 = arith.constant 1 : i32
          %select_n3A_503 = arith.select %eq3A_501, %jit3A_502, %jit3A_499 : i32
          %rem3A_504 = arith.remsi %add3A_498, %select_n3A_503 : i32
          %ne3A_505 = arith.constant 0 : i32
          %ne3A_506 = arith.cmpi ne, %rem3A_504, %ne3A_505 : i32
          %lt3A_507 = arith.constant 0 : i32
          %lt3A_508 = arith.cmpi slt, %rem3A_504, %lt3A_507 : i32
          %lt3A_509 = arith.constant 0 : i32
          %lt3A_510 = arith.cmpi slt, %select_n3A_503, %lt3A_509 : i32
          %ne3A_511 = arith.xori %lt3A_508, %lt3A_510 : i1
          %and3A_512 = arith.andi %ne3A_511, %ne3A_506 : i1
          %add3A_513 = arith.addi %rem3A_504, %select_n3A_503 : i32
          %select_n3A_514 = arith.select %and3A_512, %add3A_513, %rem3A_504 : i32
          %mul3A_515 = arith.constant 784 : i32
          %mul3A_516 = arith.muli %arg1, %mul3A_515 : i32
          %mul3A_517 = arith.constant 28 : i32
          %mul3A_518 = arith.muli %add3A_496, %mul3A_517 : i32
          %add3A_519 = arith.addi %mul3A_516, %mul3A_518 : i32
          "tpu.region"() ({
            %run_scoped3A_520 = tpu.sem_alloc : memref<!tpu.dma_semaphore, #tpu.memory_space<semaphore_mem>>
            %dma_start3A_521 = arith.constant 0 : i32
            %dma_start3A_522 = arith.constant 0 : i32
            %dma_start3A_523 = tpu.memref_slice %arg9[%select_n3A_514, %dma_start3A_521, %dma_start3A_522] : memref<2x28x64xi32, #tpu.memory_space<vmem>> -> memref<1x28x64xi32, #tpu.memory_space<vmem>>
            %dma_start3A_524 = tpu.memref_squeeze %dma_start3A_523 : memref<1x28x64xi32, #tpu.memory_space<vmem>> -> memref<28x64xi32, #tpu.memory_space<vmem>>
            %dma_start3A_525 = arith.constant 0 : i32
            %dma_start3A_526 = tpu.memref_slice %arg4[%add3A_519, %dma_start3A_525] : memref<12544x64xi32, #tpu.memory_space<hbm>> -> memref<28x64xi32, #tpu.memory_space<hbm>>
            %dma_start3A_527 = arith.constant 0 : i32
            %dma_start3A_528 = arith.constant 0 : i32
            %dma_start3A_529 = tpu.memref_slice %arg9[%select_n3A_514, %dma_start3A_527, %dma_start3A_528] : memref<2x28x64xi32, #tpu.memory_space<vmem>> -> memref<1x28x64xi32, #tpu.memory_space<vmem>>
            %dma_start3A_530 = tpu.memref_squeeze %dma_start3A_529 : memref<1x28x64xi32, #tpu.memory_space<vmem>> -> memref<28x64xi32, #tpu.memory_space<vmem>>
            %dma_start3A_531 = arith.constant 0 : i32
            %dma_start3A_532 = tpu.memref_slice %arg4[%add3A_519, %dma_start3A_531] : memref<12544x64xi32, #tpu.memory_space<hbm>> -> memref<28x64xi32, #tpu.memory_space<hbm>>
            tpu.enqueue_dma source(%dma_start3A_532 : memref<28x64xi32, #tpu.memory_space<hbm>>) target(%dma_start3A_530 : memref<28x64xi32, #tpu.memory_space<vmem>>) target_semaphore(%run_scoped3A_520 : memref<!tpu.dma_semaphore, #tpu.memory_space<semaphore_mem>>)
            %dma_wait3A_533 = arith.constant 0 : i32
            %dma_wait3A_534 = arith.constant 0 : i32
            %dma_wait3A_535 = tpu.memref_slice %arg9[%select_n3A_514, %dma_wait3A_533, %dma_wait3A_534] : memref<2x28x64xi32, #tpu.memory_space<vmem>> -> memref<1x28x64xi32, #tpu.memory_space<vmem>>
            %dma_wait3A_536 = tpu.memref_squeeze %dma_wait3A_535 : memref<1x28x64xi32, #tpu.memory_space<vmem>> -> memref<28x64xi32, #tpu.memory_space<vmem>>
            %dma_wait3A_537 = arith.constant 0 : i32
            %dma_wait3A_538 = tpu.memref_slice %arg4[%add3A_519, %dma_wait3A_537] : memref<12544x64xi32, #tpu.memory_space<hbm>> -> memref<28x64xi32, #tpu.memory_space<hbm>>
            %dma_wait3A_539 = arith.constant 0 : i32
            %dma_wait3A_540 = arith.constant 0 : i32
            %dma_wait3A_541 = tpu.memref_slice %arg9[%select_n3A_514, %dma_wait3A_539, %dma_wait3A_540] : memref<2x28x64xi32, #tpu.memory_space<vmem>> -> memref<1x28x64xi32, #tpu.memory_space<vmem>>
            %dma_wait3A_542 = tpu.memref_squeeze %dma_wait3A_541 : memref<1x28x64xi32, #tpu.memory_space<vmem>> -> memref<28x64xi32, #tpu.memory_space<vmem>>
            %dma_wait3A_543 = arith.constant 0 : i32
            %dma_wait3A_544 = tpu.memref_slice %arg4[%add3A_519, %dma_wait3A_543] : memref<12544x64xi32, #tpu.memory_space<hbm>> -> memref<28x64xi32, #tpu.memory_space<hbm>>
            tpu.wait_dma2 semaphore(%run_scoped3A_520 : memref<!tpu.dma_semaphore, #tpu.memory_space<semaphore_mem>>) src(%dma_wait3A_544 : memref<28x64xi32, #tpu.memory_space<hbm>>) dst(%dma_wait3A_542 : memref<28x64xi32, #tpu.memory_space<vmem>>)
            tpu.yield
          }) : () -> ()
          "tpu.region"() ({
            %run_scoped3A_520 = tpu.sem_alloc : memref<!tpu.dma_semaphore, #tpu.memory_space<semaphore_mem>>
            %dma_start3A_521 = arith.constant 0 : i32
            %dma_start3A_522 = arith.constant 0 : i32
            %dma_start3A_523 = tpu.memref_slice %arg10[%select_n3A_514, %dma_start3A_521, %dma_start3A_522] : memref<2x28x64xi32, #tpu.memory_space<vmem>> -> memref<1x28x64xi32, #tpu.memory_space<vmem>>
            %dma_start3A_524 = tpu.memref_squeeze %dma_start3A_523 : memref<1x28x64xi32, #tpu.memory_space<vmem>> -> memref<28x64xi32, #tpu.memory_space<vmem>>
            %dma_start3A_525 = arith.constant 0 : i32
            %dma_start3A_526 = tpu.memref_slice %arg5[%add3A_519, %dma_start3A_525] : memref<12544x64xi32, #tpu.memory_space<hbm>> -> memref<28x64xi32, #tpu.memory_space<hbm>>
            %dma_start3A_527 = arith.constant 0 : i32
            %dma_start3A_528 = arith.constant 0 : i32
            %dma_start3A_529 = tpu.memref_slice %arg10[%select_n3A_514, %dma_start3A_527, %dma_start3A_528] : memref<2x28x64xi32, #tpu.memory_space<vmem>> -> memref<1x28x64xi32, #tpu.memory_space<vmem>>
            %dma_start3A_530 = tpu.memref_squeeze %dma_start3A_529 : memref<1x28x64xi32, #tpu.memory_space<vmem>> -> memref<28x64xi32, #tpu.memory_space<vmem>>
            %dma_start3A_531 = arith.constant 0 : i32
            %dma_start3A_532 = tpu.memref_slice %arg5[%add3A_519, %dma_start3A_531] : memref<12544x64xi32, #tpu.memory_space<hbm>> -> memref<28x64xi32, #tpu.memory_space<hbm>>
            tpu.enqueue_dma source(%dma_start3A_532 : memref<28x64xi32, #tpu.memory_space<hbm>>) target(%dma_start3A_530 : memref<28x64xi32, #tpu.memory_space<vmem>>) target_semaphore(%run_scoped3A_520 : memref<!tpu.dma_semaphore, #tpu.memory_space<semaphore_mem>>)
            %dma_wait3A_533 = arith.constant 0 : i32
            %dma_wait3A_534 = arith.constant 0 : i32
            %dma_wait3A_535 = tpu.memref_slice %arg10[%select_n3A_514, %dma_wait3A_533, %dma_wait3A_534] : memref<2x28x64xi32, #tpu.memory_space<vmem>> -> memref<1x28x64xi32, #tpu.memory_space<vmem>>
            %dma_wait3A_536 = tpu.memref_squeeze %dma_wait3A_535 : memref<1x28x64xi32, #tpu.memory_space<vmem>> -> memref<28x64xi32, #tpu.memory_space<vmem>>
            %dma_wait3A_537 = arith.constant 0 : i32
            %dma_wait3A_538 = tpu.memref_slice %arg5[%add3A_519, %dma_wait3A_537] : memref<12544x64xi32, #tpu.memory_space<hbm>> -> memref<28x64xi32, #tpu.memory_space<hbm>>
            %dma_wait3A_539 = arith.constant 0 : i32
            %dma_wait3A_540 = arith.constant 0 : i32
            %dma_wait3A_541 = tpu.memref_slice %arg10[%select_n3A_514, %dma_wait3A_539, %dma_wait3A_540] : memref<2x28x64xi32, #tpu.memory_space<vmem>> -> memref<1x28x64xi32, #tpu.memory_space<vmem>>
            %dma_wait3A_542 = tpu.memref_squeeze %dma_wait3A_541 : memref<1x28x64xi32, #tpu.memory_space<vmem>> -> memref<28x64xi32, #tpu.memory_space<vmem>>
            %dma_wait3A_543 = arith.constant 0 : i32
            %dma_wait3A_544 = tpu.memref_slice %arg5[%add3A_519, %dma_wait3A_543] : memref<12544x64xi32, #tpu.memory_space<hbm>> -> memref<28x64xi32, #tpu.memory_space<hbm>>
            tpu.wait_dma2 semaphore(%run_scoped3A_520 : memref<!tpu.dma_semaphore, #tpu.memory_space<semaphore_mem>>) src(%dma_wait3A_544 : memref<28x64xi32, #tpu.memory_space<hbm>>) dst(%dma_wait3A_542 : memref<28x64xi32, #tpu.memory_space<vmem>>)
            tpu.yield
          }) : () -> ()
        } else {
        }
        %add3A_414 = arith.constant 1 : i32
        %add3A_415 = arith.addi %scan3A_136, %add3A_414 : i32
        %jit3A_416 = arith.constant 2 : i32
        %eq3A_417 = arith.constant 0 : i32
        %eq3A_418 = arith.cmpi eq, %jit3A_416, %eq3A_417 : i32
        %jit3A_419 = arith.constant 1 : i32
        %select_n3A_420 = arith.select %eq3A_418, %jit3A_419, %jit3A_416 : i32
        %rem3A_421 = arith.remsi %add3A_415, %select_n3A_420 : i32
        %ne3A_422 = arith.constant 0 : i32
        %ne3A_423 = arith.cmpi ne, %rem3A_421, %ne3A_422 : i32
        %lt3A_424 = arith.constant 0 : i32
        %lt3A_425 = arith.cmpi slt, %rem3A_421, %lt3A_424 : i32
        %lt3A_426 = arith.constant 0 : i32
        %lt3A_427 = arith.cmpi slt, %select_n3A_420, %lt3A_426 : i32
        %ne3A_428 = arith.xori %lt3A_425, %lt3A_427 : i1
        %and3A_429 = arith.andi %ne3A_428, %ne3A_423 : i1
        %add3A_430 = arith.addi %rem3A_421, %select_n3A_420 : i32
        %select_n3A_431 = arith.select %and3A_429, %add3A_430, %rem3A_421 : i32
        %jit3A_432 = arith.constant 7 : i32
        %div3A_433 = arith.divsi %add3A_415, %jit3A_432 : i32
        %sign3A_434 = arith.constant 0 : i32
        %sign3A_435 = arith.cmpi sgt, %add3A_415, %sign3A_434 : i32
        %sign3A_436 = arith.extui %sign3A_435 : i1 to i32
        %sign3A_437 = arith.constant 0 : i32
        %sign3A_438 = arith.cmpi slt, %add3A_415, %sign3A_437 : i32
        %sign3A_439 = arith.extui %sign3A_438 : i1 to i32
        %sign3A_440 = arith.subi %sign3A_436, %sign3A_439 : i32
        %sign3A_441 = arith.constant 0 : i32
        %sign3A_442 = arith.cmpi sgt, %jit3A_432, %sign3A_441 : i32
        %sign3A_443 = arith.extui %sign3A_442 : i1 to i32
        %sign3A_444 = arith.constant 0 : i32
        %sign3A_445 = arith.cmpi slt, %jit3A_432, %sign3A_444 : i32
        %sign3A_446 = arith.extui %sign3A_445 : i1 to i32
        %sign3A_447 = arith.subi %sign3A_443, %sign3A_446 : i32
        %ne3A_448 = arith.cmpi ne, %sign3A_440, %sign3A_447 : i32
        %rem3A_449 = arith.remsi %add3A_415, %jit3A_432 : i32
        %ne3A_450 = arith.constant 0 : i32
        %ne3A_451 = arith.cmpi ne, %rem3A_449, %ne3A_450 : i32
        %and3A_452 = arith.andi %ne3A_448, %ne3A_451 : i1
        %sub3A_453 = arith.constant 1 : i32
        %sub3A_454 = arith.subi %div3A_433, %sub3A_453 : i32
        %select_n3A_455 = arith.select %and3A_452, %sub3A_454, %div3A_433 : i32
        %jit3A_456 = arith.constant 2 : i32
        %eq3A_457 = arith.constant 0 : i32
        %eq3A_458 = arith.cmpi eq, %jit3A_456, %eq3A_457 : i32
        %jit3A_459 = arith.constant 1 : i32
        %select_n3A_460 = arith.select %eq3A_458, %jit3A_459, %jit3A_456 : i32
        %rem3A_461 = arith.remsi %select_n3A_455, %select_n3A_460 : i32
        %ne3A_462 = arith.constant 0 : i32
        %ne3A_463 = arith.cmpi ne, %rem3A_461, %ne3A_462 : i32
        %lt3A_464 = arith.constant 0 : i32
        %lt3A_465 = arith.cmpi slt, %rem3A_461, %lt3A_464 : i32
        %lt3A_466 = arith.constant 0 : i32
        %lt3A_467 = arith.cmpi slt, %select_n3A_460, %lt3A_466 : i32
        %ne3A_468 = arith.xori %lt3A_465, %lt3A_467 : i1
        %and3A_469 = arith.andi %ne3A_468, %ne3A_463 : i1
        %add3A_470 = arith.addi %rem3A_461, %select_n3A_460 : i32
        %select_n3A_471 = arith.select %and3A_469, %add3A_470, %rem3A_461 : i32
        %jit3A_472 = arith.constant 7 : i32
        %eq3A_473 = arith.constant 0 : i32
        %eq3A_474 = arith.cmpi eq, %jit3A_472, %eq3A_473 : i32
        %jit3A_475 = arith.constant 1 : i32
        %select_n3A_476 = arith.select %eq3A_474, %jit3A_475, %jit3A_472 : i32
        %rem3A_477 = arith.remsi %add3A_415, %select_n3A_476 : i32
        %ne3A_478 = arith.constant 0 : i32
        %ne3A_479 = arith.cmpi ne, %rem3A_477, %ne3A_478 : i32
        %lt3A_480 = arith.constant 0 : i32
        %lt3A_481 = arith.cmpi slt, %rem3A_477, %lt3A_480 : i32
        %lt3A_482 = arith.constant 0 : i32
        %lt3A_483 = arith.cmpi slt, %select_n3A_476, %lt3A_482 : i32
        %ne3A_484 = arith.xori %lt3A_481, %lt3A_483 : i1
        %and3A_485 = arith.andi %ne3A_484, %ne3A_479 : i1
        %add3A_486 = arith.addi %rem3A_477, %select_n3A_476 : i32
        %select_n3A_487 = arith.select %and3A_485, %add3A_486, %rem3A_477 : i32
        %mul3A_488 = arith.constant 4 : i32
        %mul3A_489 = arith.muli %select_n3A_487, %mul3A_488 : i32
        %lt3A_490 = arith.constant 196 : i32
        %lt3A_491 = arith.cmpi slt, %add3A_415, %lt3A_490 : i32
        %convert_element_type3A_492 = arith.extui %lt3A_491 : i1 to i32
        %cond3A_493 = arith.constant 0 : i32
        %cond3A_494 = arith.cmpi ne, %convert_element_type3A_492, %cond3A_493 : i32
        scf.if %cond3A_494 {
          %add3A_495 = arith.constant 0 : i32
          %add3A_496 = arith.addi %mul3A_489, %add3A_495 : i32
          %dma_start3A_497 = arith.constant 0 : i32
          %dma_start3A_498 = arith.constant 0 : i32
          %dma_start3A_499 = tpu.memref_slice %arg11[%select_n3A_431, %dma_start3A_497, %dma_start3A_498] : memref<2x256x32xf32, #tpu.memory_space<vmem>> -> memref<1x64x32xf32, #tpu.memory_space<vmem>>
          %dma_start3A_500 = tpu.memref_squeeze %dma_start3A_499 : memref<1x64x32xf32, #tpu.memory_space<vmem>> -> memref<64x32xf32, #tpu.memory_space<vmem>>
          %dma_start3A_501 = arith.constant 0 : i32
          %dma_start3A_502 = tpu.memref_slice %arg9[%select_n3A_471, %add3A_496, %dma_start3A_501] : memref<2x28x64xi32, #tpu.memory_space<vmem>> -> memref<1x1x64xi32, #tpu.memory_space<vmem>>
          %dma_start3A_503 = tpu.memref_squeeze %dma_start3A_502 : memref<1x1x64xi32, #tpu.memory_space<vmem>> -> memref<64xi32, #tpu.memory_space<vmem>>
          %dma_start3A_504 = arith.constant 0 : i32
          %dma_start3A_505 = arith.constant 0 : i32
          %dma_start3A_506 = tpu.memref_slice %arg3[%dma_start3A_504, %dma_start3A_505] : memref<200000x32xf32, #tpu.memory_space<hbm>> -> memref<200000x32xf32, #tpu.memory_space<hbm>>
          tpu.enqueue_indirect_dma source(%dma_start3A_506 : memref<200000x32xf32, #tpu.memory_space<hbm>>) target(%dma_start3A_500 : memref<64x32xf32, #tpu.memory_space<vmem>>) offsets(%dma_start3A_503 : memref<64xi32, #tpu.memory_space<vmem>>) semaphore(%arg12 : memref<!tpu.dma_semaphore, #tpu.memory_space<semaphore_mem>>)
          %add3A_507 = arith.constant 1 : i32
          %add3A_508 = arith.addi %mul3A_489, %add3A_507 : i32
          %dma_start3A_509 = arith.constant 64 : i32
          %dma_start3A_510 = arith.constant 0 : i32
          %dma_start3A_511 = tpu.memref_slice %arg11[%select_n3A_431, %dma_start3A_509, %dma_start3A_510] : memref<2x256x32xf32, #tpu.memory_space<vmem>> -> memref<1x64x32xf32, #tpu.memory_space<vmem>>
          %dma_start3A_512 = tpu.memref_squeeze %dma_start3A_511 : memref<1x64x32xf32, #tpu.memory_space<vmem>> -> memref<64x32xf32, #tpu.memory_space<vmem>>
          %dma_start3A_513 = arith.constant 0 : i32
          %dma_start3A_514 = tpu.memref_slice %arg9[%select_n3A_471, %add3A_508, %dma_start3A_513] : memref<2x28x64xi32, #tpu.memory_space<vmem>> -> memref<1x1x64xi32, #tpu.memory_space<vmem>>
          %dma_start3A_515 = tpu.memref_squeeze %dma_start3A_514 : memref<1x1x64xi32, #tpu.memory_space<vmem>> -> memref<64xi32, #tpu.memory_space<vmem>>
          %dma_start3A_516 = arith.constant 0 : i32
          %dma_start3A_517 = arith.constant 0 : i32
          %dma_start3A_518 = tpu.memref_slice %arg3[%dma_start3A_516, %dma_start3A_517] : memref<200000x32xf32, #tpu.memory_space<hbm>> -> memref<200000x32xf32, #tpu.memory_space<hbm>>
          tpu.enqueue_indirect_dma source(%dma_start3A_518 : memref<200000x32xf32, #tpu.memory_space<hbm>>) target(%dma_start3A_512 : memref<64x32xf32, #tpu.memory_space<vmem>>) offsets(%dma_start3A_515 : memref<64xi32, #tpu.memory_space<vmem>>) semaphore(%arg12 : memref<!tpu.dma_semaphore, #tpu.memory_space<semaphore_mem>>)
          %add3A_519 = arith.constant 2 : i32
          %add3A_520 = arith.addi %mul3A_489, %add3A_519 : i32
          %dma_start3A_521 = arith.constant 128 : i32
          %dma_start3A_522 = arith.constant 0 : i32
          %dma_start3A_523 = tpu.memref_slice %arg11[%select_n3A_431, %dma_start3A_521, %dma_start3A_522] : memref<2x256x32xf32, #tpu.memory_space<vmem>> -> memref<1x64x32xf32, #tpu.memory_space<vmem>>
          %dma_start3A_524 = tpu.memref_squeeze %dma_start3A_523 : memref<1x64x32xf32, #tpu.memory_space<vmem>> -> memref<64x32xf32, #tpu.memory_space<vmem>>
          %dma_start3A_525 = arith.constant 0 : i32
          %dma_start3A_526 = tpu.memref_slice %arg9[%select_n3A_471, %add3A_520, %dma_start3A_525] : memref<2x28x64xi32, #tpu.memory_space<vmem>> -> memref<1x1x64xi32, #tpu.memory_space<vmem>>
          %dma_start3A_527 = tpu.memref_squeeze %dma_start3A_526 : memref<1x1x64xi32, #tpu.memory_space<vmem>> -> memref<64xi32, #tpu.memory_space<vmem>>
          %dma_start3A_528 = arith.constant 0 : i32
          %dma_start3A_529 = arith.constant 0 : i32
          %dma_start3A_530 = tpu.memref_slice %arg3[%dma_start3A_528, %dma_start3A_529] : memref<200000x32xf32, #tpu.memory_space<hbm>> -> memref<200000x32xf32, #tpu.memory_space<hbm>>
          tpu.enqueue_indirect_dma source(%dma_start3A_530 : memref<200000x32xf32, #tpu.memory_space<hbm>>) target(%dma_start3A_524 : memref<64x32xf32, #tpu.memory_space<vmem>>) offsets(%dma_start3A_527 : memref<64xi32, #tpu.memory_space<vmem>>) semaphore(%arg12 : memref<!tpu.dma_semaphore, #tpu.memory_space<semaphore_mem>>)
          %add3A_531 = arith.constant 3 : i32
          %add3A_532 = arith.addi %mul3A_489, %add3A_531 : i32
          %dma_start3A_533 = arith.constant 192 : i32
          %dma_start3A_534 = arith.constant 0 : i32
          %dma_start3A_535 = tpu.memref_slice %arg11[%select_n3A_431, %dma_start3A_533, %dma_start3A_534] : memref<2x256x32xf32, #tpu.memory_space<vmem>> -> memref<1x64x32xf32, #tpu.memory_space<vmem>>
          %dma_start3A_536 = tpu.memref_squeeze %dma_start3A_535 : memref<1x64x32xf32, #tpu.memory_space<vmem>> -> memref<64x32xf32, #tpu.memory_space<vmem>>
          %dma_start3A_537 = arith.constant 0 : i32
          %dma_start3A_538 = tpu.memref_slice %arg9[%select_n3A_471, %add3A_532, %dma_start3A_537] : memref<2x28x64xi32, #tpu.memory_space<vmem>> -> memref<1x1x64xi32, #tpu.memory_space<vmem>>
          %dma_start3A_539 = tpu.memref_squeeze %dma_start3A_538 : memref<1x1x64xi32, #tpu.memory_space<vmem>> -> memref<64xi32, #tpu.memory_space<vmem>>
          %dma_start3A_540 = arith.constant 0 : i32
          %dma_start3A_541 = arith.constant 0 : i32
          %dma_start3A_542 = tpu.memref_slice %arg3[%dma_start3A_540, %dma_start3A_541] : memref<200000x32xf32, #tpu.memory_space<hbm>> -> memref<200000x32xf32, #tpu.memory_space<hbm>>
          tpu.enqueue_indirect_dma source(%dma_start3A_542 : memref<200000x32xf32, #tpu.memory_space<hbm>>) target(%dma_start3A_536 : memref<64x32xf32, #tpu.memory_space<vmem>>) offsets(%dma_start3A_539 : memref<64xi32, #tpu.memory_space<vmem>>) semaphore(%arg12 : memref<!tpu.dma_semaphore, #tpu.memory_space<semaphore_mem>>)
        } else {
        }
      }
      %scan3A_84 = arith.constant 196 : i32
      %dma_wait3A = arith.constant 1 : i32
      %dma_wait3A_85 = arith.constant 1 : i32
      %dma_wait3A_86 = arith.constant 24 : i32
      %dma_wait3A_87 = arith.constant 0 : i32
      %dma_wait3A_88 = arith.constant 0 : i32
      %dma_wait3A_89 = tpu.memref_slice %arg11[%dma_wait3A, %dma_wait3A_87, %dma_wait3A_88] : memref<2x256x32xf32, #tpu.memory_space<vmem>> -> memref<1x64x32xf32, #tpu.memory_space<vmem>>
      %dma_wait3A_90 = tpu.memref_squeeze %dma_wait3A_89 : memref<1x64x32xf32, #tpu.memory_space<vmem>> -> memref<64x32xf32, #tpu.memory_space<vmem>>
      %dma_wait3A_91 = arith.constant 0 : i32
      %dma_wait3A_92 = tpu.memref_slice %arg10[%dma_wait3A_85, %dma_wait3A_86, %dma_wait3A_91] : memref<2x28x64xi32, #tpu.memory_space<vmem>> -> memref<1x1x64xi32, #tpu.memory_space<vmem>>
      %dma_wait3A_93 = tpu.memref_squeeze %dma_wait3A_92 : memref<1x1x64xi32, #tpu.memory_space<vmem>> -> memref<64xi32, #tpu.memory_space<vmem>>
      %dma_wait3A_94 = arith.constant 0 : i32
      %dma_wait3A_95 = arith.constant 0 : i32
      %dma_wait3A_96 = tpu.memref_slice %arg8[%dma_wait3A_94, %dma_wait3A_95] : memref<50176x32xf32, #tpu.memory_space<vmem_shared>> -> memref<50176x32xf32, #tpu.memory_space<vmem_shared>>
      tpu.wait_indirect_dma semaphore(%arg13 : memref<!tpu.dma_semaphore, #tpu.memory_space<semaphore_mem>>) src(%dma_wait3A_90 : memref<64x32xf32, #tpu.memory_space<vmem>>) dst(%dma_wait3A_96 : memref<50176x32xf32, #tpu.memory_space<vmem_shared>>)
      %dma_wait3A_97 = arith.constant 1 : i32
      %dma_wait3A_98 = arith.constant 1 : i32
      %dma_wait3A_99 = arith.constant 25 : i32
      %dma_wait3A_100 = arith.constant 64 : i32
      %dma_wait3A_101 = arith.constant 0 : i32
      %dma_wait3A_102 = tpu.memref_slice %arg11[%dma_wait3A_97, %dma_wait3A_100, %dma_wait3A_101] : memref<2x256x32xf32, #tpu.memory_space<vmem>> -> memref<1x64x32xf32, #tpu.memory_space<vmem>>
      %dma_wait3A_103 = tpu.memref_squeeze %dma_wait3A_102 : memref<1x64x32xf32, #tpu.memory_space<vmem>> -> memref<64x32xf32, #tpu.memory_space<vmem>>
      %dma_wait3A_104 = arith.constant 0 : i32
      %dma_wait3A_105 = tpu.memref_slice %arg10[%dma_wait3A_98, %dma_wait3A_99, %dma_wait3A_104] : memref<2x28x64xi32, #tpu.memory_space<vmem>> -> memref<1x1x64xi32, #tpu.memory_space<vmem>>
      %dma_wait3A_106 = tpu.memref_squeeze %dma_wait3A_105 : memref<1x1x64xi32, #tpu.memory_space<vmem>> -> memref<64xi32, #tpu.memory_space<vmem>>
      %dma_wait3A_107 = arith.constant 0 : i32
      %dma_wait3A_108 = arith.constant 0 : i32
      %dma_wait3A_109 = tpu.memref_slice %arg8[%dma_wait3A_107, %dma_wait3A_108] : memref<50176x32xf32, #tpu.memory_space<vmem_shared>> -> memref<50176x32xf32, #tpu.memory_space<vmem_shared>>
      tpu.wait_indirect_dma semaphore(%arg13 : memref<!tpu.dma_semaphore, #tpu.memory_space<semaphore_mem>>) src(%dma_wait3A_103 : memref<64x32xf32, #tpu.memory_space<vmem>>) dst(%dma_wait3A_109 : memref<50176x32xf32, #tpu.memory_space<vmem_shared>>)
      %dma_wait3A_110 = arith.constant 1 : i32
      %dma_wait3A_111 = arith.constant 1 : i32
      %dma_wait3A_112 = arith.constant 26 : i32
      %dma_wait3A_113 = arith.constant 128 : i32
      %dma_wait3A_114 = arith.constant 0 : i32
      %dma_wait3A_115 = tpu.memref_slice %arg11[%dma_wait3A_110, %dma_wait3A_113, %dma_wait3A_114] : memref<2x256x32xf32, #tpu.memory_space<vmem>> -> memref<1x64x32xf32, #tpu.memory_space<vmem>>
      %dma_wait3A_116 = tpu.memref_squeeze %dma_wait3A_115 : memref<1x64x32xf32, #tpu.memory_space<vmem>> -> memref<64x32xf32, #tpu.memory_space<vmem>>
      %dma_wait3A_117 = arith.constant 0 : i32
      %dma_wait3A_118 = tpu.memref_slice %arg10[%dma_wait3A_111, %dma_wait3A_112, %dma_wait3A_117] : memref<2x28x64xi32, #tpu.memory_space<vmem>> -> memref<1x1x64xi32, #tpu.memory_space<vmem>>
      %dma_wait3A_119 = tpu.memref_squeeze %dma_wait3A_118 : memref<1x1x64xi32, #tpu.memory_space<vmem>> -> memref<64xi32, #tpu.memory_space<vmem>>
      %dma_wait3A_120 = arith.constant 0 : i32
      %dma_wait3A_121 = arith.constant 0 : i32
      %dma_wait3A_122 = tpu.memref_slice %arg8[%dma_wait3A_120, %dma_wait3A_121] : memref<50176x32xf32, #tpu.memory_space<vmem_shared>> -> memref<50176x32xf32, #tpu.memory_space<vmem_shared>>
      tpu.wait_indirect_dma semaphore(%arg13 : memref<!tpu.dma_semaphore, #tpu.memory_space<semaphore_mem>>) src(%dma_wait3A_116 : memref<64x32xf32, #tpu.memory_space<vmem>>) dst(%dma_wait3A_122 : memref<50176x32xf32, #tpu.memory_space<vmem_shared>>)
      %dma_wait3A_123 = arith.constant 1 : i32
      %dma_wait3A_124 = arith.constant 1 : i32
      %dma_wait3A_125 = arith.constant 27 : i32
      %dma_wait3A_126 = arith.constant 192 : i32
      %dma_wait3A_127 = arith.constant 0 : i32
      %dma_wait3A_128 = tpu.memref_slice %arg11[%dma_wait3A_123, %dma_wait3A_126, %dma_wait3A_127] : memref<2x256x32xf32, #tpu.memory_space<vmem>> -> memref<1x64x32xf32, #tpu.memory_space<vmem>>
      %dma_wait3A_129 = tpu.memref_squeeze %dma_wait3A_128 : memref<1x64x32xf32, #tpu.memory_space<vmem>> -> memref<64x32xf32, #tpu.memory_space<vmem>>
      %dma_wait3A_130 = arith.constant 0 : i32
      %dma_wait3A_131 = tpu.memref_slice %arg10[%dma_wait3A_124, %dma_wait3A_125, %dma_wait3A_130] : memref<2x28x64xi32, #tpu.memory_space<vmem>> -> memref<1x1x64xi32, #tpu.memory_space<vmem>>
      %dma_wait3A_132 = tpu.memref_squeeze %dma_wait3A_131 : memref<1x1x64xi32, #tpu.memory_space<vmem>> -> memref<64xi32, #tpu.memory_space<vmem>>
      %dma_wait3A_133 = arith.constant 0 : i32
      %dma_wait3A_134 = arith.constant 0 : i32
      %dma_wait3A_135 = tpu.memref_slice %arg8[%dma_wait3A_133, %dma_wait3A_134] : memref<50176x32xf32, #tpu.memory_space<vmem_shared>> -> memref<50176x32xf32, #tpu.memory_space<vmem_shared>>
      tpu.wait_indirect_dma semaphore(%arg13 : memref<!tpu.dma_semaphore, #tpu.memory_space<semaphore_mem>>) src(%dma_wait3A_129 : memref<64x32xf32, #tpu.memory_space<vmem>>) dst(%dma_wait3A_135 : memref<50176x32xf32, #tpu.memory_space<vmem_shared>>)
    } else {
    }
    %barrier3A_8 = arith.constant 0 : index
    tpu.barrier barrier_id(%barrier3A_8)
    %eq3A_9 = arith.constant 0 : i32
    %eq3A_10 = arith.cmpi eq, %arg0, %eq3A_9 : i32
    %convert_element_type3A_11 = arith.extui %eq3A_10 : i1 to i32
    %cond3A_12 = arith.constant 0 : i32
    %cond3A_13 = arith.cmpi ne, %convert_element_type3A_11, %cond3A_12 : i32
    scf.if %cond3A_13 {
      %mul3A_19 = arith.constant 3136 : i32
      %mul3A_20 = arith.muli %arg1, %mul3A_19 : i32
      %mul3A_21 = arith.constant 3136 : i32
      %mul3A_22 = arith.muli %arg1, %mul3A_21 : i32
      %run_scoped3A = arith.constant 0 : i32
      "tpu.region"() ({
        %run_scoped3A_23 = tpu.sem_alloc : memref<!tpu.dma_semaphore, #tpu.memory_space<semaphore_mem>>
        %dma_start3A = arith.constant 0 : i32
        %dma_start3A_24 = tpu.memref_slice %arg7[%run_scoped3A, %mul3A_22, %dma_start3A] : memref<2x50176x32xf32, #tpu.memory_space<hbm>> -> memref<1x3136x32xf32, #tpu.memory_space<hbm>>
        %dma_start3A_25 = tpu.memref_squeeze %dma_start3A_24 : memref<1x3136x32xf32, #tpu.memory_space<hbm>> -> memref<3136x32xf32, #tpu.memory_space<hbm>>
        %dma_start3A_26 = arith.constant 0 : i32
        %dma_start3A_27 = tpu.memref_slice %arg8[%mul3A_20, %dma_start3A_26] : memref<50176x32xf32, #tpu.memory_space<vmem_shared>> -> memref<3136x32xf32, #tpu.memory_space<vmem_shared>>
        tpu.enqueue_dma source(%dma_start3A_27 : memref<3136x32xf32, #tpu.memory_space<vmem_shared>>) target(%dma_start3A_25 : memref<3136x32xf32, #tpu.memory_space<hbm>>) target_semaphore(%run_scoped3A_23 : memref<!tpu.dma_semaphore, #tpu.memory_space<semaphore_mem>>)
        %dma_wait3A = arith.constant 0 : i32
        %dma_wait3A_28 = tpu.memref_slice %arg7[%run_scoped3A, %mul3A_22, %dma_wait3A] : memref<2x50176x32xf32, #tpu.memory_space<hbm>> -> memref<1x3136x32xf32, #tpu.memory_space<hbm>>
        %dma_wait3A_29 = tpu.memref_squeeze %dma_wait3A_28 : memref<1x3136x32xf32, #tpu.memory_space<hbm>> -> memref<3136x32xf32, #tpu.memory_space<hbm>>
        %dma_wait3A_30 = arith.constant 0 : i32
        %dma_wait3A_31 = tpu.memref_slice %arg8[%mul3A_20, %dma_wait3A_30] : memref<50176x32xf32, #tpu.memory_space<vmem_shared>> -> memref<3136x32xf32, #tpu.memory_space<vmem_shared>>
        tpu.wait_dma2 semaphore(%run_scoped3A_23 : memref<!tpu.dma_semaphore, #tpu.memory_space<semaphore_mem>>) src(%dma_wait3A_31 : memref<3136x32xf32, #tpu.memory_space<vmem_shared>>) dst(%dma_wait3A_29 : memref<3136x32xf32, #tpu.memory_space<hbm>>)
        tpu.yield
      }) : () -> ()
    } else {
    }
    %eq3A_14 = arith.constant 1 : i32
    %eq3A_15 = arith.cmpi eq, %arg0, %eq3A_14 : i32
    %convert_element_type3A_16 = arith.extui %eq3A_15 : i1 to i32
    %cond3A_17 = arith.constant 0 : i32
    %cond3A_18 = arith.cmpi ne, %convert_element_type3A_16, %cond3A_17 : i32
    scf.if %cond3A_18 {
      %mul3A_19 = arith.constant 3136 : i32
      %mul3A_20 = arith.muli %arg1, %mul3A_19 : i32
      %mul3A_21 = arith.constant 3136 : i32
      %mul3A_22 = arith.muli %arg1, %mul3A_21 : i32
      %run_scoped3A = arith.constant 1 : i32
      "tpu.region"() ({
        %run_scoped3A_23 = tpu.sem_alloc : memref<!tpu.dma_semaphore, #tpu.memory_space<semaphore_mem>>
        %dma_start3A = arith.constant 0 : i32
        %dma_start3A_24 = tpu.memref_slice %arg7[%run_scoped3A, %mul3A_22, %dma_start3A] : memref<2x50176x32xf32, #tpu.memory_space<hbm>> -> memref<1x3136x32xf32, #tpu.memory_space<hbm>>
        %dma_start3A_25 = tpu.memref_squeeze %dma_start3A_24 : memref<1x3136x32xf32, #tpu.memory_space<hbm>> -> memref<3136x32xf32, #tpu.memory_space<hbm>>
        %dma_start3A_26 = arith.constant 0 : i32
        %dma_start3A_27 = tpu.memref_slice %arg8[%mul3A_20, %dma_start3A_26] : memref<50176x32xf32, #tpu.memory_space<vmem_shared>> -> memref<3136x32xf32, #tpu.memory_space<vmem_shared>>
        tpu.enqueue_dma source(%dma_start3A_27 : memref<3136x32xf32, #tpu.memory_space<vmem_shared>>) target(%dma_start3A_25 : memref<3136x32xf32, #tpu.memory_space<hbm>>) target_semaphore(%run_scoped3A_23 : memref<!tpu.dma_semaphore, #tpu.memory_space<semaphore_mem>>)
        %dma_wait3A = arith.constant 0 : i32
        %dma_wait3A_28 = tpu.memref_slice %arg7[%run_scoped3A, %mul3A_22, %dma_wait3A] : memref<2x50176x32xf32, #tpu.memory_space<hbm>> -> memref<1x3136x32xf32, #tpu.memory_space<hbm>>
        %dma_wait3A_29 = tpu.memref_squeeze %dma_wait3A_28 : memref<1x3136x32xf32, #tpu.memory_space<hbm>> -> memref<3136x32xf32, #tpu.memory_space<hbm>>
        %dma_wait3A_30 = arith.constant 0 : i32
        %dma_wait3A_31 = tpu.memref_slice %arg8[%mul3A_20, %dma_wait3A_30] : memref<50176x32xf32, #tpu.memory_space<vmem_shared>> -> memref<3136x32xf32, #tpu.memory_space<vmem_shared>>
        tpu.wait_dma2 semaphore(%run_scoped3A_23 : memref<!tpu.dma_semaphore, #tpu.memory_space<semaphore_mem>>) src(%dma_wait3A_31 : memref<3136x32xf32, #tpu.memory_space<vmem_shared>>) dst(%dma_wait3A_29 : memref<3136x32xf32, #tpu.memory_space<hbm>>)
        tpu.yield
      }) : () -> ()
    } else {
    }
    return
  }
}

#map = affine_map<(d0, d1) -> (0, 0)>
#map1 = affine_map<(d0, d1) -> (0, 0, 0)>
module attributes {stable_mosaic.version = 14 : i64} {
  func.func @_sc_body(%arg0: i32, %arg1: i32, %arg2: memref<200000x32xf32, #tpu.memory_space<hbm>>, %arg3: memref<200000x32xf32, #tpu.memory_space<hbm>>, %arg4: memref<12544x64xi32, #tpu.memory_space<hbm>>, %arg5: memref<12544x64xi32, #tpu.memory_space<hbm>>, %arg6: memref<3136x32xf32, #tpu.memory_space<hbm>>, %arg7: memref<2x50176x32xf32, #tpu.memory_space<hbm>>, %arg8: memref<50176x32xf32, #tpu.memory_space<vmem_shared>>, %arg9: memref<2x28x64xi32, #tpu.memory_space<vmem>>, %arg10: memref<2x28x64xi32, #tpu.memory_space<vmem>>, %arg11: memref<2x256x32xf32, #tpu.memory_space<vmem>>, %arg12: memref<!tpu.dma_semaphore, #tpu.memory_space<semaphore_mem>>, %arg13: memref<!tpu.dma_semaphore, #tpu.memory_space<semaphore_mem>>) attributes {dimension_semantics = [#tpu.dimension_semantics<core_parallel>, #tpu.dimension_semantics<subcore_parallel>], iteration_bounds = array<i64: 2, 16>, scalar_prefetch = 0 : i64, scratch_operands = 6 : i64, tpu.core_type = #tpu.core_type<sc_vector_subcore>, window_params = [{transform_indices = #map}, {transform_indices = #map}, {transform_indices = #map}, {transform_indices = #map}, {transform_indices = #map}, {transform_indices = #map1}]} {
    %mul3A = arith.constant 3136 : i32
    %mul3A_0 = arith.muli %arg1, %mul3A : i32
    "tpu.region"() ({
      %run_scoped3A = tpu.sem_alloc : memref<!tpu.dma_semaphore, #tpu.memory_space<semaphore_mem>>
      %dma_start3A = arith.constant 0 : i32
      %dma_start3A_19 = tpu.memref_slice %arg8[%mul3A_0, %dma_start3A] : memref<50176x32xf32, #tpu.memory_space<vmem_shared>> -> memref<3136x32xf32, #tpu.memory_space<vmem_shared>>
      tpu.enqueue_dma source(%arg6 : memref<3136x32xf32, #tpu.memory_space<hbm>>) target(%dma_start3A_19 : memref<3136x32xf32, #tpu.memory_space<vmem_shared>>) target_semaphore(%run_scoped3A : memref<!tpu.dma_semaphore, #tpu.memory_space<semaphore_mem>>)
      %dma_wait3A = arith.constant 0 : i32
      %dma_wait3A_20 = tpu.memref_slice %arg8[%mul3A_0, %dma_wait3A] : memref<50176x32xf32, #tpu.memory_space<vmem_shared>> -> memref<3136x32xf32, #tpu.memory_space<vmem_shared>>
      tpu.wait_dma2 semaphore(%run_scoped3A : memref<!tpu.dma_semaphore, #tpu.memory_space<semaphore_mem>>) src(%arg6 : memref<3136x32xf32, #tpu.memory_space<hbm>>) dst(%dma_wait3A_20 : memref<3136x32xf32, #tpu.memory_space<vmem_shared>>)
      tpu.yield
    }) : () -> ()
    %barrier3A = arith.constant 0 : index
    tpu.barrier barrier_id(%barrier3A)
    %eq3A = arith.constant 0 : i32
    %eq3A_1 = arith.cmpi eq, %arg0, %eq3A : i32
    %convert_element_type3A = arith.extui %eq3A_1 : i1 to i32
    %cond3A = arith.constant 0 : i32
    %cond3A_2 = arith.cmpi ne, %convert_element_type3A, %cond3A : i32
    scf.if %cond3A_2 {
      %mul3A_19 = arith.constant 784 : i32
      %mul3A_20 = arith.muli %arg1, %mul3A_19 : i32
      %add3A = arith.constant 0 : i32
      %add3A_21 = arith.addi %mul3A_20, %add3A : i32
      %run_scoped3A = arith.constant 0 : i32
      "tpu.region"() ({
        %run_scoped3A_136 = tpu.sem_alloc : memref<!tpu.dma_semaphore, #tpu.memory_space<semaphore_mem>>
        %dma_start3A_137 = arith.constant 0 : i32
        %dma_start3A_138 = arith.constant 0 : i32
        %dma_start3A_139 = tpu.memref_slice %arg9[%run_scoped3A, %dma_start3A_137, %dma_start3A_138] : memref<2x28x64xi32, #tpu.memory_space<vmem>> -> memref<1x28x64xi32, #tpu.memory_space<vmem>>
        %dma_start3A_140 = tpu.memref_squeeze %dma_start3A_139 : memref<1x28x64xi32, #tpu.memory_space<vmem>> -> memref<28x64xi32, #tpu.memory_space<vmem>>
        %dma_start3A_141 = arith.constant 0 : i32
        %dma_start3A_142 = tpu.memref_slice %arg4[%add3A_21, %dma_start3A_141] : memref<12544x64xi32, #tpu.memory_space<hbm>> -> memref<28x64xi32, #tpu.memory_space<hbm>>
        %dma_start3A_143 = arith.constant 0 : i32
        %dma_start3A_144 = arith.constant 0 : i32
        %dma_start3A_145 = tpu.memref_slice %arg9[%run_scoped3A, %dma_start3A_143, %dma_start3A_144] : memref<2x28x64xi32, #tpu.memory_space<vmem>> -> memref<1x28x64xi32, #tpu.memory_space<vmem>>
        %dma_start3A_146 = tpu.memref_squeeze %dma_start3A_145 : memref<1x28x64xi32, #tpu.memory_space<vmem>> -> memref<28x64xi32, #tpu.memory_space<vmem>>
        %dma_start3A_147 = arith.constant 0 : i32
        %dma_start3A_148 = tpu.memref_slice %arg4[%add3A_21, %dma_start3A_147] : memref<12544x64xi32, #tpu.memory_space<hbm>> -> memref<28x64xi32, #tpu.memory_space<hbm>>
        tpu.enqueue_dma source(%dma_start3A_148 : memref<28x64xi32, #tpu.memory_space<hbm>>) target(%dma_start3A_146 : memref<28x64xi32, #tpu.memory_space<vmem>>) target_semaphore(%run_scoped3A_136 : memref<!tpu.dma_semaphore, #tpu.memory_space<semaphore_mem>>)
        %dma_wait3A_149 = arith.constant 0 : i32
        %dma_wait3A_150 = arith.constant 0 : i32
        %dma_wait3A_151 = tpu.memref_slice %arg9[%run_scoped3A, %dma_wait3A_149, %dma_wait3A_150] : memref<2x28x64xi32, #tpu.memory_space<vmem>> -> memref<1x28x64xi32, #tpu.memory_space<vmem>>
        %dma_wait3A_152 = tpu.memref_squeeze %dma_wait3A_151 : memref<1x28x64xi32, #tpu.memory_space<vmem>> -> memref<28x64xi32, #tpu.memory_space<vmem>>
        %dma_wait3A_153 = arith.constant 0 : i32
        %dma_wait3A_154 = tpu.memref_slice %arg4[%add3A_21, %dma_wait3A_153] : memref<12544x64xi32, #tpu.memory_space<hbm>> -> memref<28x64xi32, #tpu.memory_space<hbm>>
        %dma_wait3A_155 = arith.constant 0 : i32
        %dma_wait3A_156 = arith.constant 0 : i32
        %dma_wait3A_157 = tpu.memref_slice %arg9[%run_scoped3A, %dma_wait3A_155, %dma_wait3A_156] : memref<2x28x64xi32, #tpu.memory_space<vmem>> -> memref<1x28x64xi32, #tpu.memory_space<vmem>>
        %dma_wait3A_158 = tpu.memref_squeeze %dma_wait3A_157 : memref<1x28x64xi32, #tpu.memory_space<vmem>> -> memref<28x64xi32, #tpu.memory_space<vmem>>
        %dma_wait3A_159 = arith.constant 0 : i32
        %dma_wait3A_160 = tpu.memref_slice %arg4[%add3A_21, %dma_wait3A_159] : memref<12544x64xi32, #tpu.memory_space<hbm>> -> memref<28x64xi32, #tpu.memory_space<hbm>>
        tpu.wait_dma2 semaphore(%run_scoped3A_136 : memref<!tpu.dma_semaphore, #tpu.memory_space<semaphore_mem>>) src(%dma_wait3A_160 : memref<28x64xi32, #tpu.memory_space<hbm>>) dst(%dma_wait3A_158 : memref<28x64xi32, #tpu.memory_space<vmem>>)
        tpu.yield
      }) : () -> ()
      %run_scoped3A_22 = arith.constant 0 : i32
      "tpu.region"() ({
        %run_scoped3A_136 = tpu.sem_alloc : memref<!tpu.dma_semaphore, #tpu.memory_space<semaphore_mem>>
        %dma_start3A_137 = arith.constant 0 : i32
        %dma_start3A_138 = arith.constant 0 : i32
        %dma_start3A_139 = tpu.memref_slice %arg10[%run_scoped3A_22, %dma_start3A_137, %dma_start3A_138] : memref<2x28x64xi32, #tpu.memory_space<vmem>> -> memref<1x28x64xi32, #tpu.memory_space<vmem>>
        %dma_start3A_140 = tpu.memref_squeeze %dma_start3A_139 : memref<1x28x64xi32, #tpu.memory_space<vmem>> -> memref<28x64xi32, #tpu.memory_space<vmem>>
        %dma_start3A_141 = arith.constant 0 : i32
        %dma_start3A_142 = tpu.memref_slice %arg5[%add3A_21, %dma_start3A_141] : memref<12544x64xi32, #tpu.memory_space<hbm>> -> memref<28x64xi32, #tpu.memory_space<hbm>>
        %dma_start3A_143 = arith.constant 0 : i32
        %dma_start3A_144 = arith.constant 0 : i32
        %dma_start3A_145 = tpu.memref_slice %arg10[%run_scoped3A_22, %dma_start3A_143, %dma_start3A_144] : memref<2x28x64xi32, #tpu.memory_space<vmem>> -> memref<1x28x64xi32, #tpu.memory_space<vmem>>
        %dma_start3A_146 = tpu.memref_squeeze %dma_start3A_145 : memref<1x28x64xi32, #tpu.memory_space<vmem>> -> memref<28x64xi32, #tpu.memory_space<vmem>>
        %dma_start3A_147 = arith.constant 0 : i32
        %dma_start3A_148 = tpu.memref_slice %arg5[%add3A_21, %dma_start3A_147] : memref<12544x64xi32, #tpu.memory_space<hbm>> -> memref<28x64xi32, #tpu.memory_space<hbm>>
        tpu.enqueue_dma source(%dma_start3A_148 : memref<28x64xi32, #tpu.memory_space<hbm>>) target(%dma_start3A_146 : memref<28x64xi32, #tpu.memory_space<vmem>>) target_semaphore(%run_scoped3A_136 : memref<!tpu.dma_semaphore, #tpu.memory_space<semaphore_mem>>)
        %dma_wait3A_149 = arith.constant 0 : i32
        %dma_wait3A_150 = arith.constant 0 : i32
        %dma_wait3A_151 = tpu.memref_slice %arg10[%run_scoped3A_22, %dma_wait3A_149, %dma_wait3A_150] : memref<2x28x64xi32, #tpu.memory_space<vmem>> -> memref<1x28x64xi32, #tpu.memory_space<vmem>>
        %dma_wait3A_152 = tpu.memref_squeeze %dma_wait3A_151 : memref<1x28x64xi32, #tpu.memory_space<vmem>> -> memref<28x64xi32, #tpu.memory_space<vmem>>
        %dma_wait3A_153 = arith.constant 0 : i32
        %dma_wait3A_154 = tpu.memref_slice %arg5[%add3A_21, %dma_wait3A_153] : memref<12544x64xi32, #tpu.memory_space<hbm>> -> memref<28x64xi32, #tpu.memory_space<hbm>>
        %dma_wait3A_155 = arith.constant 0 : i32
        %dma_wait3A_156 = arith.constant 0 : i32
        %dma_wait3A_157 = tpu.memref_slice %arg10[%run_scoped3A_22, %dma_wait3A_155, %dma_wait3A_156] : memref<2x28x64xi32, #tpu.memory_space<vmem>> -> memref<1x28x64xi32, #tpu.memory_space<vmem>>
        %dma_wait3A_158 = tpu.memref_squeeze %dma_wait3A_157 : memref<1x28x64xi32, #tpu.memory_space<vmem>> -> memref<28x64xi32, #tpu.memory_space<vmem>>
        %dma_wait3A_159 = arith.constant 0 : i32
        %dma_wait3A_160 = tpu.memref_slice %arg5[%add3A_21, %dma_wait3A_159] : memref<12544x64xi32, #tpu.memory_space<hbm>> -> memref<28x64xi32, #tpu.memory_space<hbm>>
        tpu.wait_dma2 semaphore(%run_scoped3A_136 : memref<!tpu.dma_semaphore, #tpu.memory_space<semaphore_mem>>) src(%dma_wait3A_160 : memref<28x64xi32, #tpu.memory_space<hbm>>) dst(%dma_wait3A_158 : memref<28x64xi32, #tpu.memory_space<vmem>>)
        tpu.yield
      }) : () -> ()
      %mul3A_23 = arith.constant 784 : i32
      %mul3A_24 = arith.muli %arg1, %mul3A_23 : i32
      %add3A_25 = arith.constant 28 : i32
      %add3A_26 = arith.addi %mul3A_24, %add3A_25 : i32
      %run_scoped3A_27 = arith.constant 1 : i32
      "tpu.region"() ({
        %run_scoped3A_136 = tpu.sem_alloc : memref<!tpu.dma_semaphore, #tpu.memory_space<semaphore_mem>>
        %dma_start3A_137 = arith.constant 0 : i32
        %dma_start3A_138 = arith.constant 0 : i32
        %dma_start3A_139 = tpu.memref_slice %arg9[%run_scoped3A_27, %dma_start3A_137, %dma_start3A_138] : memref<2x28x64xi32, #tpu.memory_space<vmem>> -> memref<1x28x64xi32, #tpu.memory_space<vmem>>
        %dma_start3A_140 = tpu.memref_squeeze %dma_start3A_139 : memref<1x28x64xi32, #tpu.memory_space<vmem>> -> memref<28x64xi32, #tpu.memory_space<vmem>>
        %dma_start3A_141 = arith.constant 0 : i32
        %dma_start3A_142 = tpu.memref_slice %arg4[%add3A_26, %dma_start3A_141] : memref<12544x64xi32, #tpu.memory_space<hbm>> -> memref<28x64xi32, #tpu.memory_space<hbm>>
        %dma_start3A_143 = arith.constant 0 : i32
        %dma_start3A_144 = arith.constant 0 : i32
        %dma_start3A_145 = tpu.memref_slice %arg9[%run_scoped3A_27, %dma_start3A_143, %dma_start3A_144] : memref<2x28x64xi32, #tpu.memory_space<vmem>> -> memref<1x28x64xi32, #tpu.memory_space<vmem>>
        %dma_start3A_146 = tpu.memref_squeeze %dma_start3A_145 : memref<1x28x64xi32, #tpu.memory_space<vmem>> -> memref<28x64xi32, #tpu.memory_space<vmem>>
        %dma_start3A_147 = arith.constant 0 : i32
        %dma_start3A_148 = tpu.memref_slice %arg4[%add3A_26, %dma_start3A_147] : memref<12544x64xi32, #tpu.memory_space<hbm>> -> memref<28x64xi32, #tpu.memory_space<hbm>>
        tpu.enqueue_dma source(%dma_start3A_148 : memref<28x64xi32, #tpu.memory_space<hbm>>) target(%dma_start3A_146 : memref<28x64xi32, #tpu.memory_space<vmem>>) target_semaphore(%run_scoped3A_136 : memref<!tpu.dma_semaphore, #tpu.memory_space<semaphore_mem>>)
        %dma_wait3A_149 = arith.constant 0 : i32
        %dma_wait3A_150 = arith.constant 0 : i32
        %dma_wait3A_151 = tpu.memref_slice %arg9[%run_scoped3A_27, %dma_wait3A_149, %dma_wait3A_150] : memref<2x28x64xi32, #tpu.memory_space<vmem>> -> memref<1x28x64xi32, #tpu.memory_space<vmem>>
        %dma_wait3A_152 = tpu.memref_squeeze %dma_wait3A_151 : memref<1x28x64xi32, #tpu.memory_space<vmem>> -> memref<28x64xi32, #tpu.memory_space<vmem>>
        %dma_wait3A_153 = arith.constant 0 : i32
        %dma_wait3A_154 = tpu.memref_slice %arg4[%add3A_26, %dma_wait3A_153] : memref<12544x64xi32, #tpu.memory_space<hbm>> -> memref<28x64xi32, #tpu.memory_space<hbm>>
        %dma_wait3A_155 = arith.constant 0 : i32
        %dma_wait3A_156 = arith.constant 0 : i32
        %dma_wait3A_157 = tpu.memref_slice %arg9[%run_scoped3A_27, %dma_wait3A_155, %dma_wait3A_156] : memref<2x28x64xi32, #tpu.memory_space<vmem>> -> memref<1x28x64xi32, #tpu.memory_space<vmem>>
        %dma_wait3A_158 = tpu.memref_squeeze %dma_wait3A_157 : memref<1x28x64xi32, #tpu.memory_space<vmem>> -> memref<28x64xi32, #tpu.memory_space<vmem>>
        %dma_wait3A_159 = arith.constant 0 : i32
        %dma_wait3A_160 = tpu.memref_slice %arg4[%add3A_26, %dma_wait3A_159] : memref<12544x64xi32, #tpu.memory_space<hbm>> -> memref<28x64xi32, #tpu.memory_space<hbm>>
        tpu.wait_dma2 semaphore(%run_scoped3A_136 : memref<!tpu.dma_semaphore, #tpu.memory_space<semaphore_mem>>) src(%dma_wait3A_160 : memref<28x64xi32, #tpu.memory_space<hbm>>) dst(%dma_wait3A_158 : memref<28x64xi32, #tpu.memory_space<vmem>>)
        tpu.yield
      }) : () -> ()
      %run_scoped3A_28 = arith.constant 1 : i32
      "tpu.region"() ({
        %run_scoped3A_136 = tpu.sem_alloc : memref<!tpu.dma_semaphore, #tpu.memory_space<semaphore_mem>>
        %dma_start3A_137 = arith.constant 0 : i32
        %dma_start3A_138 = arith.constant 0 : i32
        %dma_start3A_139 = tpu.memref_slice %arg10[%run_scoped3A_28, %dma_start3A_137, %dma_start3A_138] : memref<2x28x64xi32, #tpu.memory_space<vmem>> -> memref<1x28x64xi32, #tpu.memory_space<vmem>>
        %dma_start3A_140 = tpu.memref_squeeze %dma_start3A_139 : memref<1x28x64xi32, #tpu.memory_space<vmem>> -> memref<28x64xi32, #tpu.memory_space<vmem>>
        %dma_start3A_141 = arith.constant 0 : i32
        %dma_start3A_142 = tpu.memref_slice %arg5[%add3A_26, %dma_start3A_141] : memref<12544x64xi32, #tpu.memory_space<hbm>> -> memref<28x64xi32, #tpu.memory_space<hbm>>
        %dma_start3A_143 = arith.constant 0 : i32
        %dma_start3A_144 = arith.constant 0 : i32
        %dma_start3A_145 = tpu.memref_slice %arg10[%run_scoped3A_28, %dma_start3A_143, %dma_start3A_144] : memref<2x28x64xi32, #tpu.memory_space<vmem>> -> memref<1x28x64xi32, #tpu.memory_space<vmem>>
        %dma_start3A_146 = tpu.memref_squeeze %dma_start3A_145 : memref<1x28x64xi32, #tpu.memory_space<vmem>> -> memref<28x64xi32, #tpu.memory_space<vmem>>
        %dma_start3A_147 = arith.constant 0 : i32
        %dma_start3A_148 = tpu.memref_slice %arg5[%add3A_26, %dma_start3A_147] : memref<12544x64xi32, #tpu.memory_space<hbm>> -> memref<28x64xi32, #tpu.memory_space<hbm>>
        tpu.enqueue_dma source(%dma_start3A_148 : memref<28x64xi32, #tpu.memory_space<hbm>>) target(%dma_start3A_146 : memref<28x64xi32, #tpu.memory_space<vmem>>) target_semaphore(%run_scoped3A_136 : memref<!tpu.dma_semaphore, #tpu.memory_space<semaphore_mem>>)
        %dma_wait3A_149 = arith.constant 0 : i32
        %dma_wait3A_150 = arith.constant 0 : i32
        %dma_wait3A_151 = tpu.memref_slice %arg10[%run_scoped3A_28, %dma_wait3A_149, %dma_wait3A_150] : memref<2x28x64xi32, #tpu.memory_space<vmem>> -> memref<1x28x64xi32, #tpu.memory_space<vmem>>
        %dma_wait3A_152 = tpu.memref_squeeze %dma_wait3A_151 : memref<1x28x64xi32, #tpu.memory_space<vmem>> -> memref<28x64xi32, #tpu.memory_space<vmem>>
        %dma_wait3A_153 = arith.constant 0 : i32
        %dma_wait3A_154 = tpu.memref_slice %arg5[%add3A_26, %dma_wait3A_153] : memref<12544x64xi32, #tpu.memory_space<hbm>> -> memref<28x64xi32, #tpu.memory_space<hbm>>
        %dma_wait3A_155 = arith.constant 0 : i32
        %dma_wait3A_156 = arith.constant 0 : i32
        %dma_wait3A_157 = tpu.memref_slice %arg10[%run_scoped3A_28, %dma_wait3A_155, %dma_wait3A_156] : memref<2x28x64xi32, #tpu.memory_space<vmem>> -> memref<1x28x64xi32, #tpu.memory_space<vmem>>
        %dma_wait3A_158 = tpu.memref_squeeze %dma_wait3A_157 : memref<1x28x64xi32, #tpu.memory_space<vmem>> -> memref<28x64xi32, #tpu.memory_space<vmem>>
        %dma_wait3A_159 = arith.constant 0 : i32
        %dma_wait3A_160 = tpu.memref_slice %arg5[%add3A_26, %dma_wait3A_159] : memref<12544x64xi32, #tpu.memory_space<hbm>> -> memref<28x64xi32, #tpu.memory_space<hbm>>
        tpu.wait_dma2 semaphore(%run_scoped3A_136 : memref<!tpu.dma_semaphore, #tpu.memory_space<semaphore_mem>>) src(%dma_wait3A_160 : memref<28x64xi32, #tpu.memory_space<hbm>>) dst(%dma_wait3A_158 : memref<28x64xi32, #tpu.memory_space<vmem>>)
        tpu.yield
      }) : () -> ()
      %dma_start3A = arith.constant 0 : i32
      %dma_start3A_29 = arith.constant 0 : i32
      %dma_start3A_30 = arith.constant 0 : i32
      %dma_start3A_31 = arith.constant 0 : i32
      %dma_start3A_32 = arith.constant 0 : i32
      %dma_start3A_33 = tpu.memref_slice %arg11[%dma_start3A_30, %dma_start3A_31, %dma_start3A_32] : memref<2x256x32xf32, #tpu.memory_space<vmem>> -> memref<1x64x32xf32, #tpu.memory_space<vmem>>
      %dma_start3A_34 = tpu.memref_squeeze %dma_start3A_33 : memref<1x64x32xf32, #tpu.memory_space<vmem>> -> memref<64x32xf32, #tpu.memory_space<vmem>>
      %dma_start3A_35 = arith.constant 0 : i32
      %dma_start3A_36 = tpu.memref_slice %arg9[%dma_start3A, %dma_start3A_29, %dma_start3A_35] : memref<2x28x64xi32, #tpu.memory_space<vmem>> -> memref<1x1x64xi32, #tpu.memory_space<vmem>>
      %dma_start3A_37 = tpu.memref_squeeze %dma_start3A_36 : memref<1x1x64xi32, #tpu.memory_space<vmem>> -> memref<64xi32, #tpu.memory_space<vmem>>
      %dma_start3A_38 = arith.constant 0 : i32
      %dma_start3A_39 = arith.constant 0 : i32
      %dma_start3A_40 = tpu.memref_slice %arg2[%dma_start3A_38, %dma_start3A_39] : memref<200000x32xf32, #tpu.memory_space<hbm>> -> memref<200000x32xf32, #tpu.memory_space<hbm>>
      tpu.enqueue_indirect_dma source(%dma_start3A_40 : memref<200000x32xf32, #tpu.memory_space<hbm>>) target(%dma_start3A_34 : memref<64x32xf32, #tpu.memory_space<vmem>>) offsets(%dma_start3A_37 : memref<64xi32, #tpu.memory_space<vmem>>) semaphore(%arg12 : memref<!tpu.dma_semaphore, #tpu.memory_space<semaphore_mem>>)
      %dma_start3A_41 = arith.constant 0 : i32
      %dma_start3A_42 = arith.constant 1 : i32
      %dma_start3A_43 = arith.constant 0 : i32
      %dma_start3A_44 = arith.constant 64 : i32
      %dma_start3A_45 = arith.constant 0 : i32
      %dma_start3A_46 = tpu.memref_slice %arg11[%dma_start3A_43, %dma_start3A_44, %dma_start3A_45] : memref<2x256x32xf32, #tpu.memory_space<vmem>> -> memref<1x64x32xf32, #tpu.memory_space<vmem>>
      %dma_start3A_47 = tpu.memref_squeeze %dma_start3A_46 : memref<1x64x32xf32, #tpu.memory_space<vmem>> -> memref<64x32xf32, #tpu.memory_space<vmem>>
      %dma_start3A_48 = arith.constant 0 : i32
      %dma_start3A_49 = tpu.memref_slice %arg9[%dma_start3A_41, %dma_start3A_42, %dma_start3A_48] : memref<2x28x64xi32, #tpu.memory_space<vmem>> -> memref<1x1x64xi32, #tpu.memory_space<vmem>>
      %dma_start3A_50 = tpu.memref_squeeze %dma_start3A_49 : memref<1x1x64xi32, #tpu.memory_space<vmem>> -> memref<64xi32, #tpu.memory_space<vmem>>
      %dma_start3A_51 = arith.constant 0 : i32
      %dma_start3A_52 = arith.constant 0 : i32
      %dma_start3A_53 = tpu.memref_slice %arg2[%dma_start3A_51, %dma_start3A_52] : memref<200000x32xf32, #tpu.memory_space<hbm>> -> memref<200000x32xf32, #tpu.memory_space<hbm>>
      tpu.enqueue_indirect_dma source(%dma_start3A_53 : memref<200000x32xf32, #tpu.memory_space<hbm>>) target(%dma_start3A_47 : memref<64x32xf32, #tpu.memory_space<vmem>>) offsets(%dma_start3A_50 : memref<64xi32, #tpu.memory_space<vmem>>) semaphore(%arg12 : memref<!tpu.dma_semaphore, #tpu.memory_space<semaphore_mem>>)
      %dma_start3A_54 = arith.constant 0 : i32
      %dma_start3A_55 = arith.constant 2 : i32
      %dma_start3A_56 = arith.constant 0 : i32
      %dma_start3A_57 = arith.constant 128 : i32
      %dma_start3A_58 = arith.constant 0 : i32
      %dma_start3A_59 = tpu.memref_slice %arg11[%dma_start3A_56, %dma_start3A_57, %dma_start3A_58] : memref<2x256x32xf32, #tpu.memory_space<vmem>> -> memref<1x64x32xf32, #tpu.memory_space<vmem>>
      %dma_start3A_60 = tpu.memref_squeeze %dma_start3A_59 : memref<1x64x32xf32, #tpu.memory_space<vmem>> -> memref<64x32xf32, #tpu.memory_space<vmem>>
      %dma_start3A_61 = arith.constant 0 : i32
      %dma_start3A_62 = tpu.memref_slice %arg9[%dma_start3A_54, %dma_start3A_55, %dma_start3A_61] : memref<2x28x64xi32, #tpu.memory_space<vmem>> -> memref<1x1x64xi32, #tpu.memory_space<vmem>>
      %dma_start3A_63 = tpu.memref_squeeze %dma_start3A_62 : memref<1x1x64xi32, #tpu.memory_space<vmem>> -> memref<64xi32, #tpu.memory_space<vmem>>
      %dma_start3A_64 = arith.constant 0 : i32
      %dma_start3A_65 = arith.constant 0 : i32
      %dma_start3A_66 = tpu.memref_slice %arg2[%dma_start3A_64, %dma_start3A_65] : memref<200000x32xf32, #tpu.memory_space<hbm>> -> memref<200000x32xf32, #tpu.memory_space<hbm>>
      tpu.enqueue_indirect_dma source(%dma_start3A_66 : memref<200000x32xf32, #tpu.memory_space<hbm>>) target(%dma_start3A_60 : memref<64x32xf32, #tpu.memory_space<vmem>>) offsets(%dma_start3A_63 : memref<64xi32, #tpu.memory_space<vmem>>) semaphore(%arg12 : memref<!tpu.dma_semaphore, #tpu.memory_space<semaphore_mem>>)
      %dma_start3A_67 = arith.constant 0 : i32
      %dma_start3A_68 = arith.constant 3 : i32
      %dma_start3A_69 = arith.constant 0 : i32
      %dma_start3A_70 = arith.constant 192 : i32
      %dma_start3A_71 = arith.constant 0 : i32
      %dma_start3A_72 = tpu.memref_slice %arg11[%dma_start3A_69, %dma_start3A_70, %dma_start3A_71] : memref<2x256x32xf32, #tpu.memory_space<vmem>> -> memref<1x64x32xf32, #tpu.memory_space<vmem>>
      %dma_start3A_73 = tpu.memref_squeeze %dma_start3A_72 : memref<1x64x32xf32, #tpu.memory_space<vmem>> -> memref<64x32xf32, #tpu.memory_space<vmem>>
      %dma_start3A_74 = arith.constant 0 : i32
      %dma_start3A_75 = tpu.memref_slice %arg9[%dma_start3A_67, %dma_start3A_68, %dma_start3A_74] : memref<2x28x64xi32, #tpu.memory_space<vmem>> -> memref<1x1x64xi32, #tpu.memory_space<vmem>>
      %dma_start3A_76 = tpu.memref_squeeze %dma_start3A_75 : memref<1x1x64xi32, #tpu.memory_space<vmem>> -> memref<64xi32, #tpu.memory_space<vmem>>
      %dma_start3A_77 = arith.constant 0 : i32
      %dma_start3A_78 = arith.constant 0 : i32
      %dma_start3A_79 = tpu.memref_slice %arg2[%dma_start3A_77, %dma_start3A_78] : memref<200000x32xf32, #tpu.memory_space<hbm>> -> memref<200000x32xf32, #tpu.memory_space<hbm>>
      tpu.enqueue_indirect_dma source(%dma_start3A_79 : memref<200000x32xf32, #tpu.memory_space<hbm>>) target(%dma_start3A_73 : memref<64x32xf32, #tpu.memory_space<vmem>>) offsets(%dma_start3A_76 : memref<64xi32, #tpu.memory_space<vmem>>) semaphore(%arg12 : memref<!tpu.dma_semaphore, #tpu.memory_space<semaphore_mem>>)
      %scan3A = arith.constant 0 : i32
      %scan3A_80 = arith.constant 0 : i32
      %scan3A_81 = arith.constant 196 : i32
      %scan3A_82 = arith.addi %scan3A_80, %scan3A_81 : i32
      %scan3A_83 = arith.constant 1 : i32
      scf.for %scan3A_136 = %scan3A_80 to %scan3A_82 step %scan3A_83  : i32 {
        %jit3A = arith.constant 2 : i32
        %eq3A_137 = arith.constant 0 : i32
        %eq3A_138 = arith.cmpi eq, %jit3A, %eq3A_137 : i32
        %jit3A_139 = arith.constant 1 : i32
        %select_n3A = arith.select %eq3A_138, %jit3A_139, %jit3A : i32
        %rem3A = arith.remsi %scan3A_136, %select_n3A : i32
        %ne3A = arith.constant 0 : i32
        %ne3A_140 = arith.cmpi ne, %rem3A, %ne3A : i32
        %lt3A = arith.constant 0 : i32
        %lt3A_141 = arith.cmpi slt, %rem3A, %lt3A : i32
        %lt3A_142 = arith.constant 0 : i32
        %lt3A_143 = arith.cmpi slt, %select_n3A, %lt3A_142 : i32
        %ne3A_144 = arith.xori %lt3A_141, %lt3A_143 : i1
        %and3A = arith.andi %ne3A_144, %ne3A_140 : i1
        %add3A_145 = arith.addi %rem3A, %select_n3A : i32
        %select_n3A_146 = arith.select %and3A, %add3A_145, %rem3A : i32
        %jit3A_147 = arith.constant 7 : i32
        %div3A = arith.divsi %scan3A_136, %jit3A_147 : i32
        %sign3A = arith.constant 0 : i32
        %sign3A_148 = arith.cmpi sgt, %scan3A_136, %sign3A : i32
        %sign3A_149 = arith.extui %sign3A_148 : i1 to i32
        %sign3A_150 = arith.constant 0 : i32
        %sign3A_151 = arith.cmpi slt, %scan3A_136, %sign3A_150 : i32
        %sign3A_152 = arith.extui %sign3A_151 : i1 to i32
        %sign3A_153 = arith.subi %sign3A_149, %sign3A_152 : i32
        %sign3A_154 = arith.constant 0 : i32
        %sign3A_155 = arith.cmpi sgt, %jit3A_147, %sign3A_154 : i32
        %sign3A_156 = arith.extui %sign3A_155 : i1 to i32
        %sign3A_157 = arith.constant 0 : i32
        %sign3A_158 = arith.cmpi slt, %jit3A_147, %sign3A_157 : i32
        %sign3A_159 = arith.extui %sign3A_158 : i1 to i32
        %sign3A_160 = arith.subi %sign3A_156, %sign3A_159 : i32
        %ne3A_161 = arith.cmpi ne, %sign3A_153, %sign3A_160 : i32
        %rem3A_162 = arith.remsi %scan3A_136, %jit3A_147 : i32
        %ne3A_163 = arith.constant 0 : i32
        %ne3A_164 = arith.cmpi ne, %rem3A_162, %ne3A_163 : i32
        %and3A_165 = arith.andi %ne3A_161, %ne3A_164 : i1
        %sub3A = arith.constant 1 : i32
        %sub3A_166 = arith.subi %div3A, %sub3A : i32
        %select_n3A_167 = arith.select %and3A_165, %sub3A_166, %div3A : i32
        %jit3A_168 = arith.constant 2 : i32
        %eq3A_169 = arith.constant 0 : i32
        %eq3A_170 = arith.cmpi eq, %jit3A_168, %eq3A_169 : i32
        %jit3A_171 = arith.constant 1 : i32
        %select_n3A_172 = arith.select %eq3A_170, %jit3A_171, %jit3A_168 : i32
        %rem3A_173 = arith.remsi %select_n3A_167, %select_n3A_172 : i32
        %ne3A_174 = arith.constant 0 : i32
        %ne3A_175 = arith.cmpi ne, %rem3A_173, %ne3A_174 : i32
        %lt3A_176 = arith.constant 0 : i32
        %lt3A_177 = arith.cmpi slt, %rem3A_173, %lt3A_176 : i32
        %lt3A_178 = arith.constant 0 : i32
        %lt3A_179 = arith.cmpi slt, %select_n3A_172, %lt3A_178 : i32
        %ne3A_180 = arith.xori %lt3A_177, %lt3A_179 : i1
        %and3A_181 = arith.andi %ne3A_180, %ne3A_175 : i1
        %add3A_182 = arith.addi %rem3A_173, %select_n3A_172 : i32
        %select_n3A_183 = arith.select %and3A_181, %add3A_182, %rem3A_173 : i32
        %jit3A_184 = arith.constant 7 : i32
        %eq3A_185 = arith.constant 0 : i32
        %eq3A_186 = arith.cmpi eq, %jit3A_184, %eq3A_185 : i32
        %jit3A_187 = arith.constant 1 : i32
        %select_n3A_188 = arith.select %eq3A_186, %jit3A_187, %jit3A_184 : i32
        %rem3A_189 = arith.remsi %scan3A_136, %select_n3A_188 : i32
        %ne3A_190 = arith.constant 0 : i32
        %ne3A_191 = arith.cmpi ne, %rem3A_189, %ne3A_190 : i32
        %lt3A_192 = arith.constant 0 : i32
        %lt3A_193 = arith.cmpi slt, %rem3A_189, %lt3A_192 : i32
        %lt3A_194 = arith.constant 0 : i32
        %lt3A_195 = arith.cmpi slt, %select_n3A_188, %lt3A_194 : i32
        %ne3A_196 = arith.xori %lt3A_193, %lt3A_195 : i1
        %and3A_197 = arith.andi %ne3A_196, %ne3A_191 : i1
        %add3A_198 = arith.addi %rem3A_189, %select_n3A_188 : i32
        %select_n3A_199 = arith.select %and3A_197, %add3A_198, %rem3A_189 : i32
        %mul3A_200 = arith.constant 4 : i32
        %mul3A_201 = arith.muli %select_n3A_199, %mul3A_200 : i32
        %add3A_202 = arith.constant 0 : i32
        %add3A_203 = arith.addi %mul3A_201, %add3A_202 : i32
        %dma_wait3A_204 = arith.constant 0 : i32
        %dma_wait3A_205 = arith.constant 0 : i32
        %dma_wait3A_206 = tpu.memref_slice %arg11[%select_n3A_146, %dma_wait3A_204, %dma_wait3A_205] : memref<2x256x32xf32, #tpu.memory_space<vmem>> -> memref<1x64x32xf32, #tpu.memory_space<vmem>>
        %dma_wait3A_207 = tpu.memref_squeeze %dma_wait3A_206 : memref<1x64x32xf32, #tpu.memory_space<vmem>> -> memref<64x32xf32, #tpu.memory_space<vmem>>
        %dma_wait3A_208 = arith.constant 0 : i32
        %dma_wait3A_209 = tpu.memref_slice %arg9[%select_n3A_183, %add3A_203, %dma_wait3A_208] : memref<2x28x64xi32, #tpu.memory_space<vmem>> -> memref<1x1x64xi32, #tpu.memory_space<vmem>>
        %dma_wait3A_210 = tpu.memref_squeeze %dma_wait3A_209 : memref<1x1x64xi32, #tpu.memory_space<vmem>> -> memref<64xi32, #tpu.memory_space<vmem>>
        %dma_wait3A_211 = arith.constant 0 : i32
        %dma_wait3A_212 = arith.constant 0 : i32
        %dma_wait3A_213 = tpu.memref_slice %arg2[%dma_wait3A_211, %dma_wait3A_212] : memref<200000x32xf32, #tpu.memory_space<hbm>> -> memref<200000x32xf32, #tpu.memory_space<hbm>>
        tpu.wait_indirect_dma semaphore(%arg12 : memref<!tpu.dma_semaphore, #tpu.memory_space<semaphore_mem>>) src(%dma_wait3A_213 : memref<200000x32xf32, #tpu.memory_space<hbm>>) dst(%dma_wait3A_207 : memref<64x32xf32, #tpu.memory_space<vmem>>)
        %add3A_214 = arith.constant 1 : i32
        %add3A_215 = arith.addi %mul3A_201, %add3A_214 : i32
        %dma_wait3A_216 = arith.constant 64 : i32
        %dma_wait3A_217 = arith.constant 0 : i32
        %dma_wait3A_218 = tpu.memref_slice %arg11[%select_n3A_146, %dma_wait3A_216, %dma_wait3A_217] : memref<2x256x32xf32, #tpu.memory_space<vmem>> -> memref<1x64x32xf32, #tpu.memory_space<vmem>>
        %dma_wait3A_219 = tpu.memref_squeeze %dma_wait3A_218 : memref<1x64x32xf32, #tpu.memory_space<vmem>> -> memref<64x32xf32, #tpu.memory_space<vmem>>
        %dma_wait3A_220 = arith.constant 0 : i32
        %dma_wait3A_221 = tpu.memref_slice %arg9[%select_n3A_183, %add3A_215, %dma_wait3A_220] : memref<2x28x64xi32, #tpu.memory_space<vmem>> -> memref<1x1x64xi32, #tpu.memory_space<vmem>>
        %dma_wait3A_222 = tpu.memref_squeeze %dma_wait3A_221 : memref<1x1x64xi32, #tpu.memory_space<vmem>> -> memref<64xi32, #tpu.memory_space<vmem>>
        %dma_wait3A_223 = arith.constant 0 : i32
        %dma_wait3A_224 = arith.constant 0 : i32
        %dma_wait3A_225 = tpu.memref_slice %arg2[%dma_wait3A_223, %dma_wait3A_224] : memref<200000x32xf32, #tpu.memory_space<hbm>> -> memref<200000x32xf32, #tpu.memory_space<hbm>>
        tpu.wait_indirect_dma semaphore(%arg12 : memref<!tpu.dma_semaphore, #tpu.memory_space<semaphore_mem>>) src(%dma_wait3A_225 : memref<200000x32xf32, #tpu.memory_space<hbm>>) dst(%dma_wait3A_219 : memref<64x32xf32, #tpu.memory_space<vmem>>)
        %add3A_226 = arith.constant 2 : i32
        %add3A_227 = arith.addi %mul3A_201, %add3A_226 : i32
        %dma_wait3A_228 = arith.constant 128 : i32
        %dma_wait3A_229 = arith.constant 0 : i32
        %dma_wait3A_230 = tpu.memref_slice %arg11[%select_n3A_146, %dma_wait3A_228, %dma_wait3A_229] : memref<2x256x32xf32, #tpu.memory_space<vmem>> -> memref<1x64x32xf32, #tpu.memory_space<vmem>>
        %dma_wait3A_231 = tpu.memref_squeeze %dma_wait3A_230 : memref<1x64x32xf32, #tpu.memory_space<vmem>> -> memref<64x32xf32, #tpu.memory_space<vmem>>
        %dma_wait3A_232 = arith.constant 0 : i32
        %dma_wait3A_233 = tpu.memref_slice %arg9[%select_n3A_183, %add3A_227, %dma_wait3A_232] : memref<2x28x64xi32, #tpu.memory_space<vmem>> -> memref<1x1x64xi32, #tpu.memory_space<vmem>>
        %dma_wait3A_234 = tpu.memref_squeeze %dma_wait3A_233 : memref<1x1x64xi32, #tpu.memory_space<vmem>> -> memref<64xi32, #tpu.memory_space<vmem>>
        %dma_wait3A_235 = arith.constant 0 : i32
        %dma_wait3A_236 = arith.constant 0 : i32
        %dma_wait3A_237 = tpu.memref_slice %arg2[%dma_wait3A_235, %dma_wait3A_236] : memref<200000x32xf32, #tpu.memory_space<hbm>> -> memref<200000x32xf32, #tpu.memory_space<hbm>>
        tpu.wait_indirect_dma semaphore(%arg12 : memref<!tpu.dma_semaphore, #tpu.memory_space<semaphore_mem>>) src(%dma_wait3A_237 : memref<200000x32xf32, #tpu.memory_space<hbm>>) dst(%dma_wait3A_231 : memref<64x32xf32, #tpu.memory_space<vmem>>)
        %add3A_238 = arith.constant 3 : i32
        %add3A_239 = arith.addi %mul3A_201, %add3A_238 : i32
        %dma_wait3A_240 = arith.constant 192 : i32
        %dma_wait3A_241 = arith.constant 0 : i32
        %dma_wait3A_242 = tpu.memref_slice %arg11[%select_n3A_146, %dma_wait3A_240, %dma_wait3A_241] : memref<2x256x32xf32, #tpu.memory_space<vmem>> -> memref<1x64x32xf32, #tpu.memory_space<vmem>>
        %dma_wait3A_243 = tpu.memref_squeeze %dma_wait3A_242 : memref<1x64x32xf32, #tpu.memory_space<vmem>> -> memref<64x32xf32, #tpu.memory_space<vmem>>
        %dma_wait3A_244 = arith.constant 0 : i32
        %dma_wait3A_245 = tpu.memref_slice %arg9[%select_n3A_183, %add3A_239, %dma_wait3A_244] : memref<2x28x64xi32, #tpu.memory_space<vmem>> -> memref<1x1x64xi32, #tpu.memory_space<vmem>>
        %dma_wait3A_246 = tpu.memref_squeeze %dma_wait3A_245 : memref<1x1x64xi32, #tpu.memory_space<vmem>> -> memref<64xi32, #tpu.memory_space<vmem>>
        %dma_wait3A_247 = arith.constant 0 : i32
        %dma_wait3A_248 = arith.constant 0 : i32
        %dma_wait3A_249 = tpu.memref_slice %arg2[%dma_wait3A_247, %dma_wait3A_248] : memref<200000x32xf32, #tpu.memory_space<hbm>> -> memref<200000x32xf32, #tpu.memory_space<hbm>>
        tpu.wait_indirect_dma semaphore(%arg12 : memref<!tpu.dma_semaphore, #tpu.memory_space<semaphore_mem>>) src(%dma_wait3A_249 : memref<200000x32xf32, #tpu.memory_space<hbm>>) dst(%dma_wait3A_243 : memref<64x32xf32, #tpu.memory_space<vmem>>)
        %add3A_250 = arith.constant 0 : i32
        %add3A_251 = arith.addi %mul3A_201, %add3A_250 : i32
        %dma_start3A_252 = arith.constant 0 : i32
        %dma_start3A_253 = arith.constant 0 : i32
        %dma_start3A_254 = tpu.memref_slice %arg11[%select_n3A_146, %dma_start3A_252, %dma_start3A_253] : memref<2x256x32xf32, #tpu.memory_space<vmem>> -> memref<1x64x32xf32, #tpu.memory_space<vmem>>
        %dma_start3A_255 = tpu.memref_squeeze %dma_start3A_254 : memref<1x64x32xf32, #tpu.memory_space<vmem>> -> memref<64x32xf32, #tpu.memory_space<vmem>>
        %dma_start3A_256 = arith.constant 0 : i32
        %dma_start3A_257 = tpu.memref_slice %arg10[%select_n3A_183, %add3A_251, %dma_start3A_256] : memref<2x28x64xi32, #tpu.memory_space<vmem>> -> memref<1x1x64xi32, #tpu.memory_space<vmem>>
        %dma_start3A_258 = tpu.memref_squeeze %dma_start3A_257 : memref<1x1x64xi32, #tpu.memory_space<vmem>> -> memref<64xi32, #tpu.memory_space<vmem>>
        %dma_start3A_259 = arith.constant 0 : i32
        %dma_start3A_260 = arith.constant 0 : i32
        %dma_start3A_261 = tpu.memref_slice %arg8[%dma_start3A_259, %dma_start3A_260] : memref<50176x32xf32, #tpu.memory_space<vmem_shared>> -> memref<50176x32xf32, #tpu.memory_space<vmem_shared>>
        tpu.enqueue_indirect_dma source(%dma_start3A_255 : memref<64x32xf32, #tpu.memory_space<vmem>>) target(%dma_start3A_261 : memref<50176x32xf32, #tpu.memory_space<vmem_shared>>) offsets(%dma_start3A_258 : memref<64xi32, #tpu.memory_space<vmem>>) semaphore(%arg13 : memref<!tpu.dma_semaphore, #tpu.memory_space<semaphore_mem>>) {add = true}
        %add3A_262 = arith.constant 1 : i32
        %add3A_263 = arith.addi %mul3A_201, %add3A_262 : i32
        %dma_start3A_264 = arith.constant 64 : i32
        %dma_start3A_265 = arith.constant 0 : i32
        %dma_start3A_266 = tpu.memref_slice %arg11[%select_n3A_146, %dma_start3A_264, %dma_start3A_265] : memref<2x256x32xf32, #tpu.memory_space<vmem>> -> memref<1x64x32xf32, #tpu.memory_space<vmem>>
        %dma_start3A_267 = tpu.memref_squeeze %dma_start3A_266 : memref<1x64x32xf32, #tpu.memory_space<vmem>> -> memref<64x32xf32, #tpu.memory_space<vmem>>
        %dma_start3A_268 = arith.constant 0 : i32
        %dma_start3A_269 = tpu.memref_slice %arg10[%select_n3A_183, %add3A_263, %dma_start3A_268] : memref<2x28x64xi32, #tpu.memory_space<vmem>> -> memref<1x1x64xi32, #tpu.memory_space<vmem>>
        %dma_start3A_270 = tpu.memref_squeeze %dma_start3A_269 : memref<1x1x64xi32, #tpu.memory_space<vmem>> -> memref<64xi32, #tpu.memory_space<vmem>>
        %dma_start3A_271 = arith.constant 0 : i32
        %dma_start3A_272 = arith.constant 0 : i32
        %dma_start3A_273 = tpu.memref_slice %arg8[%dma_start3A_271, %dma_start3A_272] : memref<50176x32xf32, #tpu.memory_space<vmem_shared>> -> memref<50176x32xf32, #tpu.memory_space<vmem_shared>>
        tpu.enqueue_indirect_dma source(%dma_start3A_267 : memref<64x32xf32, #tpu.memory_space<vmem>>) target(%dma_start3A_273 : memref<50176x32xf32, #tpu.memory_space<vmem_shared>>) offsets(%dma_start3A_270 : memref<64xi32, #tpu.memory_space<vmem>>) semaphore(%arg13 : memref<!tpu.dma_semaphore, #tpu.memory_space<semaphore_mem>>) {add = true}
        %add3A_274 = arith.constant 2 : i32
        %add3A_275 = arith.addi %mul3A_201, %add3A_274 : i32
        %dma_start3A_276 = arith.constant 128 : i32
        %dma_start3A_277 = arith.constant 0 : i32
        %dma_start3A_278 = tpu.memref_slice %arg11[%select_n3A_146, %dma_start3A_276, %dma_start3A_277] : memref<2x256x32xf32, #tpu.memory_space<vmem>> -> memref<1x64x32xf32, #tpu.memory_space<vmem>>
        %dma_start3A_279 = tpu.memref_squeeze %dma_start3A_278 : memref<1x64x32xf32, #tpu.memory_space<vmem>> -> memref<64x32xf32, #tpu.memory_space<vmem>>
        %dma_start3A_280 = arith.constant 0 : i32
        %dma_start3A_281 = tpu.memref_slice %arg10[%select_n3A_183, %add3A_275, %dma_start3A_280] : memref<2x28x64xi32, #tpu.memory_space<vmem>> -> memref<1x1x64xi32, #tpu.memory_space<vmem>>
        %dma_start3A_282 = tpu.memref_squeeze %dma_start3A_281 : memref<1x1x64xi32, #tpu.memory_space<vmem>> -> memref<64xi32, #tpu.memory_space<vmem>>
        %dma_start3A_283 = arith.constant 0 : i32
        %dma_start3A_284 = arith.constant 0 : i32
        %dma_start3A_285 = tpu.memref_slice %arg8[%dma_start3A_283, %dma_start3A_284] : memref<50176x32xf32, #tpu.memory_space<vmem_shared>> -> memref<50176x32xf32, #tpu.memory_space<vmem_shared>>
        tpu.enqueue_indirect_dma source(%dma_start3A_279 : memref<64x32xf32, #tpu.memory_space<vmem>>) target(%dma_start3A_285 : memref<50176x32xf32, #tpu.memory_space<vmem_shared>>) offsets(%dma_start3A_282 : memref<64xi32, #tpu.memory_space<vmem>>) semaphore(%arg13 : memref<!tpu.dma_semaphore, #tpu.memory_space<semaphore_mem>>) {add = true}
        %add3A_286 = arith.constant 3 : i32
        %add3A_287 = arith.addi %mul3A_201, %add3A_286 : i32
        %dma_start3A_288 = arith.constant 192 : i32
        %dma_start3A_289 = arith.constant 0 : i32
        %dma_start3A_290 = tpu.memref_slice %arg11[%select_n3A_146, %dma_start3A_288, %dma_start3A_289] : memref<2x256x32xf32, #tpu.memory_space<vmem>> -> memref<1x64x32xf32, #tpu.memory_space<vmem>>
        %dma_start3A_291 = tpu.memref_squeeze %dma_start3A_290 : memref<1x64x32xf32, #tpu.memory_space<vmem>> -> memref<64x32xf32, #tpu.memory_space<vmem>>
        %dma_start3A_292 = arith.constant 0 : i32
        %dma_start3A_293 = tpu.memref_slice %arg10[%select_n3A_183, %add3A_287, %dma_start3A_292] : memref<2x28x64xi32, #tpu.memory_space<vmem>> -> memref<1x1x64xi32, #tpu.memory_space<vmem>>
        %dma_start3A_294 = tpu.memref_squeeze %dma_start3A_293 : memref<1x1x64xi32, #tpu.memory_space<vmem>> -> memref<64xi32, #tpu.memory_space<vmem>>
        %dma_start3A_295 = arith.constant 0 : i32
        %dma_start3A_296 = arith.constant 0 : i32
        %dma_start3A_297 = tpu.memref_slice %arg8[%dma_start3A_295, %dma_start3A_296] : memref<50176x32xf32, #tpu.memory_space<vmem_shared>> -> memref<50176x32xf32, #tpu.memory_space<vmem_shared>>
        tpu.enqueue_indirect_dma source(%dma_start3A_291 : memref<64x32xf32, #tpu.memory_space<vmem>>) target(%dma_start3A_297 : memref<50176x32xf32, #tpu.memory_space<vmem_shared>>) offsets(%dma_start3A_294 : memref<64xi32, #tpu.memory_space<vmem>>) semaphore(%arg13 : memref<!tpu.dma_semaphore, #tpu.memory_space<semaphore_mem>>) {add = true}
        %sub3A_298 = arith.constant 1 : i32
        %sub3A_299 = arith.subi %scan3A_136, %sub3A_298 : i32
        %jit3A_300 = arith.constant 2 : i32
        %eq3A_301 = arith.constant 0 : i32
        %eq3A_302 = arith.cmpi eq, %jit3A_300, %eq3A_301 : i32
        %jit3A_303 = arith.constant 1 : i32
        %select_n3A_304 = arith.select %eq3A_302, %jit3A_303, %jit3A_300 : i32
        %rem3A_305 = arith.remsi %sub3A_299, %select_n3A_304 : i32
        %ne3A_306 = arith.constant 0 : i32
        %ne3A_307 = arith.cmpi ne, %rem3A_305, %ne3A_306 : i32
        %lt3A_308 = arith.constant 0 : i32
        %lt3A_309 = arith.cmpi slt, %rem3A_305, %lt3A_308 : i32
        %lt3A_310 = arith.constant 0 : i32
        %lt3A_311 = arith.cmpi slt, %select_n3A_304, %lt3A_310 : i32
        %ne3A_312 = arith.xori %lt3A_309, %lt3A_311 : i1
        %and3A_313 = arith.andi %ne3A_312, %ne3A_307 : i1
        %add3A_314 = arith.addi %rem3A_305, %select_n3A_304 : i32
        %select_n3A_315 = arith.select %and3A_313, %add3A_314, %rem3A_305 : i32
        %jit3A_316 = arith.constant 7 : i32
        %div3A_317 = arith.divsi %sub3A_299, %jit3A_316 : i32
        %sign3A_318 = arith.constant 0 : i32
        %sign3A_319 = arith.cmpi sgt, %sub3A_299, %sign3A_318 : i32
        %sign3A_320 = arith.extui %sign3A_319 : i1 to i32
        %sign3A_321 = arith.constant 0 : i32
        %sign3A_322 = arith.cmpi slt, %sub3A_299, %sign3A_321 : i32
        %sign3A_323 = arith.extui %sign3A_322 : i1 to i32
        %sign3A_324 = arith.subi %sign3A_320, %sign3A_323 : i32
        %sign3A_325 = arith.constant 0 : i32
        %sign3A_326 = arith.cmpi sgt, %jit3A_316, %sign3A_325 : i32
        %sign3A_327 = arith.extui %sign3A_326 : i1 to i32
        %sign3A_328 = arith.constant 0 : i32
        %sign3A_329 = arith.cmpi slt, %jit3A_316, %sign3A_328 : i32
        %sign3A_330 = arith.extui %sign3A_329 : i1 to i32
        %sign3A_331 = arith.subi %sign3A_327, %sign3A_330 : i32
        %ne3A_332 = arith.cmpi ne, %sign3A_324, %sign3A_331 : i32
        %rem3A_333 = arith.remsi %sub3A_299, %jit3A_316 : i32
        %ne3A_334 = arith.constant 0 : i32
        %ne3A_335 = arith.cmpi ne, %rem3A_333, %ne3A_334 : i32
        %and3A_336 = arith.andi %ne3A_332, %ne3A_335 : i1
        %sub3A_337 = arith.constant 1 : i32
        %sub3A_338 = arith.subi %div3A_317, %sub3A_337 : i32
        %select_n3A_339 = arith.select %and3A_336, %sub3A_338, %div3A_317 : i32
        %jit3A_340 = arith.constant 2 : i32
        %eq3A_341 = arith.constant 0 : i32
        %eq3A_342 = arith.cmpi eq, %jit3A_340, %eq3A_341 : i32
        %jit3A_343 = arith.constant 1 : i32
        %select_n3A_344 = arith.select %eq3A_342, %jit3A_343, %jit3A_340 : i32
        %rem3A_345 = arith.remsi %select_n3A_339, %select_n3A_344 : i32
        %ne3A_346 = arith.constant 0 : i32
        %ne3A_347 = arith.cmpi ne, %rem3A_345, %ne3A_346 : i32
        %lt3A_348 = arith.constant 0 : i32
        %lt3A_349 = arith.cmpi slt, %rem3A_345, %lt3A_348 : i32
        %lt3A_350 = arith.constant 0 : i32
        %lt3A_351 = arith.cmpi slt, %select_n3A_344, %lt3A_350 : i32
        %ne3A_352 = arith.xori %lt3A_349, %lt3A_351 : i1
        %and3A_353 = arith.andi %ne3A_352, %ne3A_347 : i1
        %add3A_354 = arith.addi %rem3A_345, %select_n3A_344 : i32
        %select_n3A_355 = arith.select %and3A_353, %add3A_354, %rem3A_345 : i32
        %jit3A_356 = arith.constant 7 : i32
        %eq3A_357 = arith.constant 0 : i32
        %eq3A_358 = arith.cmpi eq, %jit3A_356, %eq3A_357 : i32
        %jit3A_359 = arith.constant 1 : i32
        %select_n3A_360 = arith.select %eq3A_358, %jit3A_359, %jit3A_356 : i32
        %rem3A_361 = arith.remsi %sub3A_299, %select_n3A_360 : i32
        %ne3A_362 = arith.constant 0 : i32
        %ne3A_363 = arith.cmpi ne, %rem3A_361, %ne3A_362 : i32
        %lt3A_364 = arith.constant 0 : i32
        %lt3A_365 = arith.cmpi slt, %rem3A_361, %lt3A_364 : i32
        %lt3A_366 = arith.constant 0 : i32
        %lt3A_367 = arith.cmpi slt, %select_n3A_360, %lt3A_366 : i32
        %ne3A_368 = arith.xori %lt3A_365, %lt3A_367 : i1
        %and3A_369 = arith.andi %ne3A_368, %ne3A_363 : i1
        %add3A_370 = arith.addi %rem3A_361, %select_n3A_360 : i32
        %select_n3A_371 = arith.select %and3A_369, %add3A_370, %rem3A_361 : i32
        %mul3A_372 = arith.constant 4 : i32
        %mul3A_373 = arith.muli %select_n3A_371, %mul3A_372 : i32
        %gt3A = arith.constant 0 : i32
        %gt3A_374 = arith.cmpi sgt, %scan3A_136, %gt3A : i32
        %convert_element_type3A_375 = arith.extui %gt3A_374 : i1 to i32
        %cond3A_376 = arith.constant 0 : i32
        %cond3A_377 = arith.cmpi ne, %convert_element_type3A_375, %cond3A_376 : i32
        scf.if %cond3A_377 {
          %add3A_495 = arith.constant 0 : i32
          %add3A_496 = arith.addi %mul3A_373, %add3A_495 : i32
          %dma_wait3A_497 = arith.constant 0 : i32
          %dma_wait3A_498 = arith.constant 0 : i32
          %dma_wait3A_499 = tpu.memref_slice %arg11[%select_n3A_315, %dma_wait3A_497, %dma_wait3A_498] : memref<2x256x32xf32, #tpu.memory_space<vmem>> -> memref<1x64x32xf32, #tpu.memory_space<vmem>>
          %dma_wait3A_500 = tpu.memref_squeeze %dma_wait3A_499 : memref<1x64x32xf32, #tpu.memory_space<vmem>> -> memref<64x32xf32, #tpu.memory_space<vmem>>
          %dma_wait3A_501 = arith.constant 0 : i32
          %dma_wait3A_502 = tpu.memref_slice %arg10[%select_n3A_355, %add3A_496, %dma_wait3A_501] : memref<2x28x64xi32, #tpu.memory_space<vmem>> -> memref<1x1x64xi32, #tpu.memory_space<vmem>>
          %dma_wait3A_503 = tpu.memref_squeeze %dma_wait3A_502 : memref<1x1x64xi32, #tpu.memory_space<vmem>> -> memref<64xi32, #tpu.memory_space<vmem>>
          %dma_wait3A_504 = arith.constant 0 : i32
          %dma_wait3A_505 = arith.constant 0 : i32
          %dma_wait3A_506 = tpu.memref_slice %arg8[%dma_wait3A_504, %dma_wait3A_505] : memref<50176x32xf32, #tpu.memory_space<vmem_shared>> -> memref<50176x32xf32, #tpu.memory_space<vmem_shared>>
          tpu.wait_indirect_dma semaphore(%arg13 : memref<!tpu.dma_semaphore, #tpu.memory_space<semaphore_mem>>) src(%dma_wait3A_500 : memref<64x32xf32, #tpu.memory_space<vmem>>) dst(%dma_wait3A_506 : memref<50176x32xf32, #tpu.memory_space<vmem_shared>>)
          %add3A_507 = arith.constant 1 : i32
          %add3A_508 = arith.addi %mul3A_373, %add3A_507 : i32
          %dma_wait3A_509 = arith.constant 64 : i32
          %dma_wait3A_510 = arith.constant 0 : i32
          %dma_wait3A_511 = tpu.memref_slice %arg11[%select_n3A_315, %dma_wait3A_509, %dma_wait3A_510] : memref<2x256x32xf32, #tpu.memory_space<vmem>> -> memref<1x64x32xf32, #tpu.memory_space<vmem>>
          %dma_wait3A_512 = tpu.memref_squeeze %dma_wait3A_511 : memref<1x64x32xf32, #tpu.memory_space<vmem>> -> memref<64x32xf32, #tpu.memory_space<vmem>>
          %dma_wait3A_513 = arith.constant 0 : i32
          %dma_wait3A_514 = tpu.memref_slice %arg10[%select_n3A_355, %add3A_508, %dma_wait3A_513] : memref<2x28x64xi32, #tpu.memory_space<vmem>> -> memref<1x1x64xi32, #tpu.memory_space<vmem>>
          %dma_wait3A_515 = tpu.memref_squeeze %dma_wait3A_514 : memref<1x1x64xi32, #tpu.memory_space<vmem>> -> memref<64xi32, #tpu.memory_space<vmem>>
          %dma_wait3A_516 = arith.constant 0 : i32
          %dma_wait3A_517 = arith.constant 0 : i32
          %dma_wait3A_518 = tpu.memref_slice %arg8[%dma_wait3A_516, %dma_wait3A_517] : memref<50176x32xf32, #tpu.memory_space<vmem_shared>> -> memref<50176x32xf32, #tpu.memory_space<vmem_shared>>
          tpu.wait_indirect_dma semaphore(%arg13 : memref<!tpu.dma_semaphore, #tpu.memory_space<semaphore_mem>>) src(%dma_wait3A_512 : memref<64x32xf32, #tpu.memory_space<vmem>>) dst(%dma_wait3A_518 : memref<50176x32xf32, #tpu.memory_space<vmem_shared>>)
          %add3A_519 = arith.constant 2 : i32
          %add3A_520 = arith.addi %mul3A_373, %add3A_519 : i32
          %dma_wait3A_521 = arith.constant 128 : i32
          %dma_wait3A_522 = arith.constant 0 : i32
          %dma_wait3A_523 = tpu.memref_slice %arg11[%select_n3A_315, %dma_wait3A_521, %dma_wait3A_522] : memref<2x256x32xf32, #tpu.memory_space<vmem>> -> memref<1x64x32xf32, #tpu.memory_space<vmem>>
          %dma_wait3A_524 = tpu.memref_squeeze %dma_wait3A_523 : memref<1x64x32xf32, #tpu.memory_space<vmem>> -> memref<64x32xf32, #tpu.memory_space<vmem>>
          %dma_wait3A_525 = arith.constant 0 : i32
          %dma_wait3A_526 = tpu.memref_slice %arg10[%select_n3A_355, %add3A_520, %dma_wait3A_525] : memref<2x28x64xi32, #tpu.memory_space<vmem>> -> memref<1x1x64xi32, #tpu.memory_space<vmem>>
          %dma_wait3A_527 = tpu.memref_squeeze %dma_wait3A_526 : memref<1x1x64xi32, #tpu.memory_space<vmem>> -> memref<64xi32, #tpu.memory_space<vmem>>
          %dma_wait3A_528 = arith.constant 0 : i32
          %dma_wait3A_529 = arith.constant 0 : i32
          %dma_wait3A_530 = tpu.memref_slice %arg8[%dma_wait3A_528, %dma_wait3A_529] : memref<50176x32xf32, #tpu.memory_space<vmem_shared>> -> memref<50176x32xf32, #tpu.memory_space<vmem_shared>>
          tpu.wait_indirect_dma semaphore(%arg13 : memref<!tpu.dma_semaphore, #tpu.memory_space<semaphore_mem>>) src(%dma_wait3A_524 : memref<64x32xf32, #tpu.memory_space<vmem>>) dst(%dma_wait3A_530 : memref<50176x32xf32, #tpu.memory_space<vmem_shared>>)
          %add3A_531 = arith.constant 3 : i32
          %add3A_532 = arith.addi %mul3A_373, %add3A_531 : i32
          %dma_wait3A_533 = arith.constant 192 : i32
          %dma_wait3A_534 = arith.constant 0 : i32
          %dma_wait3A_535 = tpu.memref_slice %arg11[%select_n3A_315, %dma_wait3A_533, %dma_wait3A_534] : memref<2x256x32xf32, #tpu.memory_space<vmem>> -> memref<1x64x32xf32, #tpu.memory_space<vmem>>
          %dma_wait3A_536 = tpu.memref_squeeze %dma_wait3A_535 : memref<1x64x32xf32, #tpu.memory_space<vmem>> -> memref<64x32xf32, #tpu.memory_space<vmem>>
          %dma_wait3A_537 = arith.constant 0 : i32
          %dma_wait3A_538 = tpu.memref_slice %arg10[%select_n3A_355, %add3A_532, %dma_wait3A_537] : memref<2x28x64xi32, #tpu.memory_space<vmem>> -> memref<1x1x64xi32, #tpu.memory_space<vmem>>
          %dma_wait3A_539 = tpu.memref_squeeze %dma_wait3A_538 : memref<1x1x64xi32, #tpu.memory_space<vmem>> -> memref<64xi32, #tpu.memory_space<vmem>>
          %dma_wait3A_540 = arith.constant 0 : i32
          %dma_wait3A_541 = arith.constant 0 : i32
          %dma_wait3A_542 = tpu.memref_slice %arg8[%dma_wait3A_540, %dma_wait3A_541] : memref<50176x32xf32, #tpu.memory_space<vmem_shared>> -> memref<50176x32xf32, #tpu.memory_space<vmem_shared>>
          tpu.wait_indirect_dma semaphore(%arg13 : memref<!tpu.dma_semaphore, #tpu.memory_space<semaphore_mem>>) src(%dma_wait3A_536 : memref<64x32xf32, #tpu.memory_space<vmem>>) dst(%dma_wait3A_542 : memref<50176x32xf32, #tpu.memory_space<vmem_shared>>)
        } else {
        }
        %jit3A_378 = arith.constant 7 : i32
        %div3A_379 = arith.divsi %scan3A_136, %jit3A_378 : i32
        %sign3A_380 = arith.constant 0 : i32
        %sign3A_381 = arith.cmpi sgt, %scan3A_136, %sign3A_380 : i32
        %sign3A_382 = arith.extui %sign3A_381 : i1 to i32
        %sign3A_383 = arith.constant 0 : i32
        %sign3A_384 = arith.cmpi slt, %scan3A_136, %sign3A_383 : i32
        %sign3A_385 = arith.extui %sign3A_384 : i1 to i32
        %sign3A_386 = arith.subi %sign3A_382, %sign3A_385 : i32
        %sign3A_387 = arith.constant 0 : i32
        %sign3A_388 = arith.cmpi sgt, %jit3A_378, %sign3A_387 : i32
        %sign3A_389 = arith.extui %sign3A_388 : i1 to i32
        %sign3A_390 = arith.constant 0 : i32
        %sign3A_391 = arith.cmpi slt, %jit3A_378, %sign3A_390 : i32
        %sign3A_392 = arith.extui %sign3A_391 : i1 to i32
        %sign3A_393 = arith.subi %sign3A_389, %sign3A_392 : i32
        %ne3A_394 = arith.cmpi ne, %sign3A_386, %sign3A_393 : i32
        %rem3A_395 = arith.remsi %scan3A_136, %jit3A_378 : i32
        %ne3A_396 = arith.constant 0 : i32
        %ne3A_397 = arith.cmpi ne, %rem3A_395, %ne3A_396 : i32
        %and3A_398 = arith.andi %ne3A_394, %ne3A_397 : i1
        %sub3A_399 = arith.constant 1 : i32
        %sub3A_400 = arith.subi %div3A_379, %sub3A_399 : i32
        %select_n3A_401 = arith.select %and3A_398, %sub3A_400, %div3A_379 : i32
        %mul3A_402 = arith.constant 7 : i32
        %mul3A_403 = arith.muli %select_n3A_401, %mul3A_402 : i32
        %eq3A_404 = arith.cmpi eq, %scan3A_136, %mul3A_403 : i32
        %gt3A_405 = arith.constant 0 : i32
        %gt3A_406 = arith.cmpi sgt, %scan3A_136, %gt3A_405 : i32
        %and3A_407 = arith.andi %eq3A_404, %gt3A_406 : i1
        %lt3A_408 = arith.constant 27 : i32
        %lt3A_409 = arith.cmpi slt, %select_n3A_401, %lt3A_408 : i32
        %and3A_410 = arith.andi %and3A_407, %lt3A_409 : i1
        %convert_element_type3A_411 = arith.extui %and3A_410 : i1 to i32
        %cond3A_412 = arith.constant 0 : i32
        %cond3A_413 = arith.cmpi ne, %convert_element_type3A_411, %cond3A_412 : i32
        scf.if %cond3A_413 {
          %add3A_495 = arith.constant 1 : i32
          %add3A_496 = arith.addi %select_n3A_401, %add3A_495 : i32
          %add3A_497 = arith.constant 1 : i32
          %add3A_498 = arith.addi %select_n3A_401, %add3A_497 : i32
          %jit3A_499 = arith.constant 2 : i32
          %eq3A_500 = arith.constant 0 : i32
          %eq3A_501 = arith.cmpi eq, %jit3A_499, %eq3A_500 : i32
          %jit3A_502 = arith.constant 1 : i32
          %select_n3A_503 = arith.select %eq3A_501, %jit3A_502, %jit3A_499 : i32
          %rem3A_504 = arith.remsi %add3A_498, %select_n3A_503 : i32
          %ne3A_505 = arith.constant 0 : i32
          %ne3A_506 = arith.cmpi ne, %rem3A_504, %ne3A_505 : i32
          %lt3A_507 = arith.constant 0 : i32
          %lt3A_508 = arith.cmpi slt, %rem3A_504, %lt3A_507 : i32
          %lt3A_509 = arith.constant 0 : i32
          %lt3A_510 = arith.cmpi slt, %select_n3A_503, %lt3A_509 : i32
          %ne3A_511 = arith.xori %lt3A_508, %lt3A_510 : i1
          %and3A_512 = arith.andi %ne3A_511, %ne3A_506 : i1
          %add3A_513 = arith.addi %rem3A_504, %select_n3A_503 : i32
          %select_n3A_514 = arith.select %and3A_512, %add3A_513, %rem3A_504 : i32
          %mul3A_515 = arith.constant 784 : i32
          %mul3A_516 = arith.muli %arg1, %mul3A_515 : i32
          %mul3A_517 = arith.constant 28 : i32
          %mul3A_518 = arith.muli %add3A_496, %mul3A_517 : i32
          %add3A_519 = arith.addi %mul3A_516, %mul3A_518 : i32
          "tpu.region"() ({
            %run_scoped3A_520 = tpu.sem_alloc : memref<!tpu.dma_semaphore, #tpu.memory_space<semaphore_mem>>
            %dma_start3A_521 = arith.constant 0 : i32
            %dma_start3A_522 = arith.constant 0 : i32
            %dma_start3A_523 = tpu.memref_slice %arg9[%select_n3A_514, %dma_start3A_521, %dma_start3A_522] : memref<2x28x64xi32, #tpu.memory_space<vmem>> -> memref<1x28x64xi32, #tpu.memory_space<vmem>>
            %dma_start3A_524 = tpu.memref_squeeze %dma_start3A_523 : memref<1x28x64xi32, #tpu.memory_space<vmem>> -> memref<28x64xi32, #tpu.memory_space<vmem>>
            %dma_start3A_525 = arith.constant 0 : i32
            %dma_start3A_526 = tpu.memref_slice %arg4[%add3A_519, %dma_start3A_525] : memref<12544x64xi32, #tpu.memory_space<hbm>> -> memref<28x64xi32, #tpu.memory_space<hbm>>
            %dma_start3A_527 = arith.constant 0 : i32
            %dma_start3A_528 = arith.constant 0 : i32
            %dma_start3A_529 = tpu.memref_slice %arg9[%select_n3A_514, %dma_start3A_527, %dma_start3A_528] : memref<2x28x64xi32, #tpu.memory_space<vmem>> -> memref<1x28x64xi32, #tpu.memory_space<vmem>>
            %dma_start3A_530 = tpu.memref_squeeze %dma_start3A_529 : memref<1x28x64xi32, #tpu.memory_space<vmem>> -> memref<28x64xi32, #tpu.memory_space<vmem>>
            %dma_start3A_531 = arith.constant 0 : i32
            %dma_start3A_532 = tpu.memref_slice %arg4[%add3A_519, %dma_start3A_531] : memref<12544x64xi32, #tpu.memory_space<hbm>> -> memref<28x64xi32, #tpu.memory_space<hbm>>
            tpu.enqueue_dma source(%dma_start3A_532 : memref<28x64xi32, #tpu.memory_space<hbm>>) target(%dma_start3A_530 : memref<28x64xi32, #tpu.memory_space<vmem>>) target_semaphore(%run_scoped3A_520 : memref<!tpu.dma_semaphore, #tpu.memory_space<semaphore_mem>>)
            %dma_wait3A_533 = arith.constant 0 : i32
            %dma_wait3A_534 = arith.constant 0 : i32
            %dma_wait3A_535 = tpu.memref_slice %arg9[%select_n3A_514, %dma_wait3A_533, %dma_wait3A_534] : memref<2x28x64xi32, #tpu.memory_space<vmem>> -> memref<1x28x64xi32, #tpu.memory_space<vmem>>
            %dma_wait3A_536 = tpu.memref_squeeze %dma_wait3A_535 : memref<1x28x64xi32, #tpu.memory_space<vmem>> -> memref<28x64xi32, #tpu.memory_space<vmem>>
            %dma_wait3A_537 = arith.constant 0 : i32
            %dma_wait3A_538 = tpu.memref_slice %arg4[%add3A_519, %dma_wait3A_537] : memref<12544x64xi32, #tpu.memory_space<hbm>> -> memref<28x64xi32, #tpu.memory_space<hbm>>
            %dma_wait3A_539 = arith.constant 0 : i32
            %dma_wait3A_540 = arith.constant 0 : i32
            %dma_wait3A_541 = tpu.memref_slice %arg9[%select_n3A_514, %dma_wait3A_539, %dma_wait3A_540] : memref<2x28x64xi32, #tpu.memory_space<vmem>> -> memref<1x28x64xi32, #tpu.memory_space<vmem>>
            %dma_wait3A_542 = tpu.memref_squeeze %dma_wait3A_541 : memref<1x28x64xi32, #tpu.memory_space<vmem>> -> memref<28x64xi32, #tpu.memory_space<vmem>>
            %dma_wait3A_543 = arith.constant 0 : i32
            %dma_wait3A_544 = tpu.memref_slice %arg4[%add3A_519, %dma_wait3A_543] : memref<12544x64xi32, #tpu.memory_space<hbm>> -> memref<28x64xi32, #tpu.memory_space<hbm>>
            tpu.wait_dma2 semaphore(%run_scoped3A_520 : memref<!tpu.dma_semaphore, #tpu.memory_space<semaphore_mem>>) src(%dma_wait3A_544 : memref<28x64xi32, #tpu.memory_space<hbm>>) dst(%dma_wait3A_542 : memref<28x64xi32, #tpu.memory_space<vmem>>)
            tpu.yield
          }) : () -> ()
          "tpu.region"() ({
            %run_scoped3A_520 = tpu.sem_alloc : memref<!tpu.dma_semaphore, #tpu.memory_space<semaphore_mem>>
            %dma_start3A_521 = arith.constant 0 : i32
            %dma_start3A_522 = arith.constant 0 : i32
            %dma_start3A_523 = tpu.memref_slice %arg10[%select_n3A_514, %dma_start3A_521, %dma_start3A_522] : memref<2x28x64xi32, #tpu.memory_space<vmem>> -> memref<1x28x64xi32, #tpu.memory_space<vmem>>
            %dma_start3A_524 = tpu.memref_squeeze %dma_start3A_523 : memref<1x28x64xi32, #tpu.memory_space<vmem>> -> memref<28x64xi32, #tpu.memory_space<vmem>>
            %dma_start3A_525 = arith.constant 0 : i32
            %dma_start3A_526 = tpu.memref_slice %arg5[%add3A_519, %dma_start3A_525] : memref<12544x64xi32, #tpu.memory_space<hbm>> -> memref<28x64xi32, #tpu.memory_space<hbm>>
            %dma_start3A_527 = arith.constant 0 : i32
            %dma_start3A_528 = arith.constant 0 : i32
            %dma_start3A_529 = tpu.memref_slice %arg10[%select_n3A_514, %dma_start3A_527, %dma_start3A_528] : memref<2x28x64xi32, #tpu.memory_space<vmem>> -> memref<1x28x64xi32, #tpu.memory_space<vmem>>
            %dma_start3A_530 = tpu.memref_squeeze %dma_start3A_529 : memref<1x28x64xi32, #tpu.memory_space<vmem>> -> memref<28x64xi32, #tpu.memory_space<vmem>>
            %dma_start3A_531 = arith.constant 0 : i32
            %dma_start3A_532 = tpu.memref_slice %arg5[%add3A_519, %dma_start3A_531] : memref<12544x64xi32, #tpu.memory_space<hbm>> -> memref<28x64xi32, #tpu.memory_space<hbm>>
            tpu.enqueue_dma source(%dma_start3A_532 : memref<28x64xi32, #tpu.memory_space<hbm>>) target(%dma_start3A_530 : memref<28x64xi32, #tpu.memory_space<vmem>>) target_semaphore(%run_scoped3A_520 : memref<!tpu.dma_semaphore, #tpu.memory_space<semaphore_mem>>)
            %dma_wait3A_533 = arith.constant 0 : i32
            %dma_wait3A_534 = arith.constant 0 : i32
            %dma_wait3A_535 = tpu.memref_slice %arg10[%select_n3A_514, %dma_wait3A_533, %dma_wait3A_534] : memref<2x28x64xi32, #tpu.memory_space<vmem>> -> memref<1x28x64xi32, #tpu.memory_space<vmem>>
            %dma_wait3A_536 = tpu.memref_squeeze %dma_wait3A_535 : memref<1x28x64xi32, #tpu.memory_space<vmem>> -> memref<28x64xi32, #tpu.memory_space<vmem>>
            %dma_wait3A_537 = arith.constant 0 : i32
            %dma_wait3A_538 = tpu.memref_slice %arg5[%add3A_519, %dma_wait3A_537] : memref<12544x64xi32, #tpu.memory_space<hbm>> -> memref<28x64xi32, #tpu.memory_space<hbm>>
            %dma_wait3A_539 = arith.constant 0 : i32
            %dma_wait3A_540 = arith.constant 0 : i32
            %dma_wait3A_541 = tpu.memref_slice %arg10[%select_n3A_514, %dma_wait3A_539, %dma_wait3A_540] : memref<2x28x64xi32, #tpu.memory_space<vmem>> -> memref<1x28x64xi32, #tpu.memory_space<vmem>>
            %dma_wait3A_542 = tpu.memref_squeeze %dma_wait3A_541 : memref<1x28x64xi32, #tpu.memory_space<vmem>> -> memref<28x64xi32, #tpu.memory_space<vmem>>
            %dma_wait3A_543 = arith.constant 0 : i32
            %dma_wait3A_544 = tpu.memref_slice %arg5[%add3A_519, %dma_wait3A_543] : memref<12544x64xi32, #tpu.memory_space<hbm>> -> memref<28x64xi32, #tpu.memory_space<hbm>>
            tpu.wait_dma2 semaphore(%run_scoped3A_520 : memref<!tpu.dma_semaphore, #tpu.memory_space<semaphore_mem>>) src(%dma_wait3A_544 : memref<28x64xi32, #tpu.memory_space<hbm>>) dst(%dma_wait3A_542 : memref<28x64xi32, #tpu.memory_space<vmem>>)
            tpu.yield
          }) : () -> ()
        } else {
        }
        %add3A_414 = arith.constant 1 : i32
        %add3A_415 = arith.addi %scan3A_136, %add3A_414 : i32
        %jit3A_416 = arith.constant 2 : i32
        %eq3A_417 = arith.constant 0 : i32
        %eq3A_418 = arith.cmpi eq, %jit3A_416, %eq3A_417 : i32
        %jit3A_419 = arith.constant 1 : i32
        %select_n3A_420 = arith.select %eq3A_418, %jit3A_419, %jit3A_416 : i32
        %rem3A_421 = arith.remsi %add3A_415, %select_n3A_420 : i32
        %ne3A_422 = arith.constant 0 : i32
        %ne3A_423 = arith.cmpi ne, %rem3A_421, %ne3A_422 : i32
        %lt3A_424 = arith.constant 0 : i32
        %lt3A_425 = arith.cmpi slt, %rem3A_421, %lt3A_424 : i32
        %lt3A_426 = arith.constant 0 : i32
        %lt3A_427 = arith.cmpi slt, %select_n3A_420, %lt3A_426 : i32
        %ne3A_428 = arith.xori %lt3A_425, %lt3A_427 : i1
        %and3A_429 = arith.andi %ne3A_428, %ne3A_423 : i1
        %add3A_430 = arith.addi %rem3A_421, %select_n3A_420 : i32
        %select_n3A_431 = arith.select %and3A_429, %add3A_430, %rem3A_421 : i32
        %jit3A_432 = arith.constant 7 : i32
        %div3A_433 = arith.divsi %add3A_415, %jit3A_432 : i32
        %sign3A_434 = arith.constant 0 : i32
        %sign3A_435 = arith.cmpi sgt, %add3A_415, %sign3A_434 : i32
        %sign3A_436 = arith.extui %sign3A_435 : i1 to i32
        %sign3A_437 = arith.constant 0 : i32
        %sign3A_438 = arith.cmpi slt, %add3A_415, %sign3A_437 : i32
        %sign3A_439 = arith.extui %sign3A_438 : i1 to i32
        %sign3A_440 = arith.subi %sign3A_436, %sign3A_439 : i32
        %sign3A_441 = arith.constant 0 : i32
        %sign3A_442 = arith.cmpi sgt, %jit3A_432, %sign3A_441 : i32
        %sign3A_443 = arith.extui %sign3A_442 : i1 to i32
        %sign3A_444 = arith.constant 0 : i32
        %sign3A_445 = arith.cmpi slt, %jit3A_432, %sign3A_444 : i32
        %sign3A_446 = arith.extui %sign3A_445 : i1 to i32
        %sign3A_447 = arith.subi %sign3A_443, %sign3A_446 : i32
        %ne3A_448 = arith.cmpi ne, %sign3A_440, %sign3A_447 : i32
        %rem3A_449 = arith.remsi %add3A_415, %jit3A_432 : i32
        %ne3A_450 = arith.constant 0 : i32
        %ne3A_451 = arith.cmpi ne, %rem3A_449, %ne3A_450 : i32
        %and3A_452 = arith.andi %ne3A_448, %ne3A_451 : i1
        %sub3A_453 = arith.constant 1 : i32
        %sub3A_454 = arith.subi %div3A_433, %sub3A_453 : i32
        %select_n3A_455 = arith.select %and3A_452, %sub3A_454, %div3A_433 : i32
        %jit3A_456 = arith.constant 2 : i32
        %eq3A_457 = arith.constant 0 : i32
        %eq3A_458 = arith.cmpi eq, %jit3A_456, %eq3A_457 : i32
        %jit3A_459 = arith.constant 1 : i32
        %select_n3A_460 = arith.select %eq3A_458, %jit3A_459, %jit3A_456 : i32
        %rem3A_461 = arith.remsi %select_n3A_455, %select_n3A_460 : i32
        %ne3A_462 = arith.constant 0 : i32
        %ne3A_463 = arith.cmpi ne, %rem3A_461, %ne3A_462 : i32
        %lt3A_464 = arith.constant 0 : i32
        %lt3A_465 = arith.cmpi slt, %rem3A_461, %lt3A_464 : i32
        %lt3A_466 = arith.constant 0 : i32
        %lt3A_467 = arith.cmpi slt, %select_n3A_460, %lt3A_466 : i32
        %ne3A_468 = arith.xori %lt3A_465, %lt3A_467 : i1
        %and3A_469 = arith.andi %ne3A_468, %ne3A_463 : i1
        %add3A_470 = arith.addi %rem3A_461, %select_n3A_460 : i32
        %select_n3A_471 = arith.select %and3A_469, %add3A_470, %rem3A_461 : i32
        %jit3A_472 = arith.constant 7 : i32
        %eq3A_473 = arith.constant 0 : i32
        %eq3A_474 = arith.cmpi eq, %jit3A_472, %eq3A_473 : i32
        %jit3A_475 = arith.constant 1 : i32
        %select_n3A_476 = arith.select %eq3A_474, %jit3A_475, %jit3A_472 : i32
        %rem3A_477 = arith.remsi %add3A_415, %select_n3A_476 : i32
        %ne3A_478 = arith.constant 0 : i32
        %ne3A_479 = arith.cmpi ne, %rem3A_477, %ne3A_478 : i32
        %lt3A_480 = arith.constant 0 : i32
        %lt3A_481 = arith.cmpi slt, %rem3A_477, %lt3A_480 : i32
        %lt3A_482 = arith.constant 0 : i32
        %lt3A_483 = arith.cmpi slt, %select_n3A_476, %lt3A_482 : i32
        %ne3A_484 = arith.xori %lt3A_481, %lt3A_483 : i1
        %and3A_485 = arith.andi %ne3A_484, %ne3A_479 : i1
        %add3A_486 = arith.addi %rem3A_477, %select_n3A_476 : i32
        %select_n3A_487 = arith.select %and3A_485, %add3A_486, %rem3A_477 : i32
        %mul3A_488 = arith.constant 4 : i32
        %mul3A_489 = arith.muli %select_n3A_487, %mul3A_488 : i32
        %lt3A_490 = arith.constant 196 : i32
        %lt3A_491 = arith.cmpi slt, %add3A_415, %lt3A_490 : i32
        %convert_element_type3A_492 = arith.extui %lt3A_491 : i1 to i32
        %cond3A_493 = arith.constant 0 : i32
        %cond3A_494 = arith.cmpi ne, %convert_element_type3A_492, %cond3A_493 : i32
        scf.if %cond3A_494 {
          %add3A_495 = arith.constant 0 : i32
          %add3A_496 = arith.addi %mul3A_489, %add3A_495 : i32
          %dma_start3A_497 = arith.constant 0 : i32
          %dma_start3A_498 = arith.constant 0 : i32
          %dma_start3A_499 = tpu.memref_slice %arg11[%select_n3A_431, %dma_start3A_497, %dma_start3A_498] : memref<2x256x32xf32, #tpu.memory_space<vmem>> -> memref<1x64x32xf32, #tpu.memory_space<vmem>>
          %dma_start3A_500 = tpu.memref_squeeze %dma_start3A_499 : memref<1x64x32xf32, #tpu.memory_space<vmem>> -> memref<64x32xf32, #tpu.memory_space<vmem>>
          %dma_start3A_501 = arith.constant 0 : i32
          %dma_start3A_502 = tpu.memref_slice %arg9[%select_n3A_471, %add3A_496, %dma_start3A_501] : memref<2x28x64xi32, #tpu.memory_space<vmem>> -> memref<1x1x64xi32, #tpu.memory_space<vmem>>
          %dma_start3A_503 = tpu.memref_squeeze %dma_start3A_502 : memref<1x1x64xi32, #tpu.memory_space<vmem>> -> memref<64xi32, #tpu.memory_space<vmem>>
          %dma_start3A_504 = arith.constant 0 : i32
          %dma_start3A_505 = arith.constant 0 : i32
          %dma_start3A_506 = tpu.memref_slice %arg2[%dma_start3A_504, %dma_start3A_505] : memref<200000x32xf32, #tpu.memory_space<hbm>> -> memref<200000x32xf32, #tpu.memory_space<hbm>>
          tpu.enqueue_indirect_dma source(%dma_start3A_506 : memref<200000x32xf32, #tpu.memory_space<hbm>>) target(%dma_start3A_500 : memref<64x32xf32, #tpu.memory_space<vmem>>) offsets(%dma_start3A_503 : memref<64xi32, #tpu.memory_space<vmem>>) semaphore(%arg12 : memref<!tpu.dma_semaphore, #tpu.memory_space<semaphore_mem>>)
          %add3A_507 = arith.constant 1 : i32
          %add3A_508 = arith.addi %mul3A_489, %add3A_507 : i32
          %dma_start3A_509 = arith.constant 64 : i32
          %dma_start3A_510 = arith.constant 0 : i32
          %dma_start3A_511 = tpu.memref_slice %arg11[%select_n3A_431, %dma_start3A_509, %dma_start3A_510] : memref<2x256x32xf32, #tpu.memory_space<vmem>> -> memref<1x64x32xf32, #tpu.memory_space<vmem>>
          %dma_start3A_512 = tpu.memref_squeeze %dma_start3A_511 : memref<1x64x32xf32, #tpu.memory_space<vmem>> -> memref<64x32xf32, #tpu.memory_space<vmem>>
          %dma_start3A_513 = arith.constant 0 : i32
          %dma_start3A_514 = tpu.memref_slice %arg9[%select_n3A_471, %add3A_508, %dma_start3A_513] : memref<2x28x64xi32, #tpu.memory_space<vmem>> -> memref<1x1x64xi32, #tpu.memory_space<vmem>>
          %dma_start3A_515 = tpu.memref_squeeze %dma_start3A_514 : memref<1x1x64xi32, #tpu.memory_space<vmem>> -> memref<64xi32, #tpu.memory_space<vmem>>
          %dma_start3A_516 = arith.constant 0 : i32
          %dma_start3A_517 = arith.constant 0 : i32
          %dma_start3A_518 = tpu.memref_slice %arg2[%dma_start3A_516, %dma_start3A_517] : memref<200000x32xf32, #tpu.memory_space<hbm>> -> memref<200000x32xf32, #tpu.memory_space<hbm>>
          tpu.enqueue_indirect_dma source(%dma_start3A_518 : memref<200000x32xf32, #tpu.memory_space<hbm>>) target(%dma_start3A_512 : memref<64x32xf32, #tpu.memory_space<vmem>>) offsets(%dma_start3A_515 : memref<64xi32, #tpu.memory_space<vmem>>) semaphore(%arg12 : memref<!tpu.dma_semaphore, #tpu.memory_space<semaphore_mem>>)
          %add3A_519 = arith.constant 2 : i32
          %add3A_520 = arith.addi %mul3A_489, %add3A_519 : i32
          %dma_start3A_521 = arith.constant 128 : i32
          %dma_start3A_522 = arith.constant 0 : i32
          %dma_start3A_523 = tpu.memref_slice %arg11[%select_n3A_431, %dma_start3A_521, %dma_start3A_522] : memref<2x256x32xf32, #tpu.memory_space<vmem>> -> memref<1x64x32xf32, #tpu.memory_space<vmem>>
          %dma_start3A_524 = tpu.memref_squeeze %dma_start3A_523 : memref<1x64x32xf32, #tpu.memory_space<vmem>> -> memref<64x32xf32, #tpu.memory_space<vmem>>
          %dma_start3A_525 = arith.constant 0 : i32
          %dma_start3A_526 = tpu.memref_slice %arg9[%select_n3A_471, %add3A_520, %dma_start3A_525] : memref<2x28x64xi32, #tpu.memory_space<vmem>> -> memref<1x1x64xi32, #tpu.memory_space<vmem>>
          %dma_start3A_527 = tpu.memref_squeeze %dma_start3A_526 : memref<1x1x64xi32, #tpu.memory_space<vmem>> -> memref<64xi32, #tpu.memory_space<vmem>>
          %dma_start3A_528 = arith.constant 0 : i32
          %dma_start3A_529 = arith.constant 0 : i32
          %dma_start3A_530 = tpu.memref_slice %arg2[%dma_start3A_528, %dma_start3A_529] : memref<200000x32xf32, #tpu.memory_space<hbm>> -> memref<200000x32xf32, #tpu.memory_space<hbm>>
          tpu.enqueue_indirect_dma source(%dma_start3A_530 : memref<200000x32xf32, #tpu.memory_space<hbm>>) target(%dma_start3A_524 : memref<64x32xf32, #tpu.memory_space<vmem>>) offsets(%dma_start3A_527 : memref<64xi32, #tpu.memory_space<vmem>>) semaphore(%arg12 : memref<!tpu.dma_semaphore, #tpu.memory_space<semaphore_mem>>)
          %add3A_531 = arith.constant 3 : i32
          %add3A_532 = arith.addi %mul3A_489, %add3A_531 : i32
          %dma_start3A_533 = arith.constant 192 : i32
          %dma_start3A_534 = arith.constant 0 : i32
          %dma_start3A_535 = tpu.memref_slice %arg11[%select_n3A_431, %dma_start3A_533, %dma_start3A_534] : memref<2x256x32xf32, #tpu.memory_space<vmem>> -> memref<1x64x32xf32, #tpu.memory_space<vmem>>
          %dma_start3A_536 = tpu.memref_squeeze %dma_start3A_535 : memref<1x64x32xf32, #tpu.memory_space<vmem>> -> memref<64x32xf32, #tpu.memory_space<vmem>>
          %dma_start3A_537 = arith.constant 0 : i32
          %dma_start3A_538 = tpu.memref_slice %arg9[%select_n3A_471, %add3A_532, %dma_start3A_537] : memref<2x28x64xi32, #tpu.memory_space<vmem>> -> memref<1x1x64xi32, #tpu.memory_space<vmem>>
          %dma_start3A_539 = tpu.memref_squeeze %dma_start3A_538 : memref<1x1x64xi32, #tpu.memory_space<vmem>> -> memref<64xi32, #tpu.memory_space<vmem>>
          %dma_start3A_540 = arith.constant 0 : i32
          %dma_start3A_541 = arith.constant 0 : i32
          %dma_start3A_542 = tpu.memref_slice %arg2[%dma_start3A_540, %dma_start3A_541] : memref<200000x32xf32, #tpu.memory_space<hbm>> -> memref<200000x32xf32, #tpu.memory_space<hbm>>
          tpu.enqueue_indirect_dma source(%dma_start3A_542 : memref<200000x32xf32, #tpu.memory_space<hbm>>) target(%dma_start3A_536 : memref<64x32xf32, #tpu.memory_space<vmem>>) offsets(%dma_start3A_539 : memref<64xi32, #tpu.memory_space<vmem>>) semaphore(%arg12 : memref<!tpu.dma_semaphore, #tpu.memory_space<semaphore_mem>>)
        } else {
        }
      }
      %scan3A_84 = arith.constant 196 : i32
      %dma_wait3A = arith.constant 1 : i32
      %dma_wait3A_85 = arith.constant 1 : i32
      %dma_wait3A_86 = arith.constant 24 : i32
      %dma_wait3A_87 = arith.constant 0 : i32
      %dma_wait3A_88 = arith.constant 0 : i32
      %dma_wait3A_89 = tpu.memref_slice %arg11[%dma_wait3A, %dma_wait3A_87, %dma_wait3A_88] : memref<2x256x32xf32, #tpu.memory_space<vmem>> -> memref<1x64x32xf32, #tpu.memory_space<vmem>>
      %dma_wait3A_90 = tpu.memref_squeeze %dma_wait3A_89 : memref<1x64x32xf32, #tpu.memory_space<vmem>> -> memref<64x32xf32, #tpu.memory_space<vmem>>
      %dma_wait3A_91 = arith.constant 0 : i32
      %dma_wait3A_92 = tpu.memref_slice %arg10[%dma_wait3A_85, %dma_wait3A_86, %dma_wait3A_91] : memref<2x28x64xi32, #tpu.memory_space<vmem>> -> memref<1x1x64xi32, #tpu.memory_space<vmem>>
      %dma_wait3A_93 = tpu.memref_squeeze %dma_wait3A_92 : memref<1x1x64xi32, #tpu.memory_space<vmem>> -> memref<64xi32, #tpu.memory_space<vmem>>
      %dma_wait3A_94 = arith.constant 0 : i32
      %dma_wait3A_95 = arith.constant 0 : i32
      %dma_wait3A_96 = tpu.memref_slice %arg8[%dma_wait3A_94, %dma_wait3A_95] : memref<50176x32xf32, #tpu.memory_space<vmem_shared>> -> memref<50176x32xf32, #tpu.memory_space<vmem_shared>>
      tpu.wait_indirect_dma semaphore(%arg13 : memref<!tpu.dma_semaphore, #tpu.memory_space<semaphore_mem>>) src(%dma_wait3A_90 : memref<64x32xf32, #tpu.memory_space<vmem>>) dst(%dma_wait3A_96 : memref<50176x32xf32, #tpu.memory_space<vmem_shared>>)
      %dma_wait3A_97 = arith.constant 1 : i32
      %dma_wait3A_98 = arith.constant 1 : i32
      %dma_wait3A_99 = arith.constant 25 : i32
      %dma_wait3A_100 = arith.constant 64 : i32
      %dma_wait3A_101 = arith.constant 0 : i32
      %dma_wait3A_102 = tpu.memref_slice %arg11[%dma_wait3A_97, %dma_wait3A_100, %dma_wait3A_101] : memref<2x256x32xf32, #tpu.memory_space<vmem>> -> memref<1x64x32xf32, #tpu.memory_space<vmem>>
      %dma_wait3A_103 = tpu.memref_squeeze %dma_wait3A_102 : memref<1x64x32xf32, #tpu.memory_space<vmem>> -> memref<64x32xf32, #tpu.memory_space<vmem>>
      %dma_wait3A_104 = arith.constant 0 : i32
      %dma_wait3A_105 = tpu.memref_slice %arg10[%dma_wait3A_98, %dma_wait3A_99, %dma_wait3A_104] : memref<2x28x64xi32, #tpu.memory_space<vmem>> -> memref<1x1x64xi32, #tpu.memory_space<vmem>>
      %dma_wait3A_106 = tpu.memref_squeeze %dma_wait3A_105 : memref<1x1x64xi32, #tpu.memory_space<vmem>> -> memref<64xi32, #tpu.memory_space<vmem>>
      %dma_wait3A_107 = arith.constant 0 : i32
      %dma_wait3A_108 = arith.constant 0 : i32
      %dma_wait3A_109 = tpu.memref_slice %arg8[%dma_wait3A_107, %dma_wait3A_108] : memref<50176x32xf32, #tpu.memory_space<vmem_shared>> -> memref<50176x32xf32, #tpu.memory_space<vmem_shared>>
      tpu.wait_indirect_dma semaphore(%arg13 : memref<!tpu.dma_semaphore, #tpu.memory_space<semaphore_mem>>) src(%dma_wait3A_103 : memref<64x32xf32, #tpu.memory_space<vmem>>) dst(%dma_wait3A_109 : memref<50176x32xf32, #tpu.memory_space<vmem_shared>>)
      %dma_wait3A_110 = arith.constant 1 : i32
      %dma_wait3A_111 = arith.constant 1 : i32
      %dma_wait3A_112 = arith.constant 26 : i32
      %dma_wait3A_113 = arith.constant 128 : i32
      %dma_wait3A_114 = arith.constant 0 : i32
      %dma_wait3A_115 = tpu.memref_slice %arg11[%dma_wait3A_110, %dma_wait3A_113, %dma_wait3A_114] : memref<2x256x32xf32, #tpu.memory_space<vmem>> -> memref<1x64x32xf32, #tpu.memory_space<vmem>>
      %dma_wait3A_116 = tpu.memref_squeeze %dma_wait3A_115 : memref<1x64x32xf32, #tpu.memory_space<vmem>> -> memref<64x32xf32, #tpu.memory_space<vmem>>
      %dma_wait3A_117 = arith.constant 0 : i32
      %dma_wait3A_118 = tpu.memref_slice %arg10[%dma_wait3A_111, %dma_wait3A_112, %dma_wait3A_117] : memref<2x28x64xi32, #tpu.memory_space<vmem>> -> memref<1x1x64xi32, #tpu.memory_space<vmem>>
      %dma_wait3A_119 = tpu.memref_squeeze %dma_wait3A_118 : memref<1x1x64xi32, #tpu.memory_space<vmem>> -> memref<64xi32, #tpu.memory_space<vmem>>
      %dma_wait3A_120 = arith.constant 0 : i32
      %dma_wait3A_121 = arith.constant 0 : i32
      %dma_wait3A_122 = tpu.memref_slice %arg8[%dma_wait3A_120, %dma_wait3A_121] : memref<50176x32xf32, #tpu.memory_space<vmem_shared>> -> memref<50176x32xf32, #tpu.memory_space<vmem_shared>>
      tpu.wait_indirect_dma semaphore(%arg13 : memref<!tpu.dma_semaphore, #tpu.memory_space<semaphore_mem>>) src(%dma_wait3A_116 : memref<64x32xf32, #tpu.memory_space<vmem>>) dst(%dma_wait3A_122 : memref<50176x32xf32, #tpu.memory_space<vmem_shared>>)
      %dma_wait3A_123 = arith.constant 1 : i32
      %dma_wait3A_124 = arith.constant 1 : i32
      %dma_wait3A_125 = arith.constant 27 : i32
      %dma_wait3A_126 = arith.constant 192 : i32
      %dma_wait3A_127 = arith.constant 0 : i32
      %dma_wait3A_128 = tpu.memref_slice %arg11[%dma_wait3A_123, %dma_wait3A_126, %dma_wait3A_127] : memref<2x256x32xf32, #tpu.memory_space<vmem>> -> memref<1x64x32xf32, #tpu.memory_space<vmem>>
      %dma_wait3A_129 = tpu.memref_squeeze %dma_wait3A_128 : memref<1x64x32xf32, #tpu.memory_space<vmem>> -> memref<64x32xf32, #tpu.memory_space<vmem>>
      %dma_wait3A_130 = arith.constant 0 : i32
      %dma_wait3A_131 = tpu.memref_slice %arg10[%dma_wait3A_124, %dma_wait3A_125, %dma_wait3A_130] : memref<2x28x64xi32, #tpu.memory_space<vmem>> -> memref<1x1x64xi32, #tpu.memory_space<vmem>>
      %dma_wait3A_132 = tpu.memref_squeeze %dma_wait3A_131 : memref<1x1x64xi32, #tpu.memory_space<vmem>> -> memref<64xi32, #tpu.memory_space<vmem>>
      %dma_wait3A_133 = arith.constant 0 : i32
      %dma_wait3A_134 = arith.constant 0 : i32
      %dma_wait3A_135 = tpu.memref_slice %arg8[%dma_wait3A_133, %dma_wait3A_134] : memref<50176x32xf32, #tpu.memory_space<vmem_shared>> -> memref<50176x32xf32, #tpu.memory_space<vmem_shared>>
      tpu.wait_indirect_dma semaphore(%arg13 : memref<!tpu.dma_semaphore, #tpu.memory_space<semaphore_mem>>) src(%dma_wait3A_129 : memref<64x32xf32, #tpu.memory_space<vmem>>) dst(%dma_wait3A_135 : memref<50176x32xf32, #tpu.memory_space<vmem_shared>>)
    } else {
    }
    %eq3A_3 = arith.constant 1 : i32
    %eq3A_4 = arith.cmpi eq, %arg0, %eq3A_3 : i32
    %convert_element_type3A_5 = arith.extui %eq3A_4 : i1 to i32
    %cond3A_6 = arith.constant 0 : i32
    %cond3A_7 = arith.cmpi ne, %convert_element_type3A_5, %cond3A_6 : i32
    scf.if %cond3A_7 {
      %mul3A_19 = arith.constant 784 : i32
      %mul3A_20 = arith.muli %arg1, %mul3A_19 : i32
      %add3A = arith.constant 0 : i32
      %add3A_21 = arith.addi %mul3A_20, %add3A : i32
      %run_scoped3A = arith.constant 0 : i32
      "tpu.region"() ({
        %run_scoped3A_136 = tpu.sem_alloc : memref<!tpu.dma_semaphore, #tpu.memory_space<semaphore_mem>>
        %dma_start3A_137 = arith.constant 0 : i32
        %dma_start3A_138 = arith.constant 0 : i32
        %dma_start3A_139 = tpu.memref_slice %arg9[%run_scoped3A, %dma_start3A_137, %dma_start3A_138] : memref<2x28x64xi32, #tpu.memory_space<vmem>> -> memref<1x28x64xi32, #tpu.memory_space<vmem>>
        %dma_start3A_140 = tpu.memref_squeeze %dma_start3A_139 : memref<1x28x64xi32, #tpu.memory_space<vmem>> -> memref<28x64xi32, #tpu.memory_space<vmem>>
        %dma_start3A_141 = arith.constant 0 : i32
        %dma_start3A_142 = tpu.memref_slice %arg4[%add3A_21, %dma_start3A_141] : memref<12544x64xi32, #tpu.memory_space<hbm>> -> memref<28x64xi32, #tpu.memory_space<hbm>>
        %dma_start3A_143 = arith.constant 0 : i32
        %dma_start3A_144 = arith.constant 0 : i32
        %dma_start3A_145 = tpu.memref_slice %arg9[%run_scoped3A, %dma_start3A_143, %dma_start3A_144] : memref<2x28x64xi32, #tpu.memory_space<vmem>> -> memref<1x28x64xi32, #tpu.memory_space<vmem>>
        %dma_start3A_146 = tpu.memref_squeeze %dma_start3A_145 : memref<1x28x64xi32, #tpu.memory_space<vmem>> -> memref<28x64xi32, #tpu.memory_space<vmem>>
        %dma_start3A_147 = arith.constant 0 : i32
        %dma_start3A_148 = tpu.memref_slice %arg4[%add3A_21, %dma_start3A_147] : memref<12544x64xi32, #tpu.memory_space<hbm>> -> memref<28x64xi32, #tpu.memory_space<hbm>>
        tpu.enqueue_dma source(%dma_start3A_148 : memref<28x64xi32, #tpu.memory_space<hbm>>) target(%dma_start3A_146 : memref<28x64xi32, #tpu.memory_space<vmem>>) target_semaphore(%run_scoped3A_136 : memref<!tpu.dma_semaphore, #tpu.memory_space<semaphore_mem>>)
        %dma_wait3A_149 = arith.constant 0 : i32
        %dma_wait3A_150 = arith.constant 0 : i32
        %dma_wait3A_151 = tpu.memref_slice %arg9[%run_scoped3A, %dma_wait3A_149, %dma_wait3A_150] : memref<2x28x64xi32, #tpu.memory_space<vmem>> -> memref<1x28x64xi32, #tpu.memory_space<vmem>>
        %dma_wait3A_152 = tpu.memref_squeeze %dma_wait3A_151 : memref<1x28x64xi32, #tpu.memory_space<vmem>> -> memref<28x64xi32, #tpu.memory_space<vmem>>
        %dma_wait3A_153 = arith.constant 0 : i32
        %dma_wait3A_154 = tpu.memref_slice %arg4[%add3A_21, %dma_wait3A_153] : memref<12544x64xi32, #tpu.memory_space<hbm>> -> memref<28x64xi32, #tpu.memory_space<hbm>>
        %dma_wait3A_155 = arith.constant 0 : i32
        %dma_wait3A_156 = arith.constant 0 : i32
        %dma_wait3A_157 = tpu.memref_slice %arg9[%run_scoped3A, %dma_wait3A_155, %dma_wait3A_156] : memref<2x28x64xi32, #tpu.memory_space<vmem>> -> memref<1x28x64xi32, #tpu.memory_space<vmem>>
        %dma_wait3A_158 = tpu.memref_squeeze %dma_wait3A_157 : memref<1x28x64xi32, #tpu.memory_space<vmem>> -> memref<28x64xi32, #tpu.memory_space<vmem>>
        %dma_wait3A_159 = arith.constant 0 : i32
        %dma_wait3A_160 = tpu.memref_slice %arg4[%add3A_21, %dma_wait3A_159] : memref<12544x64xi32, #tpu.memory_space<hbm>> -> memref<28x64xi32, #tpu.memory_space<hbm>>
        tpu.wait_dma2 semaphore(%run_scoped3A_136 : memref<!tpu.dma_semaphore, #tpu.memory_space<semaphore_mem>>) src(%dma_wait3A_160 : memref<28x64xi32, #tpu.memory_space<hbm>>) dst(%dma_wait3A_158 : memref<28x64xi32, #tpu.memory_space<vmem>>)
        tpu.yield
      }) : () -> ()
      %run_scoped3A_22 = arith.constant 0 : i32
      "tpu.region"() ({
        %run_scoped3A_136 = tpu.sem_alloc : memref<!tpu.dma_semaphore, #tpu.memory_space<semaphore_mem>>
        %dma_start3A_137 = arith.constant 0 : i32
        %dma_start3A_138 = arith.constant 0 : i32
        %dma_start3A_139 = tpu.memref_slice %arg10[%run_scoped3A_22, %dma_start3A_137, %dma_start3A_138] : memref<2x28x64xi32, #tpu.memory_space<vmem>> -> memref<1x28x64xi32, #tpu.memory_space<vmem>>
        %dma_start3A_140 = tpu.memref_squeeze %dma_start3A_139 : memref<1x28x64xi32, #tpu.memory_space<vmem>> -> memref<28x64xi32, #tpu.memory_space<vmem>>
        %dma_start3A_141 = arith.constant 0 : i32
        %dma_start3A_142 = tpu.memref_slice %arg5[%add3A_21, %dma_start3A_141] : memref<12544x64xi32, #tpu.memory_space<hbm>> -> memref<28x64xi32, #tpu.memory_space<hbm>>
        %dma_start3A_143 = arith.constant 0 : i32
        %dma_start3A_144 = arith.constant 0 : i32
        %dma_start3A_145 = tpu.memref_slice %arg10[%run_scoped3A_22, %dma_start3A_143, %dma_start3A_144] : memref<2x28x64xi32, #tpu.memory_space<vmem>> -> memref<1x28x64xi32, #tpu.memory_space<vmem>>
        %dma_start3A_146 = tpu.memref_squeeze %dma_start3A_145 : memref<1x28x64xi32, #tpu.memory_space<vmem>> -> memref<28x64xi32, #tpu.memory_space<vmem>>
        %dma_start3A_147 = arith.constant 0 : i32
        %dma_start3A_148 = tpu.memref_slice %arg5[%add3A_21, %dma_start3A_147] : memref<12544x64xi32, #tpu.memory_space<hbm>> -> memref<28x64xi32, #tpu.memory_space<hbm>>
        tpu.enqueue_dma source(%dma_start3A_148 : memref<28x64xi32, #tpu.memory_space<hbm>>) target(%dma_start3A_146 : memref<28x64xi32, #tpu.memory_space<vmem>>) target_semaphore(%run_scoped3A_136 : memref<!tpu.dma_semaphore, #tpu.memory_space<semaphore_mem>>)
        %dma_wait3A_149 = arith.constant 0 : i32
        %dma_wait3A_150 = arith.constant 0 : i32
        %dma_wait3A_151 = tpu.memref_slice %arg10[%run_scoped3A_22, %dma_wait3A_149, %dma_wait3A_150] : memref<2x28x64xi32, #tpu.memory_space<vmem>> -> memref<1x28x64xi32, #tpu.memory_space<vmem>>
        %dma_wait3A_152 = tpu.memref_squeeze %dma_wait3A_151 : memref<1x28x64xi32, #tpu.memory_space<vmem>> -> memref<28x64xi32, #tpu.memory_space<vmem>>
        %dma_wait3A_153 = arith.constant 0 : i32
        %dma_wait3A_154 = tpu.memref_slice %arg5[%add3A_21, %dma_wait3A_153] : memref<12544x64xi32, #tpu.memory_space<hbm>> -> memref<28x64xi32, #tpu.memory_space<hbm>>
        %dma_wait3A_155 = arith.constant 0 : i32
        %dma_wait3A_156 = arith.constant 0 : i32
        %dma_wait3A_157 = tpu.memref_slice %arg10[%run_scoped3A_22, %dma_wait3A_155, %dma_wait3A_156] : memref<2x28x64xi32, #tpu.memory_space<vmem>> -> memref<1x28x64xi32, #tpu.memory_space<vmem>>
        %dma_wait3A_158 = tpu.memref_squeeze %dma_wait3A_157 : memref<1x28x64xi32, #tpu.memory_space<vmem>> -> memref<28x64xi32, #tpu.memory_space<vmem>>
        %dma_wait3A_159 = arith.constant 0 : i32
        %dma_wait3A_160 = tpu.memref_slice %arg5[%add3A_21, %dma_wait3A_159] : memref<12544x64xi32, #tpu.memory_space<hbm>> -> memref<28x64xi32, #tpu.memory_space<hbm>>
        tpu.wait_dma2 semaphore(%run_scoped3A_136 : memref<!tpu.dma_semaphore, #tpu.memory_space<semaphore_mem>>) src(%dma_wait3A_160 : memref<28x64xi32, #tpu.memory_space<hbm>>) dst(%dma_wait3A_158 : memref<28x64xi32, #tpu.memory_space<vmem>>)
        tpu.yield
      }) : () -> ()
      %mul3A_23 = arith.constant 784 : i32
      %mul3A_24 = arith.muli %arg1, %mul3A_23 : i32
      %add3A_25 = arith.constant 28 : i32
      %add3A_26 = arith.addi %mul3A_24, %add3A_25 : i32
      %run_scoped3A_27 = arith.constant 1 : i32
      "tpu.region"() ({
        %run_scoped3A_136 = tpu.sem_alloc : memref<!tpu.dma_semaphore, #tpu.memory_space<semaphore_mem>>
        %dma_start3A_137 = arith.constant 0 : i32
        %dma_start3A_138 = arith.constant 0 : i32
        %dma_start3A_139 = tpu.memref_slice %arg9[%run_scoped3A_27, %dma_start3A_137, %dma_start3A_138] : memref<2x28x64xi32, #tpu.memory_space<vmem>> -> memref<1x28x64xi32, #tpu.memory_space<vmem>>
        %dma_start3A_140 = tpu.memref_squeeze %dma_start3A_139 : memref<1x28x64xi32, #tpu.memory_space<vmem>> -> memref<28x64xi32, #tpu.memory_space<vmem>>
        %dma_start3A_141 = arith.constant 0 : i32
        %dma_start3A_142 = tpu.memref_slice %arg4[%add3A_26, %dma_start3A_141] : memref<12544x64xi32, #tpu.memory_space<hbm>> -> memref<28x64xi32, #tpu.memory_space<hbm>>
        %dma_start3A_143 = arith.constant 0 : i32
        %dma_start3A_144 = arith.constant 0 : i32
        %dma_start3A_145 = tpu.memref_slice %arg9[%run_scoped3A_27, %dma_start3A_143, %dma_start3A_144] : memref<2x28x64xi32, #tpu.memory_space<vmem>> -> memref<1x28x64xi32, #tpu.memory_space<vmem>>
        %dma_start3A_146 = tpu.memref_squeeze %dma_start3A_145 : memref<1x28x64xi32, #tpu.memory_space<vmem>> -> memref<28x64xi32, #tpu.memory_space<vmem>>
        %dma_start3A_147 = arith.constant 0 : i32
        %dma_start3A_148 = tpu.memref_slice %arg4[%add3A_26, %dma_start3A_147] : memref<12544x64xi32, #tpu.memory_space<hbm>> -> memref<28x64xi32, #tpu.memory_space<hbm>>
        tpu.enqueue_dma source(%dma_start3A_148 : memref<28x64xi32, #tpu.memory_space<hbm>>) target(%dma_start3A_146 : memref<28x64xi32, #tpu.memory_space<vmem>>) target_semaphore(%run_scoped3A_136 : memref<!tpu.dma_semaphore, #tpu.memory_space<semaphore_mem>>)
        %dma_wait3A_149 = arith.constant 0 : i32
        %dma_wait3A_150 = arith.constant 0 : i32
        %dma_wait3A_151 = tpu.memref_slice %arg9[%run_scoped3A_27, %dma_wait3A_149, %dma_wait3A_150] : memref<2x28x64xi32, #tpu.memory_space<vmem>> -> memref<1x28x64xi32, #tpu.memory_space<vmem>>
        %dma_wait3A_152 = tpu.memref_squeeze %dma_wait3A_151 : memref<1x28x64xi32, #tpu.memory_space<vmem>> -> memref<28x64xi32, #tpu.memory_space<vmem>>
        %dma_wait3A_153 = arith.constant 0 : i32
        %dma_wait3A_154 = tpu.memref_slice %arg4[%add3A_26, %dma_wait3A_153] : memref<12544x64xi32, #tpu.memory_space<hbm>> -> memref<28x64xi32, #tpu.memory_space<hbm>>
        %dma_wait3A_155 = arith.constant 0 : i32
        %dma_wait3A_156 = arith.constant 0 : i32
        %dma_wait3A_157 = tpu.memref_slice %arg9[%run_scoped3A_27, %dma_wait3A_155, %dma_wait3A_156] : memref<2x28x64xi32, #tpu.memory_space<vmem>> -> memref<1x28x64xi32, #tpu.memory_space<vmem>>
        %dma_wait3A_158 = tpu.memref_squeeze %dma_wait3A_157 : memref<1x28x64xi32, #tpu.memory_space<vmem>> -> memref<28x64xi32, #tpu.memory_space<vmem>>
        %dma_wait3A_159 = arith.constant 0 : i32
        %dma_wait3A_160 = tpu.memref_slice %arg4[%add3A_26, %dma_wait3A_159] : memref<12544x64xi32, #tpu.memory_space<hbm>> -> memref<28x64xi32, #tpu.memory_space<hbm>>
        tpu.wait_dma2 semaphore(%run_scoped3A_136 : memref<!tpu.dma_semaphore, #tpu.memory_space<semaphore_mem>>) src(%dma_wait3A_160 : memref<28x64xi32, #tpu.memory_space<hbm>>) dst(%dma_wait3A_158 : memref<28x64xi32, #tpu.memory_space<vmem>>)
        tpu.yield
      }) : () -> ()
      %run_scoped3A_28 = arith.constant 1 : i32
      "tpu.region"() ({
        %run_scoped3A_136 = tpu.sem_alloc : memref<!tpu.dma_semaphore, #tpu.memory_space<semaphore_mem>>
        %dma_start3A_137 = arith.constant 0 : i32
        %dma_start3A_138 = arith.constant 0 : i32
        %dma_start3A_139 = tpu.memref_slice %arg10[%run_scoped3A_28, %dma_start3A_137, %dma_start3A_138] : memref<2x28x64xi32, #tpu.memory_space<vmem>> -> memref<1x28x64xi32, #tpu.memory_space<vmem>>
        %dma_start3A_140 = tpu.memref_squeeze %dma_start3A_139 : memref<1x28x64xi32, #tpu.memory_space<vmem>> -> memref<28x64xi32, #tpu.memory_space<vmem>>
        %dma_start3A_141 = arith.constant 0 : i32
        %dma_start3A_142 = tpu.memref_slice %arg5[%add3A_26, %dma_start3A_141] : memref<12544x64xi32, #tpu.memory_space<hbm>> -> memref<28x64xi32, #tpu.memory_space<hbm>>
        %dma_start3A_143 = arith.constant 0 : i32
        %dma_start3A_144 = arith.constant 0 : i32
        %dma_start3A_145 = tpu.memref_slice %arg10[%run_scoped3A_28, %dma_start3A_143, %dma_start3A_144] : memref<2x28x64xi32, #tpu.memory_space<vmem>> -> memref<1x28x64xi32, #tpu.memory_space<vmem>>
        %dma_start3A_146 = tpu.memref_squeeze %dma_start3A_145 : memref<1x28x64xi32, #tpu.memory_space<vmem>> -> memref<28x64xi32, #tpu.memory_space<vmem>>
        %dma_start3A_147 = arith.constant 0 : i32
        %dma_start3A_148 = tpu.memref_slice %arg5[%add3A_26, %dma_start3A_147] : memref<12544x64xi32, #tpu.memory_space<hbm>> -> memref<28x64xi32, #tpu.memory_space<hbm>>
        tpu.enqueue_dma source(%dma_start3A_148 : memref<28x64xi32, #tpu.memory_space<hbm>>) target(%dma_start3A_146 : memref<28x64xi32, #tpu.memory_space<vmem>>) target_semaphore(%run_scoped3A_136 : memref<!tpu.dma_semaphore, #tpu.memory_space<semaphore_mem>>)
        %dma_wait3A_149 = arith.constant 0 : i32
        %dma_wait3A_150 = arith.constant 0 : i32
        %dma_wait3A_151 = tpu.memref_slice %arg10[%run_scoped3A_28, %dma_wait3A_149, %dma_wait3A_150] : memref<2x28x64xi32, #tpu.memory_space<vmem>> -> memref<1x28x64xi32, #tpu.memory_space<vmem>>
        %dma_wait3A_152 = tpu.memref_squeeze %dma_wait3A_151 : memref<1x28x64xi32, #tpu.memory_space<vmem>> -> memref<28x64xi32, #tpu.memory_space<vmem>>
        %dma_wait3A_153 = arith.constant 0 : i32
        %dma_wait3A_154 = tpu.memref_slice %arg5[%add3A_26, %dma_wait3A_153] : memref<12544x64xi32, #tpu.memory_space<hbm>> -> memref<28x64xi32, #tpu.memory_space<hbm>>
        %dma_wait3A_155 = arith.constant 0 : i32
        %dma_wait3A_156 = arith.constant 0 : i32
        %dma_wait3A_157 = tpu.memref_slice %arg10[%run_scoped3A_28, %dma_wait3A_155, %dma_wait3A_156] : memref<2x28x64xi32, #tpu.memory_space<vmem>> -> memref<1x28x64xi32, #tpu.memory_space<vmem>>
        %dma_wait3A_158 = tpu.memref_squeeze %dma_wait3A_157 : memref<1x28x64xi32, #tpu.memory_space<vmem>> -> memref<28x64xi32, #tpu.memory_space<vmem>>
        %dma_wait3A_159 = arith.constant 0 : i32
        %dma_wait3A_160 = tpu.memref_slice %arg5[%add3A_26, %dma_wait3A_159] : memref<12544x64xi32, #tpu.memory_space<hbm>> -> memref<28x64xi32, #tpu.memory_space<hbm>>
        tpu.wait_dma2 semaphore(%run_scoped3A_136 : memref<!tpu.dma_semaphore, #tpu.memory_space<semaphore_mem>>) src(%dma_wait3A_160 : memref<28x64xi32, #tpu.memory_space<hbm>>) dst(%dma_wait3A_158 : memref<28x64xi32, #tpu.memory_space<vmem>>)
        tpu.yield
      }) : () -> ()
      %dma_start3A = arith.constant 0 : i32
      %dma_start3A_29 = arith.constant 0 : i32
      %dma_start3A_30 = arith.constant 0 : i32
      %dma_start3A_31 = arith.constant 0 : i32
      %dma_start3A_32 = arith.constant 0 : i32
      %dma_start3A_33 = tpu.memref_slice %arg11[%dma_start3A_30, %dma_start3A_31, %dma_start3A_32] : memref<2x256x32xf32, #tpu.memory_space<vmem>> -> memref<1x64x32xf32, #tpu.memory_space<vmem>>
      %dma_start3A_34 = tpu.memref_squeeze %dma_start3A_33 : memref<1x64x32xf32, #tpu.memory_space<vmem>> -> memref<64x32xf32, #tpu.memory_space<vmem>>
      %dma_start3A_35 = arith.constant 0 : i32
      %dma_start3A_36 = tpu.memref_slice %arg9[%dma_start3A, %dma_start3A_29, %dma_start3A_35] : memref<2x28x64xi32, #tpu.memory_space<vmem>> -> memref<1x1x64xi32, #tpu.memory_space<vmem>>
      %dma_start3A_37 = tpu.memref_squeeze %dma_start3A_36 : memref<1x1x64xi32, #tpu.memory_space<vmem>> -> memref<64xi32, #tpu.memory_space<vmem>>
      %dma_start3A_38 = arith.constant 0 : i32
      %dma_start3A_39 = arith.constant 0 : i32
      %dma_start3A_40 = tpu.memref_slice %arg3[%dma_start3A_38, %dma_start3A_39] : memref<200000x32xf32, #tpu.memory_space<hbm>> -> memref<200000x32xf32, #tpu.memory_space<hbm>>
      tpu.enqueue_indirect_dma source(%dma_start3A_40 : memref<200000x32xf32, #tpu.memory_space<hbm>>) target(%dma_start3A_34 : memref<64x32xf32, #tpu.memory_space<vmem>>) offsets(%dma_start3A_37 : memref<64xi32, #tpu.memory_space<vmem>>) semaphore(%arg12 : memref<!tpu.dma_semaphore, #tpu.memory_space<semaphore_mem>>)
      %dma_start3A_41 = arith.constant 0 : i32
      %dma_start3A_42 = arith.constant 1 : i32
      %dma_start3A_43 = arith.constant 0 : i32
      %dma_start3A_44 = arith.constant 64 : i32
      %dma_start3A_45 = arith.constant 0 : i32
      %dma_start3A_46 = tpu.memref_slice %arg11[%dma_start3A_43, %dma_start3A_44, %dma_start3A_45] : memref<2x256x32xf32, #tpu.memory_space<vmem>> -> memref<1x64x32xf32, #tpu.memory_space<vmem>>
      %dma_start3A_47 = tpu.memref_squeeze %dma_start3A_46 : memref<1x64x32xf32, #tpu.memory_space<vmem>> -> memref<64x32xf32, #tpu.memory_space<vmem>>
      %dma_start3A_48 = arith.constant 0 : i32
      %dma_start3A_49 = tpu.memref_slice %arg9[%dma_start3A_41, %dma_start3A_42, %dma_start3A_48] : memref<2x28x64xi32, #tpu.memory_space<vmem>> -> memref<1x1x64xi32, #tpu.memory_space<vmem>>
      %dma_start3A_50 = tpu.memref_squeeze %dma_start3A_49 : memref<1x1x64xi32, #tpu.memory_space<vmem>> -> memref<64xi32, #tpu.memory_space<vmem>>
      %dma_start3A_51 = arith.constant 0 : i32
      %dma_start3A_52 = arith.constant 0 : i32
      %dma_start3A_53 = tpu.memref_slice %arg3[%dma_start3A_51, %dma_start3A_52] : memref<200000x32xf32, #tpu.memory_space<hbm>> -> memref<200000x32xf32, #tpu.memory_space<hbm>>
      tpu.enqueue_indirect_dma source(%dma_start3A_53 : memref<200000x32xf32, #tpu.memory_space<hbm>>) target(%dma_start3A_47 : memref<64x32xf32, #tpu.memory_space<vmem>>) offsets(%dma_start3A_50 : memref<64xi32, #tpu.memory_space<vmem>>) semaphore(%arg12 : memref<!tpu.dma_semaphore, #tpu.memory_space<semaphore_mem>>)
      %dma_start3A_54 = arith.constant 0 : i32
      %dma_start3A_55 = arith.constant 2 : i32
      %dma_start3A_56 = arith.constant 0 : i32
      %dma_start3A_57 = arith.constant 128 : i32
      %dma_start3A_58 = arith.constant 0 : i32
      %dma_start3A_59 = tpu.memref_slice %arg11[%dma_start3A_56, %dma_start3A_57, %dma_start3A_58] : memref<2x256x32xf32, #tpu.memory_space<vmem>> -> memref<1x64x32xf32, #tpu.memory_space<vmem>>
      %dma_start3A_60 = tpu.memref_squeeze %dma_start3A_59 : memref<1x64x32xf32, #tpu.memory_space<vmem>> -> memref<64x32xf32, #tpu.memory_space<vmem>>
      %dma_start3A_61 = arith.constant 0 : i32
      %dma_start3A_62 = tpu.memref_slice %arg9[%dma_start3A_54, %dma_start3A_55, %dma_start3A_61] : memref<2x28x64xi32, #tpu.memory_space<vmem>> -> memref<1x1x64xi32, #tpu.memory_space<vmem>>
      %dma_start3A_63 = tpu.memref_squeeze %dma_start3A_62 : memref<1x1x64xi32, #tpu.memory_space<vmem>> -> memref<64xi32, #tpu.memory_space<vmem>>
      %dma_start3A_64 = arith.constant 0 : i32
      %dma_start3A_65 = arith.constant 0 : i32
      %dma_start3A_66 = tpu.memref_slice %arg3[%dma_start3A_64, %dma_start3A_65] : memref<200000x32xf32, #tpu.memory_space<hbm>> -> memref<200000x32xf32, #tpu.memory_space<hbm>>
      tpu.enqueue_indirect_dma source(%dma_start3A_66 : memref<200000x32xf32, #tpu.memory_space<hbm>>) target(%dma_start3A_60 : memref<64x32xf32, #tpu.memory_space<vmem>>) offsets(%dma_start3A_63 : memref<64xi32, #tpu.memory_space<vmem>>) semaphore(%arg12 : memref<!tpu.dma_semaphore, #tpu.memory_space<semaphore_mem>>)
      %dma_start3A_67 = arith.constant 0 : i32
      %dma_start3A_68 = arith.constant 3 : i32
      %dma_start3A_69 = arith.constant 0 : i32
      %dma_start3A_70 = arith.constant 192 : i32
      %dma_start3A_71 = arith.constant 0 : i32
      %dma_start3A_72 = tpu.memref_slice %arg11[%dma_start3A_69, %dma_start3A_70, %dma_start3A_71] : memref<2x256x32xf32, #tpu.memory_space<vmem>> -> memref<1x64x32xf32, #tpu.memory_space<vmem>>
      %dma_start3A_73 = tpu.memref_squeeze %dma_start3A_72 : memref<1x64x32xf32, #tpu.memory_space<vmem>> -> memref<64x32xf32, #tpu.memory_space<vmem>>
      %dma_start3A_74 = arith.constant 0 : i32
      %dma_start3A_75 = tpu.memref_slice %arg9[%dma_start3A_67, %dma_start3A_68, %dma_start3A_74] : memref<2x28x64xi32, #tpu.memory_space<vmem>> -> memref<1x1x64xi32, #tpu.memory_space<vmem>>
      %dma_start3A_76 = tpu.memref_squeeze %dma_start3A_75 : memref<1x1x64xi32, #tpu.memory_space<vmem>> -> memref<64xi32, #tpu.memory_space<vmem>>
      %dma_start3A_77 = arith.constant 0 : i32
      %dma_start3A_78 = arith.constant 0 : i32
      %dma_start3A_79 = tpu.memref_slice %arg3[%dma_start3A_77, %dma_start3A_78] : memref<200000x32xf32, #tpu.memory_space<hbm>> -> memref<200000x32xf32, #tpu.memory_space<hbm>>
      tpu.enqueue_indirect_dma source(%dma_start3A_79 : memref<200000x32xf32, #tpu.memory_space<hbm>>) target(%dma_start3A_73 : memref<64x32xf32, #tpu.memory_space<vmem>>) offsets(%dma_start3A_76 : memref<64xi32, #tpu.memory_space<vmem>>) semaphore(%arg12 : memref<!tpu.dma_semaphore, #tpu.memory_space<semaphore_mem>>)
      %scan3A = arith.constant 0 : i32
      %scan3A_80 = arith.constant 0 : i32
      %scan3A_81 = arith.constant 196 : i32
      %scan3A_82 = arith.addi %scan3A_80, %scan3A_81 : i32
      %scan3A_83 = arith.constant 1 : i32
      scf.for %scan3A_136 = %scan3A_80 to %scan3A_82 step %scan3A_83  : i32 {
        %jit3A = arith.constant 2 : i32
        %eq3A_137 = arith.constant 0 : i32
        %eq3A_138 = arith.cmpi eq, %jit3A, %eq3A_137 : i32
        %jit3A_139 = arith.constant 1 : i32
        %select_n3A = arith.select %eq3A_138, %jit3A_139, %jit3A : i32
        %rem3A = arith.remsi %scan3A_136, %select_n3A : i32
        %ne3A = arith.constant 0 : i32
        %ne3A_140 = arith.cmpi ne, %rem3A, %ne3A : i32
        %lt3A = arith.constant 0 : i32
        %lt3A_141 = arith.cmpi slt, %rem3A, %lt3A : i32
        %lt3A_142 = arith.constant 0 : i32
        %lt3A_143 = arith.cmpi slt, %select_n3A, %lt3A_142 : i32
        %ne3A_144 = arith.xori %lt3A_141, %lt3A_143 : i1
        %and3A = arith.andi %ne3A_144, %ne3A_140 : i1
        %add3A_145 = arith.addi %rem3A, %select_n3A : i32
        %select_n3A_146 = arith.select %and3A, %add3A_145, %rem3A : i32
        %jit3A_147 = arith.constant 7 : i32
        %div3A = arith.divsi %scan3A_136, %jit3A_147 : i32
        %sign3A = arith.constant 0 : i32
        %sign3A_148 = arith.cmpi sgt, %scan3A_136, %sign3A : i32
        %sign3A_149 = arith.extui %sign3A_148 : i1 to i32
        %sign3A_150 = arith.constant 0 : i32
        %sign3A_151 = arith.cmpi slt, %scan3A_136, %sign3A_150 : i32
        %sign3A_152 = arith.extui %sign3A_151 : i1 to i32
        %sign3A_153 = arith.subi %sign3A_149, %sign3A_152 : i32
        %sign3A_154 = arith.constant 0 : i32
        %sign3A_155 = arith.cmpi sgt, %jit3A_147, %sign3A_154 : i32
        %sign3A_156 = arith.extui %sign3A_155 : i1 to i32
        %sign3A_157 = arith.constant 0 : i32
        %sign3A_158 = arith.cmpi slt, %jit3A_147, %sign3A_157 : i32
        %sign3A_159 = arith.extui %sign3A_158 : i1 to i32
        %sign3A_160 = arith.subi %sign3A_156, %sign3A_159 : i32
        %ne3A_161 = arith.cmpi ne, %sign3A_153, %sign3A_160 : i32
        %rem3A_162 = arith.remsi %scan3A_136, %jit3A_147 : i32
        %ne3A_163 = arith.constant 0 : i32
        %ne3A_164 = arith.cmpi ne, %rem3A_162, %ne3A_163 : i32
        %and3A_165 = arith.andi %ne3A_161, %ne3A_164 : i1
        %sub3A = arith.constant 1 : i32
        %sub3A_166 = arith.subi %div3A, %sub3A : i32
        %select_n3A_167 = arith.select %and3A_165, %sub3A_166, %div3A : i32
        %jit3A_168 = arith.constant 2 : i32
        %eq3A_169 = arith.constant 0 : i32
        %eq3A_170 = arith.cmpi eq, %jit3A_168, %eq3A_169 : i32
        %jit3A_171 = arith.constant 1 : i32
        %select_n3A_172 = arith.select %eq3A_170, %jit3A_171, %jit3A_168 : i32
        %rem3A_173 = arith.remsi %select_n3A_167, %select_n3A_172 : i32
        %ne3A_174 = arith.constant 0 : i32
        %ne3A_175 = arith.cmpi ne, %rem3A_173, %ne3A_174 : i32
        %lt3A_176 = arith.constant 0 : i32
        %lt3A_177 = arith.cmpi slt, %rem3A_173, %lt3A_176 : i32
        %lt3A_178 = arith.constant 0 : i32
        %lt3A_179 = arith.cmpi slt, %select_n3A_172, %lt3A_178 : i32
        %ne3A_180 = arith.xori %lt3A_177, %lt3A_179 : i1
        %and3A_181 = arith.andi %ne3A_180, %ne3A_175 : i1
        %add3A_182 = arith.addi %rem3A_173, %select_n3A_172 : i32
        %select_n3A_183 = arith.select %and3A_181, %add3A_182, %rem3A_173 : i32
        %jit3A_184 = arith.constant 7 : i32
        %eq3A_185 = arith.constant 0 : i32
        %eq3A_186 = arith.cmpi eq, %jit3A_184, %eq3A_185 : i32
        %jit3A_187 = arith.constant 1 : i32
        %select_n3A_188 = arith.select %eq3A_186, %jit3A_187, %jit3A_184 : i32
        %rem3A_189 = arith.remsi %scan3A_136, %select_n3A_188 : i32
        %ne3A_190 = arith.constant 0 : i32
        %ne3A_191 = arith.cmpi ne, %rem3A_189, %ne3A_190 : i32
        %lt3A_192 = arith.constant 0 : i32
        %lt3A_193 = arith.cmpi slt, %rem3A_189, %lt3A_192 : i32
        %lt3A_194 = arith.constant 0 : i32
        %lt3A_195 = arith.cmpi slt, %select_n3A_188, %lt3A_194 : i32
        %ne3A_196 = arith.xori %lt3A_193, %lt3A_195 : i1
        %and3A_197 = arith.andi %ne3A_196, %ne3A_191 : i1
        %add3A_198 = arith.addi %rem3A_189, %select_n3A_188 : i32
        %select_n3A_199 = arith.select %and3A_197, %add3A_198, %rem3A_189 : i32
        %mul3A_200 = arith.constant 4 : i32
        %mul3A_201 = arith.muli %select_n3A_199, %mul3A_200 : i32
        %add3A_202 = arith.constant 0 : i32
        %add3A_203 = arith.addi %mul3A_201, %add3A_202 : i32
        %dma_wait3A_204 = arith.constant 0 : i32
        %dma_wait3A_205 = arith.constant 0 : i32
        %dma_wait3A_206 = tpu.memref_slice %arg11[%select_n3A_146, %dma_wait3A_204, %dma_wait3A_205] : memref<2x256x32xf32, #tpu.memory_space<vmem>> -> memref<1x64x32xf32, #tpu.memory_space<vmem>>
        %dma_wait3A_207 = tpu.memref_squeeze %dma_wait3A_206 : memref<1x64x32xf32, #tpu.memory_space<vmem>> -> memref<64x32xf32, #tpu.memory_space<vmem>>
        %dma_wait3A_208 = arith.constant 0 : i32
        %dma_wait3A_209 = tpu.memref_slice %arg9[%select_n3A_183, %add3A_203, %dma_wait3A_208] : memref<2x28x64xi32, #tpu.memory_space<vmem>> -> memref<1x1x64xi32, #tpu.memory_space<vmem>>
        %dma_wait3A_210 = tpu.memref_squeeze %dma_wait3A_209 : memref<1x1x64xi32, #tpu.memory_space<vmem>> -> memref<64xi32, #tpu.memory_space<vmem>>
        %dma_wait3A_211 = arith.constant 0 : i32
        %dma_wait3A_212 = arith.constant 0 : i32
        %dma_wait3A_213 = tpu.memref_slice %arg3[%dma_wait3A_211, %dma_wait3A_212] : memref<200000x32xf32, #tpu.memory_space<hbm>> -> memref<200000x32xf32, #tpu.memory_space<hbm>>
        tpu.wait_indirect_dma semaphore(%arg12 : memref<!tpu.dma_semaphore, #tpu.memory_space<semaphore_mem>>) src(%dma_wait3A_213 : memref<200000x32xf32, #tpu.memory_space<hbm>>) dst(%dma_wait3A_207 : memref<64x32xf32, #tpu.memory_space<vmem>>)
        %add3A_214 = arith.constant 1 : i32
        %add3A_215 = arith.addi %mul3A_201, %add3A_214 : i32
        %dma_wait3A_216 = arith.constant 64 : i32
        %dma_wait3A_217 = arith.constant 0 : i32
        %dma_wait3A_218 = tpu.memref_slice %arg11[%select_n3A_146, %dma_wait3A_216, %dma_wait3A_217] : memref<2x256x32xf32, #tpu.memory_space<vmem>> -> memref<1x64x32xf32, #tpu.memory_space<vmem>>
        %dma_wait3A_219 = tpu.memref_squeeze %dma_wait3A_218 : memref<1x64x32xf32, #tpu.memory_space<vmem>> -> memref<64x32xf32, #tpu.memory_space<vmem>>
        %dma_wait3A_220 = arith.constant 0 : i32
        %dma_wait3A_221 = tpu.memref_slice %arg9[%select_n3A_183, %add3A_215, %dma_wait3A_220] : memref<2x28x64xi32, #tpu.memory_space<vmem>> -> memref<1x1x64xi32, #tpu.memory_space<vmem>>
        %dma_wait3A_222 = tpu.memref_squeeze %dma_wait3A_221 : memref<1x1x64xi32, #tpu.memory_space<vmem>> -> memref<64xi32, #tpu.memory_space<vmem>>
        %dma_wait3A_223 = arith.constant 0 : i32
        %dma_wait3A_224 = arith.constant 0 : i32
        %dma_wait3A_225 = tpu.memref_slice %arg3[%dma_wait3A_223, %dma_wait3A_224] : memref<200000x32xf32, #tpu.memory_space<hbm>> -> memref<200000x32xf32, #tpu.memory_space<hbm>>
        tpu.wait_indirect_dma semaphore(%arg12 : memref<!tpu.dma_semaphore, #tpu.memory_space<semaphore_mem>>) src(%dma_wait3A_225 : memref<200000x32xf32, #tpu.memory_space<hbm>>) dst(%dma_wait3A_219 : memref<64x32xf32, #tpu.memory_space<vmem>>)
        %add3A_226 = arith.constant 2 : i32
        %add3A_227 = arith.addi %mul3A_201, %add3A_226 : i32
        %dma_wait3A_228 = arith.constant 128 : i32
        %dma_wait3A_229 = arith.constant 0 : i32
        %dma_wait3A_230 = tpu.memref_slice %arg11[%select_n3A_146, %dma_wait3A_228, %dma_wait3A_229] : memref<2x256x32xf32, #tpu.memory_space<vmem>> -> memref<1x64x32xf32, #tpu.memory_space<vmem>>
        %dma_wait3A_231 = tpu.memref_squeeze %dma_wait3A_230 : memref<1x64x32xf32, #tpu.memory_space<vmem>> -> memref<64x32xf32, #tpu.memory_space<vmem>>
        %dma_wait3A_232 = arith.constant 0 : i32
        %dma_wait3A_233 = tpu.memref_slice %arg9[%select_n3A_183, %add3A_227, %dma_wait3A_232] : memref<2x28x64xi32, #tpu.memory_space<vmem>> -> memref<1x1x64xi32, #tpu.memory_space<vmem>>
        %dma_wait3A_234 = tpu.memref_squeeze %dma_wait3A_233 : memref<1x1x64xi32, #tpu.memory_space<vmem>> -> memref<64xi32, #tpu.memory_space<vmem>>
        %dma_wait3A_235 = arith.constant 0 : i32
        %dma_wait3A_236 = arith.constant 0 : i32
        %dma_wait3A_237 = tpu.memref_slice %arg3[%dma_wait3A_235, %dma_wait3A_236] : memref<200000x32xf32, #tpu.memory_space<hbm>> -> memref<200000x32xf32, #tpu.memory_space<hbm>>
        tpu.wait_indirect_dma semaphore(%arg12 : memref<!tpu.dma_semaphore, #tpu.memory_space<semaphore_mem>>) src(%dma_wait3A_237 : memref<200000x32xf32, #tpu.memory_space<hbm>>) dst(%dma_wait3A_231 : memref<64x32xf32, #tpu.memory_space<vmem>>)
        %add3A_238 = arith.constant 3 : i32
        %add3A_239 = arith.addi %mul3A_201, %add3A_238 : i32
        %dma_wait3A_240 = arith.constant 192 : i32
        %dma_wait3A_241 = arith.constant 0 : i32
        %dma_wait3A_242 = tpu.memref_slice %arg11[%select_n3A_146, %dma_wait3A_240, %dma_wait3A_241] : memref<2x256x32xf32, #tpu.memory_space<vmem>> -> memref<1x64x32xf32, #tpu.memory_space<vmem>>
        %dma_wait3A_243 = tpu.memref_squeeze %dma_wait3A_242 : memref<1x64x32xf32, #tpu.memory_space<vmem>> -> memref<64x32xf32, #tpu.memory_space<vmem>>
        %dma_wait3A_244 = arith.constant 0 : i32
        %dma_wait3A_245 = tpu.memref_slice %arg9[%select_n3A_183, %add3A_239, %dma_wait3A_244] : memref<2x28x64xi32, #tpu.memory_space<vmem>> -> memref<1x1x64xi32, #tpu.memory_space<vmem>>
        %dma_wait3A_246 = tpu.memref_squeeze %dma_wait3A_245 : memref<1x1x64xi32, #tpu.memory_space<vmem>> -> memref<64xi32, #tpu.memory_space<vmem>>
        %dma_wait3A_247 = arith.constant 0 : i32
        %dma_wait3A_248 = arith.constant 0 : i32
        %dma_wait3A_249 = tpu.memref_slice %arg3[%dma_wait3A_247, %dma_wait3A_248] : memref<200000x32xf32, #tpu.memory_space<hbm>> -> memref<200000x32xf32, #tpu.memory_space<hbm>>
        tpu.wait_indirect_dma semaphore(%arg12 : memref<!tpu.dma_semaphore, #tpu.memory_space<semaphore_mem>>) src(%dma_wait3A_249 : memref<200000x32xf32, #tpu.memory_space<hbm>>) dst(%dma_wait3A_243 : memref<64x32xf32, #tpu.memory_space<vmem>>)
        %add3A_250 = arith.constant 0 : i32
        %add3A_251 = arith.addi %mul3A_201, %add3A_250 : i32
        %dma_start3A_252 = arith.constant 0 : i32
        %dma_start3A_253 = arith.constant 0 : i32
        %dma_start3A_254 = tpu.memref_slice %arg11[%select_n3A_146, %dma_start3A_252, %dma_start3A_253] : memref<2x256x32xf32, #tpu.memory_space<vmem>> -> memref<1x64x32xf32, #tpu.memory_space<vmem>>
        %dma_start3A_255 = tpu.memref_squeeze %dma_start3A_254 : memref<1x64x32xf32, #tpu.memory_space<vmem>> -> memref<64x32xf32, #tpu.memory_space<vmem>>
        %dma_start3A_256 = arith.constant 0 : i32
        %dma_start3A_257 = tpu.memref_slice %arg10[%select_n3A_183, %add3A_251, %dma_start3A_256] : memref<2x28x64xi32, #tpu.memory_space<vmem>> -> memref<1x1x64xi32, #tpu.memory_space<vmem>>
        %dma_start3A_258 = tpu.memref_squeeze %dma_start3A_257 : memref<1x1x64xi32, #tpu.memory_space<vmem>> -> memref<64xi32, #tpu.memory_space<vmem>>
        %dma_start3A_259 = arith.constant 0 : i32
        %dma_start3A_260 = arith.constant 0 : i32
        %dma_start3A_261 = tpu.memref_slice %arg8[%dma_start3A_259, %dma_start3A_260] : memref<50176x32xf32, #tpu.memory_space<vmem_shared>> -> memref<50176x32xf32, #tpu.memory_space<vmem_shared>>
        tpu.enqueue_indirect_dma source(%dma_start3A_255 : memref<64x32xf32, #tpu.memory_space<vmem>>) target(%dma_start3A_261 : memref<50176x32xf32, #tpu.memory_space<vmem_shared>>) offsets(%dma_start3A_258 : memref<64xi32, #tpu.memory_space<vmem>>) semaphore(%arg13 : memref<!tpu.dma_semaphore, #tpu.memory_space<semaphore_mem>>) {add = true}
        %add3A_262 = arith.constant 1 : i32
        %add3A_263 = arith.addi %mul3A_201, %add3A_262 : i32
        %dma_start3A_264 = arith.constant 64 : i32
        %dma_start3A_265 = arith.constant 0 : i32
        %dma_start3A_266 = tpu.memref_slice %arg11[%select_n3A_146, %dma_start3A_264, %dma_start3A_265] : memref<2x256x32xf32, #tpu.memory_space<vmem>> -> memref<1x64x32xf32, #tpu.memory_space<vmem>>
        %dma_start3A_267 = tpu.memref_squeeze %dma_start3A_266 : memref<1x64x32xf32, #tpu.memory_space<vmem>> -> memref<64x32xf32, #tpu.memory_space<vmem>>
        %dma_start3A_268 = arith.constant 0 : i32
        %dma_start3A_269 = tpu.memref_slice %arg10[%select_n3A_183, %add3A_263, %dma_start3A_268] : memref<2x28x64xi32, #tpu.memory_space<vmem>> -> memref<1x1x64xi32, #tpu.memory_space<vmem>>
        %dma_start3A_270 = tpu.memref_squeeze %dma_start3A_269 : memref<1x1x64xi32, #tpu.memory_space<vmem>> -> memref<64xi32, #tpu.memory_space<vmem>>
        %dma_start3A_271 = arith.constant 0 : i32
        %dma_start3A_272 = arith.constant 0 : i32
        %dma_start3A_273 = tpu.memref_slice %arg8[%dma_start3A_271, %dma_start3A_272] : memref<50176x32xf32, #tpu.memory_space<vmem_shared>> -> memref<50176x32xf32, #tpu.memory_space<vmem_shared>>
        tpu.enqueue_indirect_dma source(%dma_start3A_267 : memref<64x32xf32, #tpu.memory_space<vmem>>) target(%dma_start3A_273 : memref<50176x32xf32, #tpu.memory_space<vmem_shared>>) offsets(%dma_start3A_270 : memref<64xi32, #tpu.memory_space<vmem>>) semaphore(%arg13 : memref<!tpu.dma_semaphore, #tpu.memory_space<semaphore_mem>>) {add = true}
        %add3A_274 = arith.constant 2 : i32
        %add3A_275 = arith.addi %mul3A_201, %add3A_274 : i32
        %dma_start3A_276 = arith.constant 128 : i32
        %dma_start3A_277 = arith.constant 0 : i32
        %dma_start3A_278 = tpu.memref_slice %arg11[%select_n3A_146, %dma_start3A_276, %dma_start3A_277] : memref<2x256x32xf32, #tpu.memory_space<vmem>> -> memref<1x64x32xf32, #tpu.memory_space<vmem>>
        %dma_start3A_279 = tpu.memref_squeeze %dma_start3A_278 : memref<1x64x32xf32, #tpu.memory_space<vmem>> -> memref<64x32xf32, #tpu.memory_space<vmem>>
        %dma_start3A_280 = arith.constant 0 : i32
        %dma_start3A_281 = tpu.memref_slice %arg10[%select_n3A_183, %add3A_275, %dma_start3A_280] : memref<2x28x64xi32, #tpu.memory_space<vmem>> -> memref<1x1x64xi32, #tpu.memory_space<vmem>>
        %dma_start3A_282 = tpu.memref_squeeze %dma_start3A_281 : memref<1x1x64xi32, #tpu.memory_space<vmem>> -> memref<64xi32, #tpu.memory_space<vmem>>
        %dma_start3A_283 = arith.constant 0 : i32
        %dma_start3A_284 = arith.constant 0 : i32
        %dma_start3A_285 = tpu.memref_slice %arg8[%dma_start3A_283, %dma_start3A_284] : memref<50176x32xf32, #tpu.memory_space<vmem_shared>> -> memref<50176x32xf32, #tpu.memory_space<vmem_shared>>
        tpu.enqueue_indirect_dma source(%dma_start3A_279 : memref<64x32xf32, #tpu.memory_space<vmem>>) target(%dma_start3A_285 : memref<50176x32xf32, #tpu.memory_space<vmem_shared>>) offsets(%dma_start3A_282 : memref<64xi32, #tpu.memory_space<vmem>>) semaphore(%arg13 : memref<!tpu.dma_semaphore, #tpu.memory_space<semaphore_mem>>) {add = true}
        %add3A_286 = arith.constant 3 : i32
        %add3A_287 = arith.addi %mul3A_201, %add3A_286 : i32
        %dma_start3A_288 = arith.constant 192 : i32
        %dma_start3A_289 = arith.constant 0 : i32
        %dma_start3A_290 = tpu.memref_slice %arg11[%select_n3A_146, %dma_start3A_288, %dma_start3A_289] : memref<2x256x32xf32, #tpu.memory_space<vmem>> -> memref<1x64x32xf32, #tpu.memory_space<vmem>>
        %dma_start3A_291 = tpu.memref_squeeze %dma_start3A_290 : memref<1x64x32xf32, #tpu.memory_space<vmem>> -> memref<64x32xf32, #tpu.memory_space<vmem>>
        %dma_start3A_292 = arith.constant 0 : i32
        %dma_start3A_293 = tpu.memref_slice %arg10[%select_n3A_183, %add3A_287, %dma_start3A_292] : memref<2x28x64xi32, #tpu.memory_space<vmem>> -> memref<1x1x64xi32, #tpu.memory_space<vmem>>
        %dma_start3A_294 = tpu.memref_squeeze %dma_start3A_293 : memref<1x1x64xi32, #tpu.memory_space<vmem>> -> memref<64xi32, #tpu.memory_space<vmem>>
        %dma_start3A_295 = arith.constant 0 : i32
        %dma_start3A_296 = arith.constant 0 : i32
        %dma_start3A_297 = tpu.memref_slice %arg8[%dma_start3A_295, %dma_start3A_296] : memref<50176x32xf32, #tpu.memory_space<vmem_shared>> -> memref<50176x32xf32, #tpu.memory_space<vmem_shared>>
        tpu.enqueue_indirect_dma source(%dma_start3A_291 : memref<64x32xf32, #tpu.memory_space<vmem>>) target(%dma_start3A_297 : memref<50176x32xf32, #tpu.memory_space<vmem_shared>>) offsets(%dma_start3A_294 : memref<64xi32, #tpu.memory_space<vmem>>) semaphore(%arg13 : memref<!tpu.dma_semaphore, #tpu.memory_space<semaphore_mem>>) {add = true}
        %sub3A_298 = arith.constant 1 : i32
        %sub3A_299 = arith.subi %scan3A_136, %sub3A_298 : i32
        %jit3A_300 = arith.constant 2 : i32
        %eq3A_301 = arith.constant 0 : i32
        %eq3A_302 = arith.cmpi eq, %jit3A_300, %eq3A_301 : i32
        %jit3A_303 = arith.constant 1 : i32
        %select_n3A_304 = arith.select %eq3A_302, %jit3A_303, %jit3A_300 : i32
        %rem3A_305 = arith.remsi %sub3A_299, %select_n3A_304 : i32
        %ne3A_306 = arith.constant 0 : i32
        %ne3A_307 = arith.cmpi ne, %rem3A_305, %ne3A_306 : i32
        %lt3A_308 = arith.constant 0 : i32
        %lt3A_309 = arith.cmpi slt, %rem3A_305, %lt3A_308 : i32
        %lt3A_310 = arith.constant 0 : i32
        %lt3A_311 = arith.cmpi slt, %select_n3A_304, %lt3A_310 : i32
        %ne3A_312 = arith.xori %lt3A_309, %lt3A_311 : i1
        %and3A_313 = arith.andi %ne3A_312, %ne3A_307 : i1
        %add3A_314 = arith.addi %rem3A_305, %select_n3A_304 : i32
        %select_n3A_315 = arith.select %and3A_313, %add3A_314, %rem3A_305 : i32
        %jit3A_316 = arith.constant 7 : i32
        %div3A_317 = arith.divsi %sub3A_299, %jit3A_316 : i32
        %sign3A_318 = arith.constant 0 : i32
        %sign3A_319 = arith.cmpi sgt, %sub3A_299, %sign3A_318 : i32
        %sign3A_320 = arith.extui %sign3A_319 : i1 to i32
        %sign3A_321 = arith.constant 0 : i32
        %sign3A_322 = arith.cmpi slt, %sub3A_299, %sign3A_321 : i32
        %sign3A_323 = arith.extui %sign3A_322 : i1 to i32
        %sign3A_324 = arith.subi %sign3A_320, %sign3A_323 : i32
        %sign3A_325 = arith.constant 0 : i32
        %sign3A_326 = arith.cmpi sgt, %jit3A_316, %sign3A_325 : i32
        %sign3A_327 = arith.extui %sign3A_326 : i1 to i32
        %sign3A_328 = arith.constant 0 : i32
        %sign3A_329 = arith.cmpi slt, %jit3A_316, %sign3A_328 : i32
        %sign3A_330 = arith.extui %sign3A_329 : i1 to i32
        %sign3A_331 = arith.subi %sign3A_327, %sign3A_330 : i32
        %ne3A_332 = arith.cmpi ne, %sign3A_324, %sign3A_331 : i32
        %rem3A_333 = arith.remsi %sub3A_299, %jit3A_316 : i32
        %ne3A_334 = arith.constant 0 : i32
        %ne3A_335 = arith.cmpi ne, %rem3A_333, %ne3A_334 : i32
        %and3A_336 = arith.andi %ne3A_332, %ne3A_335 : i1
        %sub3A_337 = arith.constant 1 : i32
        %sub3A_338 = arith.subi %div3A_317, %sub3A_337 : i32
        %select_n3A_339 = arith.select %and3A_336, %sub3A_338, %div3A_317 : i32
        %jit3A_340 = arith.constant 2 : i32
        %eq3A_341 = arith.constant 0 : i32
        %eq3A_342 = arith.cmpi eq, %jit3A_340, %eq3A_341 : i32
        %jit3A_343 = arith.constant 1 : i32
        %select_n3A_344 = arith.select %eq3A_342, %jit3A_343, %jit3A_340 : i32
        %rem3A_345 = arith.remsi %select_n3A_339, %select_n3A_344 : i32
        %ne3A_346 = arith.constant 0 : i32
        %ne3A_347 = arith.cmpi ne, %rem3A_345, %ne3A_346 : i32
        %lt3A_348 = arith.constant 0 : i32
        %lt3A_349 = arith.cmpi slt, %rem3A_345, %lt3A_348 : i32
        %lt3A_350 = arith.constant 0 : i32
        %lt3A_351 = arith.cmpi slt, %select_n3A_344, %lt3A_350 : i32
        %ne3A_352 = arith.xori %lt3A_349, %lt3A_351 : i1
        %and3A_353 = arith.andi %ne3A_352, %ne3A_347 : i1
        %add3A_354 = arith.addi %rem3A_345, %select_n3A_344 : i32
        %select_n3A_355 = arith.select %and3A_353, %add3A_354, %rem3A_345 : i32
        %jit3A_356 = arith.constant 7 : i32
        %eq3A_357 = arith.constant 0 : i32
        %eq3A_358 = arith.cmpi eq, %jit3A_356, %eq3A_357 : i32
        %jit3A_359 = arith.constant 1 : i32
        %select_n3A_360 = arith.select %eq3A_358, %jit3A_359, %jit3A_356 : i32
        %rem3A_361 = arith.remsi %sub3A_299, %select_n3A_360 : i32
        %ne3A_362 = arith.constant 0 : i32
        %ne3A_363 = arith.cmpi ne, %rem3A_361, %ne3A_362 : i32
        %lt3A_364 = arith.constant 0 : i32
        %lt3A_365 = arith.cmpi slt, %rem3A_361, %lt3A_364 : i32
        %lt3A_366 = arith.constant 0 : i32
        %lt3A_367 = arith.cmpi slt, %select_n3A_360, %lt3A_366 : i32
        %ne3A_368 = arith.xori %lt3A_365, %lt3A_367 : i1
        %and3A_369 = arith.andi %ne3A_368, %ne3A_363 : i1
        %add3A_370 = arith.addi %rem3A_361, %select_n3A_360 : i32
        %select_n3A_371 = arith.select %and3A_369, %add3A_370, %rem3A_361 : i32
        %mul3A_372 = arith.constant 4 : i32
        %mul3A_373 = arith.muli %select_n3A_371, %mul3A_372 : i32
        %gt3A = arith.constant 0 : i32
        %gt3A_374 = arith.cmpi sgt, %scan3A_136, %gt3A : i32
        %convert_element_type3A_375 = arith.extui %gt3A_374 : i1 to i32
        %cond3A_376 = arith.constant 0 : i32
        %cond3A_377 = arith.cmpi ne, %convert_element_type3A_375, %cond3A_376 : i32
        scf.if %cond3A_377 {
          %add3A_495 = arith.constant 0 : i32
          %add3A_496 = arith.addi %mul3A_373, %add3A_495 : i32
          %dma_wait3A_497 = arith.constant 0 : i32
          %dma_wait3A_498 = arith.constant 0 : i32
          %dma_wait3A_499 = tpu.memref_slice %arg11[%select_n3A_315, %dma_wait3A_497, %dma_wait3A_498] : memref<2x256x32xf32, #tpu.memory_space<vmem>> -> memref<1x64x32xf32, #tpu.memory_space<vmem>>
          %dma_wait3A_500 = tpu.memref_squeeze %dma_wait3A_499 : memref<1x64x32xf32, #tpu.memory_space<vmem>> -> memref<64x32xf32, #tpu.memory_space<vmem>>
          %dma_wait3A_501 = arith.constant 0 : i32
          %dma_wait3A_502 = tpu.memref_slice %arg10[%select_n3A_355, %add3A_496, %dma_wait3A_501] : memref<2x28x64xi32, #tpu.memory_space<vmem>> -> memref<1x1x64xi32, #tpu.memory_space<vmem>>
          %dma_wait3A_503 = tpu.memref_squeeze %dma_wait3A_502 : memref<1x1x64xi32, #tpu.memory_space<vmem>> -> memref<64xi32, #tpu.memory_space<vmem>>
          %dma_wait3A_504 = arith.constant 0 : i32
          %dma_wait3A_505 = arith.constant 0 : i32
          %dma_wait3A_506 = tpu.memref_slice %arg8[%dma_wait3A_504, %dma_wait3A_505] : memref<50176x32xf32, #tpu.memory_space<vmem_shared>> -> memref<50176x32xf32, #tpu.memory_space<vmem_shared>>
          tpu.wait_indirect_dma semaphore(%arg13 : memref<!tpu.dma_semaphore, #tpu.memory_space<semaphore_mem>>) src(%dma_wait3A_500 : memref<64x32xf32, #tpu.memory_space<vmem>>) dst(%dma_wait3A_506 : memref<50176x32xf32, #tpu.memory_space<vmem_shared>>)
          %add3A_507 = arith.constant 1 : i32
          %add3A_508 = arith.addi %mul3A_373, %add3A_507 : i32
          %dma_wait3A_509 = arith.constant 64 : i32
          %dma_wait3A_510 = arith.constant 0 : i32
          %dma_wait3A_511 = tpu.memref_slice %arg11[%select_n3A_315, %dma_wait3A_509, %dma_wait3A_510] : memref<2x256x32xf32, #tpu.memory_space<vmem>> -> memref<1x64x32xf32, #tpu.memory_space<vmem>>
          %dma_wait3A_512 = tpu.memref_squeeze %dma_wait3A_511 : memref<1x64x32xf32, #tpu.memory_space<vmem>> -> memref<64x32xf32, #tpu.memory_space<vmem>>
          %dma_wait3A_513 = arith.constant 0 : i32
          %dma_wait3A_514 = tpu.memref_slice %arg10[%select_n3A_355, %add3A_508, %dma_wait3A_513] : memref<2x28x64xi32, #tpu.memory_space<vmem>> -> memref<1x1x64xi32, #tpu.memory_space<vmem>>
          %dma_wait3A_515 = tpu.memref_squeeze %dma_wait3A_514 : memref<1x1x64xi32, #tpu.memory_space<vmem>> -> memref<64xi32, #tpu.memory_space<vmem>>
          %dma_wait3A_516 = arith.constant 0 : i32
          %dma_wait3A_517 = arith.constant 0 : i32
          %dma_wait3A_518 = tpu.memref_slice %arg8[%dma_wait3A_516, %dma_wait3A_517] : memref<50176x32xf32, #tpu.memory_space<vmem_shared>> -> memref<50176x32xf32, #tpu.memory_space<vmem_shared>>
          tpu.wait_indirect_dma semaphore(%arg13 : memref<!tpu.dma_semaphore, #tpu.memory_space<semaphore_mem>>) src(%dma_wait3A_512 : memref<64x32xf32, #tpu.memory_space<vmem>>) dst(%dma_wait3A_518 : memref<50176x32xf32, #tpu.memory_space<vmem_shared>>)
          %add3A_519 = arith.constant 2 : i32
          %add3A_520 = arith.addi %mul3A_373, %add3A_519 : i32
          %dma_wait3A_521 = arith.constant 128 : i32
          %dma_wait3A_522 = arith.constant 0 : i32
          %dma_wait3A_523 = tpu.memref_slice %arg11[%select_n3A_315, %dma_wait3A_521, %dma_wait3A_522] : memref<2x256x32xf32, #tpu.memory_space<vmem>> -> memref<1x64x32xf32, #tpu.memory_space<vmem>>
          %dma_wait3A_524 = tpu.memref_squeeze %dma_wait3A_523 : memref<1x64x32xf32, #tpu.memory_space<vmem>> -> memref<64x32xf32, #tpu.memory_space<vmem>>
          %dma_wait3A_525 = arith.constant 0 : i32
          %dma_wait3A_526 = tpu.memref_slice %arg10[%select_n3A_355, %add3A_520, %dma_wait3A_525] : memref<2x28x64xi32, #tpu.memory_space<vmem>> -> memref<1x1x64xi32, #tpu.memory_space<vmem>>
          %dma_wait3A_527 = tpu.memref_squeeze %dma_wait3A_526 : memref<1x1x64xi32, #tpu.memory_space<vmem>> -> memref<64xi32, #tpu.memory_space<vmem>>
          %dma_wait3A_528 = arith.constant 0 : i32
          %dma_wait3A_529 = arith.constant 0 : i32
          %dma_wait3A_530 = tpu.memref_slice %arg8[%dma_wait3A_528, %dma_wait3A_529] : memref<50176x32xf32, #tpu.memory_space<vmem_shared>> -> memref<50176x32xf32, #tpu.memory_space<vmem_shared>>
          tpu.wait_indirect_dma semaphore(%arg13 : memref<!tpu.dma_semaphore, #tpu.memory_space<semaphore_mem>>) src(%dma_wait3A_524 : memref<64x32xf32, #tpu.memory_space<vmem>>) dst(%dma_wait3A_530 : memref<50176x32xf32, #tpu.memory_space<vmem_shared>>)
          %add3A_531 = arith.constant 3 : i32
          %add3A_532 = arith.addi %mul3A_373, %add3A_531 : i32
          %dma_wait3A_533 = arith.constant 192 : i32
          %dma_wait3A_534 = arith.constant 0 : i32
          %dma_wait3A_535 = tpu.memref_slice %arg11[%select_n3A_315, %dma_wait3A_533, %dma_wait3A_534] : memref<2x256x32xf32, #tpu.memory_space<vmem>> -> memref<1x64x32xf32, #tpu.memory_space<vmem>>
          %dma_wait3A_536 = tpu.memref_squeeze %dma_wait3A_535 : memref<1x64x32xf32, #tpu.memory_space<vmem>> -> memref<64x32xf32, #tpu.memory_space<vmem>>
          %dma_wait3A_537 = arith.constant 0 : i32
          %dma_wait3A_538 = tpu.memref_slice %arg10[%select_n3A_355, %add3A_532, %dma_wait3A_537] : memref<2x28x64xi32, #tpu.memory_space<vmem>> -> memref<1x1x64xi32, #tpu.memory_space<vmem>>
          %dma_wait3A_539 = tpu.memref_squeeze %dma_wait3A_538 : memref<1x1x64xi32, #tpu.memory_space<vmem>> -> memref<64xi32, #tpu.memory_space<vmem>>
          %dma_wait3A_540 = arith.constant 0 : i32
          %dma_wait3A_541 = arith.constant 0 : i32
          %dma_wait3A_542 = tpu.memref_slice %arg8[%dma_wait3A_540, %dma_wait3A_541] : memref<50176x32xf32, #tpu.memory_space<vmem_shared>> -> memref<50176x32xf32, #tpu.memory_space<vmem_shared>>
          tpu.wait_indirect_dma semaphore(%arg13 : memref<!tpu.dma_semaphore, #tpu.memory_space<semaphore_mem>>) src(%dma_wait3A_536 : memref<64x32xf32, #tpu.memory_space<vmem>>) dst(%dma_wait3A_542 : memref<50176x32xf32, #tpu.memory_space<vmem_shared>>)
        } else {
        }
        %jit3A_378 = arith.constant 7 : i32
        %div3A_379 = arith.divsi %scan3A_136, %jit3A_378 : i32
        %sign3A_380 = arith.constant 0 : i32
        %sign3A_381 = arith.cmpi sgt, %scan3A_136, %sign3A_380 : i32
        %sign3A_382 = arith.extui %sign3A_381 : i1 to i32
        %sign3A_383 = arith.constant 0 : i32
        %sign3A_384 = arith.cmpi slt, %scan3A_136, %sign3A_383 : i32
        %sign3A_385 = arith.extui %sign3A_384 : i1 to i32
        %sign3A_386 = arith.subi %sign3A_382, %sign3A_385 : i32
        %sign3A_387 = arith.constant 0 : i32
        %sign3A_388 = arith.cmpi sgt, %jit3A_378, %sign3A_387 : i32
        %sign3A_389 = arith.extui %sign3A_388 : i1 to i32
        %sign3A_390 = arith.constant 0 : i32
        %sign3A_391 = arith.cmpi slt, %jit3A_378, %sign3A_390 : i32
        %sign3A_392 = arith.extui %sign3A_391 : i1 to i32
        %sign3A_393 = arith.subi %sign3A_389, %sign3A_392 : i32
        %ne3A_394 = arith.cmpi ne, %sign3A_386, %sign3A_393 : i32
        %rem3A_395 = arith.remsi %scan3A_136, %jit3A_378 : i32
        %ne3A_396 = arith.constant 0 : i32
        %ne3A_397 = arith.cmpi ne, %rem3A_395, %ne3A_396 : i32
        %and3A_398 = arith.andi %ne3A_394, %ne3A_397 : i1
        %sub3A_399 = arith.constant 1 : i32
        %sub3A_400 = arith.subi %div3A_379, %sub3A_399 : i32
        %select_n3A_401 = arith.select %and3A_398, %sub3A_400, %div3A_379 : i32
        %mul3A_402 = arith.constant 7 : i32
        %mul3A_403 = arith.muli %select_n3A_401, %mul3A_402 : i32
        %eq3A_404 = arith.cmpi eq, %scan3A_136, %mul3A_403 : i32
        %gt3A_405 = arith.constant 0 : i32
        %gt3A_406 = arith.cmpi sgt, %scan3A_136, %gt3A_405 : i32
        %and3A_407 = arith.andi %eq3A_404, %gt3A_406 : i1
        %lt3A_408 = arith.constant 27 : i32
        %lt3A_409 = arith.cmpi slt, %select_n3A_401, %lt3A_408 : i32
        %and3A_410 = arith.andi %and3A_407, %lt3A_409 : i1
        %convert_element_type3A_411 = arith.extui %and3A_410 : i1 to i32
        %cond3A_412 = arith.constant 0 : i32
        %cond3A_413 = arith.cmpi ne, %convert_element_type3A_411, %cond3A_412 : i32
        scf.if %cond3A_413 {
          %add3A_495 = arith.constant 1 : i32
          %add3A_496 = arith.addi %select_n3A_401, %add3A_495 : i32
          %add3A_497 = arith.constant 1 : i32
          %add3A_498 = arith.addi %select_n3A_401, %add3A_497 : i32
          %jit3A_499 = arith.constant 2 : i32
          %eq3A_500 = arith.constant 0 : i32
          %eq3A_501 = arith.cmpi eq, %jit3A_499, %eq3A_500 : i32
          %jit3A_502 = arith.constant 1 : i32
          %select_n3A_503 = arith.select %eq3A_501, %jit3A_502, %jit3A_499 : i32
          %rem3A_504 = arith.remsi %add3A_498, %select_n3A_503 : i32
          %ne3A_505 = arith.constant 0 : i32
          %ne3A_506 = arith.cmpi ne, %rem3A_504, %ne3A_505 : i32
          %lt3A_507 = arith.constant 0 : i32
          %lt3A_508 = arith.cmpi slt, %rem3A_504, %lt3A_507 : i32
          %lt3A_509 = arith.constant 0 : i32
          %lt3A_510 = arith.cmpi slt, %select_n3A_503, %lt3A_509 : i32
          %ne3A_511 = arith.xori %lt3A_508, %lt3A_510 : i1
          %and3A_512 = arith.andi %ne3A_511, %ne3A_506 : i1
          %add3A_513 = arith.addi %rem3A_504, %select_n3A_503 : i32
          %select_n3A_514 = arith.select %and3A_512, %add3A_513, %rem3A_504 : i32
          %mul3A_515 = arith.constant 784 : i32
          %mul3A_516 = arith.muli %arg1, %mul3A_515 : i32
          %mul3A_517 = arith.constant 28 : i32
          %mul3A_518 = arith.muli %add3A_496, %mul3A_517 : i32
          %add3A_519 = arith.addi %mul3A_516, %mul3A_518 : i32
          "tpu.region"() ({
            %run_scoped3A_520 = tpu.sem_alloc : memref<!tpu.dma_semaphore, #tpu.memory_space<semaphore_mem>>
            %dma_start3A_521 = arith.constant 0 : i32
            %dma_start3A_522 = arith.constant 0 : i32
            %dma_start3A_523 = tpu.memref_slice %arg9[%select_n3A_514, %dma_start3A_521, %dma_start3A_522] : memref<2x28x64xi32, #tpu.memory_space<vmem>> -> memref<1x28x64xi32, #tpu.memory_space<vmem>>
            %dma_start3A_524 = tpu.memref_squeeze %dma_start3A_523 : memref<1x28x64xi32, #tpu.memory_space<vmem>> -> memref<28x64xi32, #tpu.memory_space<vmem>>
            %dma_start3A_525 = arith.constant 0 : i32
            %dma_start3A_526 = tpu.memref_slice %arg4[%add3A_519, %dma_start3A_525] : memref<12544x64xi32, #tpu.memory_space<hbm>> -> memref<28x64xi32, #tpu.memory_space<hbm>>
            %dma_start3A_527 = arith.constant 0 : i32
            %dma_start3A_528 = arith.constant 0 : i32
            %dma_start3A_529 = tpu.memref_slice %arg9[%select_n3A_514, %dma_start3A_527, %dma_start3A_528] : memref<2x28x64xi32, #tpu.memory_space<vmem>> -> memref<1x28x64xi32, #tpu.memory_space<vmem>>
            %dma_start3A_530 = tpu.memref_squeeze %dma_start3A_529 : memref<1x28x64xi32, #tpu.memory_space<vmem>> -> memref<28x64xi32, #tpu.memory_space<vmem>>
            %dma_start3A_531 = arith.constant 0 : i32
            %dma_start3A_532 = tpu.memref_slice %arg4[%add3A_519, %dma_start3A_531] : memref<12544x64xi32, #tpu.memory_space<hbm>> -> memref<28x64xi32, #tpu.memory_space<hbm>>
            tpu.enqueue_dma source(%dma_start3A_532 : memref<28x64xi32, #tpu.memory_space<hbm>>) target(%dma_start3A_530 : memref<28x64xi32, #tpu.memory_space<vmem>>) target_semaphore(%run_scoped3A_520 : memref<!tpu.dma_semaphore, #tpu.memory_space<semaphore_mem>>)
            %dma_wait3A_533 = arith.constant 0 : i32
            %dma_wait3A_534 = arith.constant 0 : i32
            %dma_wait3A_535 = tpu.memref_slice %arg9[%select_n3A_514, %dma_wait3A_533, %dma_wait3A_534] : memref<2x28x64xi32, #tpu.memory_space<vmem>> -> memref<1x28x64xi32, #tpu.memory_space<vmem>>
            %dma_wait3A_536 = tpu.memref_squeeze %dma_wait3A_535 : memref<1x28x64xi32, #tpu.memory_space<vmem>> -> memref<28x64xi32, #tpu.memory_space<vmem>>
            %dma_wait3A_537 = arith.constant 0 : i32
            %dma_wait3A_538 = tpu.memref_slice %arg4[%add3A_519, %dma_wait3A_537] : memref<12544x64xi32, #tpu.memory_space<hbm>> -> memref<28x64xi32, #tpu.memory_space<hbm>>
            %dma_wait3A_539 = arith.constant 0 : i32
            %dma_wait3A_540 = arith.constant 0 : i32
            %dma_wait3A_541 = tpu.memref_slice %arg9[%select_n3A_514, %dma_wait3A_539, %dma_wait3A_540] : memref<2x28x64xi32, #tpu.memory_space<vmem>> -> memref<1x28x64xi32, #tpu.memory_space<vmem>>
            %dma_wait3A_542 = tpu.memref_squeeze %dma_wait3A_541 : memref<1x28x64xi32, #tpu.memory_space<vmem>> -> memref<28x64xi32, #tpu.memory_space<vmem>>
            %dma_wait3A_543 = arith.constant 0 : i32
            %dma_wait3A_544 = tpu.memref_slice %arg4[%add3A_519, %dma_wait3A_543] : memref<12544x64xi32, #tpu.memory_space<hbm>> -> memref<28x64xi32, #tpu.memory_space<hbm>>
            tpu.wait_dma2 semaphore(%run_scoped3A_520 : memref<!tpu.dma_semaphore, #tpu.memory_space<semaphore_mem>>) src(%dma_wait3A_544 : memref<28x64xi32, #tpu.memory_space<hbm>>) dst(%dma_wait3A_542 : memref<28x64xi32, #tpu.memory_space<vmem>>)
            tpu.yield
          }) : () -> ()
          "tpu.region"() ({
            %run_scoped3A_520 = tpu.sem_alloc : memref<!tpu.dma_semaphore, #tpu.memory_space<semaphore_mem>>
            %dma_start3A_521 = arith.constant 0 : i32
            %dma_start3A_522 = arith.constant 0 : i32
            %dma_start3A_523 = tpu.memref_slice %arg10[%select_n3A_514, %dma_start3A_521, %dma_start3A_522] : memref<2x28x64xi32, #tpu.memory_space<vmem>> -> memref<1x28x64xi32, #tpu.memory_space<vmem>>
            %dma_start3A_524 = tpu.memref_squeeze %dma_start3A_523 : memref<1x28x64xi32, #tpu.memory_space<vmem>> -> memref<28x64xi32, #tpu.memory_space<vmem>>
            %dma_start3A_525 = arith.constant 0 : i32
            %dma_start3A_526 = tpu.memref_slice %arg5[%add3A_519, %dma_start3A_525] : memref<12544x64xi32, #tpu.memory_space<hbm>> -> memref<28x64xi32, #tpu.memory_space<hbm>>
            %dma_start3A_527 = arith.constant 0 : i32
            %dma_start3A_528 = arith.constant 0 : i32
            %dma_start3A_529 = tpu.memref_slice %arg10[%select_n3A_514, %dma_start3A_527, %dma_start3A_528] : memref<2x28x64xi32, #tpu.memory_space<vmem>> -> memref<1x28x64xi32, #tpu.memory_space<vmem>>
            %dma_start3A_530 = tpu.memref_squeeze %dma_start3A_529 : memref<1x28x64xi32, #tpu.memory_space<vmem>> -> memref<28x64xi32, #tpu.memory_space<vmem>>
            %dma_start3A_531 = arith.constant 0 : i32
            %dma_start3A_532 = tpu.memref_slice %arg5[%add3A_519, %dma_start3A_531] : memref<12544x64xi32, #tpu.memory_space<hbm>> -> memref<28x64xi32, #tpu.memory_space<hbm>>
            tpu.enqueue_dma source(%dma_start3A_532 : memref<28x64xi32, #tpu.memory_space<hbm>>) target(%dma_start3A_530 : memref<28x64xi32, #tpu.memory_space<vmem>>) target_semaphore(%run_scoped3A_520 : memref<!tpu.dma_semaphore, #tpu.memory_space<semaphore_mem>>)
            %dma_wait3A_533 = arith.constant 0 : i32
            %dma_wait3A_534 = arith.constant 0 : i32
            %dma_wait3A_535 = tpu.memref_slice %arg10[%select_n3A_514, %dma_wait3A_533, %dma_wait3A_534] : memref<2x28x64xi32, #tpu.memory_space<vmem>> -> memref<1x28x64xi32, #tpu.memory_space<vmem>>
            %dma_wait3A_536 = tpu.memref_squeeze %dma_wait3A_535 : memref<1x28x64xi32, #tpu.memory_space<vmem>> -> memref<28x64xi32, #tpu.memory_space<vmem>>
            %dma_wait3A_537 = arith.constant 0 : i32
            %dma_wait3A_538 = tpu.memref_slice %arg5[%add3A_519, %dma_wait3A_537] : memref<12544x64xi32, #tpu.memory_space<hbm>> -> memref<28x64xi32, #tpu.memory_space<hbm>>
            %dma_wait3A_539 = arith.constant 0 : i32
            %dma_wait3A_540 = arith.constant 0 : i32
            %dma_wait3A_541 = tpu.memref_slice %arg10[%select_n3A_514, %dma_wait3A_539, %dma_wait3A_540] : memref<2x28x64xi32, #tpu.memory_space<vmem>> -> memref<1x28x64xi32, #tpu.memory_space<vmem>>
            %dma_wait3A_542 = tpu.memref_squeeze %dma_wait3A_541 : memref<1x28x64xi32, #tpu.memory_space<vmem>> -> memref<28x64xi32, #tpu.memory_space<vmem>>
            %dma_wait3A_543 = arith.constant 0 : i32
            %dma_wait3A_544 = tpu.memref_slice %arg5[%add3A_519, %dma_wait3A_543] : memref<12544x64xi32, #tpu.memory_space<hbm>> -> memref<28x64xi32, #tpu.memory_space<hbm>>
            tpu.wait_dma2 semaphore(%run_scoped3A_520 : memref<!tpu.dma_semaphore, #tpu.memory_space<semaphore_mem>>) src(%dma_wait3A_544 : memref<28x64xi32, #tpu.memory_space<hbm>>) dst(%dma_wait3A_542 : memref<28x64xi32, #tpu.memory_space<vmem>>)
            tpu.yield
          }) : () -> ()
        } else {
        }
        %add3A_414 = arith.constant 1 : i32
        %add3A_415 = arith.addi %scan3A_136, %add3A_414 : i32
        %jit3A_416 = arith.constant 2 : i32
        %eq3A_417 = arith.constant 0 : i32
        %eq3A_418 = arith.cmpi eq, %jit3A_416, %eq3A_417 : i32
        %jit3A_419 = arith.constant 1 : i32
        %select_n3A_420 = arith.select %eq3A_418, %jit3A_419, %jit3A_416 : i32
        %rem3A_421 = arith.remsi %add3A_415, %select_n3A_420 : i32
        %ne3A_422 = arith.constant 0 : i32
        %ne3A_423 = arith.cmpi ne, %rem3A_421, %ne3A_422 : i32
        %lt3A_424 = arith.constant 0 : i32
        %lt3A_425 = arith.cmpi slt, %rem3A_421, %lt3A_424 : i32
        %lt3A_426 = arith.constant 0 : i32
        %lt3A_427 = arith.cmpi slt, %select_n3A_420, %lt3A_426 : i32
        %ne3A_428 = arith.xori %lt3A_425, %lt3A_427 : i1
        %and3A_429 = arith.andi %ne3A_428, %ne3A_423 : i1
        %add3A_430 = arith.addi %rem3A_421, %select_n3A_420 : i32
        %select_n3A_431 = arith.select %and3A_429, %add3A_430, %rem3A_421 : i32
        %jit3A_432 = arith.constant 7 : i32
        %div3A_433 = arith.divsi %add3A_415, %jit3A_432 : i32
        %sign3A_434 = arith.constant 0 : i32
        %sign3A_435 = arith.cmpi sgt, %add3A_415, %sign3A_434 : i32
        %sign3A_436 = arith.extui %sign3A_435 : i1 to i32
        %sign3A_437 = arith.constant 0 : i32
        %sign3A_438 = arith.cmpi slt, %add3A_415, %sign3A_437 : i32
        %sign3A_439 = arith.extui %sign3A_438 : i1 to i32
        %sign3A_440 = arith.subi %sign3A_436, %sign3A_439 : i32
        %sign3A_441 = arith.constant 0 : i32
        %sign3A_442 = arith.cmpi sgt, %jit3A_432, %sign3A_441 : i32
        %sign3A_443 = arith.extui %sign3A_442 : i1 to i32
        %sign3A_444 = arith.constant 0 : i32
        %sign3A_445 = arith.cmpi slt, %jit3A_432, %sign3A_444 : i32
        %sign3A_446 = arith.extui %sign3A_445 : i1 to i32
        %sign3A_447 = arith.subi %sign3A_443, %sign3A_446 : i32
        %ne3A_448 = arith.cmpi ne, %sign3A_440, %sign3A_447 : i32
        %rem3A_449 = arith.remsi %add3A_415, %jit3A_432 : i32
        %ne3A_450 = arith.constant 0 : i32
        %ne3A_451 = arith.cmpi ne, %rem3A_449, %ne3A_450 : i32
        %and3A_452 = arith.andi %ne3A_448, %ne3A_451 : i1
        %sub3A_453 = arith.constant 1 : i32
        %sub3A_454 = arith.subi %div3A_433, %sub3A_453 : i32
        %select_n3A_455 = arith.select %and3A_452, %sub3A_454, %div3A_433 : i32
        %jit3A_456 = arith.constant 2 : i32
        %eq3A_457 = arith.constant 0 : i32
        %eq3A_458 = arith.cmpi eq, %jit3A_456, %eq3A_457 : i32
        %jit3A_459 = arith.constant 1 : i32
        %select_n3A_460 = arith.select %eq3A_458, %jit3A_459, %jit3A_456 : i32
        %rem3A_461 = arith.remsi %select_n3A_455, %select_n3A_460 : i32
        %ne3A_462 = arith.constant 0 : i32
        %ne3A_463 = arith.cmpi ne, %rem3A_461, %ne3A_462 : i32
        %lt3A_464 = arith.constant 0 : i32
        %lt3A_465 = arith.cmpi slt, %rem3A_461, %lt3A_464 : i32
        %lt3A_466 = arith.constant 0 : i32
        %lt3A_467 = arith.cmpi slt, %select_n3A_460, %lt3A_466 : i32
        %ne3A_468 = arith.xori %lt3A_465, %lt3A_467 : i1
        %and3A_469 = arith.andi %ne3A_468, %ne3A_463 : i1
        %add3A_470 = arith.addi %rem3A_461, %select_n3A_460 : i32
        %select_n3A_471 = arith.select %and3A_469, %add3A_470, %rem3A_461 : i32
        %jit3A_472 = arith.constant 7 : i32
        %eq3A_473 = arith.constant 0 : i32
        %eq3A_474 = arith.cmpi eq, %jit3A_472, %eq3A_473 : i32
        %jit3A_475 = arith.constant 1 : i32
        %select_n3A_476 = arith.select %eq3A_474, %jit3A_475, %jit3A_472 : i32
        %rem3A_477 = arith.remsi %add3A_415, %select_n3A_476 : i32
        %ne3A_478 = arith.constant 0 : i32
        %ne3A_479 = arith.cmpi ne, %rem3A_477, %ne3A_478 : i32
        %lt3A_480 = arith.constant 0 : i32
        %lt3A_481 = arith.cmpi slt, %rem3A_477, %lt3A_480 : i32
        %lt3A_482 = arith.constant 0 : i32
        %lt3A_483 = arith.cmpi slt, %select_n3A_476, %lt3A_482 : i32
        %ne3A_484 = arith.xori %lt3A_481, %lt3A_483 : i1
        %and3A_485 = arith.andi %ne3A_484, %ne3A_479 : i1
        %add3A_486 = arith.addi %rem3A_477, %select_n3A_476 : i32
        %select_n3A_487 = arith.select %and3A_485, %add3A_486, %rem3A_477 : i32
        %mul3A_488 = arith.constant 4 : i32
        %mul3A_489 = arith.muli %select_n3A_487, %mul3A_488 : i32
        %lt3A_490 = arith.constant 196 : i32
        %lt3A_491 = arith.cmpi slt, %add3A_415, %lt3A_490 : i32
        %convert_element_type3A_492 = arith.extui %lt3A_491 : i1 to i32
        %cond3A_493 = arith.constant 0 : i32
        %cond3A_494 = arith.cmpi ne, %convert_element_type3A_492, %cond3A_493 : i32
        scf.if %cond3A_494 {
          %add3A_495 = arith.constant 0 : i32
          %add3A_496 = arith.addi %mul3A_489, %add3A_495 : i32
          %dma_start3A_497 = arith.constant 0 : i32
          %dma_start3A_498 = arith.constant 0 : i32
          %dma_start3A_499 = tpu.memref_slice %arg11[%select_n3A_431, %dma_start3A_497, %dma_start3A_498] : memref<2x256x32xf32, #tpu.memory_space<vmem>> -> memref<1x64x32xf32, #tpu.memory_space<vmem>>
          %dma_start3A_500 = tpu.memref_squeeze %dma_start3A_499 : memref<1x64x32xf32, #tpu.memory_space<vmem>> -> memref<64x32xf32, #tpu.memory_space<vmem>>
          %dma_start3A_501 = arith.constant 0 : i32
          %dma_start3A_502 = tpu.memref_slice %arg9[%select_n3A_471, %add3A_496, %dma_start3A_501] : memref<2x28x64xi32, #tpu.memory_space<vmem>> -> memref<1x1x64xi32, #tpu.memory_space<vmem>>
          %dma_start3A_503 = tpu.memref_squeeze %dma_start3A_502 : memref<1x1x64xi32, #tpu.memory_space<vmem>> -> memref<64xi32, #tpu.memory_space<vmem>>
          %dma_start3A_504 = arith.constant 0 : i32
          %dma_start3A_505 = arith.constant 0 : i32
          %dma_start3A_506 = tpu.memref_slice %arg3[%dma_start3A_504, %dma_start3A_505] : memref<200000x32xf32, #tpu.memory_space<hbm>> -> memref<200000x32xf32, #tpu.memory_space<hbm>>
          tpu.enqueue_indirect_dma source(%dma_start3A_506 : memref<200000x32xf32, #tpu.memory_space<hbm>>) target(%dma_start3A_500 : memref<64x32xf32, #tpu.memory_space<vmem>>) offsets(%dma_start3A_503 : memref<64xi32, #tpu.memory_space<vmem>>) semaphore(%arg12 : memref<!tpu.dma_semaphore, #tpu.memory_space<semaphore_mem>>)
          %add3A_507 = arith.constant 1 : i32
          %add3A_508 = arith.addi %mul3A_489, %add3A_507 : i32
          %dma_start3A_509 = arith.constant 64 : i32
          %dma_start3A_510 = arith.constant 0 : i32
          %dma_start3A_511 = tpu.memref_slice %arg11[%select_n3A_431, %dma_start3A_509, %dma_start3A_510] : memref<2x256x32xf32, #tpu.memory_space<vmem>> -> memref<1x64x32xf32, #tpu.memory_space<vmem>>
          %dma_start3A_512 = tpu.memref_squeeze %dma_start3A_511 : memref<1x64x32xf32, #tpu.memory_space<vmem>> -> memref<64x32xf32, #tpu.memory_space<vmem>>
          %dma_start3A_513 = arith.constant 0 : i32
          %dma_start3A_514 = tpu.memref_slice %arg9[%select_n3A_471, %add3A_508, %dma_start3A_513] : memref<2x28x64xi32, #tpu.memory_space<vmem>> -> memref<1x1x64xi32, #tpu.memory_space<vmem>>
          %dma_start3A_515 = tpu.memref_squeeze %dma_start3A_514 : memref<1x1x64xi32, #tpu.memory_space<vmem>> -> memref<64xi32, #tpu.memory_space<vmem>>
          %dma_start3A_516 = arith.constant 0 : i32
          %dma_start3A_517 = arith.constant 0 : i32
          %dma_start3A_518 = tpu.memref_slice %arg3[%dma_start3A_516, %dma_start3A_517] : memref<200000x32xf32, #tpu.memory_space<hbm>> -> memref<200000x32xf32, #tpu.memory_space<hbm>>
          tpu.enqueue_indirect_dma source(%dma_start3A_518 : memref<200000x32xf32, #tpu.memory_space<hbm>>) target(%dma_start3A_512 : memref<64x32xf32, #tpu.memory_space<vmem>>) offsets(%dma_start3A_515 : memref<64xi32, #tpu.memory_space<vmem>>) semaphore(%arg12 : memref<!tpu.dma_semaphore, #tpu.memory_space<semaphore_mem>>)
          %add3A_519 = arith.constant 2 : i32
          %add3A_520 = arith.addi %mul3A_489, %add3A_519 : i32
          %dma_start3A_521 = arith.constant 128 : i32
          %dma_start3A_522 = arith.constant 0 : i32
          %dma_start3A_523 = tpu.memref_slice %arg11[%select_n3A_431, %dma_start3A_521, %dma_start3A_522] : memref<2x256x32xf32, #tpu.memory_space<vmem>> -> memref<1x64x32xf32, #tpu.memory_space<vmem>>
          %dma_start3A_524 = tpu.memref_squeeze %dma_start3A_523 : memref<1x64x32xf32, #tpu.memory_space<vmem>> -> memref<64x32xf32, #tpu.memory_space<vmem>>
          %dma_start3A_525 = arith.constant 0 : i32
          %dma_start3A_526 = tpu.memref_slice %arg9[%select_n3A_471, %add3A_520, %dma_start3A_525] : memref<2x28x64xi32, #tpu.memory_space<vmem>> -> memref<1x1x64xi32, #tpu.memory_space<vmem>>
          %dma_start3A_527 = tpu.memref_squeeze %dma_start3A_526 : memref<1x1x64xi32, #tpu.memory_space<vmem>> -> memref<64xi32, #tpu.memory_space<vmem>>
          %dma_start3A_528 = arith.constant 0 : i32
          %dma_start3A_529 = arith.constant 0 : i32
          %dma_start3A_530 = tpu.memref_slice %arg3[%dma_start3A_528, %dma_start3A_529] : memref<200000x32xf32, #tpu.memory_space<hbm>> -> memref<200000x32xf32, #tpu.memory_space<hbm>>
          tpu.enqueue_indirect_dma source(%dma_start3A_530 : memref<200000x32xf32, #tpu.memory_space<hbm>>) target(%dma_start3A_524 : memref<64x32xf32, #tpu.memory_space<vmem>>) offsets(%dma_start3A_527 : memref<64xi32, #tpu.memory_space<vmem>>) semaphore(%arg12 : memref<!tpu.dma_semaphore, #tpu.memory_space<semaphore_mem>>)
          %add3A_531 = arith.constant 3 : i32
          %add3A_532 = arith.addi %mul3A_489, %add3A_531 : i32
          %dma_start3A_533 = arith.constant 192 : i32
          %dma_start3A_534 = arith.constant 0 : i32
          %dma_start3A_535 = tpu.memref_slice %arg11[%select_n3A_431, %dma_start3A_533, %dma_start3A_534] : memref<2x256x32xf32, #tpu.memory_space<vmem>> -> memref<1x64x32xf32, #tpu.memory_space<vmem>>
          %dma_start3A_536 = tpu.memref_squeeze %dma_start3A_535 : memref<1x64x32xf32, #tpu.memory_space<vmem>> -> memref<64x32xf32, #tpu.memory_space<vmem>>
          %dma_start3A_537 = arith.constant 0 : i32
          %dma_start3A_538 = tpu.memref_slice %arg9[%select_n3A_471, %add3A_532, %dma_start3A_537] : memref<2x28x64xi32, #tpu.memory_space<vmem>> -> memref<1x1x64xi32, #tpu.memory_space<vmem>>
          %dma_start3A_539 = tpu.memref_squeeze %dma_start3A_538 : memref<1x1x64xi32, #tpu.memory_space<vmem>> -> memref<64xi32, #tpu.memory_space<vmem>>
          %dma_start3A_540 = arith.constant 0 : i32
          %dma_start3A_541 = arith.constant 0 : i32
          %dma_start3A_542 = tpu.memref_slice %arg3[%dma_start3A_540, %dma_start3A_541] : memref<200000x32xf32, #tpu.memory_space<hbm>> -> memref<200000x32xf32, #tpu.memory_space<hbm>>
          tpu.enqueue_indirect_dma source(%dma_start3A_542 : memref<200000x32xf32, #tpu.memory_space<hbm>>) target(%dma_start3A_536 : memref<64x32xf32, #tpu.memory_space<vmem>>) offsets(%dma_start3A_539 : memref<64xi32, #tpu.memory_space<vmem>>) semaphore(%arg12 : memref<!tpu.dma_semaphore, #tpu.memory_space<semaphore_mem>>)
        } else {
        }
      }
      %scan3A_84 = arith.constant 196 : i32
      %dma_wait3A = arith.constant 1 : i32
      %dma_wait3A_85 = arith.constant 1 : i32
      %dma_wait3A_86 = arith.constant 24 : i32
      %dma_wait3A_87 = arith.constant 0 : i32
      %dma_wait3A_88 = arith.constant 0 : i32
      %dma_wait3A_89 = tpu.memref_slice %arg11[%dma_wait3A, %dma_wait3A_87, %dma_wait3A_88] : memref<2x256x32xf32, #tpu.memory_space<vmem>> -> memref<1x64x32xf32, #tpu.memory_space<vmem>>
      %dma_wait3A_90 = tpu.memref_squeeze %dma_wait3A_89 : memref<1x64x32xf32, #tpu.memory_space<vmem>> -> memref<64x32xf32, #tpu.memory_space<vmem>>
      %dma_wait3A_91 = arith.constant 0 : i32
      %dma_wait3A_92 = tpu.memref_slice %arg10[%dma_wait3A_85, %dma_wait3A_86, %dma_wait3A_91] : memref<2x28x64xi32, #tpu.memory_space<vmem>> -> memref<1x1x64xi32, #tpu.memory_space<vmem>>
      %dma_wait3A_93 = tpu.memref_squeeze %dma_wait3A_92 : memref<1x1x64xi32, #tpu.memory_space<vmem>> -> memref<64xi32, #tpu.memory_space<vmem>>
      %dma_wait3A_94 = arith.constant 0 : i32
      %dma_wait3A_95 = arith.constant 0 : i32
      %dma_wait3A_96 = tpu.memref_slice %arg8[%dma_wait3A_94, %dma_wait3A_95] : memref<50176x32xf32, #tpu.memory_space<vmem_shared>> -> memref<50176x32xf32, #tpu.memory_space<vmem_shared>>
      tpu.wait_indirect_dma semaphore(%arg13 : memref<!tpu.dma_semaphore, #tpu.memory_space<semaphore_mem>>) src(%dma_wait3A_90 : memref<64x32xf32, #tpu.memory_space<vmem>>) dst(%dma_wait3A_96 : memref<50176x32xf32, #tpu.memory_space<vmem_shared>>)
      %dma_wait3A_97 = arith.constant 1 : i32
      %dma_wait3A_98 = arith.constant 1 : i32
      %dma_wait3A_99 = arith.constant 25 : i32
      %dma_wait3A_100 = arith.constant 64 : i32
      %dma_wait3A_101 = arith.constant 0 : i32
      %dma_wait3A_102 = tpu.memref_slice %arg11[%dma_wait3A_97, %dma_wait3A_100, %dma_wait3A_101] : memref<2x256x32xf32, #tpu.memory_space<vmem>> -> memref<1x64x32xf32, #tpu.memory_space<vmem>>
      %dma_wait3A_103 = tpu.memref_squeeze %dma_wait3A_102 : memref<1x64x32xf32, #tpu.memory_space<vmem>> -> memref<64x32xf32, #tpu.memory_space<vmem>>
      %dma_wait3A_104 = arith.constant 0 : i32
      %dma_wait3A_105 = tpu.memref_slice %arg10[%dma_wait3A_98, %dma_wait3A_99, %dma_wait3A_104] : memref<2x28x64xi32, #tpu.memory_space<vmem>> -> memref<1x1x64xi32, #tpu.memory_space<vmem>>
      %dma_wait3A_106 = tpu.memref_squeeze %dma_wait3A_105 : memref<1x1x64xi32, #tpu.memory_space<vmem>> -> memref<64xi32, #tpu.memory_space<vmem>>
      %dma_wait3A_107 = arith.constant 0 : i32
      %dma_wait3A_108 = arith.constant 0 : i32
      %dma_wait3A_109 = tpu.memref_slice %arg8[%dma_wait3A_107, %dma_wait3A_108] : memref<50176x32xf32, #tpu.memory_space<vmem_shared>> -> memref<50176x32xf32, #tpu.memory_space<vmem_shared>>
      tpu.wait_indirect_dma semaphore(%arg13 : memref<!tpu.dma_semaphore, #tpu.memory_space<semaphore_mem>>) src(%dma_wait3A_103 : memref<64x32xf32, #tpu.memory_space<vmem>>) dst(%dma_wait3A_109 : memref<50176x32xf32, #tpu.memory_space<vmem_shared>>)
      %dma_wait3A_110 = arith.constant 1 : i32
      %dma_wait3A_111 = arith.constant 1 : i32
      %dma_wait3A_112 = arith.constant 26 : i32
      %dma_wait3A_113 = arith.constant 128 : i32
      %dma_wait3A_114 = arith.constant 0 : i32
      %dma_wait3A_115 = tpu.memref_slice %arg11[%dma_wait3A_110, %dma_wait3A_113, %dma_wait3A_114] : memref<2x256x32xf32, #tpu.memory_space<vmem>> -> memref<1x64x32xf32, #tpu.memory_space<vmem>>
      %dma_wait3A_116 = tpu.memref_squeeze %dma_wait3A_115 : memref<1x64x32xf32, #tpu.memory_space<vmem>> -> memref<64x32xf32, #tpu.memory_space<vmem>>
      %dma_wait3A_117 = arith.constant 0 : i32
      %dma_wait3A_118 = tpu.memref_slice %arg10[%dma_wait3A_111, %dma_wait3A_112, %dma_wait3A_117] : memref<2x28x64xi32, #tpu.memory_space<vmem>> -> memref<1x1x64xi32, #tpu.memory_space<vmem>>
      %dma_wait3A_119 = tpu.memref_squeeze %dma_wait3A_118 : memref<1x1x64xi32, #tpu.memory_space<vmem>> -> memref<64xi32, #tpu.memory_space<vmem>>
      %dma_wait3A_120 = arith.constant 0 : i32
      %dma_wait3A_121 = arith.constant 0 : i32
      %dma_wait3A_122 = tpu.memref_slice %arg8[%dma_wait3A_120, %dma_wait3A_121] : memref<50176x32xf32, #tpu.memory_space<vmem_shared>> -> memref<50176x32xf32, #tpu.memory_space<vmem_shared>>
      tpu.wait_indirect_dma semaphore(%arg13 : memref<!tpu.dma_semaphore, #tpu.memory_space<semaphore_mem>>) src(%dma_wait3A_116 : memref<64x32xf32, #tpu.memory_space<vmem>>) dst(%dma_wait3A_122 : memref<50176x32xf32, #tpu.memory_space<vmem_shared>>)
      %dma_wait3A_123 = arith.constant 1 : i32
      %dma_wait3A_124 = arith.constant 1 : i32
      %dma_wait3A_125 = arith.constant 27 : i32
      %dma_wait3A_126 = arith.constant 192 : i32
      %dma_wait3A_127 = arith.constant 0 : i32
      %dma_wait3A_128 = tpu.memref_slice %arg11[%dma_wait3A_123, %dma_wait3A_126, %dma_wait3A_127] : memref<2x256x32xf32, #tpu.memory_space<vmem>> -> memref<1x64x32xf32, #tpu.memory_space<vmem>>
      %dma_wait3A_129 = tpu.memref_squeeze %dma_wait3A_128 : memref<1x64x32xf32, #tpu.memory_space<vmem>> -> memref<64x32xf32, #tpu.memory_space<vmem>>
      %dma_wait3A_130 = arith.constant 0 : i32
      %dma_wait3A_131 = tpu.memref_slice %arg10[%dma_wait3A_124, %dma_wait3A_125, %dma_wait3A_130] : memref<2x28x64xi32, #tpu.memory_space<vmem>> -> memref<1x1x64xi32, #tpu.memory_space<vmem>>
      %dma_wait3A_132 = tpu.memref_squeeze %dma_wait3A_131 : memref<1x1x64xi32, #tpu.memory_space<vmem>> -> memref<64xi32, #tpu.memory_space<vmem>>
      %dma_wait3A_133 = arith.constant 0 : i32
      %dma_wait3A_134 = arith.constant 0 : i32
      %dma_wait3A_135 = tpu.memref_slice %arg8[%dma_wait3A_133, %dma_wait3A_134] : memref<50176x32xf32, #tpu.memory_space<vmem_shared>> -> memref<50176x32xf32, #tpu.memory_space<vmem_shared>>
      tpu.wait_indirect_dma semaphore(%arg13 : memref<!tpu.dma_semaphore, #tpu.memory_space<semaphore_mem>>) src(%dma_wait3A_129 : memref<64x32xf32, #tpu.memory_space<vmem>>) dst(%dma_wait3A_135 : memref<50176x32xf32, #tpu.memory_space<vmem_shared>>)
    } else {
    }
    %barrier3A_8 = arith.constant 0 : index
    tpu.barrier barrier_id(%barrier3A_8)
    %eq3A_9 = arith.constant 0 : i32
    %eq3A_10 = arith.cmpi eq, %arg0, %eq3A_9 : i32
    %convert_element_type3A_11 = arith.extui %eq3A_10 : i1 to i32
    %cond3A_12 = arith.constant 0 : i32
    %cond3A_13 = arith.cmpi ne, %convert_element_type3A_11, %cond3A_12 : i32
    scf.if %cond3A_13 {
      %mul3A_19 = arith.constant 3136 : i32
      %mul3A_20 = arith.muli %arg1, %mul3A_19 : i32
      %mul3A_21 = arith.constant 3136 : i32
      %mul3A_22 = arith.muli %arg1, %mul3A_21 : i32
      %run_scoped3A = arith.constant 0 : i32
      "tpu.region"() ({
        %run_scoped3A_23 = tpu.sem_alloc : memref<!tpu.dma_semaphore, #tpu.memory_space<semaphore_mem>>
        %dma_start3A = arith.constant 0 : i32
        %dma_start3A_24 = tpu.memref_slice %arg7[%run_scoped3A, %mul3A_22, %dma_start3A] : memref<2x50176x32xf32, #tpu.memory_space<hbm>> -> memref<1x3136x32xf32, #tpu.memory_space<hbm>>
        %dma_start3A_25 = tpu.memref_squeeze %dma_start3A_24 : memref<1x3136x32xf32, #tpu.memory_space<hbm>> -> memref<3136x32xf32, #tpu.memory_space<hbm>>
        %dma_start3A_26 = arith.constant 0 : i32
        %dma_start3A_27 = tpu.memref_slice %arg8[%mul3A_20, %dma_start3A_26] : memref<50176x32xf32, #tpu.memory_space<vmem_shared>> -> memref<3136x32xf32, #tpu.memory_space<vmem_shared>>
        tpu.enqueue_dma source(%dma_start3A_27 : memref<3136x32xf32, #tpu.memory_space<vmem_shared>>) target(%dma_start3A_25 : memref<3136x32xf32, #tpu.memory_space<hbm>>) target_semaphore(%run_scoped3A_23 : memref<!tpu.dma_semaphore, #tpu.memory_space<semaphore_mem>>)
        %dma_wait3A = arith.constant 0 : i32
        %dma_wait3A_28 = tpu.memref_slice %arg7[%run_scoped3A, %mul3A_22, %dma_wait3A] : memref<2x50176x32xf32, #tpu.memory_space<hbm>> -> memref<1x3136x32xf32, #tpu.memory_space<hbm>>
        %dma_wait3A_29 = tpu.memref_squeeze %dma_wait3A_28 : memref<1x3136x32xf32, #tpu.memory_space<hbm>> -> memref<3136x32xf32, #tpu.memory_space<hbm>>
        %dma_wait3A_30 = arith.constant 0 : i32
        %dma_wait3A_31 = tpu.memref_slice %arg8[%mul3A_20, %dma_wait3A_30] : memref<50176x32xf32, #tpu.memory_space<vmem_shared>> -> memref<3136x32xf32, #tpu.memory_space<vmem_shared>>
        tpu.wait_dma2 semaphore(%run_scoped3A_23 : memref<!tpu.dma_semaphore, #tpu.memory_space<semaphore_mem>>) src(%dma_wait3A_31 : memref<3136x32xf32, #tpu.memory_space<vmem_shared>>) dst(%dma_wait3A_29 : memref<3136x32xf32, #tpu.memory_space<hbm>>)
        tpu.yield
      }) : () -> ()
    } else {
    }
    %eq3A_14 = arith.constant 1 : i32
    %eq3A_15 = arith.cmpi eq, %arg0, %eq3A_14 : i32
    %convert_element_type3A_16 = arith.extui %eq3A_15 : i1 to i32
    %cond3A_17 = arith.constant 0 : i32
    %cond3A_18 = arith.cmpi ne, %convert_element_type3A_16, %cond3A_17 : i32
    scf.if %cond3A_18 {
      %mul3A_19 = arith.constant 3136 : i32
      %mul3A_20 = arith.muli %arg1, %mul3A_19 : i32
      %mul3A_21 = arith.constant 3136 : i32
      %mul3A_22 = arith.muli %arg1, %mul3A_21 : i32
      %run_scoped3A = arith.constant 1 : i32
      "tpu.region"() ({
        %run_scoped3A_23 = tpu.sem_alloc : memref<!tpu.dma_semaphore, #tpu.memory_space<semaphore_mem>>
        %dma_start3A = arith.constant 0 : i32
        %dma_start3A_24 = tpu.memref_slice %arg7[%run_scoped3A, %mul3A_22, %dma_start3A] : memref<2x50176x32xf32, #tpu.memory_space<hbm>> -> memref<1x3136x32xf32, #tpu.memory_space<hbm>>
        %dma_start3A_25 = tpu.memref_squeeze %dma_start3A_24 : memref<1x3136x32xf32, #tpu.memory_space<hbm>> -> memref<3136x32xf32, #tpu.memory_space<hbm>>
        %dma_start3A_26 = arith.constant 0 : i32
        %dma_start3A_27 = tpu.memref_slice %arg8[%mul3A_20, %dma_start3A_26] : memref<50176x32xf32, #tpu.memory_space<vmem_shared>> -> memref<3136x32xf32, #tpu.memory_space<vmem_shared>>
        tpu.enqueue_dma source(%dma_start3A_27 : memref<3136x32xf32, #tpu.memory_space<vmem_shared>>) target(%dma_start3A_25 : memref<3136x32xf32, #tpu.memory_space<hbm>>) target_semaphore(%run_scoped3A_23 : memref<!tpu.dma_semaphore, #tpu.memory_space<semaphore_mem>>)
        %dma_wait3A = arith.constant 0 : i32
        %dma_wait3A_28 = tpu.memref_slice %arg7[%run_scoped3A, %mul3A_22, %dma_wait3A] : memref<2x50176x32xf32, #tpu.memory_space<hbm>> -> memref<1x3136x32xf32, #tpu.memory_space<hbm>>
        %dma_wait3A_29 = tpu.memref_squeeze %dma_wait3A_28 : memref<1x3136x32xf32, #tpu.memory_space<hbm>> -> memref<3136x32xf32, #tpu.memory_space<hbm>>
        %dma_wait3A_30 = arith.constant 0 : i32
        %dma_wait3A_31 = tpu.memref_slice %arg8[%mul3A_20, %dma_wait3A_30] : memref<50176x32xf32, #tpu.memory_space<vmem_shared>> -> memref<3136x32xf32, #tpu.memory_space<vmem_shared>>
        tpu.wait_dma2 semaphore(%run_scoped3A_23 : memref<!tpu.dma_semaphore, #tpu.memory_space<semaphore_mem>>) src(%dma_wait3A_31 : memref<3136x32xf32, #tpu.memory_space<vmem_shared>>) dst(%dma_wait3A_29 : memref<3136x32xf32, #tpu.memory_space<hbm>>)
        tpu.yield
      }) : () -> ()
    } else {
    }
    return
  }
}

module attributes {stable_mosaic.version = 14 : i64} {
  func.func @_k1_body(%arg0: i32, %arg1: memref<1x1x2000xi32, #tpu.memory_space<vmem>>, %arg2: memref<64x64xf32, #tpu.memory_space<vmem>>, %arg3: memref<64x256xf32, #tpu.memory_space<vmem>>, %arg4: memref<2000x64xf32, #tpu.memory_space<vmem>>, %arg5: memref<4x2000x32xf32, #tpu.memory_space<vmem>>, %arg6: memref<4x2000x32xf32, #tpu.memory_space<vmem>>) attributes {dimension_semantics = [#tpu.dimension_semantics<arbitrary>], iteration_bounds = array<i64: 25>, scalar_prefetch = 0 : i64, scratch_operands = 0 : i64, tpu.core_type = #tpu.core_type<tc>, window_params = [{transform_indices = @transform_0, window_bounds = array<i64: 1, 1, 2000>}, {pipeline_mode = #tpu.pipeline_mode<synchronous>, transform_indices = @transform_1, window_bounds = array<i64: 64, 64>}, {pipeline_mode = #tpu.pipeline_mode<synchronous>, transform_indices = @transform_2, window_bounds = array<i64: 64, 256>}, {transform_indices = @transform_3, window_bounds = array<i64: 2000, 64>}, {transform_indices = @transform_4, window_bounds = array<i64: 4, 2000, 32>}, {transform_indices = @transform_5, window_bounds = array<i64: 4, 2000, 32>}]} {
    %get3A = arith.constant 0 : index
    %get3A_0 = arith.constant 0 : index
    %get3A_1 = arith.constant 0 : index
    %get3A_2 = vector.load %arg1[%get3A, %get3A_0, %get3A_1] : memref<1x1x2000xi32, #tpu.memory_space<vmem>>, vector<1x1x2000xi32>
    %get3A_3 = vector.shape_cast %get3A_2 : vector<1x1x2000xi32> to vector<2000xi32>
    %iota3A = tpu.iota {dimensions = array<i32: 1>} : vector<2000x64xi32>
    %broadcast_in_dim3A = vector.shape_cast %get3A_3 : vector<2000xi32> to vector<2000x1xi32>
    %eq3A = vector.broadcast %broadcast_in_dim3A : vector<2000x1xi32> to vector<2000x64xi32>
    %eq3A_4 = arith.cmpi eq, %eq3A, %iota3A : vector<2000x64xi32>
    %jit3A = arith.constant 1.000000e+00 : f32
    %jit3A_5 = arith.constant 0.000000e+00 : f32
    %broadcast_in_dim3A_6 = vector.broadcast %jit3A : f32 to vector<2000x64xf32>
    %broadcast_in_dim3A_7 = vector.broadcast %jit3A_5 : f32 to vector<2000x64xf32>
    %select_n3A = arith.select %eq3A_4, %broadcast_in_dim3A_6, %broadcast_in_dim3A_7 : vector<2000x64xi1>, vector<2000x64xf32>
    %get3A_8 = arith.constant 0 : index
    %get3A_9 = arith.constant 0 : index
    %get3A_10 = vector.load %arg2[%get3A_8, %get3A_9] : memref<64x64xf32, #tpu.memory_space<vmem>>, vector<64x64xf32>
    %dot_general3A = arith.constant dense<0.000000e+00> : vector<2000x64xf32>
    %dot_general3A_11 = tpu.matmul %select_n3A, %get3A_10, %dot_general3A {dimension_numbers = #tpu.dot_dimension_numbers<[1], [0], [0], [1], [0, 0, 1, 1], [], []>, precision = #tpu.contract_precision<fp32>, transpose_lhs_hint = false} : vector<2000x64xf32>, vector<64x64xf32>, vector<2000x64xf32> -> vector<2000x64xf32>
    %swap3A = arith.constant 0 : index
    %swap3A_12 = arith.constant 0 : index
    %swap3A_13 = vector.load %arg4[%swap3A, %swap3A_12] : memref<2000x64xf32, #tpu.memory_space<vmem>>, vector<2000x64xf32>
    tpu.vector_store %arg4[%swap3A, %swap3A_12], %dot_general3A_11 {strides = array<i32>} : memref<2000x64xf32, #tpu.memory_space<vmem>>, vector<2000x64xf32>,
    %get3A_14 = arith.constant 0 : index
    %get3A_15 = arith.constant 0 : index
    %get3A_16 = vector.load %arg3[%get3A_14, %get3A_15] : memref<64x256xf32, #tpu.memory_space<vmem>>, vector<64x256xf32>
    %dot_general3A_17 = arith.constant dense<0.000000e+00> : vector<2000x256xf32>
    %dot_general3A_18 = tpu.matmul %dot_general3A_11, %get3A_16, %dot_general3A_17 {dimension_numbers = #tpu.dot_dimension_numbers<[1], [0], [0], [1], [0, 0, 1, 1], [], []>, precision = #tpu.contract_precision<fp32>, transpose_lhs_hint = false} : vector<2000x64xf32>, vector<64x256xf32>, vector<2000x256xf32> -> vector<2000x256xf32>
    %slice3A = vector.extract_strided_slice %dot_general3A_18 {offsets = [0, 0], sizes = [2000, 32], strides = [1, 1]} : vector<2000x256xf32> to vector<2000x32xf32>
    %swap3A_19 = arith.constant 0 : index
    %swap3A_20 = arith.constant 0 : index
    %swap3A_21 = arith.constant 0 : index
    %swap3A_22 = vector.load %arg5[%swap3A_19, %swap3A_20, %swap3A_21] : memref<4x2000x32xf32, #tpu.memory_space<vmem>>, vector<1x2000x32xf32>
    %swap3A_23 = vector.shape_cast %swap3A_22 : vector<1x2000x32xf32> to vector<2000x32xf32>
    %swap3A_24 = vector.shape_cast %slice3A : vector<2000x32xf32> to vector<1x2000x32xf32>
    tpu.vector_store %arg5[%swap3A_19, %swap3A_20, %swap3A_21], %swap3A_24 {strides = array<i32>} : memref<4x2000x32xf32, #tpu.memory_space<vmem>>, vector<1x2000x32xf32>,
    %slice3A_25 = vector.extract_strided_slice %dot_general3A_18 {offsets = [0, 32], sizes = [2000, 32], strides = [1, 1]} : vector<2000x256xf32> to vector<2000x32xf32>
    %swap3A_26 = arith.constant 0 : index
    %swap3A_27 = arith.constant 0 : index
    %swap3A_28 = arith.constant 0 : index
    %swap3A_29 = vector.load %arg6[%swap3A_26, %swap3A_27, %swap3A_28] : memref<4x2000x32xf32, #tpu.memory_space<vmem>>, vector<1x2000x32xf32>
    %swap3A_30 = vector.shape_cast %swap3A_29 : vector<1x2000x32xf32> to vector<2000x32xf32>
    %swap3A_31 = vector.shape_cast %slice3A_25 : vector<2000x32xf32> to vector<1x2000x32xf32>
    tpu.vector_store %arg6[%swap3A_26, %swap3A_27, %swap3A_28], %swap3A_31 {strides = array<i32>} : memref<4x2000x32xf32, #tpu.memory_space<vmem>>, vector<1x2000x32xf32>,
    %slice3A_32 = vector.extract_strided_slice %dot_general3A_18 {offsets = [0, 64], sizes = [2000, 32], strides = [1, 1]} : vector<2000x256xf32> to vector<2000x32xf32>
    %swap3A_33 = arith.constant 1 : index
    %swap3A_34 = arith.constant 0 : index
    %swap3A_35 = arith.constant 0 : index
    %swap3A_36 = vector.load %arg5[%swap3A_33, %swap3A_34, %swap3A_35] : memref<4x2000x32xf32, #tpu.memory_space<vmem>>, vector<1x2000x32xf32>
    %swap3A_37 = vector.shape_cast %swap3A_36 : vector<1x2000x32xf32> to vector<2000x32xf32>
    %swap3A_38 = vector.shape_cast %slice3A_32 : vector<2000x32xf32> to vector<1x2000x32xf32>
    tpu.vector_store %arg5[%swap3A_33, %swap3A_34, %swap3A_35], %swap3A_38 {strides = array<i32>} : memref<4x2000x32xf32, #tpu.memory_space<vmem>>, vector<1x2000x32xf32>,
    %slice3A_39 = vector.extract_strided_slice %dot_general3A_18 {offsets = [0, 96], sizes = [2000, 32], strides = [1, 1]} : vector<2000x256xf32> to vector<2000x32xf32>
    %swap3A_40 = arith.constant 1 : index
    %swap3A_41 = arith.constant 0 : index
    %swap3A_42 = arith.constant 0 : index
    %swap3A_43 = vector.load %arg6[%swap3A_40, %swap3A_41, %swap3A_42] : memref<4x2000x32xf32, #tpu.memory_space<vmem>>, vector<1x2000x32xf32>
    %swap3A_44 = vector.shape_cast %swap3A_43 : vector<1x2000x32xf32> to vector<2000x32xf32>
    %swap3A_45 = vector.shape_cast %slice3A_39 : vector<2000x32xf32> to vector<1x2000x32xf32>
    tpu.vector_store %arg6[%swap3A_40, %swap3A_41, %swap3A_42], %swap3A_45 {strides = array<i32>} : memref<4x2000x32xf32, #tpu.memory_space<vmem>>, vector<1x2000x32xf32>,
    %slice3A_46 = vector.extract_strided_slice %dot_general3A_18 {offsets = [0, 128], sizes = [2000, 32], strides = [1, 1]} : vector<2000x256xf32> to vector<2000x32xf32>
    %swap3A_47 = arith.constant 2 : index
    %swap3A_48 = arith.constant 0 : index
    %swap3A_49 = arith.constant 0 : index
    %swap3A_50 = vector.load %arg5[%swap3A_47, %swap3A_48, %swap3A_49] : memref<4x2000x32xf32, #tpu.memory_space<vmem>>, vector<1x2000x32xf32>
    %swap3A_51 = vector.shape_cast %swap3A_50 : vector<1x2000x32xf32> to vector<2000x32xf32>
    %swap3A_52 = vector.shape_cast %slice3A_46 : vector<2000x32xf32> to vector<1x2000x32xf32>
    tpu.vector_store %arg5[%swap3A_47, %swap3A_48, %swap3A_49], %swap3A_52 {strides = array<i32>} : memref<4x2000x32xf32, #tpu.memory_space<vmem>>, vector<1x2000x32xf32>,
    %slice3A_53 = vector.extract_strided_slice %dot_general3A_18 {offsets = [0, 160], sizes = [2000, 32], strides = [1, 1]} : vector<2000x256xf32> to vector<2000x32xf32>
    %swap3A_54 = arith.constant 2 : index
    %swap3A_55 = arith.constant 0 : index
    %swap3A_56 = arith.constant 0 : index
    %swap3A_57 = vector.load %arg6[%swap3A_54, %swap3A_55, %swap3A_56] : memref<4x2000x32xf32, #tpu.memory_space<vmem>>, vector<1x2000x32xf32>
    %swap3A_58 = vector.shape_cast %swap3A_57 : vector<1x2000x32xf32> to vector<2000x32xf32>
    %swap3A_59 = vector.shape_cast %slice3A_53 : vector<2000x32xf32> to vector<1x2000x32xf32>
    tpu.vector_store %arg6[%swap3A_54, %swap3A_55, %swap3A_56], %swap3A_59 {strides = array<i32>} : memref<4x2000x32xf32, #tpu.memory_space<vmem>>, vector<1x2000x32xf32>,
    %slice3A_60 = vector.extract_strided_slice %dot_general3A_18 {offsets = [0, 192], sizes = [2000, 32], strides = [1, 1]} : vector<2000x256xf32> to vector<2000x32xf32>
    %swap3A_61 = arith.constant 3 : index
    %swap3A_62 = arith.constant 0 : index
    %swap3A_63 = arith.constant 0 : index
    %swap3A_64 = vector.load %arg5[%swap3A_61, %swap3A_62, %swap3A_63] : memref<4x2000x32xf32, #tpu.memory_space<vmem>>, vector<1x2000x32xf32>
    %swap3A_65 = vector.shape_cast %swap3A_64 : vector<1x2000x32xf32> to vector<2000x32xf32>
    %swap3A_66 = vector.shape_cast %slice3A_60 : vector<2000x32xf32> to vector<1x2000x32xf32>
    tpu.vector_store %arg5[%swap3A_61, %swap3A_62, %swap3A_63], %swap3A_66 {strides = array<i32>} : memref<4x2000x32xf32, #tpu.memory_space<vmem>>, vector<1x2000x32xf32>,
    %slice3A_67 = vector.extract_strided_slice %dot_general3A_18 {offsets = [0, 224], sizes = [2000, 32], strides = [1, 1]} : vector<2000x256xf32> to vector<2000x32xf32>
    %swap3A_68 = arith.constant 3 : index
    %swap3A_69 = arith.constant 0 : index
    %swap3A_70 = arith.constant 0 : index
    %swap3A_71 = vector.load %arg6[%swap3A_68, %swap3A_69, %swap3A_70] : memref<4x2000x32xf32, #tpu.memory_space<vmem>>, vector<1x2000x32xf32>
    %swap3A_72 = vector.shape_cast %swap3A_71 : vector<1x2000x32xf32> to vector<2000x32xf32>
    %swap3A_73 = vector.shape_cast %slice3A_67 : vector<2000x32xf32> to vector<1x2000x32xf32>
    tpu.vector_store %arg6[%swap3A_68, %swap3A_69, %swap3A_70], %swap3A_73 {strides = array<i32>} : memref<4x2000x32xf32, #tpu.memory_space<vmem>>, vector<1x2000x32xf32>,
    return
  }
  func.func @transform_0(%arg0: i32) -> (i32, i32, i32) {
    %c0_i32 = arith.constant 0 : i32
    %c0_i32_0 = arith.constant 0 : i32
    %c0_i32_1 = arith.constant 0 : i32
    return %arg0, %c0_i32, %c0_i32_0 : i32, i32, i32
  }
  func.func @transform_1(%arg0: i32) -> (i32, i32) {
    %c0_i32 = arith.constant 0 : i32
    %c0_i32_0 = arith.constant 0 : i32
    %c0_i32_1 = arith.constant 0 : i32
    return %c0_i32, %c0_i32_0 : i32, i32
  }
  func.func @transform_2(%arg0: i32) -> (i32, i32) {
    %c0_i32 = arith.constant 0 : i32
    %c0_i32_0 = arith.constant 0 : i32
    %c0_i32_1 = arith.constant 0 : i32
    return %c0_i32, %c0_i32_0 : i32, i32
  }
  func.func @transform_3(%arg0: i32) -> (i32, i32) {
    %c0_i32 = arith.constant 0 : i32
    %c0_i32_0 = arith.constant 0 : i32
    return %arg0, %c0_i32 : i32, i32
  }
  func.func @transform_4(%arg0: i32) -> (i32, i32, i32) {
    %c0_i32 = arith.constant 0 : i32
    %c0_i32_0 = arith.constant 0 : i32
    %c0_i32_1 = arith.constant 0 : i32
    return %c0_i32, %arg0, %c0_i32_0 : i32, i32, i32
  }
  func.func @transform_5(%arg0: i32) -> (i32, i32, i32) {
    %c0_i32 = arith.constant 0 : i32
    %c0_i32_0 = arith.constant 0 : i32
    %c0_i32_1 = arith.constant 0 : i32
    return %c0_i32, %arg0, %c0_i32_0 : i32, i32, i32
  }
}

module attributes {stable_mosaic.version = 14 : i64} {
  func.func @_k2_body(%arg0: i32, %arg1: memref<2000x64xf32, #tpu.memory_space<vmem>>, %arg2: memref<2x2000x32xf32, #tpu.memory_space<vmem>>, %arg3: memref<64x64xf32, #tpu.memory_space<vmem>>, %arg4: memref<1x64xf32, #tpu.memory_space<vmem>>, %arg5: memref<64x256xf32, #tpu.memory_space<vmem>>, %arg6: memref<2000x64xf32, #tpu.memory_space<vmem>>, %arg7: memref<4x2000x32xf32, #tpu.memory_space<vmem>>, %arg8: memref<4x2000x32xf32, #tpu.memory_space<vmem>>) attributes {dimension_semantics = [#tpu.dimension_semantics<arbitrary>], iteration_bounds = array<i64: 25>, scalar_prefetch = 0 : i64, scratch_operands = 0 : i64, tpu.core_type = #tpu.core_type<tc>, window_params = [{transform_indices = @transform_0, window_bounds = array<i64: 2000, 64>}, {transform_indices = @transform_1, window_bounds = array<i64: 2, 2000, 32>}, {pipeline_mode = #tpu.pipeline_mode<synchronous>, transform_indices = @transform_2, window_bounds = array<i64: 64, 64>}, {pipeline_mode = #tpu.pipeline_mode<synchronous>, transform_indices = @transform_3, window_bounds = array<i64: 1, 64>}, {pipeline_mode = #tpu.pipeline_mode<synchronous>, transform_indices = @transform_4, window_bounds = array<i64: 64, 256>}, {transform_indices = @transform_5, window_bounds = array<i64: 2000, 64>}, {transform_indices = @transform_6, window_bounds = array<i64: 4, 2000, 32>}, {transform_indices = @transform_7, window_bounds = array<i64: 4, 2000, 32>}]} {
    %get3A = arith.constant 0 : index
    %get3A_0 = arith.constant 0 : index
    %get3A_1 = vector.load %arg1[%get3A, %get3A_0] : memref<2000x64xf32, #tpu.memory_space<vmem>>, vector<2000x64xf32>
    %get3A_2 = arith.constant 0 : index
    %get3A_3 = arith.constant 0 : index
    %get3A_4 = vector.load %arg3[%get3A_2, %get3A_3] : memref<64x64xf32, #tpu.memory_space<vmem>>, vector<64x64xf32>
    %dot_general3A = arith.constant dense<0.000000e+00> : vector<2000x64xf32>
    %dot_general3A_5 = tpu.matmul %get3A_1, %get3A_4, %dot_general3A {dimension_numbers = #tpu.dot_dimension_numbers<[1], [0], [0], [1], [0, 0, 1, 1], [], []>, precision = #tpu.contract_precision<fp32>, transpose_lhs_hint = false} : vector<2000x64xf32>, vector<64x64xf32>, vector<2000x64xf32> -> vector<2000x64xf32>
    %get3A_6 = arith.constant 0 : index
    %get3A_7 = arith.constant 0 : index
    %get3A_8 = vector.load %arg4[%get3A_6, %get3A_7] : memref<1x64xf32, #tpu.memory_space<vmem>>, vector<1x64xf32>
    %add3A = vector.broadcast %get3A_8 : vector<1x64xf32> to vector<2000x64xf32>
    %add3A_9 = arith.addf %dot_general3A_5, %add3A : vector<2000x64xf32>
    %get3A_10 = arith.constant 0 : index
    %get3A_11 = arith.constant 0 : index
    %get3A_12 = arith.constant 0 : index
    %get3A_13 = vector.load %arg2[%get3A_10, %get3A_11, %get3A_12] : memref<2x2000x32xf32, #tpu.memory_space<vmem>>, vector<1x2000x32xf32>
    %get3A_14 = vector.shape_cast %get3A_13 : vector<1x2000x32xf32> to vector<2000x32xf32>
    %get3A_15 = arith.constant 1 : index
    %get3A_16 = arith.constant 0 : index
    %get3A_17 = arith.constant 0 : index
    %get3A_18 = vector.load %arg2[%get3A_15, %get3A_16, %get3A_17] : memref<2x2000x32xf32, #tpu.memory_space<vmem>>, vector<1x2000x32xf32>
    %get3A_19 = vector.shape_cast %get3A_18 : vector<1x2000x32xf32> to vector<2000x32xf32>
    %concatenate3A = tpu.concatenate %get3A_14, %get3A_19 in 1 : vector<2000x32xf32>, vector<2000x32xf32> -> vector<2000x64xf32>
    %add3A_20 = arith.addf %add3A_9, %concatenate3A : vector<2000x64xf32>
    %max3A = arith.constant 0.000000e+00 : f32
    %max3A_21 = vector.broadcast %max3A : f32 to vector<2000x64xf32>
    %max3A_22 = arith.maximumf %add3A_20, %max3A_21 : vector<2000x64xf32>
    %swap3A = arith.constant 0 : index
    %swap3A_23 = arith.constant 0 : index
    %swap3A_24 = vector.load %arg6[%swap3A, %swap3A_23] : memref<2000x64xf32, #tpu.memory_space<vmem>>, vector<2000x64xf32>
    tpu.vector_store %arg6[%swap3A, %swap3A_23], %max3A_22 {strides = array<i32>} : memref<2000x64xf32, #tpu.memory_space<vmem>>, vector<2000x64xf32>,
    %get3A_25 = arith.constant 0 : index
    %get3A_26 = arith.constant 0 : index
    %get3A_27 = vector.load %arg5[%get3A_25, %get3A_26] : memref<64x256xf32, #tpu.memory_space<vmem>>, vector<64x256xf32>
    %dot_general3A_28 = arith.constant dense<0.000000e+00> : vector<2000x256xf32>
    %dot_general3A_29 = tpu.matmul %max3A_22, %get3A_27, %dot_general3A_28 {dimension_numbers = #tpu.dot_dimension_numbers<[1], [0], [0], [1], [0, 0, 1, 1], [], []>, precision = #tpu.contract_precision<fp32>, transpose_lhs_hint = false} : vector<2000x64xf32>, vector<64x256xf32>, vector<2000x256xf32> -> vector<2000x256xf32>
    %slice3A = vector.extract_strided_slice %dot_general3A_29 {offsets = [0, 0], sizes = [2000, 32], strides = [1, 1]} : vector<2000x256xf32> to vector<2000x32xf32>
    %swap3A_30 = arith.constant 0 : index
    %swap3A_31 = arith.constant 0 : index
    %swap3A_32 = arith.constant 0 : index
    %swap3A_33 = vector.load %arg7[%swap3A_30, %swap3A_31, %swap3A_32] : memref<4x2000x32xf32, #tpu.memory_space<vmem>>, vector<1x2000x32xf32>
    %swap3A_34 = vector.shape_cast %swap3A_33 : vector<1x2000x32xf32> to vector<2000x32xf32>
    %swap3A_35 = vector.shape_cast %slice3A : vector<2000x32xf32> to vector<1x2000x32xf32>
    tpu.vector_store %arg7[%swap3A_30, %swap3A_31, %swap3A_32], %swap3A_35 {strides = array<i32>} : memref<4x2000x32xf32, #tpu.memory_space<vmem>>, vector<1x2000x32xf32>,
    %slice3A_36 = vector.extract_strided_slice %dot_general3A_29 {offsets = [0, 32], sizes = [2000, 32], strides = [1, 1]} : vector<2000x256xf32> to vector<2000x32xf32>
    %swap3A_37 = arith.constant 0 : index
    %swap3A_38 = arith.constant 0 : index
    %swap3A_39 = arith.constant 0 : index
    %swap3A_40 = vector.load %arg8[%swap3A_37, %swap3A_38, %swap3A_39] : memref<4x2000x32xf32, #tpu.memory_space<vmem>>, vector<1x2000x32xf32>
    %swap3A_41 = vector.shape_cast %swap3A_40 : vector<1x2000x32xf32> to vector<2000x32xf32>
    %swap3A_42 = vector.shape_cast %slice3A_36 : vector<2000x32xf32> to vector<1x2000x32xf32>
    tpu.vector_store %arg8[%swap3A_37, %swap3A_38, %swap3A_39], %swap3A_42 {strides = array<i32>} : memref<4x2000x32xf32, #tpu.memory_space<vmem>>, vector<1x2000x32xf32>,
    %slice3A_43 = vector.extract_strided_slice %dot_general3A_29 {offsets = [0, 64], sizes = [2000, 32], strides = [1, 1]} : vector<2000x256xf32> to vector<2000x32xf32>
    %swap3A_44 = arith.constant 1 : index
    %swap3A_45 = arith.constant 0 : index
    %swap3A_46 = arith.constant 0 : index
    %swap3A_47 = vector.load %arg7[%swap3A_44, %swap3A_45, %swap3A_46] : memref<4x2000x32xf32, #tpu.memory_space<vmem>>, vector<1x2000x32xf32>
    %swap3A_48 = vector.shape_cast %swap3A_47 : vector<1x2000x32xf32> to vector<2000x32xf32>
    %swap3A_49 = vector.shape_cast %slice3A_43 : vector<2000x32xf32> to vector<1x2000x32xf32>
    tpu.vector_store %arg7[%swap3A_44, %swap3A_45, %swap3A_46], %swap3A_49 {strides = array<i32>} : memref<4x2000x32xf32, #tpu.memory_space<vmem>>, vector<1x2000x32xf32>,
    %slice3A_50 = vector.extract_strided_slice %dot_general3A_29 {offsets = [0, 96], sizes = [2000, 32], strides = [1, 1]} : vector<2000x256xf32> to vector<2000x32xf32>
    %swap3A_51 = arith.constant 1 : index
    %swap3A_52 = arith.constant 0 : index
    %swap3A_53 = arith.constant 0 : index
    %swap3A_54 = vector.load %arg8[%swap3A_51, %swap3A_52, %swap3A_53] : memref<4x2000x32xf32, #tpu.memory_space<vmem>>, vector<1x2000x32xf32>
    %swap3A_55 = vector.shape_cast %swap3A_54 : vector<1x2000x32xf32> to vector<2000x32xf32>
    %swap3A_56 = vector.shape_cast %slice3A_50 : vector<2000x32xf32> to vector<1x2000x32xf32>
    tpu.vector_store %arg8[%swap3A_51, %swap3A_52, %swap3A_53], %swap3A_56 {strides = array<i32>} : memref<4x2000x32xf32, #tpu.memory_space<vmem>>, vector<1x2000x32xf32>,
    %slice3A_57 = vector.extract_strided_slice %dot_general3A_29 {offsets = [0, 128], sizes = [2000, 32], strides = [1, 1]} : vector<2000x256xf32> to vector<2000x32xf32>
    %swap3A_58 = arith.constant 2 : index
    %swap3A_59 = arith.constant 0 : index
    %swap3A_60 = arith.constant 0 : index
    %swap3A_61 = vector.load %arg7[%swap3A_58, %swap3A_59, %swap3A_60] : memref<4x2000x32xf32, #tpu.memory_space<vmem>>, vector<1x2000x32xf32>
    %swap3A_62 = vector.shape_cast %swap3A_61 : vector<1x2000x32xf32> to vector<2000x32xf32>
    %swap3A_63 = vector.shape_cast %slice3A_57 : vector<2000x32xf32> to vector<1x2000x32xf32>
    tpu.vector_store %arg7[%swap3A_58, %swap3A_59, %swap3A_60], %swap3A_63 {strides = array<i32>} : memref<4x2000x32xf32, #tpu.memory_space<vmem>>, vector<1x2000x32xf32>,
    %slice3A_64 = vector.extract_strided_slice %dot_general3A_29 {offsets = [0, 160], sizes = [2000, 32], strides = [1, 1]} : vector<2000x256xf32> to vector<2000x32xf32>
    %swap3A_65 = arith.constant 2 : index
    %swap3A_66 = arith.constant 0 : index
    %swap3A_67 = arith.constant 0 : index
    %swap3A_68 = vector.load %arg8[%swap3A_65, %swap3A_66, %swap3A_67] : memref<4x2000x32xf32, #tpu.memory_space<vmem>>, vector<1x2000x32xf32>
    %swap3A_69 = vector.shape_cast %swap3A_68 : vector<1x2000x32xf32> to vector<2000x32xf32>
    %swap3A_70 = vector.shape_cast %slice3A_64 : vector<2000x32xf32> to vector<1x2000x32xf32>
    tpu.vector_store %arg8[%swap3A_65, %swap3A_66, %swap3A_67], %swap3A_70 {strides = array<i32>} : memref<4x2000x32xf32, #tpu.memory_space<vmem>>, vector<1x2000x32xf32>,
    %slice3A_71 = vector.extract_strided_slice %dot_general3A_29 {offsets = [0, 192], sizes = [2000, 32], strides = [1, 1]} : vector<2000x256xf32> to vector<2000x32xf32>
    %swap3A_72 = arith.constant 3 : index
    %swap3A_73 = arith.constant 0 : index
    %swap3A_74 = arith.constant 0 : index
    %swap3A_75 = vector.load %arg7[%swap3A_72, %swap3A_73, %swap3A_74] : memref<4x2000x32xf32, #tpu.memory_space<vmem>>, vector<1x2000x32xf32>
    %swap3A_76 = vector.shape_cast %swap3A_75 : vector<1x2000x32xf32> to vector<2000x32xf32>
    %swap3A_77 = vector.shape_cast %slice3A_71 : vector<2000x32xf32> to vector<1x2000x32xf32>
    tpu.vector_store %arg7[%swap3A_72, %swap3A_73, %swap3A_74], %swap3A_77 {strides = array<i32>} : memref<4x2000x32xf32, #tpu.memory_space<vmem>>, vector<1x2000x32xf32>,
    %slice3A_78 = vector.extract_strided_slice %dot_general3A_29 {offsets = [0, 224], sizes = [2000, 32], strides = [1, 1]} : vector<2000x256xf32> to vector<2000x32xf32>
    %swap3A_79 = arith.constant 3 : index
    %swap3A_80 = arith.constant 0 : index
    %swap3A_81 = arith.constant 0 : index
    %swap3A_82 = vector.load %arg8[%swap3A_79, %swap3A_80, %swap3A_81] : memref<4x2000x32xf32, #tpu.memory_space<vmem>>, vector<1x2000x32xf32>
    %swap3A_83 = vector.shape_cast %swap3A_82 : vector<1x2000x32xf32> to vector<2000x32xf32>
    %swap3A_84 = vector.shape_cast %slice3A_78 : vector<2000x32xf32> to vector<1x2000x32xf32>
    tpu.vector_store %arg8[%swap3A_79, %swap3A_80, %swap3A_81], %swap3A_84 {strides = array<i32>} : memref<4x2000x32xf32, #tpu.memory_space<vmem>>, vector<1x2000x32xf32>,
    return
  }
  func.func @transform_0(%arg0: i32) -> (i32, i32) {
    %c0_i32 = arith.constant 0 : i32
    %c0_i32_0 = arith.constant 0 : i32
    return %arg0, %c0_i32 : i32, i32
  }
  func.func @transform_1(%arg0: i32) -> (i32, i32, i32) {
    %c0_i32 = arith.constant 0 : i32
    %c0_i32_0 = arith.constant 0 : i32
    %c0_i32_1 = arith.constant 0 : i32
    return %c0_i32, %arg0, %c0_i32_0 : i32, i32, i32
  }
  func.func @transform_2(%arg0: i32) -> (i32, i32) {
    %c0_i32 = arith.constant 0 : i32
    %c0_i32_0 = arith.constant 0 : i32
    %c0_i32_1 = arith.constant 0 : i32
    return %c0_i32, %c0_i32_0 : i32, i32
  }
  func.func @transform_3(%arg0: i32) -> (i32, i32) {
    %c0_i32 = arith.constant 0 : i32
    %c0_i32_0 = arith.constant 0 : i32
    %c0_i32_1 = arith.constant 0 : i32
    return %c0_i32, %c0_i32_0 : i32, i32
  }
  func.func @transform_4(%arg0: i32) -> (i32, i32) {
    %c0_i32 = arith.constant 0 : i32
    %c0_i32_0 = arith.constant 0 : i32
    %c0_i32_1 = arith.constant 0 : i32
    return %c0_i32, %c0_i32_0 : i32, i32
  }
  func.func @transform_5(%arg0: i32) -> (i32, i32) {
    %c0_i32 = arith.constant 0 : i32
    %c0_i32_0 = arith.constant 0 : i32
    return %arg0, %c0_i32 : i32, i32
  }
  func.func @transform_6(%arg0: i32) -> (i32, i32, i32) {
    %c0_i32 = arith.constant 0 : i32
    %c0_i32_0 = arith.constant 0 : i32
    %c0_i32_1 = arith.constant 0 : i32
    return %c0_i32, %arg0, %c0_i32_0 : i32, i32, i32
  }
  func.func @transform_7(%arg0: i32) -> (i32, i32, i32) {
    %c0_i32 = arith.constant 0 : i32
    %c0_i32_0 = arith.constant 0 : i32
    %c0_i32_1 = arith.constant 0 : i32
    return %c0_i32, %arg0, %c0_i32_0 : i32, i32, i32
  }
}

module attributes {stable_mosaic.version = 14 : i64} {
  func.func @_k3_body(%arg0: i32, %arg1: memref<2000x64xf32, #tpu.memory_space<vmem>>, %arg2: memref<2x2000x32xf32, #tpu.memory_space<vmem>>, %arg3: memref<64x64xf32, #tpu.memory_space<vmem>>, %arg4: memref<1x64xf32, #tpu.memory_space<vmem>>, %arg5: memref<1x1xi32, #tpu.memory_space<smem>>, %arg6: memref<1x48xf32, #tpu.memory_space<vmem>>, %arg7: memref<48x48xf32, #tpu.memory_space<vmem>>, %arg8: memref<1x48xf32, #tpu.memory_space<vmem>>, %arg9: memref<240x192xf32, #tpu.memory_space<vmem>>, %arg10: memref<1x192xf32, #tpu.memory_space<vmem>>, %arg11: memref<192x8xf32, #tpu.memory_space<vmem>>, %arg12: memref<1x8xf32, #tpu.memory_space<vmem>>, %arg13: memref<240x64xf32, #tpu.memory_space<vmem>>, %arg14: memref<1x64xf32, #tpu.memory_space<vmem>>, %arg15: memref<64x8xf32, #tpu.memory_space<vmem>>, %arg16: memref<1x8xf32, #tpu.memory_space<vmem>>, %arg17: memref<1x8xf32, #tpu.memory_space<vmem>>, %arg18: memref<1x8xf32, #tpu.memory_space<vmem>>, %arg19: memref<8x64xf32, #tpu.memory_space<vmem>>, %arg20: memref<8x64xf32, #tpu.memory_space<vmem>>, %arg21: memref<8x64xf32, #tpu.memory_space<vmem>>) attributes {dimension_semantics = [#tpu.dimension_semantics<arbitrary>], iteration_bounds = array<i64: 25>, scalar_prefetch = 0 : i64, scratch_operands = 3 : i64, tpu.core_type = #tpu.core_type<tc>, window_params = [{transform_indices = @transform_0, window_bounds = array<i64: 2000, 64>}, {transform_indices = @transform_1, window_bounds = array<i64: 2, 2000, 32>}, {pipeline_mode = #tpu.pipeline_mode<synchronous>, transform_indices = @transform_2, window_bounds = array<i64: 64, 64>}, {pipeline_mode = #tpu.pipeline_mode<synchronous>, transform_indices = @transform_3, window_bounds = array<i64: 1, 64>}, {transform_indices = @transform_4, window_bounds = array<i64: 1, 1>}, {pipeline_mode = #tpu.pipeline_mode<synchronous>, transform_indices = @transform_5, window_bounds = array<i64: 1, 48>}, {pipeline_mode = #tpu.pipeline_mode<synchronous>, transform_indices = @transform_6, window_bounds = array<i64: 48, 48>}, {pipeline_mode = #tpu.pipeline_mode<synchronous>, transform_indices = @transform_7, window_bounds = array<i64: 1, 48>}, {pipeline_mode = #tpu.pipeline_mode<synchronous>, transform_indices = @transform_8, window_bounds = array<i64: 240, 192>}, {pipeline_mode = #tpu.pipeline_mode<synchronous>, transform_indices = @transform_9, window_bounds = array<i64: 1, 192>}, {pipeline_mode = #tpu.pipeline_mode<synchronous>, transform_indices = @transform_10, window_bounds = array<i64: 192, 8>}, {pipeline_mode = #tpu.pipeline_mode<synchronous>, transform_indices = @transform_11, window_bounds = array<i64: 1, 8>}, {pipeline_mode = #tpu.pipeline_mode<synchronous>, transform_indices = @transform_12, window_bounds = array<i64: 240, 64>}, {pipeline_mode = #tpu.pipeline_mode<synchronous>, transform_indices = @transform_13, window_bounds = array<i64: 1, 64>}, {pipeline_mode = #tpu.pipeline_mode<synchronous>, transform_indices = @transform_14, window_bounds = array<i64: 64, 8>}, {pipeline_mode = #tpu.pipeline_mode<synchronous>, transform_indices = @transform_15, window_bounds = array<i64: 1, 8>}, {pipeline_mode = #tpu.pipeline_mode<synchronous>, transform_indices = @transform_16, window_bounds = array<i64: 1, 8>}, {pipeline_mode = #tpu.pipeline_mode<synchronous>, transform_indices = @transform_17, window_bounds = array<i64: 1, 8>}]} {
    %eq3A = arith.constant 0 : i32
    %eq3A_0 = arith.cmpi eq, %arg0, %eq3A : i32
    %convert_element_type3A = arith.extui %eq3A_0 : i1 to i32
    %cond3A = arith.constant 0 : i32
    %cond3A_1 = arith.cmpi ne, %convert_element_type3A, %cond3A : i32
    scf.if %cond3A_1 {
      %broadcast_in_dim3A_69 = arith.constant 0.000000e+00 : f32
      %broadcast_in_dim3A_70 = vector.broadcast %broadcast_in_dim3A_69 : f32 to vector<8x64xf32>
      %swap3A_71 = arith.constant 0 : index
      %swap3A_72 = arith.constant 0 : index
      %swap3A_73 = vector.load %arg19[%swap3A_71, %swap3A_72] : memref<8x64xf32, #tpu.memory_space<vmem>>, vector<8x64xf32>
      tpu.vector_store %arg19[%swap3A_71, %swap3A_72], %broadcast_in_dim3A_70 {strides = array<i32>} : memref<8x64xf32, #tpu.memory_space<vmem>>, vector<8x64xf32>,
      %broadcast_in_dim3A_74 = arith.constant 0.000000e+00 : f32
      %broadcast_in_dim3A_75 = vector.broadcast %broadcast_in_dim3A_74 : f32 to vector<8x64xf32>
      %swap3A_76 = arith.constant 0 : index
      %swap3A_77 = arith.constant 0 : index
      %swap3A_78 = vector.load %arg20[%swap3A_76, %swap3A_77] : memref<8x64xf32, #tpu.memory_space<vmem>>, vector<8x64xf32>
      tpu.vector_store %arg20[%swap3A_76, %swap3A_77], %broadcast_in_dim3A_75 {strides = array<i32>} : memref<8x64xf32, #tpu.memory_space<vmem>>, vector<8x64xf32>,
      %broadcast_in_dim3A_79 = arith.constant 0.000000e+00 : f32
      %broadcast_in_dim3A_80 = vector.broadcast %broadcast_in_dim3A_79 : f32 to vector<8x64xf32>
      %swap3A_81 = arith.constant 0 : index
      %swap3A_82 = arith.constant 0 : index
      %swap3A_83 = vector.load %arg21[%swap3A_81, %swap3A_82] : memref<8x64xf32, #tpu.memory_space<vmem>>, vector<8x64xf32>
      tpu.vector_store %arg21[%swap3A_81, %swap3A_82], %broadcast_in_dim3A_80 {strides = array<i32>} : memref<8x64xf32, #tpu.memory_space<vmem>>, vector<8x64xf32>,
      %broadcast_in_dim3A_84 = arith.constant 0.000000e+00 : f32
      %broadcast_in_dim3A_85 = vector.broadcast %broadcast_in_dim3A_84 : f32 to vector<1x8xf32>
      %swap3A_86 = arith.constant 0 : index
      %swap3A_87 = arith.constant 0 : index
      %swap3A_88 = vector.load %arg17[%swap3A_86, %swap3A_87] : memref<1x8xf32, #tpu.memory_space<vmem>>, vector<1x8xf32>
      tpu.vector_store %arg17[%swap3A_86, %swap3A_87], %broadcast_in_dim3A_85 {strides = array<i32>} : memref<1x8xf32, #tpu.memory_space<vmem>>, vector<1x8xf32>,
      %broadcast_in_dim3A_89 = arith.constant 0.000000e+00 : f32
      %broadcast_in_dim3A_90 = vector.broadcast %broadcast_in_dim3A_89 : f32 to vector<1x8xf32>
      %swap3A_91 = arith.constant 0 : index
      %swap3A_92 = arith.constant 0 : index
      %swap3A_93 = vector.load %arg18[%swap3A_91, %swap3A_92] : memref<1x8xf32, #tpu.memory_space<vmem>>, vector<1x8xf32>
      tpu.vector_store %arg18[%swap3A_91, %swap3A_92], %broadcast_in_dim3A_90 {strides = array<i32>} : memref<1x8xf32, #tpu.memory_space<vmem>>, vector<1x8xf32>,
    } else {
    }
    %get3A = arith.constant 0 : index
    %get3A_2 = arith.constant 0 : index
    %get3A_3 = vector.load %arg1[%get3A, %get3A_2] : memref<2000x64xf32, #tpu.memory_space<vmem>>, vector<2000x64xf32>
    %get3A_4 = arith.constant 0 : index
    %get3A_5 = arith.constant 0 : index
    %get3A_6 = vector.load %arg3[%get3A_4, %get3A_5] : memref<64x64xf32, #tpu.memory_space<vmem>>, vector<64x64xf32>
    %dot_general3A = arith.constant dense<0.000000e+00> : vector<2000x64xf32>
    %dot_general3A_7 = tpu.matmul %get3A_3, %get3A_6, %dot_general3A {dimension_numbers = #tpu.dot_dimension_numbers<[1], [0], [0], [1], [0, 0, 1, 1], [], []>, precision = #tpu.contract_precision<fp32>, transpose_lhs_hint = false} : vector<2000x64xf32>, vector<64x64xf32>, vector<2000x64xf32> -> vector<2000x64xf32>
    %get3A_8 = arith.constant 0 : index
    %get3A_9 = arith.constant 0 : index
    %get3A_10 = vector.load %arg4[%get3A_8, %get3A_9] : memref<1x64xf32, #tpu.memory_space<vmem>>, vector<1x64xf32>
    %add3A = vector.broadcast %get3A_10 : vector<1x64xf32> to vector<2000x64xf32>
    %add3A_11 = arith.addf %dot_general3A_7, %add3A : vector<2000x64xf32>
    %get3A_12 = arith.constant 0 : index
    %get3A_13 = arith.constant 0 : index
    %get3A_14 = arith.constant 0 : index
    %get3A_15 = vector.load %arg2[%get3A_12, %get3A_13, %get3A_14] : memref<2x2000x32xf32, #tpu.memory_space<vmem>>, vector<1x2000x32xf32>
    %get3A_16 = vector.shape_cast %get3A_15 : vector<1x2000x32xf32> to vector<2000x32xf32>
    %get3A_17 = arith.constant 1 : index
    %get3A_18 = arith.constant 0 : index
    %get3A_19 = arith.constant 0 : index
    %get3A_20 = vector.load %arg2[%get3A_17, %get3A_18, %get3A_19] : memref<2x2000x32xf32, #tpu.memory_space<vmem>>, vector<1x2000x32xf32>
    %get3A_21 = vector.shape_cast %get3A_20 : vector<1x2000x32xf32> to vector<2000x32xf32>
    %concatenate3A = tpu.concatenate %get3A_16, %get3A_21 in 1 : vector<2000x32xf32>, vector<2000x32xf32> -> vector<2000x64xf32>
    %add3A_22 = arith.addf %add3A_11, %concatenate3A : vector<2000x64xf32>
    %max3A = arith.constant 0.000000e+00 : f32
    %max3A_23 = vector.broadcast %max3A : f32 to vector<2000x64xf32>
    %max3A_24 = arith.maximumf %add3A_22, %max3A_23 : vector<2000x64xf32>
    %get3A_25 = arith.constant 0 : index
    %get3A_26 = arith.constant 0 : index
    %get3A_27 = vector.load %arg19[%get3A_25, %get3A_26] : memref<8x64xf32, #tpu.memory_space<vmem>>, vector<1x64xf32>
    %reduce_sum3A = arith.constant dense<0.000000e+00> : vector<64xf32>
    %reduce_sum3A_28 = vector.multi_reduction <add>, %max3A_24, %reduce_sum3A [0] : vector<2000x64xf32> to vector<64xf32>
    %broadcast_in_dim3A = vector.shape_cast %reduce_sum3A_28 : vector<64xf32> to vector<1x64xf32>
    %add3A_29 = arith.addf %get3A_27, %broadcast_in_dim3A : vector<1x64xf32>
    %swap3A = arith.constant 0 : index
    %swap3A_30 = arith.constant 0 : index
    %swap3A_31 = vector.load %arg19[%swap3A, %swap3A_30] : memref<8x64xf32, #tpu.memory_space<vmem>>, vector<1x64xf32>
    tpu.vector_store %arg19[%swap3A, %swap3A_30], %add3A_29 {strides = array<i32>} : memref<8x64xf32, #tpu.memory_space<vmem>>, vector<1x64xf32>,
    %get3A_32 = arith.constant 0 : index
    %get3A_33 = arith.constant 0 : index
    %get3A_34 = vector.load %arg20[%get3A_32, %get3A_33] : memref<8x64xf32, #tpu.memory_space<vmem>>, vector<1x64xf32>
    %reduce_max3A = arith.constant dense<0xFF800000> : vector<64xf32>
    %reduce_max3A_35 = vector.multi_reduction <maximumf>, %max3A_24, %reduce_max3A [0] : vector<2000x64xf32> to vector<64xf32>
    %broadcast_in_dim3A_36 = vector.shape_cast %reduce_max3A_35 : vector<64xf32> to vector<1x64xf32>
    %max3A_37 = arith.maximumf %get3A_34, %broadcast_in_dim3A_36 : vector<1x64xf32>
    %swap3A_38 = arith.constant 0 : index
    %swap3A_39 = arith.constant 0 : index
    %swap3A_40 = vector.load %arg20[%swap3A_38, %swap3A_39] : memref<8x64xf32, #tpu.memory_space<vmem>>, vector<1x64xf32>
    tpu.vector_store %arg20[%swap3A_38, %swap3A_39], %max3A_37 {strides = array<i32>} : memref<8x64xf32, #tpu.memory_space<vmem>>, vector<1x64xf32>,
    %get3A_41 = arith.constant 0 : index
    %get3A_42 = arith.constant 0 : index
    %get3A_43 = memref.load %arg5[%get3A_41, %get3A_42] : memref<1x1xi32, #tpu.memory_space<smem>>
    %mul3A = arith.constant 2000 : i32
    %mul3A_44 = arith.muli %arg0, %mul3A : i32
    %iota3A = tpu.iota {dimensions = array<i32: 0>} : vector<2000x1xi32>
    %add3A_45 = vector.broadcast %mul3A_44 : i32 to vector<2000x1xi32>
    %add3A_46 = arith.addi %add3A_45, %iota3A : vector<2000x1xi32>
    %eq3A_47 = vector.broadcast %get3A_43 : i32 to vector<2000x1xi32>
    %eq3A_48 = arith.cmpi eq, %add3A_46, %eq3A_47 : vector<2000x1xi32>
    %jit3A = arith.constant 1.000000e+00 : f32
    %jit3A_49 = arith.constant 0.000000e+00 : f32
    %broadcast_in_dim3A_50 = vector.broadcast %jit3A : f32 to vector<2000x1xf32>
    %broadcast_in_dim3A_51 = vector.broadcast %jit3A_49 : f32 to vector<2000x1xf32>
    %select_n3A = arith.select %eq3A_48, %broadcast_in_dim3A_50, %broadcast_in_dim3A_51 : vector<2000x1xi1>, vector<2000x1xf32>
    %get3A_52 = arith.constant 0 : index
    %get3A_53 = arith.constant 0 : index
    %get3A_54 = vector.load %arg21[%get3A_52, %get3A_53] : memref<8x64xf32, #tpu.memory_space<vmem>>, vector<1x64xf32>
    %mul3A_55 = vector.broadcast %select_n3A : vector<2000x1xf32> to vector<2000x64xf32>
    %mul3A_56 = arith.mulf %max3A_24, %mul3A_55 : vector<2000x64xf32>
    %reduce_sum3A_57 = arith.constant dense<0.000000e+00> : vector<64xf32>
    %reduce_sum3A_58 = vector.multi_reduction <add>, %mul3A_56, %reduce_sum3A_57 [0] : vector<2000x64xf32> to vector<64xf32>
    %broadcast_in_dim3A_59 = vector.shape_cast %reduce_sum3A_58 : vector<64xf32> to vector<1x64xf32>
    %add3A_60 = arith.addf %get3A_54, %broadcast_in_dim3A_59 : vector<1x64xf32>
    %swap3A_61 = arith.constant 0 : index
    %swap3A_62 = arith.constant 0 : index
    %swap3A_63 = vector.load %arg21[%swap3A_61, %swap3A_62] : memref<8x64xf32, #tpu.memory_space<vmem>>, vector<1x64xf32>
    tpu.vector_store %arg21[%swap3A_61, %swap3A_62], %add3A_60 {strides = array<i32>} : memref<8x64xf32, #tpu.memory_space<vmem>>, vector<1x64xf32>,
    %eq3A_64 = arith.constant 24 : i32
    %eq3A_65 = arith.cmpi eq, %arg0, %eq3A_64 : i32
    %convert_element_type3A_66 = arith.extui %eq3A_65 : i1 to i32
    %cond3A_67 = arith.constant 0 : i32
    %cond3A_68 = arith.cmpi ne, %convert_element_type3A_66, %cond3A_67 : i32
    scf.if %cond3A_68 {
      %get3A_69 = arith.constant 0 : index
      %get3A_70 = arith.constant 0 : index
      %get3A_71 = vector.load %arg19[%get3A_69, %get3A_70] : memref<8x64xf32, #tpu.memory_space<vmem>>, vector<1x64xf32>
      %mul3A_72 = arith.constant 2.000000e-05 : f32
      %mul3A_73 = vector.broadcast %mul3A_72 : f32 to vector<1x64xf32>
      %mul3A_74 = arith.mulf %get3A_71, %mul3A_73 : vector<1x64xf32>
      %get3A_75 = arith.constant 0 : index
      %get3A_76 = arith.constant 0 : index
      %get3A_77 = vector.load %arg20[%get3A_75, %get3A_76] : memref<8x64xf32, #tpu.memory_space<vmem>>, vector<1x64xf32>
      %get3A_78 = arith.constant 0 : index
      %get3A_79 = arith.constant 0 : index
      %get3A_80 = vector.load %arg21[%get3A_78, %get3A_79] : memref<8x64xf32, #tpu.memory_space<vmem>>, vector<1x64xf32>
      %get3A_81 = arith.constant 0 : index
      %get3A_82 = arith.constant 0 : index
      %get3A_83 = vector.load %arg6[%get3A_81, %get3A_82] : memref<1x48xf32, #tpu.memory_space<vmem>>, vector<1x48xf32>
      %get3A_84 = arith.constant 0 : index
      %get3A_85 = arith.constant 0 : index
      %get3A_86 = vector.load %arg7[%get3A_84, %get3A_85] : memref<48x48xf32, #tpu.memory_space<vmem>>, vector<48x48xf32>
      %dot_general3A_87 = arith.constant dense<0.000000e+00> : vector<1x48xf32>
      %dot_general3A_88 = tpu.matmul %get3A_83, %get3A_86, %dot_general3A_87 {dimension_numbers = #tpu.dot_dimension_numbers<[1], [0], [0], [1], [0, 0, 1, 1], [], []>, precision = #tpu.contract_precision<fp32>, transpose_lhs_hint = false} : vector<1x48xf32>, vector<48x48xf32>, vector<1x48xf32> -> vector<1x48xf32>
      %get3A_89 = arith.constant 0 : index
      %get3A_90 = arith.constant 0 : index
      %get3A_91 = vector.load %arg8[%get3A_89, %get3A_90] : memref<1x48xf32, #tpu.memory_space<vmem>>, vector<1x48xf32>
      %add3A_92 = arith.addf %dot_general3A_88, %get3A_91 : vector<1x48xf32>
      %max3A_93 = arith.constant 0.000000e+00 : f32
      %max3A_94 = vector.broadcast %max3A_93 : f32 to vector<1x48xf32>
      %max3A_95 = arith.maximumf %add3A_92, %max3A_94 : vector<1x48xf32>
      %concatenate3A_96 = tpu.concatenate %get3A_80, %mul3A_74, %get3A_77, %max3A_95 in 1 : vector<1x64xf32>, vector<1x64xf32>, vector<1x64xf32>, vector<1x48xf32> -> vector<1x240xf32>
      %get3A_97 = arith.constant 0 : index
      %get3A_98 = arith.constant 0 : index
      %get3A_99 = vector.load %arg9[%get3A_97, %get3A_98] : memref<240x192xf32, #tpu.memory_space<vmem>>, vector<240x192xf32>
      %dot_general3A_100 = arith.constant dense<0.000000e+00> : vector<1x192xf32>
      %dot_general3A_101 = tpu.matmul %concatenate3A_96, %get3A_99, %dot_general3A_100 {dimension_numbers = #tpu.dot_dimension_numbers<[1], [0], [0], [1], [0, 0, 1, 1], [], []>, precision = #tpu.contract_precision<fp32>, transpose_lhs_hint = false} : vector<1x240xf32>, vector<240x192xf32>, vector<1x192xf32> -> vector<1x192xf32>
      %get3A_102 = arith.constant 0 : index
      %get3A_103 = arith.constant 0 : index
      %get3A_104 = vector.load %arg10[%get3A_102, %get3A_103] : memref<1x192xf32, #tpu.memory_space<vmem>>, vector<1x192xf32>
      %add3A_105 = arith.addf %dot_general3A_101, %get3A_104 : vector<1x192xf32>
      %max3A_106 = arith.constant 0.000000e+00 : f32
      %max3A_107 = vector.broadcast %max3A_106 : f32 to vector<1x192xf32>
      %max3A_108 = arith.maximumf %add3A_105, %max3A_107 : vector<1x192xf32>
      %get3A_109 = arith.constant 0 : index
      %get3A_110 = arith.constant 0 : index
      %get3A_111 = vector.load %arg11[%get3A_109, %get3A_110] : memref<192x8xf32, #tpu.memory_space<vmem>>, vector<192x8xf32>
      %dot_general3A_112 = arith.constant dense<0.000000e+00> : vector<1x8xf32>
      %dot_general3A_113 = tpu.matmul %max3A_108, %get3A_111, %dot_general3A_112 {dimension_numbers = #tpu.dot_dimension_numbers<[1], [0], [0], [1], [0, 0, 1, 1], [], []>, precision = #tpu.contract_precision<fp32>, transpose_lhs_hint = false} : vector<1x192xf32>, vector<192x8xf32>, vector<1x8xf32> -> vector<1x8xf32>
      %get3A_114 = arith.constant 0 : index
      %get3A_115 = arith.constant 0 : index
      %get3A_116 = vector.load %arg12[%get3A_114, %get3A_115] : memref<1x8xf32, #tpu.memory_space<vmem>>, vector<1x8xf32>
      %add3A_117 = arith.addf %dot_general3A_113, %get3A_116 : vector<1x8xf32>
      %swap3A_118 = arith.constant 0 : index
      %swap3A_119 = arith.constant 0 : index
      %swap3A_120 = vector.load %arg17[%swap3A_118, %swap3A_119] : memref<1x8xf32, #tpu.memory_space<vmem>>, vector<1x8xf32>
      tpu.vector_store %arg17[%swap3A_118, %swap3A_119], %add3A_117 {strides = array<i32>} : memref<1x8xf32, #tpu.memory_space<vmem>>, vector<1x8xf32>,
      %get3A_121 = arith.constant 0 : index
      %get3A_122 = arith.constant 0 : index
      %get3A_123 = vector.load %arg13[%get3A_121, %get3A_122] : memref<240x64xf32, #tpu.memory_space<vmem>>, vector<240x64xf32>
      %dot_general3A_124 = arith.constant dense<0.000000e+00> : vector<1x64xf32>
      %dot_general3A_125 = tpu.matmul %concatenate3A_96, %get3A_123, %dot_general3A_124 {dimension_numbers = #tpu.dot_dimension_numbers<[1], [0], [0], [1], [0, 0, 1, 1], [], []>, precision = #tpu.contract_precision<fp32>, transpose_lhs_hint = false} : vector<1x240xf32>, vector<240x64xf32>, vector<1x64xf32> -> vector<1x64xf32>
      %get3A_126 = arith.constant 0 : index
      %get3A_127 = arith.constant 0 : index
      %get3A_128 = vector.load %arg14[%get3A_126, %get3A_127] : memref<1x64xf32, #tpu.memory_space<vmem>>, vector<1x64xf32>
      %add3A_129 = arith.addf %dot_general3A_125, %get3A_128 : vector<1x64xf32>
      %max3A_130 = arith.constant 0.000000e+00 : f32
      %max3A_131 = vector.broadcast %max3A_130 : f32 to vector<1x64xf32>
      %max3A_132 = arith.maximumf %add3A_129, %max3A_131 : vector<1x64xf32>
      %get3A_133 = arith.constant 0 : index
      %get3A_134 = arith.constant 0 : index
      %get3A_135 = vector.load %arg15[%get3A_133, %get3A_134] : memref<64x8xf32, #tpu.memory_space<vmem>>, vector<64x8xf32>
      %dot_general3A_136 = arith.constant dense<0.000000e+00> : vector<1x8xf32>
      %dot_general3A_137 = tpu.matmul %max3A_132, %get3A_135, %dot_general3A_136 {dimension_numbers = #tpu.dot_dimension_numbers<[1], [0], [0], [1], [0, 0, 1, 1], [], []>, precision = #tpu.contract_precision<fp32>, transpose_lhs_hint = false} : vector<1x64xf32>, vector<64x8xf32>, vector<1x8xf32> -> vector<1x8xf32>
      %get3A_138 = arith.constant 0 : index
      %get3A_139 = arith.constant 0 : index
      %get3A_140 = vector.load %arg16[%get3A_138, %get3A_139] : memref<1x8xf32, #tpu.memory_space<vmem>>, vector<1x8xf32>
      %add3A_141 = arith.addf %dot_general3A_137, %get3A_140 : vector<1x8xf32>
      %swap3A_142 = arith.constant 0 : index
      %swap3A_143 = arith.constant 0 : index
      %swap3A_144 = vector.load %arg18[%swap3A_142, %swap3A_143] : memref<1x8xf32, #tpu.memory_space<vmem>>, vector<1x8xf32>
      tpu.vector_store %arg18[%swap3A_142, %swap3A_143], %add3A_141 {strides = array<i32>} : memref<1x8xf32, #tpu.memory_space<vmem>>, vector<1x8xf32>,
    } else {
    }
    return
  }
  func.func @transform_0(%arg0: i32) -> (i32, i32) {
    %c0_i32 = arith.constant 0 : i32
    %c0_i32_0 = arith.constant 0 : i32
    return %arg0, %c0_i32 : i32, i32
  }
  func.func @transform_1(%arg0: i32) -> (i32, i32, i32) {
    %c0_i32 = arith.constant 0 : i32
    %c0_i32_0 = arith.constant 0 : i32
    %c0_i32_1 = arith.constant 0 : i32
    return %c0_i32, %arg0, %c0_i32_0 : i32, i32, i32
  }
  func.func @transform_2(%arg0: i32) -> (i32, i32) {
    %c0_i32 = arith.constant 0 : i32
    %c0_i32_0 = arith.constant 0 : i32
    %c0_i32_1 = arith.constant 0 : i32
    return %c0_i32, %c0_i32_0 : i32, i32
  }
  func.func @transform_3(%arg0: i32) -> (i32, i32) {
    %c0_i32 = arith.constant 0 : i32
    %c0_i32_0 = arith.constant 0 : i32
    %c0_i32_1 = arith.constant 0 : i32
    return %c0_i32, %c0_i32_0 : i32, i32
  }
  func.func @transform_4(%arg0: i32) -> (i32, i32) {
    %c0_i32 = arith.constant 0 : i32
    %c0_i32_0 = arith.constant 0 : i32
    %c0_i32_1 = arith.constant 0 : i32
    return %c0_i32, %c0_i32_0 : i32, i32
  }
  func.func @transform_5(%arg0: i32) -> (i32, i32) {
    %c0_i32 = arith.constant 0 : i32
    %c0_i32_0 = arith.constant 0 : i32
    %c0_i32_1 = arith.constant 0 : i32
    return %c0_i32, %c0_i32_0 : i32, i32
  }
  func.func @transform_6(%arg0: i32) -> (i32, i32) {
    %c0_i32 = arith.constant 0 : i32
    %c0_i32_0 = arith.constant 0 : i32
    %c0_i32_1 = arith.constant 0 : i32
    return %c0_i32, %c0_i32_0 : i32, i32
  }
  func.func @transform_7(%arg0: i32) -> (i32, i32) {
    %c0_i32 = arith.constant 0 : i32
    %c0_i32_0 = arith.constant 0 : i32
    %c0_i32_1 = arith.constant 0 : i32
    return %c0_i32, %c0_i32_0 : i32, i32
  }
  func.func @transform_8(%arg0: i32) -> (i32, i32) {
    %c0_i32 = arith.constant 0 : i32
    %c0_i32_0 = arith.constant 0 : i32
    %c0_i32_1 = arith.constant 0 : i32
    return %c0_i32, %c0_i32_0 : i32, i32
  }
  func.func @transform_9(%arg0: i32) -> (i32, i32) {
    %c0_i32 = arith.constant 0 : i32
    %c0_i32_0 = arith.constant 0 : i32
    %c0_i32_1 = arith.constant 0 : i32
    return %c0_i32, %c0_i32_0 : i32, i32
  }
  func.func @transform_10(%arg0: i32) -> (i32, i32) {
    %c0_i32 = arith.constant 0 : i32
    %c0_i32_0 = arith.constant 0 : i32
    %c0_i32_1 = arith.constant 0 : i32
    return %c0_i32, %c0_i32_0 : i32, i32
  }
  func.func @transform_11(%arg0: i32) -> (i32, i32) {
    %c0_i32 = arith.constant 0 : i32
    %c0_i32_0 = arith.constant 0 : i32
    %c0_i32_1 = arith.constant 0 : i32
    return %c0_i32, %c0_i32_0 : i32, i32
  }
  func.func @transform_12(%arg0: i32) -> (i32, i32) {
    %c0_i32 = arith.constant 0 : i32
    %c0_i32_0 = arith.constant 0 : i32
    %c0_i32_1 = arith.constant 0 : i32
    return %c0_i32, %c0_i32_0 : i32, i32
  }
  func.func @transform_13(%arg0: i32) -> (i32, i32) {
    %c0_i32 = arith.constant 0 : i32
    %c0_i32_0 = arith.constant 0 : i32
    %c0_i32_1 = arith.constant 0 : i32
    return %c0_i32, %c0_i32_0 : i32, i32
  }
  func.func @transform_14(%arg0: i32) -> (i32, i32) {
    %c0_i32 = arith.constant 0 : i32
    %c0_i32_0 = arith.constant 0 : i32
    %c0_i32_1 = arith.constant 0 : i32
    return %c0_i32, %c0_i32_0 : i32, i32
  }
  func.func @transform_15(%arg0: i32) -> (i32, i32) {
    %c0_i32 = arith.constant 0 : i32
    %c0_i32_0 = arith.constant 0 : i32
    %c0_i32_1 = arith.constant 0 : i32
    return %c0_i32, %c0_i32_0 : i32, i32
  }
  func.func @transform_16(%arg0: i32) -> (i32, i32) {
    %c0_i32 = arith.constant 0 : i32
    %c0_i32_0 = arith.constant 0 : i32
    %c0_i32_1 = arith.constant 0 : i32
    return %c0_i32, %c0_i32_0 : i32, i32
  }
  func.func @transform_17(%arg0: i32) -> (i32, i32) {
    %c0_i32 = arith.constant 0 : i32
    %c0_i32_0 = arith.constant 0 : i32
    %c0_i32_1 = arith.constant 0 : i32
    return %c0_i32, %c0_i32_0 : i32, i32
  }
}

</mosaic_0001>

<sc_bundles>
// kernel: kernel.10.cloned.1.call-start
scs
__scs_entry_jumppad:
0x0: {  	(pc) =	sbr.rel $0x88, $3  }
0x1: {  	(tag) =	ssettag $0x0;
	lr =	simm.s32 $0x1  }
0x2: {  	[smem:$0x3F89] =	sst lr;
	_ =	strace $0xD0000000  }
0x3: {  	_ = 	snop  }
0x4: {  	_ = 	snop  }
0x5: {  	_ = 	snop  }
0x6: {  	_ = 	snop  }
0x7: {  	_ = 	snop  }
__scs_overlays_trampoline_lowered:
0x8: {  	[smem:$0x3F98] =	sst s0  }
0x9: {  	[smem:$0x3F99] =	sst s1  }
0xa: {  	[smem:$0x3F9A] =	sst s2  }
0xb: {  	[smem:$0x3F9B] =	sst s3  }
0xc: {  	[smem:$0x3F9C] =	sst s4  }
0xd: {  	[smem:$0x3F9D] =	sst s5  }
0xe: {  	[smem:$0x3F9E] =	sst s6  }
0xf: {  	[smem:$0x3F9F] =	sst s7  }
0x10: {  	[smem:$0x3FA0] =	sst s8  }
0x11: {  	[smem:$0x3FA1] =	sst s9;
	s0 =	simm.s32 @!p0 $0x0  }
0x12: {  	s1 =	sld [smem:$0x3F87];
	s0 =	simm.s32 @p0 $0x1  }
0x13: {  	[smem:$0x3FA2] =	sst s0;
	s0 =	simm.s32 @!p1 $0x0  }
0x14: {  	s2 =	sld [smem:$0x3F86];
	s0 =	simm.s32 @p1 $0x1  }
0x15: {  	[smem:$0x3FA3] =	sst s0;
	s0 =	simm.s32 @!p2 $0x0  }
0x16: {  	s3 =	sld [smem:$0x3FDB];
	s0 =	simm.s32 @p2 $0x1  }
0x17: {  	s4 =	simm.s32 $0x1BF5;
	[smem:$0x3FA5] =	sst s0  }
0x18: {  	s0 =	sld [smem:$0x3F88];
	_ =	swait.ge [sflag:s4], $0x0  }
0x19: {  	s7 =	sld [smem:$0x3F89]  }
0x1a: {  	s8 =	sadd.s32 $0xFFFFE003, lr  }
0x1b: {  	s9 =	sadd.s32 $0xFFFFFEF7, lr;
	s5 =	simm.s32 $0xFFFFFFFF;
	p2 =	slt.u32 s8, $0xFFFFF086  }
0x1c: {  	p1 =	slt.u32 s9, $0xF7A;
	s5 =	simm.s32 @!p2 $0x0  }
0x1d: {  	s5 =	simm.s32 @p1 $0x1;
	p0 =	seq.s32 s7, s2  }
0x1e: {  	s7 =	smul.u32 @!p0 $0xF7A, s2;
	p2 =	seq.s32 @!p0 s5, $0x0  }
0x1f: {  	s9 =	smul.u32 $0xF7A, s1;
	s8 =	simm.s32 @!p0 $0x1BF5;
	p2 =	por !p2, p0  }
0x20: {  	[sflag:s8] =	ssyncset.s32 @!p0 $0xFFFFF086;
	s6 =	sadd.s32 @!p0 s3, s7;
	s7 =	simm.s32 @!p0 $0x108  }
0x21: {  	s3 =	sadd.s32 s3, s9;
	s6 =	sadd.s32 @!p0 $0x88, s6;
	s7 =	simm.s32 @p2 $0x1082  }
0x22: {  	[simem:s7], [sflag:s8] =	dma.local @!p0 [hbm:s6], $0xF7A  }
0x23: {  	s9 =	sor.u32 $0xD0000000, s2;
	s6 =	simm.s32 $0x108;
	_ =	swait.ge @!p0 [sflag:s8], $0x0  }
0x24: {  	s3 =	sadd.s32 $0x88, s3;
	s6 =	simm.s32 @!p1 $0x1082;
	[sflag:s4] =	ssyncset.s32 $0xFFFFF086  }
0x25: {  	[simem:s6], [sflag:s4] =	dma.local [hbm:s3], $0xF7A  }
0x26: {  	[smem:$0x3F89] =	sst s1;
	(tag) =	ssettag s2;
	_ =	strace s9  }
0x27: {  	s1 =	sld [smem:$0x3F99]  }
0x28: {  	s2 =	sld [smem:$0x3F9A]  }
0x29: {  	s4 =	sld [smem:$0x3F9C]  }
0x2a: {  	p0 =	seq.s32 s5, $0x0;
	s5 =	sld [smem:$0x3F9D]  }
0x2b: {  	s6 =	sld [smem:$0x3F9E]  }
0x2c: {  	s7 =	sld [smem:$0x3F9F]  }
0x2d: {  	s3 =	simm.s32 $0x108;
	s8 =	sld [smem:$0x3FA0]  }
0x2e: {  	s3 =	simm.s32 @!p0 $0x1082;
	s9 =	sld [smem:$0x3FA1]  }
0x2f: {  	lr =	sadd.s32 s0, s3;
	s0 =	sld [smem:$0x3F98]  }
0x30: {  	s3 =	sld [smem:$0x3F9B]  }
0x31: {  	[smem:$0x3FA4] =	sst s10  }
0x32: {  	s10 =	sld [smem:$0x3FA2];
	_ =	sdelay $0x3  }
0x33: {  	p0 =	seq.s32 s10, $0x1;
	s10 =	sld [smem:$0x3FA4];
	_ =	sdelay $0x3  }
0x34: {  	[smem:$0x3FA4] =	sst s10  }
0x35: {  	s10 =	sld [smem:$0x3FA3];
	_ =	sdelay $0x3  }
0x36: {  	p1 =	seq.s32 s10, $0x1;
	s10 =	sld [smem:$0x3FA4];
	_ =	sdelay $0x3  }
0x37: {  	[smem:$0x3FA4] =	sst s10  }
0x38: {  	s10 =	sld [smem:$0x3FA5]  }
0x39: {  	_ = 	snop;
	(pc) =	sbr.ind lr, $3  }
0x3a: {  	_ = 	snop  }
0x3b: {  	_ = 	snop  }
0x3c: {  	p2 =	seq.s32 s10, $0x1;
	s10 =	sld [smem:$0x3FA4]  }
0x3d: {  	_ =	shalt  }
0x3e: {  	_ =	shalt  }
0x3f: {  	_ =	shalt  }
0x40: {  	_ =	shalt  }
0x41: {  	_ =	shalt  }
0x42: {  	_ =	shalt  }
0x43: {  	_ =	shalt  }
0x44: {  	_ =	shalt  }
0x45: {  	_ =	shalt  }
0x46: {  	_ =	shalt  }
0x47: {  	_ =	shalt  }
0x48: {  	_ =	shalt  }
0x49: {  	_ =	shalt  }
0x4a: {  	_ =	shalt  }
0x4b: {  	_ =	shalt  }
0x4c: {  	_ =	shalt  }
0x4d: {  	_ =	shalt  }
0x4e: {  	_ =	shalt  }
0x4f: {  	_ =	shalt  }
0x50: {  	_ =	shalt  }
0x51: {  	_ =	shalt  }
0x52: {  	_ =	shalt  }
0x53: {  	_ =	shalt  }
0x54: {  	_ =	shalt  }
0x55: {  	_ =	shalt  }
0x56: {  	_ =	shalt  }
0x57: {  	_ =	shalt  }
0x58: {  	_ =	shalt  }
0x59: {  	_ =	shalt  }
0x5a: {  	_ =	shalt  }
0x5b: {  	_ =	shalt  }
0x5c: {  	_ =	shalt  }
0x5d: {  	_ =	shalt  }
0x5e: {  	_ =	shalt  }
0x5f: {  	_ =	shalt  }
0x60: {  	_ =	shalt  }
0x61: {  	_ =	shalt  }
0x62: {  	_ =	shalt  }
0x63: {  	_ =	shalt  }
0x64: {  	_ =	shalt  }
0x65: {  	_ =	shalt  }
0x66: {  	_ =	shalt  }
0x67: {  	_ =	shalt  }
0x68: {  	_ =	shalt  }
0x69: {  	_ =	shalt  }
0x6a: {  	_ =	shalt  }
0x6b: {  	_ =	shalt  }
0x6c: {  	_ =	shalt  }
0x6d: {  	_ =	shalt  }
0x6e: {  	_ =	shalt  }
0x6f: {  	_ =	shalt  }
0x70: {  	_ =	shalt  }
0x71: {  	_ =	shalt  }
0x72: {  	_ =	shalt  }
0x73: {  	_ =	shalt  }
0x74: {  	_ =	shalt  }
0x75: {  	_ =	shalt  }
0x76: {  	_ =	shalt  }
0x77: {  	_ =	shalt  }
0x78: {  	_ =	shalt  }
0x79: {  	_ =	shalt  }
0x7a: {  	_ =	shalt  }
0x7b: {  	_ =	shalt  }
0x7c: {  	_ =	shalt  }
0x7d: {  	_ =	shalt  }
0x7e: {  	_ =	shalt  }
0x7f: {  	_ =	shalt  }
0x80: {  	_ =	shalt  }
0x81: {  	_ =	shalt  }
0x82: {  	_ =	shalt  }
0x83: {  	_ =	shalt  }
0x84: {  	_ =	shalt  }
0x85: {  	_ =	shalt  }
0x86: {  	_ =	shalt  }
0x87: {  	_ =	shalt  }
.Lfunc_end0:
.L_simem_size_0:
called_computation.1_lowered:
.L_overlay_start_0:
0x88: {  	s2 =	sld [smem:$0x3FD9]  }
0x89: {  	s3 =	sld [smem:$0x3FFE];
	_ =	sdelay $0x1  }
0x8a: {  	s1 =	srdreg.scid  }
0x8b: {  	s0 =	sand.u32 $0x1, s1  }
0x8c: {  	s16 =	sshll.u32 s0, $0xA;
	s2 =	sadd.s32 s3, s2  }
0x8d: {  	s2 =	sadd.s32 s2, s16  }
0x8e: {  	[smem:$0x3FB0] =	sst s2  }
0x8f: {  	_ = 	snop  }
0x90: {  	(tm) =	ssettm $0x1  }
0x91: {  	s17 =	sld [smem:$0x3FFB];
	_ =	sdelay $0x3  }
0x92: {  	_ =	strace s17  }
0x93: {  	s2 =	sld [smem:$0x3FFC];
	_ =	sdelay $0x3  }
0x94: {  	_ =	strace s2  }
0x95: {  	s2 =	sld [smem:$0x3FFD];
	_ =	sdelay $0x3  }
0x96: {  	_ =	strace s2  }
0x97: {  	_ =	strace $0x8FFFFFFF  }
0x98: {  	s18 =	sld [smem:$0x3FDB];
	_ =	sdelay $0x1  }
0x99: {  	s19 =	simm.s32 $_scs_section_size  }
0x9a: {  	s4 =	simm.s32 $_size__tile_overlayer_lowered;
	s5 =	simm.s32 $_tile_overlayer_lowered  }
0x9b: {  	s22 =	simm.s32 $0x1BFF;
	s21 =	sshll.u32 s5, $0x1;
	s2 =	sadd.s32 s19, s18  }
0x9c: {  	s6 =	simm.s32 $0x0;
	s20 =	sshll.u32 s4, $0x1;
	s4 =	sadd.s32 s21, s2  }
0x9d: {  	[timem:s6], [sflag:s22] =	dma.local [hbm:s4], s20  }
0x9e: {  	_ =	swait.ge [sflag:s22], s20  }
0x9f: {  	s3 =	ssub.s32 $0x0, s20;
	[sflag:s22] =	ssyncset.done $0x0  }
0xa0: {  	[sflag:s22] =	ssyncadd.s32 s3;
	_ =	sdelay $0x1  }
0xa1: {  	s23 =	simm.s32 $0x1B8B  }
0xa2: {  	_ =	swait.ge [sflag:s23], $0x1  }
0xa3: {  	[sflag:s23] =	ssyncset.done $0x0  }
0xa4: {  	s25 =	simm.s32 $0x1B8E;
	s24 =	sld [smem:$0x3FFE];
	[sflag:s23] =	ssyncadd.s32 $0xFFFFFFFF  }
0xa5: {  	s26 =	simm.s32 $execute0_lowered;
	[smem:$0x3FD2] =	sst s25  }
0xa6: {  	s4 =	sshll.u32 s26, $0x1;
	_ =	strace $0x80000049;
	[dreg:$0x1] =	wrdreg $0xFFFFFFFF  }
0xa7: {  	s28 =	simm.s32 $_size_execute0_lowered;
	s2 =	sadd.s32 s2, s4;
	[dreg:$0x0] =	wrdreg $0x0  }
0xa8: {  	s4 =	sshll.u32 s28, $0x1;
	[dreg:$0x2] =	wrdreg s2  }
0xa9: {  	[dreg:$0x3] =	wrdreg s4  }
0xaa: {  	[dreg:$0x4] =	wrdreg $0xC0  }
0xab: {  	_ =	task [dreg:s6], $0x5FFFF  }
0xac: {  	[dreg:$0x1] =	wrdreg $0xFFFFFFFF  }
0xad: {  	[dreg:$0x0] =	wrdreg $0x60  }
0xae: {  	[dreg:$0x2] =	wrdreg s24  }
0xaf: {  	[dreg:$0x3] =	wrdreg $0x0  }
0xb0: {  	[dreg:$0x4] =	wrdreg $0x9  }
0xb1: {  	_ =	task.clear_ibuf [dreg:s6], $0x5FFFF;
	_ =	strace $0x90000049  }
0xb2: {  	s29 =	simm.s32 $0x9;
	_ =	strace $0x8000004B  }
0xb3: {  	_ =	swait.ge [sflag:s29], $0x1  }
0xb4: {  	[sflag:s29] =	ssyncadd.s32 $0xFFFFFFFF  }
0xb5: {  	_ =	strace $0x9000004B  }
0xb6: {  	_ =	sfence  }
0xb7: {  	s30 =	sld [smem:$0x0];
	_ =	sdelay $0x2  }
0xb8: {  	s31 =	sshll.u32 s1, $0xD;
	s1 =	sshrl.u32 s1, $0x2  }
0xb9: {  	s3 =	sand.u32 $0x4000, s31;
	s1 =	sadd.s32 s1, s30  }
0xba: {  	s0 =	sor.u32 s3, s0;
	s1 =	sshll.u32 s1, $0x11  }
0xbb: {  	s0 =	sor.u32 s1, s0  }
0xbc: {  	s0 =	sadd.s32 $0x8F2B, s0  }
0xbd: {  	[sflag:s0] =	ssyncadd.remote.s32 $0x1  }
0xbe: {  	_ =	sfence.sel $0xFFFF  }
0xbf: {  	[dreg:$0x0] =	wrdreg $0xFFFFFFFF;
	(pc) =	sbr.abs _section_cstart, $3  }
0xc0: {  	[dreg:$0x1] =	wrdreg $0xFFFFFFFF  }
0xc1: {  	_ =	task.clear_ibuf [dreg:s6], $0x2FFFF;
	_ =	strace $0x9FFFFFFF  }
0xc2: {  	(tm) =	ssettm $0x7FFFFFFF  }
0xc3: {  	_ =	shalt  }
tec
execute0_lowered:
.L_overlay_start_1:
0x0: {  	(tag) =	ssettag $0x1  }
0x1: {  	s0 =	rddreg [dreg:$0x0]  }
0x2: {  	s1 =	rddreg [dreg:$0x1];
	s2 =	simm.s32 $0x0  }
0x3: {  	s3 =	srdreg.scid;
	s15 =	stileid.u32;
	s20 =	simm.s32 $0x3  }
0x4: {  	s21 =	simm.s32 $0x18800;
	s25 =	simm.s32 $0x40;
	s22 =	simm.s32 $0x1  }
0x5: {  	s23 =	simm.s32 $0x2;
	s24 =	simm.s32 $0x0;
	s4 =	sadd.s32 $0x5F1200, s0  }
0x6: {  	[smem:$0x7FF] =	sst s2;
	s5 =	sadd.s32 $0x15BE00, s0;
	s6 =	sadd.s32 $0xC5800, s0  }
0x7: {  	s3 =	sand.u32 $0x1, s3;
	s7 =	sadd.s32 $0xDE000, s0;
	s8 =	smul.u32 $0x18800, s15  }
0x8: {  	s9 =	sadd.s32 $0xF6800, s0;
	s13 =	smul.u32 $0xC400, s15;
	s10 =	sadd.s32 $0xF9A00, s0  }
0x9: {  	s31 =	sshll.u32 s15, $0x6;
	s14 =	smul.u32 $0x1880, s15;
	s11 =	ssub.s32 $0x2, s3  }
0xa: {  	_ =	strace $0x8000004A;
	p0 =	sne.s32 s3, $0x0;
	s12 =	sshrl.u32 s11, $0x1  }
.Ltmp0:
0xb: {  	s19 =	sadd.s32 s8, s1;
	s13 =	sshrl.u32 s13, $0x3;
	(pc) =	sbr.rel .LBB2_1-.Ltmp0, $4  }
0xc: {  	s17 =	sadd.s32 $0x188000, s8;
	s30 =	ssub.s32 s11, s12;
	s11 =	sor.u32 $0x1C03, s31  }
0xd: {  	s12 =	smul.u32 $0x310, s15;
	s16 =	sadd.s32 $0xE0, s13;
	s13 =	sadd.s32 s6, s14  }
0xe: {  	s14 =	sadd.s32 s7, s14;
	[dreg:$0x3] =	wrdreg s17;
	s19 =	sshrl.u32 s19, $0x3  }
0xf: {  	s15 =	sadd.s32 s6, s16;
	s16 =	sadd.s32 s7, s16;
	s18 =	smax.u32 s30, $0x1  }
.LBB2_16:
0x10: {  	_ =	swait.ge [sflag:s23], $0x800  }
0x11: {  	[sflag:s23] =	ssyncset.done $0x0  }
0x12: {  	[sflag:s23] =	ssyncadd.s32 $0xFFFFF800  }
0x13: {  	_ =	swait.ge [sflag:s23], $0x800  }
0x14: {  	[sflag:s23] =	ssyncset.done $0x0  }
0x15: {  	[sflag:s23] =	ssyncadd.s32 $0xFFFFF800  }
0x16: {  	_ =	swait.ge [sflag:s23], $0x800  }
0x17: {  	[sflag:s23] =	ssyncset.done $0x0  }
0x18: {  	[sflag:s23] =	ssyncadd.s32 $0xFFFFF800  }
0x19: {  	_ =	swait.ge [sflag:s23], $0x800  }
0x1a: {  	s24 =	sadd.s32 $0x1, s24;
	[sflag:s23] =	ssyncset.done $0x0  }
0x1b: {  	s0 =	sshrl.u32 s26, $0x3;
	p1 =	sne.s32 s24, s18;
	[sflag:s23] =	ssyncadd.s32 $0xFFFFF800  }
.Ltmp1:
0x1c: {  	s0 =	sadd.s32 s10, s0;
	[bflag:$0x0] =	sbarrier.arrive $0xFFFF;
	(pc) =	sbr.rel @!p1 .LBB2_17-.Ltmp1, $4  }
0x1d: {  	[hbm:s0], [sflag:s11] =	dma.local [spmem:s19], $0x3100  }
0x1e: {  	_ =	swait.ge [sflag:s20], $0x3100  }
0x1f: {  	[sflag:s20] =	ssyncset.done $0x0  }
0x20: {  	[sflag:s20] =	ssyncadd.s32 $0xFFFFCF00  }
.LBB2_1:
0x21: {  	[spmem:s19], [sflag:s11] =	dma.local [hbm:s9], $0x3100  }
0x22: {  	_ =	swait.ge [sflag:s20], $0x3100  }
0x23: {  	[sflag:s20] =	ssyncset.done $0x0  }
0x24: {  	[sflag:s20] =	ssyncadd.s32 $0xFFFFCF00  }
0x25: {  	[bflag:$0x0] =	sbarrier.arrive $0xFFFF  }
0x26: {  	[tilespmem:s21], [sflag:$0x3] =	stream.linear.gather [hbm4b:s13+s2], $0x700, $0x38;
	[tilespmem:$0x1E400] =	vst v63  }
0x27: {  	_ =	swait.ge [sflag:s20], $0x700  }
0x28: {  	[sflag:s20] =	ssyncset.done $0x0  }
0x29: {  	s0 =	simm.s32 $0x19600;
	[sflag:s20] =	ssyncadd.s32 $0xFFFFF900  }
0x2a: {  	[tilespmem:s0], [sflag:$0x3] =	stream.linear.gather [hbm4b:s14+s2], $0x700, $0x38;
	[tilespmem:$0x1E400] =	vst v63  }
0x2b: {  	_ =	swait.ge [sflag:s20], $0x700  }
0x2c: {  	[sflag:s20] =	ssyncset.done $0x0  }
0x2d: {  	s30 =	simm.s32 $0x18F00;
	[sflag:s20] =	ssyncadd.s32 $0xFFFFF900  }
0x2e: {  	[tilespmem:s30], [sflag:$0x3] =	stream.linear.gather [hbm4b:s15+s2], $0x700, $0x38;
	[tilespmem:$0x1E400] =	vst v63  }
0x2f: {  	_ =	swait.ge [sflag:s20], $0x700  }
0x30: {  	[sflag:s20] =	ssyncset.done $0x0  }
.Ltmp2:
0x31: {  	s31 =	simm.s32 $0x19D00;
	[sflag:s20] =	ssyncadd.s32 $0xFFFFF900;
	(pc) =	sbr.rel @p0 .LBB2_9-.Ltmp2, $4  }
0x32: {  	[tilespmem:s31], [sflag:$0x3] =	stream.linear.gather [hbm4b:s16+s2], $0x700, $0x38;
	[tilespmem:$0x1E400] =	vst v63  }
0x33: {  	_ =	swait.ge [sflag:s20], $0x700  }
0x34: {  	[sflag:s20] =	ssyncset.done $0x0  }
0x35: {  	s0 =	simm.s32 $0x1A400;
	[sflag:s20] =	ssyncadd.s32 $0xFFFFF900  }
0x36: {  	[tilespmem:s0], [sflag:$0x1] =	stream.indirect.gather [hbm4b:s4+s25], $0x20, s21, s25, $0xb8;
	[tilespmem:$0x1E400] =	vst v63  }
0x37: {  	s17 =	simm.s32 $0x18840;
	s3 =	simm.s32 $0x1AC00  }
0x38: {  	[tilespmem:s3], [sflag:$0x1] =	stream.indirect.gather [hbm4b:s4+s25], $0x20, s17, s25, $0xb8;
	[tilespmem:$0x1E400] =	vst v63  }
.Ltmp3:
0x39: {  	_ = 	snop;
	(pc) =	sbr.rel .LBB2_3-.Ltmp3, $4  }
0x3a: {  	s26 =	simm.s32 $0x18880;
	s29 =	simm.s32 $0x1B400;
	s30 =	simm.s32 $0x188C0  }
0x3b: {  	[tilespmem:s29], [sflag:$0x1] =	stream.indirect.gather [hbm4b:s4+s25], $0x20, s26, s25, $0xb8;
	[tilespmem:$0x1E400] =	vst v63  }
0x3c: {  	s31 =	simm.s32 $0x1BC00;
	s28 =	simm.s32 $0x0;
	s26 =	simm.s32 $0x0  }
0x3d: {  	[tilespmem:s31], [sflag:$0x1] =	stream.indirect.gather [hbm4b:s4+s25], $0x20, s30, s25, $0xb8;
	[tilespmem:$0x1E400] =	vst v63  }
.LBB2_5:
0x3e: {  	s0 =	sadd.s32 $0x1, s29  }
0x3f: {  	s3 =	smul.u32 $0x1C, s0  }
0x40: {  	s0 =	sand.u32 $0x1, s0  }
0x41: {  	p1 =	seq.s32 s0, $0x1;
	s0 =	simm.s32 $0x700;
	s3 =	sadd.s32 s12, s3  }
0x42: {  	s0 =	simm.s32 @!p1 $0x0;
	s3 =	sshll.u32 s3, $0x3  }
0x43: {  	s17 =	sor.u32 $0x18800, s0;
	s31 =	sadd.s32 s6, s3  }
0x44: {  	[tilespmem:s17], [sflag:$0x3] =	stream.linear.gather [hbm4b:s31+s2], $0x700, $0x38;
	[tilespmem:$0x1E400] =	vst v63  }
0x45: {  	_ =	swait.ge [sflag:s20], $0x700  }
0x46: {  	[sflag:s20] =	ssyncset.done $0x0  }
0x47: {  	s0 =	sadd.s32 $0x19600, s0;
	s3 =	sadd.s32 s7, s3;
	[sflag:s20] =	ssyncadd.s32 $0xFFFFF900  }
0x48: {  	[tilespmem:s0], [sflag:$0x3] =	stream.linear.gather [hbm4b:s3+s2], $0x700, $0x38;
	[tilespmem:$0x1E400] =	vst v63  }
0x49: {  	_ =	swait.ge [sflag:s20], $0x700  }
0x4a: {  	[sflag:s20] =	ssyncset.done $0x0  }
0x4b: {  	[sflag:s20] =	ssyncadd.s32 $0xFFFFF900  }
.LBB2_6:
0x4c: {  	s28 =	sadd.s32 $0x1, s28  }
0x4d: {  	s0 =	smul.u32 $0x25, s28;
	_ =	sdelay $0x1  }
0x4e: {  	s0 =	sshrl.u32 s0, $0x8  }
0x4f: {  	s3 =	ssub.s32 s28, s0  }
0x50: {  	s3 =	sand.u32 $0xFE, s3  }
0x51: {  	s3 =	sshrl.u32 s3, $0x1  }
0x52: {  	s0 =	sadd.s32 s0, s3  }
0x53: {  	s0 =	sand.u32 $0xFC, s0  }
0x54: {  	s0 =	sshrl.u32 s0, $0x2  }
0x55: {  	s17 =	smul.u32 $0x7, s0;
	_ =	sdelay $0x1  }
0x56: {  	s0 =	sand.u32 $0x1, s0;
	s3 =	ssub.s32 s28, s17  }
0x57: {  	p1 =	seq.s32 s0, $0x1;
	s0 =	simm.s32 $0x700;
	s3 =	sand.u32 $0xFF, s3  }
0x58: {  	s26 =	sadd.s32 $0x2000, s26;
	s0 =	simm.s32 @!p1 $0x0;
	s3 =	sshll.u32 s3, $0x8  }
0x59: {  	s17 =	sand.u32 $0x2000, s26;
	s0 =	sadd.s32 s3, s0  }
0x5a: {  	s29 =	sadd.s32 $0x1A400, s17;
	s0 =	sadd.s32 $0x18800, s0  }
0x5b: {  	[tilespmem:s29], [sflag:$0x1] =	stream.indirect.gather [hbm4b:s4+s25], $0x20, s0, s25, $0xb8;
	[tilespmem:$0x1E400] =	vst v63  }
0x5c: {  	s30 =	sadd.s32 $0x1AC00, s17;
	s29 =	sor.u32 $0x40, s0  }
0x5d: {  	[tilespmem:s30], [sflag:$0x1] =	stream.indirect.gather [hbm4b:s4+s25], $0x20, s29, s25, $0xb8;
	[tilespmem:$0x1E400] =	vst v63  }
0x5e: {  	s31 =	sadd.s32 $0x1B400, s17;
	s30 =	sor.u32 $0x80, s0  }
0x5f: {  	[tilespmem:s31], [sflag:$0x1] =	stream.indirect.gather [hbm4b:s4+s25], $0x20, s30, s25, $0xb8;
	[tilespmem:$0x1E400] =	vst v63  }
0x60: {  	s0 =	sor.u32 $0xC0, s0;
	s31 =	sadd.s32 $0x1BC00, s17  }
0x61: {  	[tilespmem:s31], [sflag:$0x1] =	stream.indirect.gather [hbm4b:s4+s25], $0x20, s0, s25, $0xb8;
	[tilespmem:$0x1E400] =	vst v63  }
.LBB2_3:
0x62: {  	s29 =	smul.u32 $0x25, s28;
	_ =	sdelay $0x1  }
0x63: {  	s29 =	sshrl.u32 s29, $0x8  }
0x64: {  	_ =	swait.ge [sflag:s22], $0x800;
	s30 =	ssub.s32 s28, s29  }
0x65: {  	[sflag:s22] =	ssyncset.done $0x0;
	s30 =	sand.u32 $0xFE, s30  }
0x66: {  	[sflag:s22] =	ssyncadd.s32 $0xFFFFF800;
	s30 =	sshrl.u32 s30, $0x1  }
0x67: {  	_ =	swait.ge [sflag:s22], $0x800;
	s29 =	sadd.s32 s29, s30  }
0x68: {  	[sflag:s22] =	ssyncset.done $0x0;
	s29 =	sand.u32 $0xFC, s29  }
0x69: {  	[sflag:s22] =	ssyncadd.s32 $0xFFFFF800;
	s29 =	sshrl.u32 s29, $0x2  }
0x6a: {  	_ =	swait.ge [sflag:s22], $0x800;
	s30 =	smul.u32 $0x7, s29  }
0x6b: {  	[sflag:s22] =	ssyncset.done $0x0  }
0x6c: {  	[sflag:s22] =	ssyncadd.s32 $0xFFFFF800;
	s17 =	sand.u32 $0x1, s29;
	s31 =	ssub.s32 s28, s30  }
0x6d: {  	p1 =	seq.s32 s17, $0x1;
	s17 =	simm.s32 $0x700;
	s31 =	sand.u32 $0xFF, s31  }
0x6e: {  	_ =	swait.ge [sflag:s22], $0x800;
	s17 =	simm.s32 @!p1 $0x0;
	s31 =	sshll.u32 s31, $0x8  }
0x6f: {  	s0 =	sand.u32 $0x2000, s26;
	[sflag:s22] =	ssyncset.done $0x0;
	s17 =	sadd.s32 s31, s17  }
0x70: {  	s3 =	sadd.s32 $0x1A400, s0;
	[sflag:s22] =	ssyncadd.s32 $0xFFFFF800;
	s17 =	sadd.s32 $0x19600, s17  }
0x71: {  	[spmem:s1] =	stream.indirect.scatter.add.f32 [tilespmem:s3], [sflag:$0x2], $0x20, s17, s25, $0xb8;
	[tilespmem:$0x1E400] =	vst v63  }
0x72: {  	p1 =	seq.s32 s28, $0x0;
	s31 =	sadd.s32 $0x1AC00, s0;
	s3 =	sor.u32 $0x40, s17  }
0x73: {  	[spmem:s1] =	stream.indirect.scatter.add.f32 [tilespmem:s31], [sflag:$0x2], $0x20, s3, s25, $0xb8;
	[tilespmem:$0x1E400] =	vst v63  }
.Ltmp4:
0x74: {  	_ = 	snop;
	(pc) =	sbr.rel @p1 .LBB2_6-.Ltmp4, $4  }
0x75: {  	s3 =	sadd.s32 $0x1B400, s0;
	s31 =	sor.u32 $0x80, s17  }
0x76: {  	[spmem:s1] =	stream.indirect.scatter.add.f32 [tilespmem:s3], [sflag:$0x2], $0x20, s31, s25, $0xb8;
	[tilespmem:$0x1E400] =	vst v63  }
0x77: {  	s0 =	sadd.s32 $0x1BC00, s0;
	s31 =	sor.u32 $0xC0, s17  }
0x78: {  	[spmem:s1] =	stream.indirect.scatter.add.f32 [tilespmem:s0], [sflag:$0x2], $0x20, s31, s25, $0xb8;
	[tilespmem:$0x1E400] =	vst v63  }
0x79: {  	_ =	swait.ge [sflag:s23], $0x800  }
0x7a: {  	[sflag:s23] =	ssyncset.done $0x0  }
0x7b: {  	[sflag:s23] =	ssyncadd.s32 $0xFFFFF800  }
0x7c: {  	_ =	swait.ge [sflag:s23], $0x800  }
0x7d: {  	p1 =	sgt.u32 s28, $0xBC;
	[sflag:s23] =	ssyncset.done $0x0  }
0x7e: {  	p2 =	sne.s32 @!p1 s28, s30;
	[sflag:s23] =	ssyncadd.s32 $0xFFFFF800  }
0x7f: {  	p1 =	por p1, p2;
	_ =	swait.ge [sflag:s23], $0x800  }
.Ltmp5:
0x80: {  	[sflag:s23] =	ssyncset.done $0x0;
	(pc) =	sbr.rel @!p1 .LBB2_5-.Ltmp5, $4  }
0x81: {  	[sflag:s23] =	ssyncadd.s32 $0xFFFFF800  }
0x82: {  	_ =	swait.ge [sflag:s23], $0x800  }
0x83: {  	[sflag:s23] =	ssyncset.done $0x0  }
0x84: {  	[sflag:s23] =	ssyncadd.s32 $0xFFFFF800  }
0x85: {  	p1 =	seq.s32 s28, $0xC3  }
.Ltmp6:
0x86: {  	_ = 	snop;
	(pc) =	sbr.rel @!p1 .LBB2_6-.Ltmp6, $1  }
0x87: {  	_ =	sdelay $0x3  }
.Ltmp7:
0x88: {  	(pc) =	sbr.rel .LBB2_16-.Ltmp7, $2  }
0x89: {  	_ =	sdelay $0x2  }
0x8a: {  	s26 =	smov.u32 s8  }
.LBB2_9:
0x8b: {  	[tilespmem:s0], [sflag:$0x1] =	stream.indirect.gather [hbm4b:s5+s25], $0x20, s21, s25, $0xb8;
	[tilespmem:$0x1E400] =	vst v63  }
0x8c: {  	s17 =	simm.s32 $0x18840;
	s3 =	simm.s32 $0x1AC00  }
0x8d: {  	[tilespmem:s3], [sflag:$0x1] =	stream.indirect.gather [hbm4b:s5+s25], $0x20, s17, s25, $0xb8;
	[tilespmem:$0x1E400] =	vst v63  }
.Ltmp8:
0x8e: {  	_ = 	snop;
	(pc) =	sbr.rel .LBB2_10-.Ltmp8, $4  }
0x8f: {  	s26 =	simm.s32 $0x18880;
	s29 =	simm.s32 $0x1B400;
	s30 =	simm.s32 $0x188C0  }
0x90: {  	[tilespmem:s29], [sflag:$0x1] =	stream.indirect.gather [hbm4b:s5+s25], $0x20, s26, s25, $0xb8;
	[tilespmem:$0x1E400] =	vst v63  }
0x91: {  	s31 =	simm.s32 $0x1BC00;
	s28 =	simm.s32 $0x0;
	s26 =	simm.s32 $0x0  }
0x92: {  	[tilespmem:s31], [sflag:$0x1] =	stream.indirect.gather [hbm4b:s5+s25], $0x20, s30, s25, $0xb8;
	[tilespmem:$0x1E400] =	vst v63  }
.LBB2_12:
0x93: {  	s0 =	sadd.s32 $0x1, s29  }
0x94: {  	s3 =	smul.u32 $0x1C, s0  }
0x95: {  	s0 =	sand.u32 $0x1, s0  }
0x96: {  	p1 =	seq.s32 s0, $0x1;
	s0 =	simm.s32 $0x700;
	s3 =	sadd.s32 s12, s3  }
0x97: {  	s0 =	simm.s32 @!p1 $0x0;
	s3 =	sshll.u32 s3, $0x3  }
0x98: {  	s17 =	sor.u32 $0x18800, s0;
	s31 =	sadd.s32 s6, s3  }
0x99: {  	[tilespmem:s17], [sflag:$0x3] =	stream.linear.gather [hbm4b:s31+s2], $0x700, $0x38;
	[tilespmem:$0x1E400] =	vst v63  }
0x9a: {  	_ =	swait.ge [sflag:s20], $0x700  }
0x9b: {  	[sflag:s20] =	ssyncset.done $0x0  }
0x9c: {  	s0 =	sadd.s32 $0x19600, s0;
	s3 =	sadd.s32 s7, s3;
	[sflag:s20] =	ssyncadd.s32 $0xFFFFF900  }
0x9d: {  	[tilespmem:s0], [sflag:$0x3] =	stream.linear.gather [hbm4b:s3+s2], $0x700, $0x38;
	[tilespmem:$0x1E400] =	vst v63  }
0x9e: {  	_ =	swait.ge [sflag:s20], $0x700  }
0x9f: {  	[sflag:s20] =	ssyncset.done $0x0  }
0xa0: {  	[sflag:s20] =	ssyncadd.s32 $0xFFFFF900  }
.LBB2_13:
0xa1: {  	s28 =	sadd.s32 $0x1, s28  }
0xa2: {  	s0 =	smul.u32 $0x25, s28;
	_ =	sdelay $0x1  }
0xa3: {  	s0 =	sshrl.u32 s0, $0x8  }
0xa4: {  	s3 =	ssub.s32 s28, s0  }
0xa5: {  	s3 =	sand.u32 $0xFE, s3  }
0xa6: {  	s3 =	sshrl.u32 s3, $0x1  }
0xa7: {  	s0 =	sadd.s32 s0, s3  }
0xa8: {  	s0 =	sand.u32 $0xFC, s0  }
0xa9: {  	s0 =	sshrl.u32 s0, $0x2  }
0xaa: {  	s17 =	smul.u32 $0x7, s0;
	_ =	sdelay $0x1  }
0xab: {  	s0 =	sand.u32 $0x1, s0;
	s3 =	ssub.s32 s28, s17  }
0xac: {  	p1 =	seq.s32 s0, $0x1;
	s0 =	simm.s32 $0x700;
	s3 =	sand.u32 $0xFF, s3  }
0xad: {  	s26 =	sadd.s32 $0x2000, s26;
	s0 =	simm.s32 @!p1 $0x0;
	s3 =	sshll.u32 s3, $0x8  }
0xae: {  	s17 =	sand.u32 $0x2000, s26;
	s0 =	sadd.s32 s3, s0  }
0xaf: {  	s29 =	sadd.s32 $0x1A400, s17;
	s0 =	sadd.s32 $0x18800, s0  }
0xb0: {  	[tilespmem:s29], [sflag:$0x1] =	stream.indirect.gather [hbm4b:s5+s25], $0x20, s0, s25, $0xb8;
	[tilespmem:$0x1E400] =	vst v63  }
0xb1: {  	s30 =	sadd.s32 $0x1AC00, s17;
	s29 =	sor.u32 $0x40, s0  }
0xb2: {  	[tilespmem:s30], [sflag:$0x1] =	stream.indirect.gather [hbm4b:s5+s25], $0x20, s29, s25, $0xb8;
	[tilespmem:$0x1E400] =	vst v63  }
0xb3: {  	s31 =	sadd.s32 $0x1B400, s17;
	s30 =	sor.u32 $0x80, s0  }
0xb4: {  	[tilespmem:s31], [sflag:$0x1] =	stream.indirect.gather [hbm4b:s5+s25], $0x20, s30, s25, $0xb8;
	[tilespmem:$0x1E400] =	vst v63  }
0xb5: {  	s0 =	sor.u32 $0xC0, s0;
	s31 =	sadd.s32 $0x1BC00, s17  }
0xb6: {  	[tilespmem:s31], [sflag:$0x1] =	stream.indirect.gather [hbm4b:s5+s25], $0x20, s0, s25, $0xb8;
	[tilespmem:$0x1E400] =	vst v63  }
.LBB2_10:
0xb7: {  	s0 =	smul.u32 $0x25, s28;
	_ =	sdelay $0x1  }
0xb8: {  	s0 =	sshrl.u32 s0, $0x8  }
0xb9: {  	_ =	swait.ge [sflag:s22], $0x800;
	s3 =	ssub.s32 s28, s0  }
0xba: {  	[sflag:s22] =	ssyncset.done $0x0;
	s3 =	sand.u32 $0xFE, s3  }
0xbb: {  	[sflag:s22] =	ssyncadd.s32 $0xFFFFF800;
	s3 =	sshrl.u32 s3, $0x1  }
0xbc: {  	_ =	swait.ge [sflag:s22], $0x800;
	s0 =	sadd.s32 s0, s3  }
0xbd: {  	[sflag:s22] =	ssyncset.done $0x0;
	s0 =	sand.u32 $0xFC, s0  }
0xbe: {  	[sflag:s22] =	ssyncadd.s32 $0xFFFFF800;
	s29 =	sshrl.u32 s0, $0x2  }
0xbf: {  	_ =	swait.ge [sflag:s22], $0x800;
	s30 =	smul.u32 $0x7, s29  }
0xc0: {  	[sflag:s22] =	ssyncset.done $0x0  }
0xc1: {  	[sflag:s22] =	ssyncadd.s32 $0xFFFFF800;
	s17 =	sand.u32 $0x1, s29;
	s3 =	ssub.s32 s28, s30  }
0xc2: {  	p1 =	seq.s32 s17, $0x1;
	s0 =	sand.u32 $0xFF, s3;
	s3 =	simm.s32 $0x700  }
0xc3: {  	_ =	swait.ge [sflag:s22], $0x800;
	s3 =	simm.s32 @!p1 $0x0;
	s0 =	sshll.u32 s0, $0x8  }
0xc4: {  	s17 =	sand.u32 $0x2000, s26;
	[sflag:s22] =	ssyncset.done $0x0;
	s0 =	sadd.s32 s0, s3  }
0xc5: {  	s31 =	sadd.s32 $0x1A400, s17;
	[sflag:s22] =	ssyncadd.s32 $0xFFFFF800;
	s0 =	sadd.s32 $0x19600, s0  }
0xc6: {  	[spmem:s1] =	stream.indirect.scatter.add.f32 [tilespmem:s31], [sflag:$0x2], $0x20, s0, s25, $0xb8;
	[tilespmem:$0x1E400] =	vst v63  }
0xc7: {  	p1 =	seq.s32 s28, $0x0;
	s3 =	sadd.s32 $0x1AC00, s17;
	s31 =	sor.u32 $0x40, s0  }
0xc8: {  	[spmem:s1] =	stream.indirect.scatter.add.f32 [tilespmem:s3], [sflag:$0x2], $0x20, s31, s25, $0xb8;
	[tilespmem:$0x1E400] =	vst v63  }
.Ltmp9:
0xc9: {  	_ = 	snop;
	(pc) =	sbr.rel @p1 .LBB2_13-.Ltmp9, $4  }
0xca: {  	s3 =	sadd.s32 $0x1B400, s17;
	s31 =	sor.u32 $0x80, s0  }
0xcb: {  	[spmem:s1] =	stream.indirect.scatter.add.f32 [tilespmem:s3], [sflag:$0x2], $0x20, s31, s25, $0xb8;
	[tilespmem:$0x1E400] =	vst v63  }
0xcc: {  	s0 =	sor.u32 $0xC0, s0;
	s31 =	sadd.s32 $0x1BC00, s17  }
0xcd: {  	[spmem:s1] =	stream.indirect.scatter.add.f32 [tilespmem:s31], [sflag:$0x2], $0x20, s0, s25, $0xb8;
	[tilespmem:$0x1E400] =	vst v63  }
0xce: {  	_ =	swait.ge [sflag:s23], $0x800  }
0xcf: {  	[sflag:s23] =	ssyncset.done $0x0  }
0xd0: {  	[sflag:s23] =	ssyncadd.s32 $0xFFFFF800  }
0xd1: {  	_ =	swait.ge [sflag:s23], $0x800  }
0xd2: {  	p1 =	sgt.u32 s28, $0xBC;
	[sflag:s23] =	ssyncset.done $0x0  }
0xd3: {  	p2 =	sne.s32 @!p1 s28, s30;
	[sflag:s23] =	ssyncadd.s32 $0xFFFFF800  }
0xd4: {  	p1 =	por p1, p2;
	_ =	swait.ge [sflag:s23], $0x800  }
.Ltmp10:
0xd5: {  	[sflag:s23] =	ssyncset.done $0x0;
	(pc) =	sbr.rel @!p1 .LBB2_12-.Ltmp10, $4  }
0xd6: {  	[sflag:s23] =	ssyncadd.s32 $0xFFFFF800  }
0xd7: {  	_ =	swait.ge [sflag:s23], $0x800  }
0xd8: {  	[sflag:s23] =	ssyncset.done $0x0  }
0xd9: {  	[sflag:s23] =	ssyncadd.s32 $0xFFFFF800  }
0xda: {  	p1 =	seq.s32 s28, $0xC3  }
.Ltmp11:
0xdb: {  	_ = 	snop;
	(pc) =	sbr.rel @!p1 .LBB2_13-.Ltmp11, $1  }
0xdc: {  	_ =	sdelay $0x3  }
.Ltmp12:
0xdd: {  	(pc) =	sbr.rel .LBB2_16-.Ltmp12, $2  }
0xde: {  	_ =	sdelay $0x2  }
0xdf: {  	s26 =	rddreg [dreg:$0x3]  }
.LBB2_17:
0xe0: {  	_ =	sfence.sel $0x180000  }
0xe1: {  	[bflag:$0x0] =	sbarrier.arrive $0xFFFF  }
0xe2: {  	_ =	strace $0x9000004A  }
0xe3: {  	s0 =	stileid.u32;
	[bflag:$0x2] =	sbarrier.arrive $0xFFFF  }
0xe4: {  	p0 =	sne.s32 s0, $0x0;
	s0 =	rddreg [dreg:$0x2]  }
0xe5: {  	s0 =	sadd.s32 @!p0 $0x100000, s0  }
0xe6: {  	[sflag:s0] =	ssyncadd.tile.s32 @!p0 $0x1;
	_ =	shalt  }
.Lfunc_end2:
_tile_overlayer_lowered:
.L_overlay_start_2:
0xe7: {  	(tag) =	ssettag $0x2  }
0xe8: {  	s0 =	rddreg [dreg:$0x0];
	s2 =	stileid.u32  }
0xe9: {  	s1 =	rddreg [dreg:$0x1];
	p0 =	sne.s32 s2, $0x0  }
0xea: {  	s3 =	rddreg [dreg:$0x2];
	[bflag:$0x3] =	sbarrier.arrive $0xFFFF;
	s2 =	simm.s32 @!p0 $0x1C03  }
0xeb: {  	[timem:s3], [sflag:s2] =	dma.local @!p0 [hbm:s0], s1  }
0xec: {  	s0 =	simm.s32 @!p0 $0x3  }
0xed: {  	_ =	swait.ge @!p0 [sflag:s0], s1  }
0xee: {  	s1 =	ssub.s32 @!p0 $0x0, s1;
	[sflag:s0] =	ssyncset.done @!p0 $0x0  }
0xef: {  	[sflag:s0] =	ssyncadd.s32 @!p0 s1  }
0xf0: {  	[bflag:$0x3] =	sbarrier.arrive $0xFFFF  }
0xf1: {  	_ =	shalt  }

// kernel: kernel.7.cloned.1.call-start
scs
__scs_entry_jumppad:
0x0: {  	(pc) =	sbr.rel $0x88, $3  }
0x1: {  	(tag) =	ssettag $0x0;
	lr =	simm.s32 $0x1  }
0x2: {  	[smem:$0x3F89] =	sst lr;
	_ =	strace $0xD0000000  }
0x3: {  	_ = 	snop  }
0x4: {  	_ = 	snop  }
0x5: {  	_ = 	snop  }
0x6: {  	_ = 	snop  }
0x7: {  	_ = 	snop  }
__scs_overlays_trampoline_lowered:
0x8: {  	[smem:$0x3F98] =	sst s0  }
0x9: {  	[smem:$0x3F99] =	sst s1  }
0xa: {  	[smem:$0x3F9A] =	sst s2  }
0xb: {  	[smem:$0x3F9B] =	sst s3  }
0xc: {  	[smem:$0x3F9C] =	sst s4  }
0xd: {  	[smem:$0x3F9D] =	sst s5  }
0xe: {  	[smem:$0x3F9E] =	sst s6  }
0xf: {  	[smem:$0x3F9F] =	sst s7  }
0x10: {  	[smem:$0x3FA0] =	sst s8  }
0x11: {  	[smem:$0x3FA1] =	sst s9;
	s0 =	simm.s32 @!p0 $0x0  }
0x12: {  	s1 =	sld [smem:$0x3F87];
	s0 =	simm.s32 @p0 $0x1  }
0x13: {  	[smem:$0x3FA2] =	sst s0;
	s0 =	simm.s32 @!p1 $0x0  }
0x14: {  	s2 =	sld [smem:$0x3F86];
	s0 =	simm.s32 @p1 $0x1  }
0x15: {  	[smem:$0x3FA3] =	sst s0;
	s0 =	simm.s32 @!p2 $0x0  }
0x16: {  	s3 =	sld [smem:$0x3FDB];
	s0 =	simm.s32 @p2 $0x1  }
0x17: {  	s4 =	simm.s32 $0x1BF5;
	[smem:$0x3FA5] =	sst s0  }
0x18: {  	s0 =	sld [smem:$0x3F88];
	_ =	swait.ge [sflag:s4], $0x0  }
0x19: {  	s7 =	sld [smem:$0x3F89]  }
0x1a: {  	s8 =	sadd.s32 $0xFFFFE003, lr  }
0x1b: {  	s9 =	sadd.s32 $0xFFFFFEF7, lr;
	s5 =	simm.s32 $0xFFFFFFFF;
	p2 =	slt.u32 s8, $0xFFFFF086  }
0x1c: {  	p1 =	slt.u32 s9, $0xF7A;
	s5 =	simm.s32 @!p2 $0x0  }
0x1d: {  	s5 =	simm.s32 @p1 $0x1;
	p0 =	seq.s32 s7, s2  }
0x1e: {  	s7 =	smul.u32 @!p0 $0xF7A, s2;
	p2 =	seq.s32 @!p0 s5, $0x0  }
0x1f: {  	s9 =	smul.u32 $0xF7A, s1;
	s8 =	simm.s32 @!p0 $0x1BF5;
	p2 =	por !p2, p0  }
0x20: {  	[sflag:s8] =	ssyncset.s32 @!p0 $0xFFFFF086;
	s6 =	sadd.s32 @!p0 s3, s7;
	s7 =	simm.s32 @!p0 $0x108  }
0x21: {  	s3 =	sadd.s32 s3, s9;
	s6 =	sadd.s32 @!p0 $0x88, s6;
	s7 =	simm.s32 @p2 $0x1082  }
0x22: {  	[simem:s7], [sflag:s8] =	dma.local @!p0 [hbm:s6], $0xF7A  }
0x23: {  	s9 =	sor.u32 $0xD0000000, s2;
	s6 =	simm.s32 $0x108;
	_ =	swait.ge @!p0 [sflag:s8], $0x0  }
0x24: {  	s3 =	sadd.s32 $0x88, s3;
	s6 =	simm.s32 @!p1 $0x1082;
	[sflag:s4] =	ssyncset.s32 $0xFFFFF086  }
0x25: {  	[simem:s6], [sflag:s4] =	dma.local [hbm:s3], $0xF7A  }
0x26: {  	[smem:$0x3F89] =	sst s1;
	(tag) =	ssettag s2;
	_ =	strace s9  }
0x27: {  	s1 =	sld [smem:$0x3F99]  }
0x28: {  	s2 =	sld [smem:$0x3F9A]  }
0x29: {  	s4 =	sld [smem:$0x3F9C]  }
0x2a: {  	p0 =	seq.s32 s5, $0x0;
	s5 =	sld [smem:$0x3F9D]  }
0x2b: {  	s6 =	sld [smem:$0x3F9E]  }
0x2c: {  	s7 =	sld [smem:$0x3F9F]  }
0x2d: {  	s3 =	simm.s32 $0x108;
	s8 =	sld [smem:$0x3FA0]  }
0x2e: {  	s3 =	simm.s32 @!p0 $0x1082;
	s9 =	sld [smem:$0x3FA1]  }
0x2f: {  	lr =	sadd.s32 s0, s3;
	s0 =	sld [smem:$0x3F98]  }
0x30: {  	s3 =	sld [smem:$0x3F9B]  }
0x31: {  	[smem:$0x3FA4] =	sst s10  }
0x32: {  	s10 =	sld [smem:$0x3FA2];
	_ =	sdelay $0x3  }
0x33: {  	p0 =	seq.s32 s10, $0x1;
	s10 =	sld [smem:$0x3FA4];
	_ =	sdelay $0x3  }
0x34: {  	[smem:$0x3FA4] =	sst s10  }
0x35: {  	s10 =	sld [smem:$0x3FA3];
	_ =	sdelay $0x3  }
0x36: {  	p1 =	seq.s32 s10, $0x1;
	s10 =	sld [smem:$0x3FA4];
	_ =	sdelay $0x3  }
0x37: {  	[smem:$0x3FA4] =	sst s10  }
0x38: {  	s10 =	sld [smem:$0x3FA5]  }
0x39: {  	_ = 	snop;
	(pc) =	sbr.ind lr, $3  }
0x3a: {  	_ = 	snop  }
0x3b: {  	_ = 	snop  }
0x3c: {  	p2 =	seq.s32 s10, $0x1;
	s10 =	sld [smem:$0x3FA4]  }
0x3d: {  	_ =	shalt  }
0x3e: {  	_ =	shalt  }
0x3f: {  	_ =	shalt  }
0x40: {  	_ =	shalt  }
0x41: {  	_ =	shalt  }
0x42: {  	_ =	shalt  }
0x43: {  	_ =	shalt  }
0x44: {  	_ =	shalt  }
0x45: {  	_ =	shalt  }
0x46: {  	_ =	shalt  }
0x47: {  	_ =	shalt  }
0x48: {  	_ =	shalt  }
0x49: {  	_ =	shalt  }
0x4a: {  	_ =	shalt  }
0x4b: {  	_ =	shalt  }
0x4c: {  	_ =	shalt  }
0x4d: {  	_ =	shalt  }
0x4e: {  	_ =	shalt  }
0x4f: {  	_ =	shalt  }
0x50: {  	_ =	shalt  }
0x51: {  	_ =	shalt  }
0x52: {  	_ =	shalt  }
0x53: {  	_ =	shalt  }
0x54: {  	_ =	shalt  }
0x55: {  	_ =	shalt  }
0x56: {  	_ =	shalt  }
0x57: {  	_ =	shalt  }
0x58: {  	_ =	shalt  }
0x59: {  	_ =	shalt  }
0x5a: {  	_ =	shalt  }
0x5b: {  	_ =	shalt  }
0x5c: {  	_ =	shalt  }
0x5d: {  	_ =	shalt  }
0x5e: {  	_ =	shalt  }
0x5f: {  	_ =	shalt  }
0x60: {  	_ =	shalt  }
0x61: {  	_ =	shalt  }
0x62: {  	_ =	shalt  }
0x63: {  	_ =	shalt  }
0x64: {  	_ =	shalt  }
0x65: {  	_ =	shalt  }
0x66: {  	_ =	shalt  }
0x67: {  	_ =	shalt  }
0x68: {  	_ =	shalt  }
0x69: {  	_ =	shalt  }
0x6a: {  	_ =	shalt  }
0x6b: {  	_ =	shalt  }
0x6c: {  	_ =	shalt  }
0x6d: {  	_ =	shalt  }
0x6e: {  	_ =	shalt  }
0x6f: {  	_ =	shalt  }
0x70: {  	_ =	shalt  }
0x71: {  	_ =	shalt  }
0x72: {  	_ =	shalt  }
0x73: {  	_ =	shalt  }
0x74: {  	_ =	shalt  }
0x75: {  	_ =	shalt  }
0x76: {  	_ =	shalt  }
0x77: {  	_ =	shalt  }
0x78: {  	_ =	shalt  }
0x79: {  	_ =	shalt  }
0x7a: {  	_ =	shalt  }
0x7b: {  	_ =	shalt  }
0x7c: {  	_ =	shalt  }
0x7d: {  	_ =	shalt  }
0x7e: {  	_ =	shalt  }
0x7f: {  	_ =	shalt  }
0x80: {  	_ =	shalt  }
0x81: {  	_ =	shalt  }
0x82: {  	_ =	shalt  }
0x83: {  	_ =	shalt  }
0x84: {  	_ =	shalt  }
0x85: {  	_ =	shalt  }
0x86: {  	_ =	shalt  }
0x87: {  	_ =	shalt  }
.Lfunc_end0:
.L_simem_size_0:
called_computation_lowered:
.L_overlay_start_0:
0x88: {  	s2 =	sld [smem:$0x3FD9]  }
0x89: {  	s3 =	sld [smem:$0x3FFE];
	_ =	sdelay $0x1  }
0x8a: {  	s1 =	srdreg.scid  }
0x8b: {  	s0 =	sand.u32 $0x1, s1  }
0x8c: {  	s16 =	sshll.u32 s0, $0xA;
	s2 =	sadd.s32 s3, s2  }
0x8d: {  	s2 =	sadd.s32 s2, s16  }
0x8e: {  	[smem:$0x3FB0] =	sst s2  }
0x8f: {  	_ = 	snop  }
0x90: {  	(tm) =	ssettm $0x1  }
0x91: {  	s17 =	sld [smem:$0x3FFB];
	_ =	sdelay $0x3  }
0x92: {  	_ =	strace s17  }
0x93: {  	s2 =	sld [smem:$0x3FFC];
	_ =	sdelay $0x3  }
0x94: {  	_ =	strace s2  }
0x95: {  	s2 =	sld [smem:$0x3FFD];
	_ =	sdelay $0x3  }
0x96: {  	_ =	strace s2  }
0x97: {  	_ =	strace $0x8FFFFFFF  }
0x98: {  	s18 =	sld [smem:$0x3FDB];
	_ =	sdelay $0x1  }
0x99: {  	s19 =	simm.s32 $_scs_section_size  }
0x9a: {  	s4 =	simm.s32 $_size__tile_overlayer_lowered;
	s5 =	simm.s32 $_tile_overlayer_lowered  }
0x9b: {  	s22 =	simm.s32 $0x1BFF;
	s21 =	sshll.u32 s5, $0x1;
	s2 =	sadd.s32 s19, s18  }
0x9c: {  	s6 =	simm.s32 $0x0;
	s20 =	sshll.u32 s4, $0x1;
	s4 =	sadd.s32 s21, s2  }
0x9d: {  	[timem:s6], [sflag:s22] =	dma.local [hbm:s4], s20  }
0x9e: {  	_ =	swait.ge [sflag:s22], s20  }
0x9f: {  	s3 =	ssub.s32 $0x0, s20;
	[sflag:s22] =	ssyncset.done $0x0  }
0xa0: {  	[sflag:s22] =	ssyncadd.s32 s3;
	_ =	sdelay $0x1  }
0xa1: {  	s23 =	simm.s32 $0x1B8B  }
0xa2: {  	_ =	swait.ge [sflag:s23], $0x1  }
0xa3: {  	[sflag:s23] =	ssyncset.done $0x0  }
0xa4: {  	s25 =	simm.s32 $0x1B8E;
	s24 =	sld [smem:$0x3FFE];
	[sflag:s23] =	ssyncadd.s32 $0xFFFFFFFF  }
0xa5: {  	s26 =	simm.s32 $execute0_lowered;
	[smem:$0x3FD2] =	sst s25  }
0xa6: {  	s4 =	sshll.u32 s26, $0x1;
	_ =	strace $0x80000046;
	[dreg:$0x1] =	wrdreg $0xFFFFFFFF  }
0xa7: {  	s28 =	simm.s32 $_size_execute0_lowered;
	s2 =	sadd.s32 s2, s4;
	[dreg:$0x0] =	wrdreg $0x0  }
0xa8: {  	s4 =	sshll.u32 s28, $0x1;
	[dreg:$0x2] =	wrdreg s2  }
0xa9: {  	[dreg:$0x3] =	wrdreg s4  }
0xaa: {  	[dreg:$0x4] =	wrdreg $0xC0  }
0xab: {  	_ =	task [dreg:s6], $0x5FFFF  }
0xac: {  	[dreg:$0x1] =	wrdreg $0xFFFFFFFF  }
0xad: {  	[dreg:$0x0] =	wrdreg $0x60  }
0xae: {  	[dreg:$0x2] =	wrdreg s24  }
0xaf: {  	[dreg:$0x3] =	wrdreg $0x0  }
0xb0: {  	[dreg:$0x4] =	wrdreg $0x9  }
0xb1: {  	_ =	task.clear_ibuf [dreg:s6], $0x5FFFF;
	_ =	strace $0x90000046  }
0xb2: {  	s29 =	simm.s32 $0x9;
	_ =	strace $0x80000048  }
0xb3: {  	_ =	swait.ge [sflag:s29], $0x1  }
0xb4: {  	[sflag:s29] =	ssyncadd.s32 $0xFFFFFFFF  }
0xb5: {  	_ =	strace $0x90000048  }
0xb6: {  	_ =	sfence  }
0xb7: {  	s30 =	sld [smem:$0x0];
	_ =	sdelay $0x2  }
0xb8: {  	s31 =	sshll.u32 s1, $0xD;
	s1 =	sshrl.u32 s1, $0x2  }
0xb9: {  	s3 =	sand.u32 $0x4000, s31;
	s1 =	sadd.s32 s1, s30  }
0xba: {  	s0 =	sor.u32 s3, s0;
	s1 =	sshll.u32 s1, $0x11  }
0xbb: {  	s0 =	sor.u32 s1, s0  }
0xbc: {  	s0 =	sadd.s32 $0x8F2B, s0  }
0xbd: {  	[sflag:s0] =	ssyncadd.remote.s32 $0x1  }
0xbe: {  	_ =	sfence.sel $0xFFFF  }
0xbf: {  	[dreg:$0x0] =	wrdreg $0xFFFFFFFF;
	(pc) =	sbr.abs _section_cstart, $3  }
0xc0: {  	[dreg:$0x1] =	wrdreg $0xFFFFFFFF  }
0xc1: {  	_ =	task.clear_ibuf [dreg:s6], $0x2FFFF;
	_ =	strace $0x9FFFFFFF  }
0xc2: {  	(tm) =	ssettm $0x7FFFFFFF  }
0xc3: {  	_ =	shalt  }
tec
execute0_lowered:
.L_overlay_start_1:
0x0: {  	(tag) =	ssettag $0x1  }
0x1: {  	s0 =	rddreg [dreg:$0x0]  }
0x2: {  	s1 =	rddreg [dreg:$0x1];
	s2 =	simm.s32 $0x0  }
0x3: {  	s3 =	srdreg.scid;
	s15 =	stileid.u32;
	s20 =	simm.s32 $0x3  }
0x4: {  	s21 =	simm.s32 $0x18800;
	s25 =	simm.s32 $0x40;
	s22 =	simm.s32 $0x1  }
0x5: {  	s23 =	simm.s32 $0x2;
	s24 =	simm.s32 $0x0;
	[smem:$0x7FF] =	sst s2  }
0x6: {  	s4 =	sadd.s32 $0x6E0000, s0;
	s5 =	sadd.s32 $0x2200, s0;
	s6 =	sadd.s32 $0xC5800, s0  }
0x7: {  	s3 =	sand.u32 $0x1, s3;
	s7 =	sadd.s32 $0xDE000, s0;
	s8 =	smul.u32 $0x18800, s15  }
0x8: {  	s9 =	sadd.s32 $0xF6800, s0;
	s13 =	smul.u32 $0xC400, s15;
	s10 =	sadd.s32 $0xF9A00, s0  }
0x9: {  	s31 =	sshll.u32 s15, $0x6;
	s14 =	smul.u32 $0x1880, s15;
	s11 =	ssub.s32 $0x2, s3  }
0xa: {  	_ =	strace $0x80000047;
	p0 =	sne.s32 s3, $0x0;
	s12 =	sshrl.u32 s11, $0x1  }
.Ltmp0:
0xb: {  	s19 =	sadd.s32 s8, s1;
	s13 =	sshrl.u32 s13, $0x3;
	(pc) =	sbr.rel .LBB2_1-.Ltmp0, $4  }
0xc: {  	s17 =	sadd.s32 $0x188000, s8;
	s30 =	ssub.s32 s11, s12;
	s11 =	sor.u32 $0x1C03, s31  }
0xd: {  	s12 =	smul.u32 $0x310, s15;
	s16 =	sadd.s32 $0xE0, s13;
	s13 =	sadd.s32 s6, s14  }
0xe: {  	s14 =	sadd.s32 s7, s14;
	[dreg:$0x3] =	wrdreg s17;
	s19 =	sshrl.u32 s19, $0x3  }
0xf: {  	s15 =	sadd.s32 s6, s16;
	s16 =	sadd.s32 s7, s16;
	s18 =	smax.u32 s30, $0x1  }
.LBB2_16:
0x10: {  	_ =	swait.ge [sflag:s23], $0x800  }
0x11: {  	[sflag:s23] =	ssyncset.done $0x0  }
0x12: {  	[sflag:s23] =	ssyncadd.s32 $0xFFFFF800  }
0x13: {  	_ =	swait.ge [sflag:s23], $0x800  }
0x14: {  	[sflag:s23] =	ssyncset.done $0x0  }
0x15: {  	[sflag:s23] =	ssyncadd.s32 $0xFFFFF800  }
0x16: {  	_ =	swait.ge [sflag:s23], $0x800  }
0x17: {  	[sflag:s23] =	ssyncset.done $0x0  }
0x18: {  	[sflag:s23] =	ssyncadd.s32 $0xFFFFF800  }
0x19: {  	_ =	swait.ge [sflag:s23], $0x800  }
0x1a: {  	s24 =	sadd.s32 $0x1, s24;
	[sflag:s23] =	ssyncset.done $0x0  }
0x1b: {  	s0 =	sshrl.u32 s26, $0x3;
	p1 =	sne.s32 s24, s18;
	[sflag:s23] =	ssyncadd.s32 $0xFFFFF800  }
.Ltmp1:
0x1c: {  	s0 =	sadd.s32 s10, s0;
	[bflag:$0x0] =	sbarrier.arrive $0xFFFF;
	(pc) =	sbr.rel @!p1 .LBB2_17-.Ltmp1, $4  }
0x1d: {  	[hbm:s0], [sflag:s11] =	dma.local [spmem:s19], $0x3100  }
0x1e: {  	_ =	swait.ge [sflag:s20], $0x3100  }
0x1f: {  	[sflag:s20] =	ssyncset.done $0x0  }
0x20: {  	[sflag:s20] =	ssyncadd.s32 $0xFFFFCF00  }
.LBB2_1:
0x21: {  	[spmem:s19], [sflag:s11] =	dma.local [hbm:s9], $0x3100  }
0x22: {  	_ =	swait.ge [sflag:s20], $0x3100  }
0x23: {  	[sflag:s20] =	ssyncset.done $0x0  }
0x24: {  	[sflag:s20] =	ssyncadd.s32 $0xFFFFCF00  }
0x25: {  	[bflag:$0x0] =	sbarrier.arrive $0xFFFF  }
0x26: {  	[tilespmem:s21], [sflag:$0x3] =	stream.linear.gather [hbm4b:s13+s2], $0x700, $0x38;
	[tilespmem:$0x1E400] =	vst v63  }
0x27: {  	_ =	swait.ge [sflag:s20], $0x700  }
0x28: {  	[sflag:s20] =	ssyncset.done $0x0  }
0x29: {  	s0 =	simm.s32 $0x19600;
	[sflag:s20] =	ssyncadd.s32 $0xFFFFF900  }
0x2a: {  	[tilespmem:s0], [sflag:$0x3] =	stream.linear.gather [hbm4b:s14+s2], $0x700, $0x38;
	[tilespmem:$0x1E400] =	vst v63  }
0x2b: {  	_ =	swait.ge [sflag:s20], $0x700  }
0x2c: {  	[sflag:s20] =	ssyncset.done $0x0  }
0x2d: {  	s30 =	simm.s32 $0x18F00;
	[sflag:s20] =	ssyncadd.s32 $0xFFFFF900  }
0x2e: {  	[tilespmem:s30], [sflag:$0x3] =	stream.linear.gather [hbm4b:s15+s2], $0x700, $0x38;
	[tilespmem:$0x1E400] =	vst v63  }
0x2f: {  	_ =	swait.ge [sflag:s20], $0x700  }
0x30: {  	[sflag:s20] =	ssyncset.done $0x0  }
.Ltmp2:
0x31: {  	s31 =	simm.s32 $0x19D00;
	[sflag:s20] =	ssyncadd.s32 $0xFFFFF900;
	(pc) =	sbr.rel @p0 .LBB2_9-.Ltmp2, $4  }
0x32: {  	[tilespmem:s31], [sflag:$0x3] =	stream.linear.gather [hbm4b:s16+s2], $0x700, $0x38;
	[tilespmem:$0x1E400] =	vst v63  }
0x33: {  	_ =	swait.ge [sflag:s20], $0x700  }
0x34: {  	[sflag:s20] =	ssyncset.done $0x0  }
0x35: {  	s0 =	simm.s32 $0x1A400;
	[sflag:s20] =	ssyncadd.s32 $0xFFFFF900  }
0x36: {  	[tilespmem:s0], [sflag:$0x1] =	stream.indirect.gather [hbm4b:s4+s25], $0x20, s21, s25, $0xb8;
	[tilespmem:$0x1E400] =	vst v63  }
0x37: {  	s17 =	simm.s32 $0x18840;
	s3 =	simm.s32 $0x1AC00  }
0x38: {  	[tilespmem:s3], [sflag:$0x1] =	stream.indirect.gather [hbm4b:s4+s25], $0x20, s17, s25, $0xb8;
	[tilespmem:$0x1E400] =	vst v63  }
.Ltmp3:
0x39: {  	_ = 	snop;
	(pc) =	sbr.rel .LBB2_3-.Ltmp3, $4  }
0x3a: {  	s26 =	simm.s32 $0x18880;
	s29 =	simm.s32 $0x1B400;
	s30 =	simm.s32 $0x188C0  }
0x3b: {  	[tilespmem:s29], [sflag:$0x1] =	stream.indirect.gather [hbm4b:s4+s25], $0x20, s26, s25, $0xb8;
	[tilespmem:$0x1E400] =	vst v63  }
0x3c: {  	s31 =	simm.s32 $0x1BC00;
	s28 =	simm.s32 $0x0;
	s26 =	simm.s32 $0x0  }
0x3d: {  	[tilespmem:s31], [sflag:$0x1] =	stream.indirect.gather [hbm4b:s4+s25], $0x20, s30, s25, $0xb8;
	[tilespmem:$0x1E400] =	vst v63  }
.LBB2_5:
0x3e: {  	s0 =	sadd.s32 $0x1, s29  }
0x3f: {  	s3 =	smul.u32 $0x1C, s0  }
0x40: {  	s0 =	sand.u32 $0x1, s0  }
0x41: {  	p1 =	seq.s32 s0, $0x1;
	s0 =	simm.s32 $0x700;
	s3 =	sadd.s32 s12, s3  }
0x42: {  	s0 =	simm.s32 @!p1 $0x0;
	s3 =	sshll.u32 s3, $0x3  }
0x43: {  	s17 =	sor.u32 $0x18800, s0;
	s31 =	sadd.s32 s6, s3  }
0x44: {  	[tilespmem:s17], [sflag:$0x3] =	stream.linear.gather [hbm4b:s31+s2], $0x700, $0x38;
	[tilespmem:$0x1E400] =	vst v63  }
0x45: {  	_ =	swait.ge [sflag:s20], $0x700  }
0x46: {  	[sflag:s20] =	ssyncset.done $0x0  }
0x47: {  	s0 =	sadd.s32 $0x19600, s0;
	s3 =	sadd.s32 s7, s3;
	[sflag:s20] =	ssyncadd.s32 $0xFFFFF900  }
0x48: {  	[tilespmem:s0], [sflag:$0x3] =	stream.linear.gather [hbm4b:s3+s2], $0x700, $0x38;
	[tilespmem:$0x1E400] =	vst v63  }
0x49: {  	_ =	swait.ge [sflag:s20], $0x700  }
0x4a: {  	[sflag:s20] =	ssyncset.done $0x0  }
0x4b: {  	[sflag:s20] =	ssyncadd.s32 $0xFFFFF900  }
.LBB2_6:
0x4c: {  	s28 =	sadd.s32 $0x1, s28  }
0x4d: {  	s0 =	smul.u32 $0x25, s28;
	_ =	sdelay $0x1  }
0x4e: {  	s0 =	sshrl.u32 s0, $0x8  }
0x4f: {  	s3 =	ssub.s32 s28, s0  }
0x50: {  	s3 =	sand.u32 $0xFE, s3  }
0x51: {  	s3 =	sshrl.u32 s3, $0x1  }
0x52: {  	s0 =	sadd.s32 s0, s3  }
0x53: {  	s0 =	sand.u32 $0xFC, s0  }
0x54: {  	s0 =	sshrl.u32 s0, $0x2  }
0x55: {  	s17 =	smul.u32 $0x7, s0;
	_ =	sdelay $0x1  }
0x56: {  	s0 =	sand.u32 $0x1, s0;
	s3 =	ssub.s32 s28, s17  }
0x57: {  	p1 =	seq.s32 s0, $0x1;
	s0 =	simm.s32 $0x700;
	s3 =	sand.u32 $0xFF, s3  }
0x58: {  	s26 =	sadd.s32 $0x2000, s26;
	s0 =	simm.s32 @!p1 $0x0;
	s3 =	sshll.u32 s3, $0x8  }
0x59: {  	s17 =	sand.u32 $0x2000, s26;
	s0 =	sadd.s32 s3, s0  }
0x5a: {  	s29 =	sadd.s32 $0x1A400, s17;
	s0 =	sadd.s32 $0x18800, s0  }
0x5b: {  	[tilespmem:s29], [sflag:$0x1] =	stream.indirect.gather [hbm4b:s4+s25], $0x20, s0, s25, $0xb8;
	[tilespmem:$0x1E400] =	vst v63  }
0x5c: {  	s30 =	sadd.s32 $0x1AC00, s17;
	s29 =	sor.u32 $0x40, s0  }
0x5d: {  	[tilespmem:s30], [sflag:$0x1] =	stream.indirect.gather [hbm4b:s4+s25], $0x20, s29, s25, $0xb8;
	[tilespmem:$0x1E400] =	vst v63  }
0x5e: {  	s31 =	sadd.s32 $0x1B400, s17;
	s30 =	sor.u32 $0x80, s0  }
0x5f: {  	[tilespmem:s31], [sflag:$0x1] =	stream.indirect.gather [hbm4b:s4+s25], $0x20, s30, s25, $0xb8;
	[tilespmem:$0x1E400] =	vst v63  }
0x60: {  	s0 =	sor.u32 $0xC0, s0;
	s31 =	sadd.s32 $0x1BC00, s17  }
0x61: {  	[tilespmem:s31], [sflag:$0x1] =	stream.indirect.gather [hbm4b:s4+s25], $0x20, s0, s25, $0xb8;
	[tilespmem:$0x1E400] =	vst v63  }
.LBB2_3:
0x62: {  	s29 =	smul.u32 $0x25, s28;
	_ =	sdelay $0x1  }
0x63: {  	s29 =	sshrl.u32 s29, $0x8  }
0x64: {  	_ =	swait.ge [sflag:s22], $0x800;
	s30 =	ssub.s32 s28, s29  }
0x65: {  	[sflag:s22] =	ssyncset.done $0x0;
	s30 =	sand.u32 $0xFE, s30  }
0x66: {  	[sflag:s22] =	ssyncadd.s32 $0xFFFFF800;
	s30 =	sshrl.u32 s30, $0x1  }
0x67: {  	_ =	swait.ge [sflag:s22], $0x800;
	s29 =	sadd.s32 s29, s30  }
0x68: {  	[sflag:s22] =	ssyncset.done $0x0;
	s29 =	sand.u32 $0xFC, s29  }
0x69: {  	[sflag:s22] =	ssyncadd.s32 $0xFFFFF800;
	s29 =	sshrl.u32 s29, $0x2  }
0x6a: {  	_ =	swait.ge [sflag:s22], $0x800;
	s30 =	smul.u32 $0x7, s29  }
0x6b: {  	[sflag:s22] =	ssyncset.done $0x0  }
0x6c: {  	[sflag:s22] =	ssyncadd.s32 $0xFFFFF800;
	s17 =	sand.u32 $0x1, s29;
	s31 =	ssub.s32 s28, s30  }
0x6d: {  	p1 =	seq.s32 s17, $0x1;
	s17 =	simm.s32 $0x700;
	s31 =	sand.u32 $0xFF, s31  }
0x6e: {  	_ =	swait.ge [sflag:s22], $0x800;
	s17 =	simm.s32 @!p1 $0x0;
	s31 =	sshll.u32 s31, $0x8  }
0x6f: {  	s0 =	sand.u32 $0x2000, s26;
	[sflag:s22] =	ssyncset.done $0x0;
	s17 =	sadd.s32 s31, s17  }
0x70: {  	s3 =	sadd.s32 $0x1A400, s0;
	[sflag:s22] =	ssyncadd.s32 $0xFFFFF800;
	s17 =	sadd.s32 $0x19600, s17  }
0x71: {  	[spmem:s1] =	stream.indirect.scatter.add.f32 [tilespmem:s3], [sflag:$0x2], $0x20, s17, s25, $0xb8;
	[tilespmem:$0x1E400] =	vst v63  }
0x72: {  	p1 =	seq.s32 s28, $0x0;
	s31 =	sadd.s32 $0x1AC00, s0;
	s3 =	sor.u32 $0x40, s17  }
0x73: {  	[spmem:s1] =	stream.indirect.scatter.add.f32 [tilespmem:s31], [sflag:$0x2], $0x20, s3, s25, $0xb8;
	[tilespmem:$0x1E400] =	vst v63  }
.Ltmp4:
0x74: {  	_ = 	snop;
	(pc) =	sbr.rel @p1 .LBB2_6-.Ltmp4, $4  }
0x75: {  	s3 =	sadd.s32 $0x1B400, s0;
	s31 =	sor.u32 $0x80, s17  }
0x76: {  	[spmem:s1] =	stream.indirect.scatter.add.f32 [tilespmem:s3], [sflag:$0x2], $0x20, s31, s25, $0xb8;
	[tilespmem:$0x1E400] =	vst v63  }
0x77: {  	s0 =	sadd.s32 $0x1BC00, s0;
	s31 =	sor.u32 $0xC0, s17  }
0x78: {  	[spmem:s1] =	stream.indirect.scatter.add.f32 [tilespmem:s0], [sflag:$0x2], $0x20, s31, s25, $0xb8;
	[tilespmem:$0x1E400] =	vst v63  }
0x79: {  	_ =	swait.ge [sflag:s23], $0x800  }
0x7a: {  	[sflag:s23] =	ssyncset.done $0x0  }
0x7b: {  	[sflag:s23] =	ssyncadd.s32 $0xFFFFF800  }
0x7c: {  	_ =	swait.ge [sflag:s23], $0x800  }
0x7d: {  	p1 =	sgt.u32 s28, $0xBC;
	[sflag:s23] =	ssyncset.done $0x0  }
0x7e: {  	p2 =	sne.s32 @!p1 s28, s30;
	[sflag:s23] =	ssyncadd.s32 $0xFFFFF800  }
0x7f: {  	p1 =	por p1, p2;
	_ =	swait.ge [sflag:s23], $0x800  }
.Ltmp5:
0x80: {  	[sflag:s23] =	ssyncset.done $0x0;
	(pc) =	sbr.rel @!p1 .LBB2_5-.Ltmp5, $4  }
0x81: {  	[sflag:s23] =	ssyncadd.s32 $0xFFFFF800  }
0x82: {  	_ =	swait.ge [sflag:s23], $0x800  }
0x83: {  	[sflag:s23] =	ssyncset.done $0x0  }
0x84: {  	[sflag:s23] =	ssyncadd.s32 $0xFFFFF800  }
0x85: {  	p1 =	seq.s32 s28, $0xC3  }
.Ltmp6:
0x86: {  	_ = 	snop;
	(pc) =	sbr.rel @!p1 .LBB2_6-.Ltmp6, $1  }
0x87: {  	_ =	sdelay $0x3  }
.Ltmp7:
0x88: {  	(pc) =	sbr.rel .LBB2_16-.Ltmp7, $2  }
0x89: {  	_ =	sdelay $0x2  }
0x8a: {  	s26 =	smov.u32 s8  }
.LBB2_9:
0x8b: {  	[tilespmem:s0], [sflag:$0x1] =	stream.indirect.gather [hbm4b:s5+s25], $0x20, s21, s25, $0xb8;
	[tilespmem:$0x1E400] =	vst v63  }
0x8c: {  	s17 =	simm.s32 $0x18840;
	s3 =	simm.s32 $0x1AC00  }
0x8d: {  	[tilespmem:s3], [sflag:$0x1] =	stream.indirect.gather [hbm4b:s5+s25], $0x20, s17, s25, $0xb8;
	[tilespmem:$0x1E400] =	vst v63  }
.Ltmp8:
0x8e: {  	_ = 	snop;
	(pc) =	sbr.rel .LBB2_10-.Ltmp8, $4  }
0x8f: {  	s26 =	simm.s32 $0x18880;
	s29 =	simm.s32 $0x1B400;
	s30 =	simm.s32 $0x188C0  }
0x90: {  	[tilespmem:s29], [sflag:$0x1] =	stream.indirect.gather [hbm4b:s5+s25], $0x20, s26, s25, $0xb8;
	[tilespmem:$0x1E400] =	vst v63  }
0x91: {  	s31 =	simm.s32 $0x1BC00;
	s28 =	simm.s32 $0x0;
	s26 =	simm.s32 $0x0  }
0x92: {  	[tilespmem:s31], [sflag:$0x1] =	stream.indirect.gather [hbm4b:s5+s25], $0x20, s30, s25, $0xb8;
	[tilespmem:$0x1E400] =	vst v63  }
.LBB2_12:
0x93: {  	s0 =	sadd.s32 $0x1, s29  }
0x94: {  	s3 =	smul.u32 $0x1C, s0  }
0x95: {  	s0 =	sand.u32 $0x1, s0  }
0x96: {  	p1 =	seq.s32 s0, $0x1;
	s0 =	simm.s32 $0x700;
	s3 =	sadd.s32 s12, s3  }
0x97: {  	s0 =	simm.s32 @!p1 $0x0;
	s3 =	sshll.u32 s3, $0x3  }
0x98: {  	s17 =	sor.u32 $0x18800, s0;
	s31 =	sadd.s32 s6, s3  }
0x99: {  	[tilespmem:s17], [sflag:$0x3] =	stream.linear.gather [hbm4b:s31+s2], $0x700, $0x38;
	[tilespmem:$0x1E400] =	vst v63  }
0x9a: {  	_ =	swait.ge [sflag:s20], $0x700  }
0x9b: {  	[sflag:s20] =	ssyncset.done $0x0  }
0x9c: {  	s0 =	sadd.s32 $0x19600, s0;
	s3 =	sadd.s32 s7, s3;
	[sflag:s20] =	ssyncadd.s32 $0xFFFFF900  }
0x9d: {  	[tilespmem:s0], [sflag:$0x3] =	stream.linear.gather [hbm4b:s3+s2], $0x700, $0x38;
	[tilespmem:$0x1E400] =	vst v63  }
0x9e: {  	_ =	swait.ge [sflag:s20], $0x700  }
0x9f: {  	[sflag:s20] =	ssyncset.done $0x0  }
0xa0: {  	[sflag:s20] =	ssyncadd.s32 $0xFFFFF900  }
.LBB2_13:
0xa1: {  	s28 =	sadd.s32 $0x1, s28  }
0xa2: {  	s0 =	smul.u32 $0x25, s28;
	_ =	sdelay $0x1  }
0xa3: {  	s0 =	sshrl.u32 s0, $0x8  }
0xa4: {  	s3 =	ssub.s32 s28, s0  }
0xa5: {  	s3 =	sand.u32 $0xFE, s3  }
0xa6: {  	s3 =	sshrl.u32 s3, $0x1  }
0xa7: {  	s0 =	sadd.s32 s0, s3  }
0xa8: {  	s0 =	sand.u32 $0xFC, s0  }
0xa9: {  	s0 =	sshrl.u32 s0, $0x2  }
0xaa: {  	s17 =	smul.u32 $0x7, s0;
	_ =	sdelay $0x1  }
0xab: {  	s0 =	sand.u32 $0x1, s0;
	s3 =	ssub.s32 s28, s17  }
0xac: {  	p1 =	seq.s32 s0, $0x1;
	s0 =	simm.s32 $0x700;
	s3 =	sand.u32 $0xFF, s3  }
0xad: {  	s26 =	sadd.s32 $0x2000, s26;
	s0 =	simm.s32 @!p1 $0x0;
	s3 =	sshll.u32 s3, $0x8  }
0xae: {  	s17 =	sand.u32 $0x2000, s26;
	s0 =	sadd.s32 s3, s0  }
0xaf: {  	s29 =	sadd.s32 $0x1A400, s17;
	s0 =	sadd.s32 $0x18800, s0  }
0xb0: {  	[tilespmem:s29], [sflag:$0x1] =	stream.indirect.gather [hbm4b:s5+s25], $0x20, s0, s25, $0xb8;
	[tilespmem:$0x1E400] =	vst v63  }
0xb1: {  	s30 =	sadd.s32 $0x1AC00, s17;
	s29 =	sor.u32 $0x40, s0  }
0xb2: {  	[tilespmem:s30], [sflag:$0x1] =	stream.indirect.gather [hbm4b:s5+s25], $0x20, s29, s25, $0xb8;
	[tilespmem:$0x1E400] =	vst v63  }
0xb3: {  	s31 =	sadd.s32 $0x1B400, s17;
	s30 =	sor.u32 $0x80, s0  }
0xb4: {  	[tilespmem:s31], [sflag:$0x1] =	stream.indirect.gather [hbm4b:s5+s25], $0x20, s30, s25, $0xb8;
	[tilespmem:$0x1E400] =	vst v63  }
0xb5: {  	s0 =	sor.u32 $0xC0, s0;
	s31 =	sadd.s32 $0x1BC00, s17  }
0xb6: {  	[tilespmem:s31], [sflag:$0x1] =	stream.indirect.gather [hbm4b:s5+s25], $0x20, s0, s25, $0xb8;
	[tilespmem:$0x1E400] =	vst v63  }
.LBB2_10:
0xb7: {  	s0 =	smul.u32 $0x25, s28;
	_ =	sdelay $0x1  }
0xb8: {  	s0 =	sshrl.u32 s0, $0x8  }
0xb9: {  	_ =	swait.ge [sflag:s22], $0x800;
	s3 =	ssub.s32 s28, s0  }
0xba: {  	[sflag:s22] =	ssyncset.done $0x0;
	s3 =	sand.u32 $0xFE, s3  }
0xbb: {  	[sflag:s22] =	ssyncadd.s32 $0xFFFFF800;
	s3 =	sshrl.u32 s3, $0x1  }
0xbc: {  	_ =	swait.ge [sflag:s22], $0x800;
	s0 =	sadd.s32 s0, s3  }
0xbd: {  	[sflag:s22] =	ssyncset.done $0x0;
	s0 =	sand.u32 $0xFC, s0  }
0xbe: {  	[sflag:s22] =	ssyncadd.s32 $0xFFFFF800;
	s29 =	sshrl.u32 s0, $0x2  }
0xbf: {  	_ =	swait.ge [sflag:s22], $0x800;
	s30 =	smul.u32 $0x7, s29  }
0xc0: {  	[sflag:s22] =	ssyncset.done $0x0  }
0xc1: {  	[sflag:s22] =	ssyncadd.s32 $0xFFFFF800;
	s17 =	sand.u32 $0x1, s29;
	s3 =	ssub.s32 s28, s30  }
0xc2: {  	p1 =	seq.s32 s17, $0x1;
	s0 =	sand.u32 $0xFF, s3;
	s3 =	simm.s32 $0x700  }
0xc3: {  	_ =	swait.ge [sflag:s22], $0x800;
	s3 =	simm.s32 @!p1 $0x0;
	s0 =	sshll.u32 s0, $0x8  }
0xc4: {  	s17 =	sand.u32 $0x2000, s26;
	[sflag:s22] =	ssyncset.done $0x0;
	s0 =	sadd.s32 s0, s3  }
0xc5: {  	s31 =	sadd.s32 $0x1A400, s17;
	[sflag:s22] =	ssyncadd.s32 $0xFFFFF800;
	s0 =	sadd.s32 $0x19600, s0  }
0xc6: {  	[spmem:s1] =	stream.indirect.scatter.add.f32 [tilespmem:s31], [sflag:$0x2], $0x20, s0, s25, $0xb8;
	[tilespmem:$0x1E400] =	vst v63  }
0xc7: {  	p1 =	seq.s32 s28, $0x0;
	s3 =	sadd.s32 $0x1AC00, s17;
	s31 =	sor.u32 $0x40, s0  }
0xc8: {  	[spmem:s1] =	stream.indirect.scatter.add.f32 [tilespmem:s3], [sflag:$0x2], $0x20, s31, s25, $0xb8;
	[tilespmem:$0x1E400] =	vst v63  }
.Ltmp9:
0xc9: {  	_ = 	snop;
	(pc) =	sbr.rel @p1 .LBB2_13-.Ltmp9, $4  }
0xca: {  	s3 =	sadd.s32 $0x1B400, s17;
	s31 =	sor.u32 $0x80, s0  }
0xcb: {  	[spmem:s1] =	stream.indirect.scatter.add.f32 [tilespmem:s3], [sflag:$0x2], $0x20, s31, s25, $0xb8;
	[tilespmem:$0x1E400] =	vst v63  }
0xcc: {  	s0 =	sor.u32 $0xC0, s0;
	s31 =	sadd.s32 $0x1BC00, s17  }
0xcd: {  	[spmem:s1] =	stream.indirect.scatter.add.f32 [tilespmem:s31], [sflag:$0x2], $0x20, s0, s25, $0xb8;
	[tilespmem:$0x1E400] =	vst v63  }
0xce: {  	_ =	swait.ge [sflag:s23], $0x800  }
0xcf: {  	[sflag:s23] =	ssyncset.done $0x0  }
0xd0: {  	[sflag:s23] =	ssyncadd.s32 $0xFFFFF800  }
0xd1: {  	_ =	swait.ge [sflag:s23], $0x800  }
0xd2: {  	p1 =	sgt.u32 s28, $0xBC;
	[sflag:s23] =	ssyncset.done $0x0  }
0xd3: {  	p2 =	sne.s32 @!p1 s28, s30;
	[sflag:s23] =	ssyncadd.s32 $0xFFFFF800  }
0xd4: {  	p1 =	por p1, p2;
	_ =	swait.ge [sflag:s23], $0x800  }
.Ltmp10:
0xd5: {  	[sflag:s23] =	ssyncset.done $0x0;
	(pc) =	sbr.rel @!p1 .LBB2_12-.Ltmp10, $4  }
0xd6: {  	[sflag:s23] =	ssyncadd.s32 $0xFFFFF800  }
0xd7: {  	_ =	swait.ge [sflag:s23], $0x800  }
0xd8: {  	[sflag:s23] =	ssyncset.done $0x0  }
0xd9: {  	[sflag:s23] =	ssyncadd.s32 $0xFFFFF800  }
0xda: {  	p1 =	seq.s32 s28, $0xC3  }
.Ltmp11:
0xdb: {  	_ = 	snop;
	(pc) =	sbr.rel @!p1 .LBB2_13-.Ltmp11, $1  }
0xdc: {  	_ =	sdelay $0x3  }
.Ltmp12:
0xdd: {  	(pc) =	sbr.rel .LBB2_16-.Ltmp12, $2  }
0xde: {  	_ =	sdelay $0x2  }
0xdf: {  	s26 =	rddreg [dreg:$0x3]  }
.LBB2_17:
0xe0: {  	_ =	sfence.sel $0x180000  }
0xe1: {  	[bflag:$0x0] =	sbarrier.arrive $0xFFFF  }
0xe2: {  	_ =	strace $0x90000047  }
0xe3: {  	s0 =	stileid.u32;
	[bflag:$0x2] =	sbarrier.arrive $0xFFFF  }
0xe4: {  	p0 =	sne.s32 s0, $0x0;
	s0 =	rddreg [dreg:$0x2]  }
0xe5: {  	s0 =	sadd.s32 @!p0 $0x100000, s0  }
0xe6: {  	[sflag:s0] =	ssyncadd.tile.s32 @!p0 $0x1;
	_ =	shalt  }
.Lfunc_end2:
_tile_overlayer_lowered:
.L_overlay_start_2:
0xe7: {  	(tag) =	ssettag $0x2  }
0xe8: {  	s0 =	rddreg [dreg:$0x0];
	s2 =	stileid.u32  }
0xe9: {  	s1 =	rddreg [dreg:$0x1];
	p0 =	sne.s32 s2, $0x0  }
0xea: {  	s3 =	rddreg [dreg:$0x2];
	[bflag:$0x3] =	sbarrier.arrive $0xFFFF;
	s2 =	simm.s32 @!p0 $0x1C03  }
0xeb: {  	[timem:s3], [sflag:s2] =	dma.local @!p0 [hbm:s0], s1  }
0xec: {  	s0 =	simm.s32 @!p0 $0x3  }
0xed: {  	_ =	swait.ge @!p0 [sflag:s0], s1  }
0xee: {  	s1 =	ssub.s32 @!p0 $0x0, s1;
	[sflag:s0] =	ssyncset.done @!p0 $0x0  }
0xef: {  	[sflag:s0] =	ssyncadd.s32 @!p0 s1  }
0xf0: {  	[bflag:$0x3] =	sbarrier.arrive $0xFFFF  }
0xf1: {  	_ =	shalt  }

</sc_bundles>
